<compile_context>
chip_gen: v7x
topology: tpu7x:2x2x1
jax: 0.10.2.dev20260603
libtpu: 0.0.44.dev20260713+nightly
codegen_flags: <defaults>
</compile_context>

<pallas_src>
import functools

import jax
import jax.numpy as jnp
import numpy as np
from jax import lax
from jax.experimental import pallas as pl
from jax.experimental.pallas import tpu as pltpu
from jax.experimental.pallas import tpu_sc as plsc

B = 2
C = 80
NPRIME = 506880
PPB = NPRIME // B
NS = 16
PPT = PPB // NS
CH = 16
NPASS = C // CH
GRID = 200
CELLS = GRID * GRID
DUMP = CELLS
ACC_ROWS = CELLS + 8
CHUNK = 96
NCHUNK = PPT // CHUNK
CPS = 5
SLAB = CHUNK * CPS
NBUF = 3
NGRP = PPT // (SLAB * NBUF)
ROWS_PER_TILE = CELLS // NS
ZROWS = 250

_mesh = plsc.VectorSubcoreMesh(core_axis_name="c", subcore_axis_name="s")


@functools.partial(
    pl.kernel,
    mesh=_mesh,
    compiler_params=pltpu.CompilerParams(use_tc_tiling_on_sc=False),
    out_type=jax.ShapeDtypeStruct((B, CELLS, C), jnp.float32),
    scratch_types=[
        pltpu.VMEM((NCHUNK, CHUNK), jnp.int32),
        pltpu.VMEM((NBUF, SLAB, CH), jnp.float32),
        pltpu.VMEM((ZROWS, CH), jnp.float32),
        pltpu.VMEM_SHARED((ACC_ROWS, CH), jnp.float32),
        pltpu.SemaphoreType.DMA,
        pltpu.SemaphoreType.DMA,
        pltpu.SemaphoreType.DMA,
        pltpu.SemaphoreType.DMA,
    ],
)
def _bevpool_sc(idx_hbm, x_hbm, out_hbm, idxbuf, xbuf,
                zbuf, acc, lsem0, lsem1, lsem2, ssem):
    lsems = (lsem0, lsem1, lsem2)
    c = lax.axis_index("c")
    s = lax.axis_index("s")
    wid = c * NS + s
    gbase = c * PPB + s * PPT
    zvec = jnp.zeros((16,), jnp.float32)

    def _fill_zero(i, carry):
        zbuf[i, :] = zvec
        return carry

    lax.fori_loop(0, ZROWS, _fill_zero, 0)

    pltpu.sync_copy(idx_hbm.at[wid], idxbuf)

    for p in range(NPASS):
        for z in range(ROWS_PER_TILE // ZROWS):
            pltpu.sync_copy(
                zbuf, acc.at[pl.ds(s * ROWS_PER_TILE + z * ZROWS, ZROWS)])
        plsc.subcore_barrier()

        def _group(m, carry, p=p):
            t0 = m * NBUF
            loads = []
            for k in range(NBUF):
                loads.append(pltpu.async_copy(
                    x_hbm.at[pl.ds(gbase + (t0 + k) * SLAB, SLAB),
                             pl.ds(p * CH, CH)],
                    xbuf.at[k], lsems[k]))
            scats = []
            for k in range(NBUF):
                loads[k].wait()
                for j in range(CPS):
                    scats.append(pltpu.async_copy(
                        xbuf.at[k, pl.ds(j * CHUNK, CHUNK)],
                        acc.at[idxbuf.at[(t0 + k) * CPS + j]],
                        ssem, add=True))
            for h in scats:
                h.wait()
            return carry

        lax.fori_loop(0, NGRP, _group, 0)
        plsc.subcore_barrier()

        pltpu.sync_copy(
            acc.at[pl.ds(s * ROWS_PER_TILE, ROWS_PER_TILE)],
            out_hbm.at[c, pl.ds(s * ROWS_PER_TILE, ROWS_PER_TILE),
                       pl.ds(p * CH, CH)],
        )
        plsc.subcore_barrier()


def kernel(geom_feats, x):
    dxv = jnp.array([0.005, 0.005, 1.0], dtype=jnp.float32)
    bxv = jnp.array([0.0 + 0.005 / 2.0, 0.0 + 0.005 / 2.0, 0.0 + 1.0 / 2.0],
                    dtype=jnp.float32)
    g3 = geom_feats.reshape(NPRIME, 3)
    gf = jnp.trunc((g3 - (bxv - dxv / 2.0)) / dxv).astype(jnp.int32)
    ix, iy, iz = gf[:, 0], gf[:, 1], gf[:, 2]
    kept = ((ix >= 0) & (ix < GRID) & (iy >= 0) & (iy < GRID)
            & (iz >= 0) & (iz < 1))
    idx = jnp.where(kept, ix * GRID + iy, DUMP).astype(jnp.int32)

    x2d = x.reshape(NPRIME, C)
    out = _bevpool_sc(idx.reshape(B * NS, NCHUNK, CHUNK), x2d)
    return out.transpose(0, 2, 1).reshape(B, C, GRID, GRID)

# --- scband reference (transcript-rebuilt; emitter-appended) ---
"""Pipeline reference for scband-bevpool-7069516169822 (READ-ONLY COPY).

The authoritative reference and input builder live on the scoring server;
editing this copy changes nothing except your own understanding.
"""

import jax, jax.numpy as jnp
import numpy as np

XB = (0.0, 1.0, 0.005)
YB = (0.0, 1.0, 0.005)
ZB = (0.0, 1.0, 1.0)


def gen_dx_bx():
    rows = [XB, YB, ZB]
    dx = jnp.array([r[2] for r in rows], dtype=jnp.float32)
    bx = jnp.array([r[0] + r[2] / 2.0 for r in rows], dtype=jnp.float32)
    nx = np.array([int((r[1] - r[0]) / r[2]) for r in rows], dtype=np.int64)
    return dx, bx, nx


def setup_inputs(seed: int = 0) -> dict:
    key = jax.random.key(seed)
    k1, k2 = jax.random.split(key)
    B, N, D, H, W, C = 2, 6, 60, 16, 44, 80
    geom_feats = jax.random.uniform(k1, (B, N, D, H, W, 3), dtype=jnp.float32)
    x = jax.random.normal(k2, (B, N, D, H, W, C), dtype=jnp.float32)
    return {"geom_feats": geom_feats, "x": x}


def reference(geom_feats, x):
    dx, bx, nx = gen_dx_bx()
    B, N, D, H, W, C = x.shape
    Nprime = B * N * D * H * W
    xf = x.reshape(Nprime, C)
    # voxelize geometry: ((geom - (bx - dx/2)) / dx).long()  (torch .long() truncates toward zero)
    gf = (geom_feats - (bx - dx / 2.0)) / dx
    gf = jnp.trunc(gf).astype(jnp.int32).reshape(Nprime, 3)
    batch_ix = jnp.repeat(jnp.arange(B, dtype=jnp.int32), Nprime // B)[:, None]
    gf = jnp.concatenate([gf, batch_ix], axis=1)
    kept = (gf[:, 0] >= 0) & (gf[:, 0] < nx[0]) & (gf[:, 1] >= 0) & (gf[:, 1] < nx[1]) & (gf[:, 2] >= 0) & (gf[:, 2] < nx[2])
    Dz, Hg, Wg = int(nx[2]), int(nx[0]), int(nx[1])
    # bev_pool: sum-pool all points falling into the same (b, z, x, y) voxel.
    # sorting by rank + interval sums is equivalent to a scatter-add over the
    # linearized voxel index; output layout is (B, Dz, Hg, Wg, C).
    lin = ((gf[:, 3] * Dz + gf[:, 2]) * Hg + gf[:, 0]) * Wg + gf[:, 1]
    total = B * Dz * Hg * Wg
    lin = jnp.where(kept, lin, total)
    out = jnp.zeros((total, C), dtype=xf.dtype).at[lin].add(xf, mode='drop')
    out = out.reshape(B, Dz, Hg, Wg, C).transpose(0, 4, 1, 2, 3)  # (B, C, Dz, Hg, Wg)
    final = jnp.concatenate([out[:, :, i] for i in range(Dz)], axis=1)  # (B, C*Dz, Hg, Wg)
    return final

if __name__ == "__main__":
    import jax
    _d = setup_inputs()
    print(jax.jit(kernel)(*tuple(_d.values())))

</pallas_src>

<mosaic_0001>
#map = affine_map<(d0, d1) -> (0, 0, 0)>
#map1 = affine_map<(d0, d1) -> (0, 0)>
module attributes {stable_mosaic.version = 14 : i64} {
  func.func @_bevpool_sc(%arg0: i32, %arg1: i32, %arg2: memref<32x165x96xi32, #tpu.memory_space<hbm>>, %arg3: memref<506880x80xf32, #tpu.memory_space<hbm>>, %arg4: memref<2x40000x80xf32, #tpu.memory_space<hbm>>, %arg5: memref<165x96xi32, #tpu.memory_space<vmem>>, %arg6: memref<3x480x16xf32, #tpu.memory_space<vmem>>, %arg7: memref<250x16xf32, #tpu.memory_space<vmem>>, %arg8: memref<40008x16xf32, #tpu.memory_space<vmem_shared>>, %arg9: memref<!tpu.dma_semaphore, #tpu.memory_space<semaphore_mem>>, %arg10: memref<!tpu.dma_semaphore, #tpu.memory_space<semaphore_mem>>, %arg11: memref<!tpu.dma_semaphore, #tpu.memory_space<semaphore_mem>>, %arg12: memref<!tpu.dma_semaphore, #tpu.memory_space<semaphore_mem>>) attributes {dimension_semantics = [#tpu.dimension_semantics<core_parallel>, #tpu.dimension_semantics<subcore_parallel>], iteration_bounds = array<i64: 2, 16>, scalar_prefetch = 0 : i64, scratch_operands = 8 : i64, tpu.core_type = #tpu.core_type<sc_vector_subcore>, window_params = [{transform_indices = #map}, {transform_indices = #map1}, {transform_indices = #map}]} {
    %mul3A = arith.constant 16 : i32
    %mul3A_0 = arith.muli %arg0, %mul3A : i32
    %add3A = arith.addi %mul3A_0, %arg1 : i32
    %mul3A_1 = arith.constant 253440 : i32
    %mul3A_2 = arith.muli %arg0, %mul3A_1 : i32
    %mul3A_3 = arith.constant 15840 : i32
    %mul3A_4 = arith.muli %arg1, %mul3A_3 : i32
    %add3A_5 = arith.addi %mul3A_2, %mul3A_4 : i32
    %broadcast_in_dim3A = arith.constant 0.000000e+00 : f32
    %broadcast_in_dim3A_6 = vector.broadcast %broadcast_in_dim3A : f32 to vector<16xf32>
    %scan3A = arith.constant 0 : i32
    %scan3A_7 = arith.constant 0 : i32
    %scan3A_8 = arith.constant 250 : i32
    %scan3A_9 = arith.addi %scan3A_7, %scan3A_8 : i32
    %scan3A_10 = arith.constant 1 : i32
    scf.for %scan3A_276 = %scan3A_7 to %scan3A_9 step %scan3A_10  : i32 {
      %swap3A = arith.index_cast %scan3A_276 : i32 to index
      %swap3A_277 = arith.constant 0 : index
      %swap3A_278 = tpu.vector_load %arg7[%swap3A, %swap3A_277] {strides = array<i32>} : memref<250x16xf32, #tpu.memory_space<vmem>>, vector<1x16xf32>,
      %swap3A_279 = vector.shape_cast %swap3A_278 : vector<1x16xf32> to vector<16xf32>
      %swap3A_280 = vector.shape_cast %broadcast_in_dim3A_6 : vector<16xf32> to vector<1x16xf32>
      tpu.vector_store %arg7[%swap3A, %swap3A_277], %swap3A_280 {strides = array<i32>} : memref<250x16xf32, #tpu.memory_space<vmem>>, vector<1x16xf32>,
    }
    %scan3A_11 = arith.constant 250 : i32
    "tpu.region"() ({
      %run_scoped3A = tpu.sem_alloc : memref<!tpu.dma_semaphore, #tpu.memory_space<semaphore_mem>>
      %dma_start3A = arith.constant 0 : i32
      %dma_start3A_276 = arith.constant 0 : i32
      %dma_start3A_277 = tpu.memref_slice %arg2[%add3A, %dma_start3A, %dma_start3A_276] : memref<32x165x96xi32, #tpu.memory_space<hbm>> -> memref<1x165x96xi32, #tpu.memory_space<hbm>>
      %dma_start3A_278 = tpu.memref_squeeze %dma_start3A_277 : memref<1x165x96xi32, #tpu.memory_space<hbm>> -> memref<165x96xi32, #tpu.memory_space<hbm>>
      %dma_start3A_279 = arith.constant 0 : i32
      %dma_start3A_280 = arith.constant 0 : i32
      %dma_start3A_281 = tpu.memref_slice %arg2[%add3A, %dma_start3A_279, %dma_start3A_280] : memref<32x165x96xi32, #tpu.memory_space<hbm>> -> memref<1x165x96xi32, #tpu.memory_space<hbm>>
      %dma_start3A_282 = tpu.memref_squeeze %dma_start3A_281 : memref<1x165x96xi32, #tpu.memory_space<hbm>> -> memref<165x96xi32, #tpu.memory_space<hbm>>
      tpu.enqueue_dma source(%dma_start3A_282 : memref<165x96xi32, #tpu.memory_space<hbm>>) target(%arg5 : memref<165x96xi32, #tpu.memory_space<vmem>>) target_semaphore(%run_scoped3A : memref<!tpu.dma_semaphore, #tpu.memory_space<semaphore_mem>>)
      %dma_wait3A = arith.constant 0 : i32
      %dma_wait3A_283 = arith.constant 0 : i32
      %dma_wait3A_284 = tpu.memref_slice %arg2[%add3A, %dma_wait3A, %dma_wait3A_283] : memref<32x165x96xi32, #tpu.memory_space<hbm>> -> memref<1x165x96xi32, #tpu.memory_space<hbm>>
      %dma_wait3A_285 = tpu.memref_squeeze %dma_wait3A_284 : memref<1x165x96xi32, #tpu.memory_space<hbm>> -> memref<165x96xi32, #tpu.memory_space<hbm>>
      %dma_wait3A_286 = arith.constant 0 : i32
      %dma_wait3A_287 = arith.constant 0 : i32
      %dma_wait3A_288 = tpu.memref_slice %arg2[%add3A, %dma_wait3A_286, %dma_wait3A_287] : memref<32x165x96xi32, #tpu.memory_space<hbm>> -> memref<1x165x96xi32, #tpu.memory_space<hbm>>
      %dma_wait3A_289 = tpu.memref_squeeze %dma_wait3A_288 : memref<1x165x96xi32, #tpu.memory_space<hbm>> -> memref<165x96xi32, #tpu.memory_space<hbm>>
      tpu.wait_dma2 semaphore(%run_scoped3A : memref<!tpu.dma_semaphore, #tpu.memory_space<semaphore_mem>>) src(%dma_wait3A_289 : memref<165x96xi32, #tpu.memory_space<hbm>>) dst(%arg5 : memref<165x96xi32, #tpu.memory_space<vmem>>)
      tpu.yield
    }) : () -> ()
    %mul3A_12 = arith.constant 2500 : i32
    %mul3A_13 = arith.muli %arg1, %mul3A_12 : i32
    %add3A_14 = arith.constant 0 : i32
    %add3A_15 = arith.addi %mul3A_13, %add3A_14 : i32
    "tpu.region"() ({
      %run_scoped3A = tpu.sem_alloc : memref<!tpu.dma_semaphore, #tpu.memory_space<semaphore_mem>>
      %dma_start3A = arith.constant 0 : i32
      %dma_start3A_276 = tpu.memref_slice %arg8[%add3A_15, %dma_start3A] : memref<40008x16xf32, #tpu.memory_space<vmem_shared>> -> memref<250x16xf32, #tpu.memory_space<vmem_shared>>
      %dma_start3A_277 = arith.constant 0 : i32
      %dma_start3A_278 = tpu.memref_slice %arg8[%add3A_15, %dma_start3A_277] : memref<40008x16xf32, #tpu.memory_space<vmem_shared>> -> memref<250x16xf32, #tpu.memory_space<vmem_shared>>
      tpu.enqueue_dma source(%arg7 : memref<250x16xf32, #tpu.memory_space<vmem>>) target(%dma_start3A_278 : memref<250x16xf32, #tpu.memory_space<vmem_shared>>) target_semaphore(%run_scoped3A : memref<!tpu.dma_semaphore, #tpu.memory_space<semaphore_mem>>)
      %dma_wait3A = arith.constant 0 : i32
      %dma_wait3A_279 = tpu.memref_slice %arg8[%add3A_15, %dma_wait3A] : memref<40008x16xf32, #tpu.memory_space<vmem_shared>> -> memref<250x16xf32, #tpu.memory_space<vmem_shared>>
      %dma_wait3A_280 = arith.constant 0 : i32
      %dma_wait3A_281 = tpu.memref_slice %arg8[%add3A_15, %dma_wait3A_280] : memref<40008x16xf32, #tpu.memory_space<vmem_shared>> -> memref<250x16xf32, #tpu.memory_space<vmem_shared>>
      tpu.wait_dma2 semaphore(%run_scoped3A : memref<!tpu.dma_semaphore, #tpu.memory_space<semaphore_mem>>) src(%arg7 : memref<250x16xf32, #tpu.memory_space<vmem>>) dst(%dma_wait3A_281 : memref<250x16xf32, #tpu.memory_space<vmem_shared>>)
      tpu.yield
    }) : () -> ()
    %mul3A_16 = arith.constant 2500 : i32
    %mul3A_17 = arith.muli %arg1, %mul3A_16 : i32
    %add3A_18 = arith.constant 250 : i32
    %add3A_19 = arith.addi %mul3A_17, %add3A_18 : i32
    "tpu.region"() ({
      %run_scoped3A = tpu.sem_alloc : memref<!tpu.dma_semaphore, #tpu.memory_space<semaphore_mem>>
      %dma_start3A = arith.constant 0 : i32
      %dma_start3A_276 = tpu.memref_slice %arg8[%add3A_19, %dma_start3A] : memref<40008x16xf32, #tpu.memory_space<vmem_shared>> -> memref<250x16xf32, #tpu.memory_space<vmem_shared>>
      %dma_start3A_277 = arith.constant 0 : i32
      %dma_start3A_278 = tpu.memref_slice %arg8[%add3A_19, %dma_start3A_277] : memref<40008x16xf32, #tpu.memory_space<vmem_shared>> -> memref<250x16xf32, #tpu.memory_space<vmem_shared>>
      tpu.enqueue_dma source(%arg7 : memref<250x16xf32, #tpu.memory_space<vmem>>) target(%dma_start3A_278 : memref<250x16xf32, #tpu.memory_space<vmem_shared>>) target_semaphore(%run_scoped3A : memref<!tpu.dma_semaphore, #tpu.memory_space<semaphore_mem>>)
      %dma_wait3A = arith.constant 0 : i32
      %dma_wait3A_279 = tpu.memref_slice %arg8[%add3A_19, %dma_wait3A] : memref<40008x16xf32, #tpu.memory_space<vmem_shared>> -> memref<250x16xf32, #tpu.memory_space<vmem_shared>>
      %dma_wait3A_280 = arith.constant 0 : i32
      %dma_wait3A_281 = tpu.memref_slice %arg8[%add3A_19, %dma_wait3A_280] : memref<40008x16xf32, #tpu.memory_space<vmem_shared>> -> memref<250x16xf32, #tpu.memory_space<vmem_shared>>
      tpu.wait_dma2 semaphore(%run_scoped3A : memref<!tpu.dma_semaphore, #tpu.memory_space<semaphore_mem>>) src(%arg7 : memref<250x16xf32, #tpu.memory_space<vmem>>) dst(%dma_wait3A_281 : memref<250x16xf32, #tpu.memory_space<vmem_shared>>)
      tpu.yield
    }) : () -> ()
    %mul3A_20 = arith.constant 2500 : i32
    %mul3A_21 = arith.muli %arg1, %mul3A_20 : i32
    %add3A_22 = arith.constant 500 : i32
    %add3A_23 = arith.addi %mul3A_21, %add3A_22 : i32
    "tpu.region"() ({
      %run_scoped3A = tpu.sem_alloc : memref<!tpu.dma_semaphore, #tpu.memory_space<semaphore_mem>>
      %dma_start3A = arith.constant 0 : i32
      %dma_start3A_276 = tpu.memref_slice %arg8[%add3A_23, %dma_start3A] : memref<40008x16xf32, #tpu.memory_space<vmem_shared>> -> memref<250x16xf32, #tpu.memory_space<vmem_shared>>
      %dma_start3A_277 = arith.constant 0 : i32
      %dma_start3A_278 = tpu.memref_slice %arg8[%add3A_23, %dma_start3A_277] : memref<40008x16xf32, #tpu.memory_space<vmem_shared>> -> memref<250x16xf32, #tpu.memory_space<vmem_shared>>
      tpu.enqueue_dma source(%arg7 : memref<250x16xf32, #tpu.memory_space<vmem>>) target(%dma_start3A_278 : memref<250x16xf32, #tpu.memory_space<vmem_shared>>) target_semaphore(%run_scoped3A : memref<!tpu.dma_semaphore, #tpu.memory_space<semaphore_mem>>)
      %dma_wait3A = arith.constant 0 : i32
      %dma_wait3A_279 = tpu.memref_slice %arg8[%add3A_23, %dma_wait3A] : memref<40008x16xf32, #tpu.memory_space<vmem_shared>> -> memref<250x16xf32, #tpu.memory_space<vmem_shared>>
      %dma_wait3A_280 = arith.constant 0 : i32
      %dma_wait3A_281 = tpu.memref_slice %arg8[%add3A_23, %dma_wait3A_280] : memref<40008x16xf32, #tpu.memory_space<vmem_shared>> -> memref<250x16xf32, #tpu.memory_space<vmem_shared>>
      tpu.wait_dma2 semaphore(%run_scoped3A : memref<!tpu.dma_semaphore, #tpu.memory_space<semaphore_mem>>) src(%arg7 : memref<250x16xf32, #tpu.memory_space<vmem>>) dst(%dma_wait3A_281 : memref<250x16xf32, #tpu.memory_space<vmem_shared>>)
      tpu.yield
    }) : () -> ()
    %mul3A_24 = arith.constant 2500 : i32
    %mul3A_25 = arith.muli %arg1, %mul3A_24 : i32
    %add3A_26 = arith.constant 750 : i32
    %add3A_27 = arith.addi %mul3A_25, %add3A_26 : i32
    "tpu.region"() ({
      %run_scoped3A = tpu.sem_alloc : memref<!tpu.dma_semaphore, #tpu.memory_space<semaphore_mem>>
      %dma_start3A = arith.constant 0 : i32
      %dma_start3A_276 = tpu.memref_slice %arg8[%add3A_27, %dma_start3A] : memref<40008x16xf32, #tpu.memory_space<vmem_shared>> -> memref<250x16xf32, #tpu.memory_space<vmem_shared>>
      %dma_start3A_277 = arith.constant 0 : i32
      %dma_start3A_278 = tpu.memref_slice %arg8[%add3A_27, %dma_start3A_277] : memref<40008x16xf32, #tpu.memory_space<vmem_shared>> -> memref<250x16xf32, #tpu.memory_space<vmem_shared>>
      tpu.enqueue_dma source(%arg7 : memref<250x16xf32, #tpu.memory_space<vmem>>) target(%dma_start3A_278 : memref<250x16xf32, #tpu.memory_space<vmem_shared>>) target_semaphore(%run_scoped3A : memref<!tpu.dma_semaphore, #tpu.memory_space<semaphore_mem>>)
      %dma_wait3A = arith.constant 0 : i32
      %dma_wait3A_279 = tpu.memref_slice %arg8[%add3A_27, %dma_wait3A] : memref<40008x16xf32, #tpu.memory_space<vmem_shared>> -> memref<250x16xf32, #tpu.memory_space<vmem_shared>>
      %dma_wait3A_280 = arith.constant 0 : i32
      %dma_wait3A_281 = tpu.memref_slice %arg8[%add3A_27, %dma_wait3A_280] : memref<40008x16xf32, #tpu.memory_space<vmem_shared>> -> memref<250x16xf32, #tpu.memory_space<vmem_shared>>
      tpu.wait_dma2 semaphore(%run_scoped3A : memref<!tpu.dma_semaphore, #tpu.memory_space<semaphore_mem>>) src(%arg7 : memref<250x16xf32, #tpu.memory_space<vmem>>) dst(%dma_wait3A_281 : memref<250x16xf32, #tpu.memory_space<vmem_shared>>)
      tpu.yield
    }) : () -> ()
    %mul3A_28 = arith.constant 2500 : i32
    %mul3A_29 = arith.muli %arg1, %mul3A_28 : i32
    %add3A_30 = arith.constant 1000 : i32
    %add3A_31 = arith.addi %mul3A_29, %add3A_30 : i32
    "tpu.region"() ({
      %run_scoped3A = tpu.sem_alloc : memref<!tpu.dma_semaphore, #tpu.memory_space<semaphore_mem>>
      %dma_start3A = arith.constant 0 : i32
      %dma_start3A_276 = tpu.memref_slice %arg8[%add3A_31, %dma_start3A] : memref<40008x16xf32, #tpu.memory_space<vmem_shared>> -> memref<250x16xf32, #tpu.memory_space<vmem_shared>>
      %dma_start3A_277 = arith.constant 0 : i32
      %dma_start3A_278 = tpu.memref_slice %arg8[%add3A_31, %dma_start3A_277] : memref<40008x16xf32, #tpu.memory_space<vmem_shared>> -> memref<250x16xf32, #tpu.memory_space<vmem_shared>>
      tpu.enqueue_dma source(%arg7 : memref<250x16xf32, #tpu.memory_space<vmem>>) target(%dma_start3A_278 : memref<250x16xf32, #tpu.memory_space<vmem_shared>>) target_semaphore(%run_scoped3A : memref<!tpu.dma_semaphore, #tpu.memory_space<semaphore_mem>>)
      %dma_wait3A = arith.constant 0 : i32
      %dma_wait3A_279 = tpu.memref_slice %arg8[%add3A_31, %dma_wait3A] : memref<40008x16xf32, #tpu.memory_space<vmem_shared>> -> memref<250x16xf32, #tpu.memory_space<vmem_shared>>
      %dma_wait3A_280 = arith.constant 0 : i32
      %dma_wait3A_281 = tpu.memref_slice %arg8[%add3A_31, %dma_wait3A_280] : memref<40008x16xf32, #tpu.memory_space<vmem_shared>> -> memref<250x16xf32, #tpu.memory_space<vmem_shared>>
      tpu.wait_dma2 semaphore(%run_scoped3A : memref<!tpu.dma_semaphore, #tpu.memory_space<semaphore_mem>>) src(%arg7 : memref<250x16xf32, #tpu.memory_space<vmem>>) dst(%dma_wait3A_281 : memref<250x16xf32, #tpu.memory_space<vmem_shared>>)
      tpu.yield
    }) : () -> ()
    %mul3A_32 = arith.constant 2500 : i32
    %mul3A_33 = arith.muli %arg1, %mul3A_32 : i32
    %add3A_34 = arith.constant 1250 : i32
    %add3A_35 = arith.addi %mul3A_33, %add3A_34 : i32
    "tpu.region"() ({
      %run_scoped3A = tpu.sem_alloc : memref<!tpu.dma_semaphore, #tpu.memory_space<semaphore_mem>>
      %dma_start3A = arith.constant 0 : i32
      %dma_start3A_276 = tpu.memref_slice %arg8[%add3A_35, %dma_start3A] : memref<40008x16xf32, #tpu.memory_space<vmem_shared>> -> memref<250x16xf32, #tpu.memory_space<vmem_shared>>
      %dma_start3A_277 = arith.constant 0 : i32
      %dma_start3A_278 = tpu.memref_slice %arg8[%add3A_35, %dma_start3A_277] : memref<40008x16xf32, #tpu.memory_space<vmem_shared>> -> memref<250x16xf32, #tpu.memory_space<vmem_shared>>
      tpu.enqueue_dma source(%arg7 : memref<250x16xf32, #tpu.memory_space<vmem>>) target(%dma_start3A_278 : memref<250x16xf32, #tpu.memory_space<vmem_shared>>) target_semaphore(%run_scoped3A : memref<!tpu.dma_semaphore, #tpu.memory_space<semaphore_mem>>)
      %dma_wait3A = arith.constant 0 : i32
      %dma_wait3A_279 = tpu.memref_slice %arg8[%add3A_35, %dma_wait3A] : memref<40008x16xf32, #tpu.memory_space<vmem_shared>> -> memref<250x16xf32, #tpu.memory_space<vmem_shared>>
      %dma_wait3A_280 = arith.constant 0 : i32
      %dma_wait3A_281 = tpu.memref_slice %arg8[%add3A_35, %dma_wait3A_280] : memref<40008x16xf32, #tpu.memory_space<vmem_shared>> -> memref<250x16xf32, #tpu.memory_space<vmem_shared>>
      tpu.wait_dma2 semaphore(%run_scoped3A : memref<!tpu.dma_semaphore, #tpu.memory_space<semaphore_mem>>) src(%arg7 : memref<250x16xf32, #tpu.memory_space<vmem>>) dst(%dma_wait3A_281 : memref<250x16xf32, #tpu.memory_space<vmem_shared>>)
      tpu.yield
    }) : () -> ()
    %mul3A_36 = arith.constant 2500 : i32
    %mul3A_37 = arith.muli %arg1, %mul3A_36 : i32
    %add3A_38 = arith.constant 1500 : i32
    %add3A_39 = arith.addi %mul3A_37, %add3A_38 : i32
    "tpu.region"() ({
      %run_scoped3A = tpu.sem_alloc : memref<!tpu.dma_semaphore, #tpu.memory_space<semaphore_mem>>
      %dma_start3A = arith.constant 0 : i32
      %dma_start3A_276 = tpu.memref_slice %arg8[%add3A_39, %dma_start3A] : memref<40008x16xf32, #tpu.memory_space<vmem_shared>> -> memref<250x16xf32, #tpu.memory_space<vmem_shared>>
      %dma_start3A_277 = arith.constant 0 : i32
      %dma_start3A_278 = tpu.memref_slice %arg8[%add3A_39, %dma_start3A_277] : memref<40008x16xf32, #tpu.memory_space<vmem_shared>> -> memref<250x16xf32, #tpu.memory_space<vmem_shared>>
      tpu.enqueue_dma source(%arg7 : memref<250x16xf32, #tpu.memory_space<vmem>>) target(%dma_start3A_278 : memref<250x16xf32, #tpu.memory_space<vmem_shared>>) target_semaphore(%run_scoped3A : memref<!tpu.dma_semaphore, #tpu.memory_space<semaphore_mem>>)
      %dma_wait3A = arith.constant 0 : i32
      %dma_wait3A_279 = tpu.memref_slice %arg8[%add3A_39, %dma_wait3A] : memref<40008x16xf32, #tpu.memory_space<vmem_shared>> -> memref<250x16xf32, #tpu.memory_space<vmem_shared>>
      %dma_wait3A_280 = arith.constant 0 : i32
      %dma_wait3A_281 = tpu.memref_slice %arg8[%add3A_39, %dma_wait3A_280] : memref<40008x16xf32, #tpu.memory_space<vmem_shared>> -> memref<250x16xf32, #tpu.memory_space<vmem_shared>>
      tpu.wait_dma2 semaphore(%run_scoped3A : memref<!tpu.dma_semaphore, #tpu.memory_space<semaphore_mem>>) src(%arg7 : memref<250x16xf32, #tpu.memory_space<vmem>>) dst(%dma_wait3A_281 : memref<250x16xf32, #tpu.memory_space<vmem_shared>>)
      tpu.yield
    }) : () -> ()
    %mul3A_40 = arith.constant 2500 : i32
    %mul3A_41 = arith.muli %arg1, %mul3A_40 : i32
    %add3A_42 = arith.constant 1750 : i32
    %add3A_43 = arith.addi %mul3A_41, %add3A_42 : i32
    "tpu.region"() ({
      %run_scoped3A = tpu.sem_alloc : memref<!tpu.dma_semaphore, #tpu.memory_space<semaphore_mem>>
      %dma_start3A = arith.constant 0 : i32
      %dma_start3A_276 = tpu.memref_slice %arg8[%add3A_43, %dma_start3A] : memref<40008x16xf32, #tpu.memory_space<vmem_shared>> -> memref<250x16xf32, #tpu.memory_space<vmem_shared>>
      %dma_start3A_277 = arith.constant 0 : i32
      %dma_start3A_278 = tpu.memref_slice %arg8[%add3A_43, %dma_start3A_277] : memref<40008x16xf32, #tpu.memory_space<vmem_shared>> -> memref<250x16xf32, #tpu.memory_space<vmem_shared>>
      tpu.enqueue_dma source(%arg7 : memref<250x16xf32, #tpu.memory_space<vmem>>) target(%dma_start3A_278 : memref<250x16xf32, #tpu.memory_space<vmem_shared>>) target_semaphore(%run_scoped3A : memref<!tpu.dma_semaphore, #tpu.memory_space<semaphore_mem>>)
      %dma_wait3A = arith.constant 0 : i32
      %dma_wait3A_279 = tpu.memref_slice %arg8[%add3A_43, %dma_wait3A] : memref<40008x16xf32, #tpu.memory_space<vmem_shared>> -> memref<250x16xf32, #tpu.memory_space<vmem_shared>>
      %dma_wait3A_280 = arith.constant 0 : i32
      %dma_wait3A_281 = tpu.memref_slice %arg8[%add3A_43, %dma_wait3A_280] : memref<40008x16xf32, #tpu.memory_space<vmem_shared>> -> memref<250x16xf32, #tpu.memory_space<vmem_shared>>
      tpu.wait_dma2 semaphore(%run_scoped3A : memref<!tpu.dma_semaphore, #tpu.memory_space<semaphore_mem>>) src(%arg7 : memref<250x16xf32, #tpu.memory_space<vmem>>) dst(%dma_wait3A_281 : memref<250x16xf32, #tpu.memory_space<vmem_shared>>)
      tpu.yield
    }) : () -> ()
    %mul3A_44 = arith.constant 2500 : i32
    %mul3A_45 = arith.muli %arg1, %mul3A_44 : i32
    %add3A_46 = arith.constant 2000 : i32
    %add3A_47 = arith.addi %mul3A_45, %add3A_46 : i32
    "tpu.region"() ({
      %run_scoped3A = tpu.sem_alloc : memref<!tpu.dma_semaphore, #tpu.memory_space<semaphore_mem>>
      %dma_start3A = arith.constant 0 : i32
      %dma_start3A_276 = tpu.memref_slice %arg8[%add3A_47, %dma_start3A] : memref<40008x16xf32, #tpu.memory_space<vmem_shared>> -> memref<250x16xf32, #tpu.memory_space<vmem_shared>>
      %dma_start3A_277 = arith.constant 0 : i32
      %dma_start3A_278 = tpu.memref_slice %arg8[%add3A_47, %dma_start3A_277] : memref<40008x16xf32, #tpu.memory_space<vmem_shared>> -> memref<250x16xf32, #tpu.memory_space<vmem_shared>>
      tpu.enqueue_dma source(%arg7 : memref<250x16xf32, #tpu.memory_space<vmem>>) target(%dma_start3A_278 : memref<250x16xf32, #tpu.memory_space<vmem_shared>>) target_semaphore(%run_scoped3A : memref<!tpu.dma_semaphore, #tpu.memory_space<semaphore_mem>>)
      %dma_wait3A = arith.constant 0 : i32
      %dma_wait3A_279 = tpu.memref_slice %arg8[%add3A_47, %dma_wait3A] : memref<40008x16xf32, #tpu.memory_space<vmem_shared>> -> memref<250x16xf32, #tpu.memory_space<vmem_shared>>
      %dma_wait3A_280 = arith.constant 0 : i32
      %dma_wait3A_281 = tpu.memref_slice %arg8[%add3A_47, %dma_wait3A_280] : memref<40008x16xf32, #tpu.memory_space<vmem_shared>> -> memref<250x16xf32, #tpu.memory_space<vmem_shared>>
      tpu.wait_dma2 semaphore(%run_scoped3A : memref<!tpu.dma_semaphore, #tpu.memory_space<semaphore_mem>>) src(%arg7 : memref<250x16xf32, #tpu.memory_space<vmem>>) dst(%dma_wait3A_281 : memref<250x16xf32, #tpu.memory_space<vmem_shared>>)
      tpu.yield
    }) : () -> ()
    %mul3A_48 = arith.constant 2500 : i32
    %mul3A_49 = arith.muli %arg1, %mul3A_48 : i32
    %add3A_50 = arith.constant 2250 : i32
    %add3A_51 = arith.addi %mul3A_49, %add3A_50 : i32
    "tpu.region"() ({
      %run_scoped3A = tpu.sem_alloc : memref<!tpu.dma_semaphore, #tpu.memory_space<semaphore_mem>>
      %dma_start3A = arith.constant 0 : i32
      %dma_start3A_276 = tpu.memref_slice %arg8[%add3A_51, %dma_start3A] : memref<40008x16xf32, #tpu.memory_space<vmem_shared>> -> memref<250x16xf32, #tpu.memory_space<vmem_shared>>
      %dma_start3A_277 = arith.constant 0 : i32
      %dma_start3A_278 = tpu.memref_slice %arg8[%add3A_51, %dma_start3A_277] : memref<40008x16xf32, #tpu.memory_space<vmem_shared>> -> memref<250x16xf32, #tpu.memory_space<vmem_shared>>
      tpu.enqueue_dma source(%arg7 : memref<250x16xf32, #tpu.memory_space<vmem>>) target(%dma_start3A_278 : memref<250x16xf32, #tpu.memory_space<vmem_shared>>) target_semaphore(%run_scoped3A : memref<!tpu.dma_semaphore, #tpu.memory_space<semaphore_mem>>)
      %dma_wait3A = arith.constant 0 : i32
      %dma_wait3A_279 = tpu.memref_slice %arg8[%add3A_51, %dma_wait3A] : memref<40008x16xf32, #tpu.memory_space<vmem_shared>> -> memref<250x16xf32, #tpu.memory_space<vmem_shared>>
      %dma_wait3A_280 = arith.constant 0 : i32
      %dma_wait3A_281 = tpu.memref_slice %arg8[%add3A_51, %dma_wait3A_280] : memref<40008x16xf32, #tpu.memory_space<vmem_shared>> -> memref<250x16xf32, #tpu.memory_space<vmem_shared>>
      tpu.wait_dma2 semaphore(%run_scoped3A : memref<!tpu.dma_semaphore, #tpu.memory_space<semaphore_mem>>) src(%arg7 : memref<250x16xf32, #tpu.memory_space<vmem>>) dst(%dma_wait3A_281 : memref<250x16xf32, #tpu.memory_space<vmem_shared>>)
      tpu.yield
    }) : () -> ()
    %barrier3A = arith.constant 0 : index
    tpu.barrier barrier_id(%barrier3A)
    %scan3A_52 = arith.constant 0 : i32
    %scan3A_53 = arith.constant 0 : i32
    %scan3A_54 = arith.constant 11 : i32
    %scan3A_55 = arith.addi %scan3A_53, %scan3A_54 : i32
    %scan3A_56 = arith.constant 1 : i32
    scf.for %scan3A_276 = %scan3A_53 to %scan3A_55 step %scan3A_56  : i32 {
      %mul3A_277 = arith.constant 3 : i32
      %mul3A_278 = arith.muli %scan3A_276, %mul3A_277 : i32
      %add3A_279 = arith.constant 0 : i32
      %add3A_280 = arith.addi %mul3A_278, %add3A_279 : i32
      %mul3A_281 = arith.constant 480 : i32
      %mul3A_282 = arith.muli %add3A_280, %mul3A_281 : i32
      %add3A_283 = arith.addi %add3A_5, %mul3A_282 : i32
      %dma_start3A = arith.constant 0 : i32
      %dma_start3A_284 = arith.constant 0 : i32
      %dma_start3A_285 = arith.constant 0 : i32
      %dma_start3A_286 = tpu.memref_slice %arg6[%dma_start3A, %dma_start3A_284, %dma_start3A_285] : memref<3x480x16xf32, #tpu.memory_space<vmem>> -> memref<1x480x16xf32, #tpu.memory_space<vmem>>
      %dma_start3A_287 = tpu.memref_squeeze %dma_start3A_286 : memref<1x480x16xf32, #tpu.memory_space<vmem>> -> memref<480x16xf32, #tpu.memory_space<vmem>>
      %dma_start3A_288 = arith.constant 0 : i32
      %dma_start3A_289 = tpu.memref_slice %arg3[%add3A_283, %dma_start3A_288] : memref<506880x80xf32, #tpu.memory_space<hbm>> -> memref<480x16xf32, #tpu.memory_space<hbm>>
      %dma_start3A_290 = arith.constant 0 : i32
      %dma_start3A_291 = arith.constant 0 : i32
      %dma_start3A_292 = tpu.memref_slice %arg6[%dma_start3A, %dma_start3A_290, %dma_start3A_291] : memref<3x480x16xf32, #tpu.memory_space<vmem>> -> memref<1x480x16xf32, #tpu.memory_space<vmem>>
      %dma_start3A_293 = tpu.memref_squeeze %dma_start3A_292 : memref<1x480x16xf32, #tpu.memory_space<vmem>> -> memref<480x16xf32, #tpu.memory_space<vmem>>
      %dma_start3A_294 = arith.constant 0 : i32
      %dma_start3A_295 = tpu.memref_slice %arg3[%add3A_283, %dma_start3A_294] : memref<506880x80xf32, #tpu.memory_space<hbm>> -> memref<480x16xf32, #tpu.memory_space<hbm>>
      tpu.enqueue_dma source(%dma_start3A_295 : memref<480x16xf32, #tpu.memory_space<hbm>>) target(%dma_start3A_293 : memref<480x16xf32, #tpu.memory_space<vmem>>) target_semaphore(%arg9 : memref<!tpu.dma_semaphore, #tpu.memory_space<semaphore_mem>>)
      %add3A_296 = arith.constant 1 : i32
      %add3A_297 = arith.addi %mul3A_278, %add3A_296 : i32
      %mul3A_298 = arith.constant 480 : i32
      %mul3A_299 = arith.muli %add3A_297, %mul3A_298 : i32
      %add3A_300 = arith.addi %add3A_5, %mul3A_299 : i32
      %dma_start3A_301 = arith.constant 1 : i32
      %dma_start3A_302 = arith.constant 0 : i32
      %dma_start3A_303 = arith.constant 0 : i32
      %dma_start3A_304 = tpu.memref_slice %arg6[%dma_start3A_301, %dma_start3A_302, %dma_start3A_303] : memref<3x480x16xf32, #tpu.memory_space<vmem>> -> memref<1x480x16xf32, #tpu.memory_space<vmem>>
      %dma_start3A_305 = tpu.memref_squeeze %dma_start3A_304 : memref<1x480x16xf32, #tpu.memory_space<vmem>> -> memref<480x16xf32, #tpu.memory_space<vmem>>
      %dma_start3A_306 = arith.constant 0 : i32
      %dma_start3A_307 = tpu.memref_slice %arg3[%add3A_300, %dma_start3A_306] : memref<506880x80xf32, #tpu.memory_space<hbm>> -> memref<480x16xf32, #tpu.memory_space<hbm>>
      %dma_start3A_308 = arith.constant 0 : i32
      %dma_start3A_309 = arith.constant 0 : i32
      %dma_start3A_310 = tpu.memref_slice %arg6[%dma_start3A_301, %dma_start3A_308, %dma_start3A_309] : memref<3x480x16xf32, #tpu.memory_space<vmem>> -> memref<1x480x16xf32, #tpu.memory_space<vmem>>
      %dma_start3A_311 = tpu.memref_squeeze %dma_start3A_310 : memref<1x480x16xf32, #tpu.memory_space<vmem>> -> memref<480x16xf32, #tpu.memory_space<vmem>>
      %dma_start3A_312 = arith.constant 0 : i32
      %dma_start3A_313 = tpu.memref_slice %arg3[%add3A_300, %dma_start3A_312] : memref<506880x80xf32, #tpu.memory_space<hbm>> -> memref<480x16xf32, #tpu.memory_space<hbm>>
      tpu.enqueue_dma source(%dma_start3A_313 : memref<480x16xf32, #tpu.memory_space<hbm>>) target(%dma_start3A_311 : memref<480x16xf32, #tpu.memory_space<vmem>>) target_semaphore(%arg10 : memref<!tpu.dma_semaphore, #tpu.memory_space<semaphore_mem>>)
      %add3A_314 = arith.constant 2 : i32
      %add3A_315 = arith.addi %mul3A_278, %add3A_314 : i32
      %mul3A_316 = arith.constant 480 : i32
      %mul3A_317 = arith.muli %add3A_315, %mul3A_316 : i32
      %add3A_318 = arith.addi %add3A_5, %mul3A_317 : i32
      %dma_start3A_319 = arith.constant 2 : i32
      %dma_start3A_320 = arith.constant 0 : i32
      %dma_start3A_321 = arith.constant 0 : i32
      %dma_start3A_322 = tpu.memref_slice %arg6[%dma_start3A_319, %dma_start3A_320, %dma_start3A_321] : memref<3x480x16xf32, #tpu.memory_space<vmem>> -> memref<1x480x16xf32, #tpu.memory_space<vmem>>
      %dma_start3A_323 = tpu.memref_squeeze %dma_start3A_322 : memref<1x480x16xf32, #tpu.memory_space<vmem>> -> memref<480x16xf32, #tpu.memory_space<vmem>>
      %dma_start3A_324 = arith.constant 0 : i32
      %dma_start3A_325 = tpu.memref_slice %arg3[%add3A_318, %dma_start3A_324] : memref<506880x80xf32, #tpu.memory_space<hbm>> -> memref<480x16xf32, #tpu.memory_space<hbm>>
      %dma_start3A_326 = arith.constant 0 : i32
      %dma_start3A_327 = arith.constant 0 : i32
      %dma_start3A_328 = tpu.memref_slice %arg6[%dma_start3A_319, %dma_start3A_326, %dma_start3A_327] : memref<3x480x16xf32, #tpu.memory_space<vmem>> -> memref<1x480x16xf32, #tpu.memory_space<vmem>>
      %dma_start3A_329 = tpu.memref_squeeze %dma_start3A_328 : memref<1x480x16xf32, #tpu.memory_space<vmem>> -> memref<480x16xf32, #tpu.memory_space<vmem>>
      %dma_start3A_330 = arith.constant 0 : i32
      %dma_start3A_331 = tpu.memref_slice %arg3[%add3A_318, %dma_start3A_330] : memref<506880x80xf32, #tpu.memory_space<hbm>> -> memref<480x16xf32, #tpu.memory_space<hbm>>
      tpu.enqueue_dma source(%dma_start3A_331 : memref<480x16xf32, #tpu.memory_space<hbm>>) target(%dma_start3A_329 : memref<480x16xf32, #tpu.memory_space<vmem>>) target_semaphore(%arg11 : memref<!tpu.dma_semaphore, #tpu.memory_space<semaphore_mem>>)
      %dma_wait3A = arith.constant 0 : i32
      %dma_wait3A_332 = arith.constant 0 : i32
      %dma_wait3A_333 = arith.constant 0 : i32
      %dma_wait3A_334 = tpu.memref_slice %arg6[%dma_wait3A, %dma_wait3A_332, %dma_wait3A_333] : memref<3x480x16xf32, #tpu.memory_space<vmem>> -> memref<1x480x16xf32, #tpu.memory_space<vmem>>
      %dma_wait3A_335 = tpu.memref_squeeze %dma_wait3A_334 : memref<1x480x16xf32, #tpu.memory_space<vmem>> -> memref<480x16xf32, #tpu.memory_space<vmem>>
      %dma_wait3A_336 = arith.constant 0 : i32
      %dma_wait3A_337 = tpu.memref_slice %arg3[%add3A_283, %dma_wait3A_336] : memref<506880x80xf32, #tpu.memory_space<hbm>> -> memref<480x16xf32, #tpu.memory_space<hbm>>
      %dma_wait3A_338 = arith.constant 0 : i32
      %dma_wait3A_339 = arith.constant 0 : i32
      %dma_wait3A_340 = tpu.memref_slice %arg6[%dma_wait3A, %dma_wait3A_338, %dma_wait3A_339] : memref<3x480x16xf32, #tpu.memory_space<vmem>> -> memref<1x480x16xf32, #tpu.memory_space<vmem>>
      %dma_wait3A_341 = tpu.memref_squeeze %dma_wait3A_340 : memref<1x480x16xf32, #tpu.memory_space<vmem>> -> memref<480x16xf32, #tpu.memory_space<vmem>>
      %dma_wait3A_342 = arith.constant 0 : i32
      %dma_wait3A_343 = tpu.memref_slice %arg3[%add3A_283, %dma_wait3A_342] : memref<506880x80xf32, #tpu.memory_space<hbm>> -> memref<480x16xf32, #tpu.memory_space<hbm>>
      tpu.wait_dma2 semaphore(%arg9 : memref<!tpu.dma_semaphore, #tpu.memory_space<semaphore_mem>>) src(%dma_wait3A_343 : memref<480x16xf32, #tpu.memory_space<hbm>>) dst(%dma_wait3A_341 : memref<480x16xf32, #tpu.memory_space<vmem>>)
      %add3A_344 = arith.constant 0 : i32
      %add3A_345 = arith.addi %mul3A_278, %add3A_344 : i32
      %mul3A_346 = arith.constant 5 : i32
      %mul3A_347 = arith.muli %add3A_345, %mul3A_346 : i32
      %add3A_348 = arith.constant 0 : i32
      %add3A_349 = arith.addi %mul3A_347, %add3A_348 : i32
      %dma_start3A_350 = arith.constant 0 : i32
      %dma_start3A_351 = arith.constant 0 : i32
      %dma_start3A_352 = arith.constant 0 : i32
      %dma_start3A_353 = tpu.memref_slice %arg6[%dma_start3A_350, %dma_start3A_351, %dma_start3A_352] : memref<3x480x16xf32, #tpu.memory_space<vmem>> -> memref<1x96x16xf32, #tpu.memory_space<vmem>>
      %dma_start3A_354 = tpu.memref_squeeze %dma_start3A_353 : memref<1x96x16xf32, #tpu.memory_space<vmem>> -> memref<96x16xf32, #tpu.memory_space<vmem>>
      %dma_start3A_355 = arith.constant 0 : i32
      %dma_start3A_356 = tpu.memref_slice %arg5[%add3A_349, %dma_start3A_355] : memref<165x96xi32, #tpu.memory_space<vmem>> -> memref<1x96xi32, #tpu.memory_space<vmem>>
      %dma_start3A_357 = tpu.memref_squeeze %dma_start3A_356 : memref<1x96xi32, #tpu.memory_space<vmem>> -> memref<96xi32, #tpu.memory_space<vmem>>
      %dma_start3A_358 = arith.constant 0 : i32
      %dma_start3A_359 = arith.constant 0 : i32
      %dma_start3A_360 = tpu.memref_slice %arg8[%dma_start3A_358, %dma_start3A_359] : memref<40008x16xf32, #tpu.memory_space<vmem_shared>> -> memref<40008x16xf32, #tpu.memory_space<vmem_shared>>
      tpu.enqueue_indirect_dma source(%dma_start3A_354 : memref<96x16xf32, #tpu.memory_space<vmem>>) target(%dma_start3A_360 : memref<40008x16xf32, #tpu.memory_space<vmem_shared>>) offsets(%dma_start3A_357 : memref<96xi32, #tpu.memory_space<vmem>>) semaphore(%arg12 : memref<!tpu.dma_semaphore, #tpu.memory_space<semaphore_mem>>) {add = true}
      %add3A_361 = arith.constant 0 : i32
      %add3A_362 = arith.addi %mul3A_278, %add3A_361 : i32
      %mul3A_363 = arith.constant 5 : i32
      %mul3A_364 = arith.muli %add3A_362, %mul3A_363 : i32
      %add3A_365 = arith.constant 1 : i32
      %add3A_366 = arith.addi %mul3A_364, %add3A_365 : i32
      %dma_start3A_367 = arith.constant 0 : i32
      %dma_start3A_368 = arith.constant 96 : i32
      %dma_start3A_369 = arith.constant 0 : i32
      %dma_start3A_370 = tpu.memref_slice %arg6[%dma_start3A_367, %dma_start3A_368, %dma_start3A_369] : memref<3x480x16xf32, #tpu.memory_space<vmem>> -> memref<1x96x16xf32, #tpu.memory_space<vmem>>
      %dma_start3A_371 = tpu.memref_squeeze %dma_start3A_370 : memref<1x96x16xf32, #tpu.memory_space<vmem>> -> memref<96x16xf32, #tpu.memory_space<vmem>>
      %dma_start3A_372 = arith.constant 0 : i32
      %dma_start3A_373 = tpu.memref_slice %arg5[%add3A_366, %dma_start3A_372] : memref<165x96xi32, #tpu.memory_space<vmem>> -> memref<1x96xi32, #tpu.memory_space<vmem>>
      %dma_start3A_374 = tpu.memref_squeeze %dma_start3A_373 : memref<1x96xi32, #tpu.memory_space<vmem>> -> memref<96xi32, #tpu.memory_space<vmem>>
      %dma_start3A_375 = arith.constant 0 : i32
      %dma_start3A_376 = arith.constant 0 : i32
      %dma_start3A_377 = tpu.memref_slice %arg8[%dma_start3A_375, %dma_start3A_376] : memref<40008x16xf32, #tpu.memory_space<vmem_shared>> -> memref<40008x16xf32, #tpu.memory_space<vmem_shared>>
      tpu.enqueue_indirect_dma source(%dma_start3A_371 : memref<96x16xf32, #tpu.memory_space<vmem>>) target(%dma_start3A_377 : memref<40008x16xf32, #tpu.memory_space<vmem_shared>>) offsets(%dma_start3A_374 : memref<96xi32, #tpu.memory_space<vmem>>) semaphore(%arg12 : memref<!tpu.dma_semaphore, #tpu.memory_space<semaphore_mem>>) {add = true}
      %add3A_378 = arith.constant 0 : i32
      %add3A_379 = arith.addi %mul3A_278, %add3A_378 : i32
      %mul3A_380 = arith.constant 5 : i32
      %mul3A_381 = arith.muli %add3A_379, %mul3A_380 : i32
      %add3A_382 = arith.constant 2 : i32
      %add3A_383 = arith.addi %mul3A_381, %add3A_382 : i32
      %dma_start3A_384 = arith.constant 0 : i32
      %dma_start3A_385 = arith.constant 192 : i32
      %dma_start3A_386 = arith.constant 0 : i32
      %dma_start3A_387 = tpu.memref_slice %arg6[%dma_start3A_384, %dma_start3A_385, %dma_start3A_386] : memref<3x480x16xf32, #tpu.memory_space<vmem>> -> memref<1x96x16xf32, #tpu.memory_space<vmem>>
      %dma_start3A_388 = tpu.memref_squeeze %dma_start3A_387 : memref<1x96x16xf32, #tpu.memory_space<vmem>> -> memref<96x16xf32, #tpu.memory_space<vmem>>
      %dma_start3A_389 = arith.constant 0 : i32
      %dma_start3A_390 = tpu.memref_slice %arg5[%add3A_383, %dma_start3A_389] : memref<165x96xi32, #tpu.memory_space<vmem>> -> memref<1x96xi32, #tpu.memory_space<vmem>>
      %dma_start3A_391 = tpu.memref_squeeze %dma_start3A_390 : memref<1x96xi32, #tpu.memory_space<vmem>> -> memref<96xi32, #tpu.memory_space<vmem>>
      %dma_start3A_392 = arith.constant 0 : i32
      %dma_start3A_393 = arith.constant 0 : i32
      %dma_start3A_394 = tpu.memref_slice %arg8[%dma_start3A_392, %dma_start3A_393] : memref<40008x16xf32, #tpu.memory_space<vmem_shared>> -> memref<40008x16xf32, #tpu.memory_space<vmem_shared>>
      tpu.enqueue_indirect_dma source(%dma_start3A_388 : memref<96x16xf32, #tpu.memory_space<vmem>>) target(%dma_start3A_394 : memref<40008x16xf32, #tpu.memory_space<vmem_shared>>) offsets(%dma_start3A_391 : memref<96xi32, #tpu.memory_space<vmem>>) semaphore(%arg12 : memref<!tpu.dma_semaphore, #tpu.memory_space<semaphore_mem>>) {add = true}
      %add3A_395 = arith.constant 0 : i32
      %add3A_396 = arith.addi %mul3A_278, %add3A_395 : i32
      %mul3A_397 = arith.constant 5 : i32
      %mul3A_398 = arith.muli %add3A_396, %mul3A_397 : i32
      %add3A_399 = arith.constant 3 : i32
      %add3A_400 = arith.addi %mul3A_398, %add3A_399 : i32
      %dma_start3A_401 = arith.constant 0 : i32
      %dma_start3A_402 = arith.constant 288 : i32
      %dma_start3A_403 = arith.constant 0 : i32
      %dma_start3A_404 = tpu.memref_slice %arg6[%dma_start3A_401, %dma_start3A_402, %dma_start3A_403] : memref<3x480x16xf32, #tpu.memory_space<vmem>> -> memref<1x96x16xf32, #tpu.memory_space<vmem>>
      %dma_start3A_405 = tpu.memref_squeeze %dma_start3A_404 : memref<1x96x16xf32, #tpu.memory_space<vmem>> -> memref<96x16xf32, #tpu.memory_space<vmem>>
      %dma_start3A_406 = arith.constant 0 : i32
      %dma_start3A_407 = tpu.memref_slice %arg5[%add3A_400, %dma_start3A_406] : memref<165x96xi32, #tpu.memory_space<vmem>> -> memref<1x96xi32, #tpu.memory_space<vmem>>
      %dma_start3A_408 = tpu.memref_squeeze %dma_start3A_407 : memref<1x96xi32, #tpu.memory_space<vmem>> -> memref<96xi32, #tpu.memory_space<vmem>>
      %dma_start3A_409 = arith.constant 0 : i32
      %dma_start3A_410 = arith.constant 0 : i32
      %dma_start3A_411 = tpu.memref_slice %arg8[%dma_start3A_409, %dma_start3A_410] : memref<40008x16xf32, #tpu.memory_space<vmem_shared>> -> memref<40008x16xf32, #tpu.memory_space<vmem_shared>>
      tpu.enqueue_indirect_dma source(%dma_start3A_405 : memref<96x16xf32, #tpu.memory_space<vmem>>) target(%dma_start3A_411 : memref<40008x16xf32, #tpu.memory_space<vmem_shared>>) offsets(%dma_start3A_408 : memref<96xi32, #tpu.memory_space<vmem>>) semaphore(%arg12 : memref<!tpu.dma_semaphore, #tpu.memory_space<semaphore_mem>>) {add = true}
      %add3A_412 = arith.constant 0 : i32
      %add3A_413 = arith.addi %mul3A_278, %add3A_412 : i32
      %mul3A_414 = arith.constant 5 : i32
      %mul3A_415 = arith.muli %add3A_413, %mul3A_414 : i32
      %add3A_416 = arith.constant 4 : i32
      %add3A_417 = arith.addi %mul3A_415, %add3A_416 : i32
      %dma_start3A_418 = arith.constant 0 : i32
      %dma_start3A_419 = arith.constant 384 : i32
      %dma_start3A_420 = arith.constant 0 : i32
      %dma_start3A_421 = tpu.memref_slice %arg6[%dma_start3A_418, %dma_start3A_419, %dma_start3A_420] : memref<3x480x16xf32, #tpu.memory_space<vmem>> -> memref<1x96x16xf32, #tpu.memory_space<vmem>>
      %dma_start3A_422 = tpu.memref_squeeze %dma_start3A_421 : memref<1x96x16xf32, #tpu.memory_space<vmem>> -> memref<96x16xf32, #tpu.memory_space<vmem>>
      %dma_start3A_423 = arith.constant 0 : i32
      %dma_start3A_424 = tpu.memref_slice %arg5[%add3A_417, %dma_start3A_423] : memref<165x96xi32, #tpu.memory_space<vmem>> -> memref<1x96xi32, #tpu.memory_space<vmem>>
      %dma_start3A_425 = tpu.memref_squeeze %dma_start3A_424 : memref<1x96xi32, #tpu.memory_space<vmem>> -> memref<96xi32, #tpu.memory_space<vmem>>
      %dma_start3A_426 = arith.constant 0 : i32
      %dma_start3A_427 = arith.constant 0 : i32
      %dma_start3A_428 = tpu.memref_slice %arg8[%dma_start3A_426, %dma_start3A_427] : memref<40008x16xf32, #tpu.memory_space<vmem_shared>> -> memref<40008x16xf32, #tpu.memory_space<vmem_shared>>
      tpu.enqueue_indirect_dma source(%dma_start3A_422 : memref<96x16xf32, #tpu.memory_space<vmem>>) target(%dma_start3A_428 : memref<40008x16xf32, #tpu.memory_space<vmem_shared>>) offsets(%dma_start3A_425 : memref<96xi32, #tpu.memory_space<vmem>>) semaphore(%arg12 : memref<!tpu.dma_semaphore, #tpu.memory_space<semaphore_mem>>) {add = true}
      %dma_wait3A_429 = arith.constant 1 : i32
      %dma_wait3A_430 = arith.constant 0 : i32
      %dma_wait3A_431 = arith.constant 0 : i32
      %dma_wait3A_432 = tpu.memref_slice %arg6[%dma_wait3A_429, %dma_wait3A_430, %dma_wait3A_431] : memref<3x480x16xf32, #tpu.memory_space<vmem>> -> memref<1x480x16xf32, #tpu.memory_space<vmem>>
      %dma_wait3A_433 = tpu.memref_squeeze %dma_wait3A_432 : memref<1x480x16xf32, #tpu.memory_space<vmem>> -> memref<480x16xf32, #tpu.memory_space<vmem>>
      %dma_wait3A_434 = arith.constant 0 : i32
      %dma_wait3A_435 = tpu.memref_slice %arg3[%add3A_300, %dma_wait3A_434] : memref<506880x80xf32, #tpu.memory_space<hbm>> -> memref<480x16xf32, #tpu.memory_space<hbm>>
      %dma_wait3A_436 = arith.constant 0 : i32
      %dma_wait3A_437 = arith.constant 0 : i32
      %dma_wait3A_438 = tpu.memref_slice %arg6[%dma_wait3A_429, %dma_wait3A_436, %dma_wait3A_437] : memref<3x480x16xf32, #tpu.memory_space<vmem>> -> memref<1x480x16xf32, #tpu.memory_space<vmem>>
      %dma_wait3A_439 = tpu.memref_squeeze %dma_wait3A_438 : memref<1x480x16xf32, #tpu.memory_space<vmem>> -> memref<480x16xf32, #tpu.memory_space<vmem>>
      %dma_wait3A_440 = arith.constant 0 : i32
      %dma_wait3A_441 = tpu.memref_slice %arg3[%add3A_300, %dma_wait3A_440] : memref<506880x80xf32, #tpu.memory_space<hbm>> -> memref<480x16xf32, #tpu.memory_space<hbm>>
      tpu.wait_dma2 semaphore(%arg10 : memref<!tpu.dma_semaphore, #tpu.memory_space<semaphore_mem>>) src(%dma_wait3A_441 : memref<480x16xf32, #tpu.memory_space<hbm>>) dst(%dma_wait3A_439 : memref<480x16xf32, #tpu.memory_space<vmem>>)
      %add3A_442 = arith.constant 1 : i32
      %add3A_443 = arith.addi %mul3A_278, %add3A_442 : i32
      %mul3A_444 = arith.constant 5 : i32
      %mul3A_445 = arith.muli %add3A_443, %mul3A_444 : i32
      %add3A_446 = arith.constant 0 : i32
      %add3A_447 = arith.addi %mul3A_445, %add3A_446 : i32
      %dma_start3A_448 = arith.constant 1 : i32
      %dma_start3A_449 = arith.constant 0 : i32
      %dma_start3A_450 = arith.constant 0 : i32
      %dma_start3A_451 = tpu.memref_slice %arg6[%dma_start3A_448, %dma_start3A_449, %dma_start3A_450] : memref<3x480x16xf32, #tpu.memory_space<vmem>> -> memref<1x96x16xf32, #tpu.memory_space<vmem>>
      %dma_start3A_452 = tpu.memref_squeeze %dma_start3A_451 : memref<1x96x16xf32, #tpu.memory_space<vmem>> -> memref<96x16xf32, #tpu.memory_space<vmem>>
      %dma_start3A_453 = arith.constant 0 : i32
      %dma_start3A_454 = tpu.memref_slice %arg5[%add3A_447, %dma_start3A_453] : memref<165x96xi32, #tpu.memory_space<vmem>> -> memref<1x96xi32, #tpu.memory_space<vmem>>
      %dma_start3A_455 = tpu.memref_squeeze %dma_start3A_454 : memref<1x96xi32, #tpu.memory_space<vmem>> -> memref<96xi32, #tpu.memory_space<vmem>>
      %dma_start3A_456 = arith.constant 0 : i32
      %dma_start3A_457 = arith.constant 0 : i32
      %dma_start3A_458 = tpu.memref_slice %arg8[%dma_start3A_456, %dma_start3A_457] : memref<40008x16xf32, #tpu.memory_space<vmem_shared>> -> memref<40008x16xf32, #tpu.memory_space<vmem_shared>>
      tpu.enqueue_indirect_dma source(%dma_start3A_452 : memref<96x16xf32, #tpu.memory_space<vmem>>) target(%dma_start3A_458 : memref<40008x16xf32, #tpu.memory_space<vmem_shared>>) offsets(%dma_start3A_455 : memref<96xi32, #tpu.memory_space<vmem>>) semaphore(%arg12 : memref<!tpu.dma_semaphore, #tpu.memory_space<semaphore_mem>>) {add = true}
      %add3A_459 = arith.constant 1 : i32
      %add3A_460 = arith.addi %mul3A_278, %add3A_459 : i32
      %mul3A_461 = arith.constant 5 : i32
      %mul3A_462 = arith.muli %add3A_460, %mul3A_461 : i32
      %add3A_463 = arith.constant 1 : i32
      %add3A_464 = arith.addi %mul3A_462, %add3A_463 : i32
      %dma_start3A_465 = arith.constant 1 : i32
      %dma_start3A_466 = arith.constant 96 : i32
      %dma_start3A_467 = arith.constant 0 : i32
      %dma_start3A_468 = tpu.memref_slice %arg6[%dma_start3A_465, %dma_start3A_466, %dma_start3A_467] : memref<3x480x16xf32, #tpu.memory_space<vmem>> -> memref<1x96x16xf32, #tpu.memory_space<vmem>>
      %dma_start3A_469 = tpu.memref_squeeze %dma_start3A_468 : memref<1x96x16xf32, #tpu.memory_space<vmem>> -> memref<96x16xf32, #tpu.memory_space<vmem>>
      %dma_start3A_470 = arith.constant 0 : i32
      %dma_start3A_471 = tpu.memref_slice %arg5[%add3A_464, %dma_start3A_470] : memref<165x96xi32, #tpu.memory_space<vmem>> -> memref<1x96xi32, #tpu.memory_space<vmem>>
      %dma_start3A_472 = tpu.memref_squeeze %dma_start3A_471 : memref<1x96xi32, #tpu.memory_space<vmem>> -> memref<96xi32, #tpu.memory_space<vmem>>
      %dma_start3A_473 = arith.constant 0 : i32
      %dma_start3A_474 = arith.constant 0 : i32
      %dma_start3A_475 = tpu.memref_slice %arg8[%dma_start3A_473, %dma_start3A_474] : memref<40008x16xf32, #tpu.memory_space<vmem_shared>> -> memref<40008x16xf32, #tpu.memory_space<vmem_shared>>
      tpu.enqueue_indirect_dma source(%dma_start3A_469 : memref<96x16xf32, #tpu.memory_space<vmem>>) target(%dma_start3A_475 : memref<40008x16xf32, #tpu.memory_space<vmem_shared>>) offsets(%dma_start3A_472 : memref<96xi32, #tpu.memory_space<vmem>>) semaphore(%arg12 : memref<!tpu.dma_semaphore, #tpu.memory_space<semaphore_mem>>) {add = true}
      %add3A_476 = arith.constant 1 : i32
      %add3A_477 = arith.addi %mul3A_278, %add3A_476 : i32
      %mul3A_478 = arith.constant 5 : i32
      %mul3A_479 = arith.muli %add3A_477, %mul3A_478 : i32
      %add3A_480 = arith.constant 2 : i32
      %add3A_481 = arith.addi %mul3A_479, %add3A_480 : i32
      %dma_start3A_482 = arith.constant 1 : i32
      %dma_start3A_483 = arith.constant 192 : i32
      %dma_start3A_484 = arith.constant 0 : i32
      %dma_start3A_485 = tpu.memref_slice %arg6[%dma_start3A_482, %dma_start3A_483, %dma_start3A_484] : memref<3x480x16xf32, #tpu.memory_space<vmem>> -> memref<1x96x16xf32, #tpu.memory_space<vmem>>
      %dma_start3A_486 = tpu.memref_squeeze %dma_start3A_485 : memref<1x96x16xf32, #tpu.memory_space<vmem>> -> memref<96x16xf32, #tpu.memory_space<vmem>>
      %dma_start3A_487 = arith.constant 0 : i32
      %dma_start3A_488 = tpu.memref_slice %arg5[%add3A_481, %dma_start3A_487] : memref<165x96xi32, #tpu.memory_space<vmem>> -> memref<1x96xi32, #tpu.memory_space<vmem>>
      %dma_start3A_489 = tpu.memref_squeeze %dma_start3A_488 : memref<1x96xi32, #tpu.memory_space<vmem>> -> memref<96xi32, #tpu.memory_space<vmem>>
      %dma_start3A_490 = arith.constant 0 : i32
      %dma_start3A_491 = arith.constant 0 : i32
      %dma_start3A_492 = tpu.memref_slice %arg8[%dma_start3A_490, %dma_start3A_491] : memref<40008x16xf32, #tpu.memory_space<vmem_shared>> -> memref<40008x16xf32, #tpu.memory_space<vmem_shared>>
      tpu.enqueue_indirect_dma source(%dma_start3A_486 : memref<96x16xf32, #tpu.memory_space<vmem>>) target(%dma_start3A_492 : memref<40008x16xf32, #tpu.memory_space<vmem_shared>>) offsets(%dma_start3A_489 : memref<96xi32, #tpu.memory_space<vmem>>) semaphore(%arg12 : memref<!tpu.dma_semaphore, #tpu.memory_space<semaphore_mem>>) {add = true}
      %add3A_493 = arith.constant 1 : i32
      %add3A_494 = arith.addi %mul3A_278, %add3A_493 : i32
      %mul3A_495 = arith.constant 5 : i32
      %mul3A_496 = arith.muli %add3A_494, %mul3A_495 : i32
      %add3A_497 = arith.constant 3 : i32
      %add3A_498 = arith.addi %mul3A_496, %add3A_497 : i32
      %dma_start3A_499 = arith.constant 1 : i32
      %dma_start3A_500 = arith.constant 288 : i32
      %dma_start3A_501 = arith.constant 0 : i32
      %dma_start3A_502 = tpu.memref_slice %arg6[%dma_start3A_499, %dma_start3A_500, %dma_start3A_501] : memref<3x480x16xf32, #tpu.memory_space<vmem>> -> memref<1x96x16xf32, #tpu.memory_space<vmem>>
      %dma_start3A_503 = tpu.memref_squeeze %dma_start3A_502 : memref<1x96x16xf32, #tpu.memory_space<vmem>> -> memref<96x16xf32, #tpu.memory_space<vmem>>
      %dma_start3A_504 = arith.constant 0 : i32
      %dma_start3A_505 = tpu.memref_slice %arg5[%add3A_498, %dma_start3A_504] : memref<165x96xi32, #tpu.memory_space<vmem>> -> memref<1x96xi32, #tpu.memory_space<vmem>>
      %dma_start3A_506 = tpu.memref_squeeze %dma_start3A_505 : memref<1x96xi32, #tpu.memory_space<vmem>> -> memref<96xi32, #tpu.memory_space<vmem>>
      %dma_start3A_507 = arith.constant 0 : i32
      %dma_start3A_508 = arith.constant 0 : i32
      %dma_start3A_509 = tpu.memref_slice %arg8[%dma_start3A_507, %dma_start3A_508] : memref<40008x16xf32, #tpu.memory_space<vmem_shared>> -> memref<40008x16xf32, #tpu.memory_space<vmem_shared>>
      tpu.enqueue_indirect_dma source(%dma_start3A_503 : memref<96x16xf32, #tpu.memory_space<vmem>>) target(%dma_start3A_509 : memref<40008x16xf32, #tpu.memory_space<vmem_shared>>) offsets(%dma_start3A_506 : memref<96xi32, #tpu.memory_space<vmem>>) semaphore(%arg12 : memref<!tpu.dma_semaphore, #tpu.memory_space<semaphore_mem>>) {add = true}
      %add3A_510 = arith.constant 1 : i32
      %add3A_511 = arith.addi %mul3A_278, %add3A_510 : i32
      %mul3A_512 = arith.constant 5 : i32
      %mul3A_513 = arith.muli %add3A_511, %mul3A_512 : i32
      %add3A_514 = arith.constant 4 : i32
      %add3A_515 = arith.addi %mul3A_513, %add3A_514 : i32
      %dma_start3A_516 = arith.constant 1 : i32
      %dma_start3A_517 = arith.constant 384 : i32
      %dma_start3A_518 = arith.constant 0 : i32
      %dma_start3A_519 = tpu.memref_slice %arg6[%dma_start3A_516, %dma_start3A_517, %dma_start3A_518] : memref<3x480x16xf32, #tpu.memory_space<vmem>> -> memref<1x96x16xf32, #tpu.memory_space<vmem>>
      %dma_start3A_520 = tpu.memref_squeeze %dma_start3A_519 : memref<1x96x16xf32, #tpu.memory_space<vmem>> -> memref<96x16xf32, #tpu.memory_space<vmem>>
      %dma_start3A_521 = arith.constant 0 : i32
      %dma_start3A_522 = tpu.memref_slice %arg5[%add3A_515, %dma_start3A_521] : memref<165x96xi32, #tpu.memory_space<vmem>> -> memref<1x96xi32, #tpu.memory_space<vmem>>
      %dma_start3A_523 = tpu.memref_squeeze %dma_start3A_522 : memref<1x96xi32, #tpu.memory_space<vmem>> -> memref<96xi32, #tpu.memory_space<vmem>>
      %dma_start3A_524 = arith.constant 0 : i32
      %dma_start3A_525 = arith.constant 0 : i32
      %dma_start3A_526 = tpu.memref_slice %arg8[%dma_start3A_524, %dma_start3A_525] : memref<40008x16xf32, #tpu.memory_space<vmem_shared>> -> memref<40008x16xf32, #tpu.memory_space<vmem_shared>>
      tpu.enqueue_indirect_dma source(%dma_start3A_520 : memref<96x16xf32, #tpu.memory_space<vmem>>) target(%dma_start3A_526 : memref<40008x16xf32, #tpu.memory_space<vmem_shared>>) offsets(%dma_start3A_523 : memref<96xi32, #tpu.memory_space<vmem>>) semaphore(%arg12 : memref<!tpu.dma_semaphore, #tpu.memory_space<semaphore_mem>>) {add = true}
      %dma_wait3A_527 = arith.constant 2 : i32
      %dma_wait3A_528 = arith.constant 0 : i32
      %dma_wait3A_529 = arith.constant 0 : i32
      %dma_wait3A_530 = tpu.memref_slice %arg6[%dma_wait3A_527, %dma_wait3A_528, %dma_wait3A_529] : memref<3x480x16xf32, #tpu.memory_space<vmem>> -> memref<1x480x16xf32, #tpu.memory_space<vmem>>
      %dma_wait3A_531 = tpu.memref_squeeze %dma_wait3A_530 : memref<1x480x16xf32, #tpu.memory_space<vmem>> -> memref<480x16xf32, #tpu.memory_space<vmem>>
      %dma_wait3A_532 = arith.constant 0 : i32
      %dma_wait3A_533 = tpu.memref_slice %arg3[%add3A_318, %dma_wait3A_532] : memref<506880x80xf32, #tpu.memory_space<hbm>> -> memref<480x16xf32, #tpu.memory_space<hbm>>
      %dma_wait3A_534 = arith.constant 0 : i32
      %dma_wait3A_535 = arith.constant 0 : i32
      %dma_wait3A_536 = tpu.memref_slice %arg6[%dma_wait3A_527, %dma_wait3A_534, %dma_wait3A_535] : memref<3x480x16xf32, #tpu.memory_space<vmem>> -> memref<1x480x16xf32, #tpu.memory_space<vmem>>
      %dma_wait3A_537 = tpu.memref_squeeze %dma_wait3A_536 : memref<1x480x16xf32, #tpu.memory_space<vmem>> -> memref<480x16xf32, #tpu.memory_space<vmem>>
      %dma_wait3A_538 = arith.constant 0 : i32
      %dma_wait3A_539 = tpu.memref_slice %arg3[%add3A_318, %dma_wait3A_538] : memref<506880x80xf32, #tpu.memory_space<hbm>> -> memref<480x16xf32, #tpu.memory_space<hbm>>
      tpu.wait_dma2 semaphore(%arg11 : memref<!tpu.dma_semaphore, #tpu.memory_space<semaphore_mem>>) src(%dma_wait3A_539 : memref<480x16xf32, #tpu.memory_space<hbm>>) dst(%dma_wait3A_537 : memref<480x16xf32, #tpu.memory_space<vmem>>)
      %add3A_540 = arith.constant 2 : i32
      %add3A_541 = arith.addi %mul3A_278, %add3A_540 : i32
      %mul3A_542 = arith.constant 5 : i32
      %mul3A_543 = arith.muli %add3A_541, %mul3A_542 : i32
      %add3A_544 = arith.constant 0 : i32
      %add3A_545 = arith.addi %mul3A_543, %add3A_544 : i32
      %dma_start3A_546 = arith.constant 2 : i32
      %dma_start3A_547 = arith.constant 0 : i32
      %dma_start3A_548 = arith.constant 0 : i32
      %dma_start3A_549 = tpu.memref_slice %arg6[%dma_start3A_546, %dma_start3A_547, %dma_start3A_548] : memref<3x480x16xf32, #tpu.memory_space<vmem>> -> memref<1x96x16xf32, #tpu.memory_space<vmem>>
      %dma_start3A_550 = tpu.memref_squeeze %dma_start3A_549 : memref<1x96x16xf32, #tpu.memory_space<vmem>> -> memref<96x16xf32, #tpu.memory_space<vmem>>
      %dma_start3A_551 = arith.constant 0 : i32
      %dma_start3A_552 = tpu.memref_slice %arg5[%add3A_545, %dma_start3A_551] : memref<165x96xi32, #tpu.memory_space<vmem>> -> memref<1x96xi32, #tpu.memory_space<vmem>>
      %dma_start3A_553 = tpu.memref_squeeze %dma_start3A_552 : memref<1x96xi32, #tpu.memory_space<vmem>> -> memref<96xi32, #tpu.memory_space<vmem>>
      %dma_start3A_554 = arith.constant 0 : i32
      %dma_start3A_555 = arith.constant 0 : i32
      %dma_start3A_556 = tpu.memref_slice %arg8[%dma_start3A_554, %dma_start3A_555] : memref<40008x16xf32, #tpu.memory_space<vmem_shared>> -> memref<40008x16xf32, #tpu.memory_space<vmem_shared>>
      tpu.enqueue_indirect_dma source(%dma_start3A_550 : memref<96x16xf32, #tpu.memory_space<vmem>>) target(%dma_start3A_556 : memref<40008x16xf32, #tpu.memory_space<vmem_shared>>) offsets(%dma_start3A_553 : memref<96xi32, #tpu.memory_space<vmem>>) semaphore(%arg12 : memref<!tpu.dma_semaphore, #tpu.memory_space<semaphore_mem>>) {add = true}
      %add3A_557 = arith.constant 2 : i32
      %add3A_558 = arith.addi %mul3A_278, %add3A_557 : i32
      %mul3A_559 = arith.constant 5 : i32
      %mul3A_560 = arith.muli %add3A_558, %mul3A_559 : i32
      %add3A_561 = arith.constant 1 : i32
      %add3A_562 = arith.addi %mul3A_560, %add3A_561 : i32
      %dma_start3A_563 = arith.constant 2 : i32
      %dma_start3A_564 = arith.constant 96 : i32
      %dma_start3A_565 = arith.constant 0 : i32
      %dma_start3A_566 = tpu.memref_slice %arg6[%dma_start3A_563, %dma_start3A_564, %dma_start3A_565] : memref<3x480x16xf32, #tpu.memory_space<vmem>> -> memref<1x96x16xf32, #tpu.memory_space<vmem>>
      %dma_start3A_567 = tpu.memref_squeeze %dma_start3A_566 : memref<1x96x16xf32, #tpu.memory_space<vmem>> -> memref<96x16xf32, #tpu.memory_space<vmem>>
      %dma_start3A_568 = arith.constant 0 : i32
      %dma_start3A_569 = tpu.memref_slice %arg5[%add3A_562, %dma_start3A_568] : memref<165x96xi32, #tpu.memory_space<vmem>> -> memref<1x96xi32, #tpu.memory_space<vmem>>
      %dma_start3A_570 = tpu.memref_squeeze %dma_start3A_569 : memref<1x96xi32, #tpu.memory_space<vmem>> -> memref<96xi32, #tpu.memory_space<vmem>>
      %dma_start3A_571 = arith.constant 0 : i32
      %dma_start3A_572 = arith.constant 0 : i32
      %dma_start3A_573 = tpu.memref_slice %arg8[%dma_start3A_571, %dma_start3A_572] : memref<40008x16xf32, #tpu.memory_space<vmem_shared>> -> memref<40008x16xf32, #tpu.memory_space<vmem_shared>>
      tpu.enqueue_indirect_dma source(%dma_start3A_567 : memref<96x16xf32, #tpu.memory_space<vmem>>) target(%dma_start3A_573 : memref<40008x16xf32, #tpu.memory_space<vmem_shared>>) offsets(%dma_start3A_570 : memref<96xi32, #tpu.memory_space<vmem>>) semaphore(%arg12 : memref<!tpu.dma_semaphore, #tpu.memory_space<semaphore_mem>>) {add = true}
      %add3A_574 = arith.constant 2 : i32
      %add3A_575 = arith.addi %mul3A_278, %add3A_574 : i32
      %mul3A_576 = arith.constant 5 : i32
      %mul3A_577 = arith.muli %add3A_575, %mul3A_576 : i32
      %add3A_578 = arith.constant 2 : i32
      %add3A_579 = arith.addi %mul3A_577, %add3A_578 : i32
      %dma_start3A_580 = arith.constant 2 : i32
      %dma_start3A_581 = arith.constant 192 : i32
      %dma_start3A_582 = arith.constant 0 : i32
      %dma_start3A_583 = tpu.memref_slice %arg6[%dma_start3A_580, %dma_start3A_581, %dma_start3A_582] : memref<3x480x16xf32, #tpu.memory_space<vmem>> -> memref<1x96x16xf32, #tpu.memory_space<vmem>>
      %dma_start3A_584 = tpu.memref_squeeze %dma_start3A_583 : memref<1x96x16xf32, #tpu.memory_space<vmem>> -> memref<96x16xf32, #tpu.memory_space<vmem>>
      %dma_start3A_585 = arith.constant 0 : i32
      %dma_start3A_586 = tpu.memref_slice %arg5[%add3A_579, %dma_start3A_585] : memref<165x96xi32, #tpu.memory_space<vmem>> -> memref<1x96xi32, #tpu.memory_space<vmem>>
      %dma_start3A_587 = tpu.memref_squeeze %dma_start3A_586 : memref<1x96xi32, #tpu.memory_space<vmem>> -> memref<96xi32, #tpu.memory_space<vmem>>
      %dma_start3A_588 = arith.constant 0 : i32
      %dma_start3A_589 = arith.constant 0 : i32
      %dma_start3A_590 = tpu.memref_slice %arg8[%dma_start3A_588, %dma_start3A_589] : memref<40008x16xf32, #tpu.memory_space<vmem_shared>> -> memref<40008x16xf32, #tpu.memory_space<vmem_shared>>
      tpu.enqueue_indirect_dma source(%dma_start3A_584 : memref<96x16xf32, #tpu.memory_space<vmem>>) target(%dma_start3A_590 : memref<40008x16xf32, #tpu.memory_space<vmem_shared>>) offsets(%dma_start3A_587 : memref<96xi32, #tpu.memory_space<vmem>>) semaphore(%arg12 : memref<!tpu.dma_semaphore, #tpu.memory_space<semaphore_mem>>) {add = true}
      %add3A_591 = arith.constant 2 : i32
      %add3A_592 = arith.addi %mul3A_278, %add3A_591 : i32
      %mul3A_593 = arith.constant 5 : i32
      %mul3A_594 = arith.muli %add3A_592, %mul3A_593 : i32
      %add3A_595 = arith.constant 3 : i32
      %add3A_596 = arith.addi %mul3A_594, %add3A_595 : i32
      %dma_start3A_597 = arith.constant 2 : i32
      %dma_start3A_598 = arith.constant 288 : i32
      %dma_start3A_599 = arith.constant 0 : i32
      %dma_start3A_600 = tpu.memref_slice %arg6[%dma_start3A_597, %dma_start3A_598, %dma_start3A_599] : memref<3x480x16xf32, #tpu.memory_space<vmem>> -> memref<1x96x16xf32, #tpu.memory_space<vmem>>
      %dma_start3A_601 = tpu.memref_squeeze %dma_start3A_600 : memref<1x96x16xf32, #tpu.memory_space<vmem>> -> memref<96x16xf32, #tpu.memory_space<vmem>>
      %dma_start3A_602 = arith.constant 0 : i32
      %dma_start3A_603 = tpu.memref_slice %arg5[%add3A_596, %dma_start3A_602] : memref<165x96xi32, #tpu.memory_space<vmem>> -> memref<1x96xi32, #tpu.memory_space<vmem>>
      %dma_start3A_604 = tpu.memref_squeeze %dma_start3A_603 : memref<1x96xi32, #tpu.memory_space<vmem>> -> memref<96xi32, #tpu.memory_space<vmem>>
      %dma_start3A_605 = arith.constant 0 : i32
      %dma_start3A_606 = arith.constant 0 : i32
      %dma_start3A_607 = tpu.memref_slice %arg8[%dma_start3A_605, %dma_start3A_606] : memref<40008x16xf32, #tpu.memory_space<vmem_shared>> -> memref<40008x16xf32, #tpu.memory_space<vmem_shared>>
      tpu.enqueue_indirect_dma source(%dma_start3A_601 : memref<96x16xf32, #tpu.memory_space<vmem>>) target(%dma_start3A_607 : memref<40008x16xf32, #tpu.memory_space<vmem_shared>>) offsets(%dma_start3A_604 : memref<96xi32, #tpu.memory_space<vmem>>) semaphore(%arg12 : memref<!tpu.dma_semaphore, #tpu.memory_space<semaphore_mem>>) {add = true}
      %add3A_608 = arith.constant 2 : i32
      %add3A_609 = arith.addi %mul3A_278, %add3A_608 : i32
      %mul3A_610 = arith.constant 5 : i32
      %mul3A_611 = arith.muli %add3A_609, %mul3A_610 : i32
      %add3A_612 = arith.constant 4 : i32
      %add3A_613 = arith.addi %mul3A_611, %add3A_612 : i32
      %dma_start3A_614 = arith.constant 2 : i32
      %dma_start3A_615 = arith.constant 384 : i32
      %dma_start3A_616 = arith.constant 0 : i32
      %dma_start3A_617 = tpu.memref_slice %arg6[%dma_start3A_614, %dma_start3A_615, %dma_start3A_616] : memref<3x480x16xf32, #tpu.memory_space<vmem>> -> memref<1x96x16xf32, #tpu.memory_space<vmem>>
      %dma_start3A_618 = tpu.memref_squeeze %dma_start3A_617 : memref<1x96x16xf32, #tpu.memory_space<vmem>> -> memref<96x16xf32, #tpu.memory_space<vmem>>
      %dma_start3A_619 = arith.constant 0 : i32
      %dma_start3A_620 = tpu.memref_slice %arg5[%add3A_613, %dma_start3A_619] : memref<165x96xi32, #tpu.memory_space<vmem>> -> memref<1x96xi32, #tpu.memory_space<vmem>>
      %dma_start3A_621 = tpu.memref_squeeze %dma_start3A_620 : memref<1x96xi32, #tpu.memory_space<vmem>> -> memref<96xi32, #tpu.memory_space<vmem>>
      %dma_start3A_622 = arith.constant 0 : i32
      %dma_start3A_623 = arith.constant 0 : i32
      %dma_start3A_624 = tpu.memref_slice %arg8[%dma_start3A_622, %dma_start3A_623] : memref<40008x16xf32, #tpu.memory_space<vmem_shared>> -> memref<40008x16xf32, #tpu.memory_space<vmem_shared>>
      tpu.enqueue_indirect_dma source(%dma_start3A_618 : memref<96x16xf32, #tpu.memory_space<vmem>>) target(%dma_start3A_624 : memref<40008x16xf32, #tpu.memory_space<vmem_shared>>) offsets(%dma_start3A_621 : memref<96xi32, #tpu.memory_space<vmem>>) semaphore(%arg12 : memref<!tpu.dma_semaphore, #tpu.memory_space<semaphore_mem>>) {add = true}
      %dma_wait3A_625 = arith.constant 0 : i32
      %dma_wait3A_626 = arith.constant 0 : i32
      %dma_wait3A_627 = arith.constant 0 : i32
      %dma_wait3A_628 = tpu.memref_slice %arg6[%dma_wait3A_625, %dma_wait3A_626, %dma_wait3A_627] : memref<3x480x16xf32, #tpu.memory_space<vmem>> -> memref<1x96x16xf32, #tpu.memory_space<vmem>>
      %dma_wait3A_629 = tpu.memref_squeeze %dma_wait3A_628 : memref<1x96x16xf32, #tpu.memory_space<vmem>> -> memref<96x16xf32, #tpu.memory_space<vmem>>
      %dma_wait3A_630 = arith.constant 0 : i32
      %dma_wait3A_631 = tpu.memref_slice %arg5[%add3A_349, %dma_wait3A_630] : memref<165x96xi32, #tpu.memory_space<vmem>> -> memref<1x96xi32, #tpu.memory_space<vmem>>
      %dma_wait3A_632 = tpu.memref_squeeze %dma_wait3A_631 : memref<1x96xi32, #tpu.memory_space<vmem>> -> memref<96xi32, #tpu.memory_space<vmem>>
      %dma_wait3A_633 = arith.constant 0 : i32
      %dma_wait3A_634 = arith.constant 0 : i32
      %dma_wait3A_635 = tpu.memref_slice %arg8[%dma_wait3A_633, %dma_wait3A_634] : memref<40008x16xf32, #tpu.memory_space<vmem_shared>> -> memref<40008x16xf32, #tpu.memory_space<vmem_shared>>
      tpu.wait_indirect_dma semaphore(%arg12 : memref<!tpu.dma_semaphore, #tpu.memory_space<semaphore_mem>>) src(%dma_wait3A_629 : memref<96x16xf32, #tpu.memory_space<vmem>>) dst(%dma_wait3A_635 : memref<40008x16xf32, #tpu.memory_space<vmem_shared>>)
      %dma_wait3A_636 = arith.constant 0 : i32
      %dma_wait3A_637 = arith.constant 96 : i32
      %dma_wait3A_638 = arith.constant 0 : i32
      %dma_wait3A_639 = tpu.memref_slice %arg6[%dma_wait3A_636, %dma_wait3A_637, %dma_wait3A_638] : memref<3x480x16xf32, #tpu.memory_space<vmem>> -> memref<1x96x16xf32, #tpu.memory_space<vmem>>
      %dma_wait3A_640 = tpu.memref_squeeze %dma_wait3A_639 : memref<1x96x16xf32, #tpu.memory_space<vmem>> -> memref<96x16xf32, #tpu.memory_space<vmem>>
      %dma_wait3A_641 = arith.constant 0 : i32
      %dma_wait3A_642 = tpu.memref_slice %arg5[%add3A_366, %dma_wait3A_641] : memref<165x96xi32, #tpu.memory_space<vmem>> -> memref<1x96xi32, #tpu.memory_space<vmem>>
      %dma_wait3A_643 = tpu.memref_squeeze %dma_wait3A_642 : memref<1x96xi32, #tpu.memory_space<vmem>> -> memref<96xi32, #tpu.memory_space<vmem>>
      %dma_wait3A_644 = arith.constant 0 : i32
      %dma_wait3A_645 = arith.constant 0 : i32
      %dma_wait3A_646 = tpu.memref_slice %arg8[%dma_wait3A_644, %dma_wait3A_645] : memref<40008x16xf32, #tpu.memory_space<vmem_shared>> -> memref<40008x16xf32, #tpu.memory_space<vmem_shared>>
      tpu.wait_indirect_dma semaphore(%arg12 : memref<!tpu.dma_semaphore, #tpu.memory_space<semaphore_mem>>) src(%dma_wait3A_640 : memref<96x16xf32, #tpu.memory_space<vmem>>) dst(%dma_wait3A_646 : memref<40008x16xf32, #tpu.memory_space<vmem_shared>>)
      %dma_wait3A_647 = arith.constant 0 : i32
      %dma_wait3A_648 = arith.constant 192 : i32
      %dma_wait3A_649 = arith.constant 0 : i32
      %dma_wait3A_650 = tpu.memref_slice %arg6[%dma_wait3A_647, %dma_wait3A_648, %dma_wait3A_649] : memref<3x480x16xf32, #tpu.memory_space<vmem>> -> memref<1x96x16xf32, #tpu.memory_space<vmem>>
      %dma_wait3A_651 = tpu.memref_squeeze %dma_wait3A_650 : memref<1x96x16xf32, #tpu.memory_space<vmem>> -> memref<96x16xf32, #tpu.memory_space<vmem>>
      %dma_wait3A_652 = arith.constant 0 : i32
      %dma_wait3A_653 = tpu.memref_slice %arg5[%add3A_383, %dma_wait3A_652] : memref<165x96xi32, #tpu.memory_space<vmem>> -> memref<1x96xi32, #tpu.memory_space<vmem>>
      %dma_wait3A_654 = tpu.memref_squeeze %dma_wait3A_653 : memref<1x96xi32, #tpu.memory_space<vmem>> -> memref<96xi32, #tpu.memory_space<vmem>>
      %dma_wait3A_655 = arith.constant 0 : i32
      %dma_wait3A_656 = arith.constant 0 : i32
      %dma_wait3A_657 = tpu.memref_slice %arg8[%dma_wait3A_655, %dma_wait3A_656] : memref<40008x16xf32, #tpu.memory_space<vmem_shared>> -> memref<40008x16xf32, #tpu.memory_space<vmem_shared>>
      tpu.wait_indirect_dma semaphore(%arg12 : memref<!tpu.dma_semaphore, #tpu.memory_space<semaphore_mem>>) src(%dma_wait3A_651 : memref<96x16xf32, #tpu.memory_space<vmem>>) dst(%dma_wait3A_657 : memref<40008x16xf32, #tpu.memory_space<vmem_shared>>)
      %dma_wait3A_658 = arith.constant 0 : i32
      %dma_wait3A_659 = arith.constant 288 : i32
      %dma_wait3A_660 = arith.constant 0 : i32
      %dma_wait3A_661 = tpu.memref_slice %arg6[%dma_wait3A_658, %dma_wait3A_659, %dma_wait3A_660] : memref<3x480x16xf32, #tpu.memory_space<vmem>> -> memref<1x96x16xf32, #tpu.memory_space<vmem>>
      %dma_wait3A_662 = tpu.memref_squeeze %dma_wait3A_661 : memref<1x96x16xf32, #tpu.memory_space<vmem>> -> memref<96x16xf32, #tpu.memory_space<vmem>>
      %dma_wait3A_663 = arith.constant 0 : i32
      %dma_wait3A_664 = tpu.memref_slice %arg5[%add3A_400, %dma_wait3A_663] : memref<165x96xi32, #tpu.memory_space<vmem>> -> memref<1x96xi32, #tpu.memory_space<vmem>>
      %dma_wait3A_665 = tpu.memref_squeeze %dma_wait3A_664 : memref<1x96xi32, #tpu.memory_space<vmem>> -> memref<96xi32, #tpu.memory_space<vmem>>
      %dma_wait3A_666 = arith.constant 0 : i32
      %dma_wait3A_667 = arith.constant 0 : i32
      %dma_wait3A_668 = tpu.memref_slice %arg8[%dma_wait3A_666, %dma_wait3A_667] : memref<40008x16xf32, #tpu.memory_space<vmem_shared>> -> memref<40008x16xf32, #tpu.memory_space<vmem_shared>>
      tpu.wait_indirect_dma semaphore(%arg12 : memref<!tpu.dma_semaphore, #tpu.memory_space<semaphore_mem>>) src(%dma_wait3A_662 : memref<96x16xf32, #tpu.memory_space<vmem>>) dst(%dma_wait3A_668 : memref<40008x16xf32, #tpu.memory_space<vmem_shared>>)
      %dma_wait3A_669 = arith.constant 0 : i32
      %dma_wait3A_670 = arith.constant 384 : i32
      %dma_wait3A_671 = arith.constant 0 : i32
      %dma_wait3A_672 = tpu.memref_slice %arg6[%dma_wait3A_669, %dma_wait3A_670, %dma_wait3A_671] : memref<3x480x16xf32, #tpu.memory_space<vmem>> -> memref<1x96x16xf32, #tpu.memory_space<vmem>>
      %dma_wait3A_673 = tpu.memref_squeeze %dma_wait3A_672 : memref<1x96x16xf32, #tpu.memory_space<vmem>> -> memref<96x16xf32, #tpu.memory_space<vmem>>
      %dma_wait3A_674 = arith.constant 0 : i32
      %dma_wait3A_675 = tpu.memref_slice %arg5[%add3A_417, %dma_wait3A_674] : memref<165x96xi32, #tpu.memory_space<vmem>> -> memref<1x96xi32, #tpu.memory_space<vmem>>
      %dma_wait3A_676 = tpu.memref_squeeze %dma_wait3A_675 : memref<1x96xi32, #tpu.memory_space<vmem>> -> memref<96xi32, #tpu.memory_space<vmem>>
      %dma_wait3A_677 = arith.constant 0 : i32
      %dma_wait3A_678 = arith.constant 0 : i32
      %dma_wait3A_679 = tpu.memref_slice %arg8[%dma_wait3A_677, %dma_wait3A_678] : memref<40008x16xf32, #tpu.memory_space<vmem_shared>> -> memref<40008x16xf32, #tpu.memory_space<vmem_shared>>
      tpu.wait_indirect_dma semaphore(%arg12 : memref<!tpu.dma_semaphore, #tpu.memory_space<semaphore_mem>>) src(%dma_wait3A_673 : memref<96x16xf32, #tpu.memory_space<vmem>>) dst(%dma_wait3A_679 : memref<40008x16xf32, #tpu.memory_space<vmem_shared>>)
      %dma_wait3A_680 = arith.constant 1 : i32
      %dma_wait3A_681 = arith.constant 0 : i32
      %dma_wait3A_682 = arith.constant 0 : i32
      %dma_wait3A_683 = tpu.memref_slice %arg6[%dma_wait3A_680, %dma_wait3A_681, %dma_wait3A_682] : memref<3x480x16xf32, #tpu.memory_space<vmem>> -> memref<1x96x16xf32, #tpu.memory_space<vmem>>
      %dma_wait3A_684 = tpu.memref_squeeze %dma_wait3A_683 : memref<1x96x16xf32, #tpu.memory_space<vmem>> -> memref<96x16xf32, #tpu.memory_space<vmem>>
      %dma_wait3A_685 = arith.constant 0 : i32
      %dma_wait3A_686 = tpu.memref_slice %arg5[%add3A_447, %dma_wait3A_685] : memref<165x96xi32, #tpu.memory_space<vmem>> -> memref<1x96xi32, #tpu.memory_space<vmem>>
      %dma_wait3A_687 = tpu.memref_squeeze %dma_wait3A_686 : memref<1x96xi32, #tpu.memory_space<vmem>> -> memref<96xi32, #tpu.memory_space<vmem>>
      %dma_wait3A_688 = arith.constant 0 : i32
      %dma_wait3A_689 = arith.constant 0 : i32
      %dma_wait3A_690 = tpu.memref_slice %arg8[%dma_wait3A_688, %dma_wait3A_689] : memref<40008x16xf32, #tpu.memory_space<vmem_shared>> -> memref<40008x16xf32, #tpu.memory_space<vmem_shared>>
      tpu.wait_indirect_dma semaphore(%arg12 : memref<!tpu.dma_semaphore, #tpu.memory_space<semaphore_mem>>) src(%dma_wait3A_684 : memref<96x16xf32, #tpu.memory_space<vmem>>) dst(%dma_wait3A_690 : memref<40008x16xf32, #tpu.memory_space<vmem_shared>>)
      %dma_wait3A_691 = arith.constant 1 : i32
      %dma_wait3A_692 = arith.constant 96 : i32
      %dma_wait3A_693 = arith.constant 0 : i32
      %dma_wait3A_694 = tpu.memref_slice %arg6[%dma_wait3A_691, %dma_wait3A_692, %dma_wait3A_693] : memref<3x480x16xf32, #tpu.memory_space<vmem>> -> memref<1x96x16xf32, #tpu.memory_space<vmem>>
      %dma_wait3A_695 = tpu.memref_squeeze %dma_wait3A_694 : memref<1x96x16xf32, #tpu.memory_space<vmem>> -> memref<96x16xf32, #tpu.memory_space<vmem>>
      %dma_wait3A_696 = arith.constant 0 : i32
      %dma_wait3A_697 = tpu.memref_slice %arg5[%add3A_464, %dma_wait3A_696] : memref<165x96xi32, #tpu.memory_space<vmem>> -> memref<1x96xi32, #tpu.memory_space<vmem>>
      %dma_wait3A_698 = tpu.memref_squeeze %dma_wait3A_697 : memref<1x96xi32, #tpu.memory_space<vmem>> -> memref<96xi32, #tpu.memory_space<vmem>>
      %dma_wait3A_699 = arith.constant 0 : i32
      %dma_wait3A_700 = arith.constant 0 : i32
      %dma_wait3A_701 = tpu.memref_slice %arg8[%dma_wait3A_699, %dma_wait3A_700] : memref<40008x16xf32, #tpu.memory_space<vmem_shared>> -> memref<40008x16xf32, #tpu.memory_space<vmem_shared>>
      tpu.wait_indirect_dma semaphore(%arg12 : memref<!tpu.dma_semaphore, #tpu.memory_space<semaphore_mem>>) src(%dma_wait3A_695 : memref<96x16xf32, #tpu.memory_space<vmem>>) dst(%dma_wait3A_701 : memref<40008x16xf32, #tpu.memory_space<vmem_shared>>)
      %dma_wait3A_702 = arith.constant 1 : i32
      %dma_wait3A_703 = arith.constant 192 : i32
      %dma_wait3A_704 = arith.constant 0 : i32
      %dma_wait3A_705 = tpu.memref_slice %arg6[%dma_wait3A_702, %dma_wait3A_703, %dma_wait3A_704] : memref<3x480x16xf32, #tpu.memory_space<vmem>> -> memref<1x96x16xf32, #tpu.memory_space<vmem>>
      %dma_wait3A_706 = tpu.memref_squeeze %dma_wait3A_705 : memref<1x96x16xf32, #tpu.memory_space<vmem>> -> memref<96x16xf32, #tpu.memory_space<vmem>>
      %dma_wait3A_707 = arith.constant 0 : i32
      %dma_wait3A_708 = tpu.memref_slice %arg5[%add3A_481, %dma_wait3A_707] : memref<165x96xi32, #tpu.memory_space<vmem>> -> memref<1x96xi32, #tpu.memory_space<vmem>>
      %dma_wait3A_709 = tpu.memref_squeeze %dma_wait3A_708 : memref<1x96xi32, #tpu.memory_space<vmem>> -> memref<96xi32, #tpu.memory_space<vmem>>
      %dma_wait3A_710 = arith.constant 0 : i32
      %dma_wait3A_711 = arith.constant 0 : i32
      %dma_wait3A_712 = tpu.memref_slice %arg8[%dma_wait3A_710, %dma_wait3A_711] : memref<40008x16xf32, #tpu.memory_space<vmem_shared>> -> memref<40008x16xf32, #tpu.memory_space<vmem_shared>>
      tpu.wait_indirect_dma semaphore(%arg12 : memref<!tpu.dma_semaphore, #tpu.memory_space<semaphore_mem>>) src(%dma_wait3A_706 : memref<96x16xf32, #tpu.memory_space<vmem>>) dst(%dma_wait3A_712 : memref<40008x16xf32, #tpu.memory_space<vmem_shared>>)
      %dma_wait3A_713 = arith.constant 1 : i32
      %dma_wait3A_714 = arith.constant 288 : i32
      %dma_wait3A_715 = arith.constant 0 : i32
      %dma_wait3A_716 = tpu.memref_slice %arg6[%dma_wait3A_713, %dma_wait3A_714, %dma_wait3A_715] : memref<3x480x16xf32, #tpu.memory_space<vmem>> -> memref<1x96x16xf32, #tpu.memory_space<vmem>>
      %dma_wait3A_717 = tpu.memref_squeeze %dma_wait3A_716 : memref<1x96x16xf32, #tpu.memory_space<vmem>> -> memref<96x16xf32, #tpu.memory_space<vmem>>
      %dma_wait3A_718 = arith.constant 0 : i32
      %dma_wait3A_719 = tpu.memref_slice %arg5[%add3A_498, %dma_wait3A_718] : memref<165x96xi32, #tpu.memory_space<vmem>> -> memref<1x96xi32, #tpu.memory_space<vmem>>
      %dma_wait3A_720 = tpu.memref_squeeze %dma_wait3A_719 : memref<1x96xi32, #tpu.memory_space<vmem>> -> memref<96xi32, #tpu.memory_space<vmem>>
      %dma_wait3A_721 = arith.constant 0 : i32
      %dma_wait3A_722 = arith.constant 0 : i32
      %dma_wait3A_723 = tpu.memref_slice %arg8[%dma_wait3A_721, %dma_wait3A_722] : memref<40008x16xf32, #tpu.memory_space<vmem_shared>> -> memref<40008x16xf32, #tpu.memory_space<vmem_shared>>
      tpu.wait_indirect_dma semaphore(%arg12 : memref<!tpu.dma_semaphore, #tpu.memory_space<semaphore_mem>>) src(%dma_wait3A_717 : memref<96x16xf32, #tpu.memory_space<vmem>>) dst(%dma_wait3A_723 : memref<40008x16xf32, #tpu.memory_space<vmem_shared>>)
      %dma_wait3A_724 = arith.constant 1 : i32
      %dma_wait3A_725 = arith.constant 384 : i32
      %dma_wait3A_726 = arith.constant 0 : i32
      %dma_wait3A_727 = tpu.memref_slice %arg6[%dma_wait3A_724, %dma_wait3A_725, %dma_wait3A_726] : memref<3x480x16xf32, #tpu.memory_space<vmem>> -> memref<1x96x16xf32, #tpu.memory_space<vmem>>
      %dma_wait3A_728 = tpu.memref_squeeze %dma_wait3A_727 : memref<1x96x16xf32, #tpu.memory_space<vmem>> -> memref<96x16xf32, #tpu.memory_space<vmem>>
      %dma_wait3A_729 = arith.constant 0 : i32
      %dma_wait3A_730 = tpu.memref_slice %arg5[%add3A_515, %dma_wait3A_729] : memref<165x96xi32, #tpu.memory_space<vmem>> -> memref<1x96xi32, #tpu.memory_space<vmem>>
      %dma_wait3A_731 = tpu.memref_squeeze %dma_wait3A_730 : memref<1x96xi32, #tpu.memory_space<vmem>> -> memref<96xi32, #tpu.memory_space<vmem>>
      %dma_wait3A_732 = arith.constant 0 : i32
      %dma_wait3A_733 = arith.constant 0 : i32
      %dma_wait3A_734 = tpu.memref_slice %arg8[%dma_wait3A_732, %dma_wait3A_733] : memref<40008x16xf32, #tpu.memory_space<vmem_shared>> -> memref<40008x16xf32, #tpu.memory_space<vmem_shared>>
      tpu.wait_indirect_dma semaphore(%arg12 : memref<!tpu.dma_semaphore, #tpu.memory_space<semaphore_mem>>) src(%dma_wait3A_728 : memref<96x16xf32, #tpu.memory_space<vmem>>) dst(%dma_wait3A_734 : memref<40008x16xf32, #tpu.memory_space<vmem_shared>>)
      %dma_wait3A_735 = arith.constant 2 : i32
      %dma_wait3A_736 = arith.constant 0 : i32
      %dma_wait3A_737 = arith.constant 0 : i32
      %dma_wait3A_738 = tpu.memref_slice %arg6[%dma_wait3A_735, %dma_wait3A_736, %dma_wait3A_737] : memref<3x480x16xf32, #tpu.memory_space<vmem>> -> memref<1x96x16xf32, #tpu.memory_space<vmem>>
      %dma_wait3A_739 = tpu.memref_squeeze %dma_wait3A_738 : memref<1x96x16xf32, #tpu.memory_space<vmem>> -> memref<96x16xf32, #tpu.memory_space<vmem>>
      %dma_wait3A_740 = arith.constant 0 : i32
      %dma_wait3A_741 = tpu.memref_slice %arg5[%add3A_545, %dma_wait3A_740] : memref<165x96xi32, #tpu.memory_space<vmem>> -> memref<1x96xi32, #tpu.memory_space<vmem>>
      %dma_wait3A_742 = tpu.memref_squeeze %dma_wait3A_741 : memref<1x96xi32, #tpu.memory_space<vmem>> -> memref<96xi32, #tpu.memory_space<vmem>>
      %dma_wait3A_743 = arith.constant 0 : i32
      %dma_wait3A_744 = arith.constant 0 : i32
      %dma_wait3A_745 = tpu.memref_slice %arg8[%dma_wait3A_743, %dma_wait3A_744] : memref<40008x16xf32, #tpu.memory_space<vmem_shared>> -> memref<40008x16xf32, #tpu.memory_space<vmem_shared>>
      tpu.wait_indirect_dma semaphore(%arg12 : memref<!tpu.dma_semaphore, #tpu.memory_space<semaphore_mem>>) src(%dma_wait3A_739 : memref<96x16xf32, #tpu.memory_space<vmem>>) dst(%dma_wait3A_745 : memref<40008x16xf32, #tpu.memory_space<vmem_shared>>)
      %dma_wait3A_746 = arith.constant 2 : i32
      %dma_wait3A_747 = arith.constant 96 : i32
      %dma_wait3A_748 = arith.constant 0 : i32
      %dma_wait3A_749 = tpu.memref_slice %arg6[%dma_wait3A_746, %dma_wait3A_747, %dma_wait3A_748] : memref<3x480x16xf32, #tpu.memory_space<vmem>> -> memref<1x96x16xf32, #tpu.memory_space<vmem>>
      %dma_wait3A_750 = tpu.memref_squeeze %dma_wait3A_749 : memref<1x96x16xf32, #tpu.memory_space<vmem>> -> memref<96x16xf32, #tpu.memory_space<vmem>>
      %dma_wait3A_751 = arith.constant 0 : i32
      %dma_wait3A_752 = tpu.memref_slice %arg5[%add3A_562, %dma_wait3A_751] : memref<165x96xi32, #tpu.memory_space<vmem>> -> memref<1x96xi32, #tpu.memory_space<vmem>>
      %dma_wait3A_753 = tpu.memref_squeeze %dma_wait3A_752 : memref<1x96xi32, #tpu.memory_space<vmem>> -> memref<96xi32, #tpu.memory_space<vmem>>
      %dma_wait3A_754 = arith.constant 0 : i32
      %dma_wait3A_755 = arith.constant 0 : i32
      %dma_wait3A_756 = tpu.memref_slice %arg8[%dma_wait3A_754, %dma_wait3A_755] : memref<40008x16xf32, #tpu.memory_space<vmem_shared>> -> memref<40008x16xf32, #tpu.memory_space<vmem_shared>>
      tpu.wait_indirect_dma semaphore(%arg12 : memref<!tpu.dma_semaphore, #tpu.memory_space<semaphore_mem>>) src(%dma_wait3A_750 : memref<96x16xf32, #tpu.memory_space<vmem>>) dst(%dma_wait3A_756 : memref<40008x16xf32, #tpu.memory_space<vmem_shared>>)
      %dma_wait3A_757 = arith.constant 2 : i32
      %dma_wait3A_758 = arith.constant 192 : i32
      %dma_wait3A_759 = arith.constant 0 : i32
      %dma_wait3A_760 = tpu.memref_slice %arg6[%dma_wait3A_757, %dma_wait3A_758, %dma_wait3A_759] : memref<3x480x16xf32, #tpu.memory_space<vmem>> -> memref<1x96x16xf32, #tpu.memory_space<vmem>>
      %dma_wait3A_761 = tpu.memref_squeeze %dma_wait3A_760 : memref<1x96x16xf32, #tpu.memory_space<vmem>> -> memref<96x16xf32, #tpu.memory_space<vmem>>
      %dma_wait3A_762 = arith.constant 0 : i32
      %dma_wait3A_763 = tpu.memref_slice %arg5[%add3A_579, %dma_wait3A_762] : memref<165x96xi32, #tpu.memory_space<vmem>> -> memref<1x96xi32, #tpu.memory_space<vmem>>
      %dma_wait3A_764 = tpu.memref_squeeze %dma_wait3A_763 : memref<1x96xi32, #tpu.memory_space<vmem>> -> memref<96xi32, #tpu.memory_space<vmem>>
      %dma_wait3A_765 = arith.constant 0 : i32
      %dma_wait3A_766 = arith.constant 0 : i32
      %dma_wait3A_767 = tpu.memref_slice %arg8[%dma_wait3A_765, %dma_wait3A_766] : memref<40008x16xf32, #tpu.memory_space<vmem_shared>> -> memref<40008x16xf32, #tpu.memory_space<vmem_shared>>
      tpu.wait_indirect_dma semaphore(%arg12 : memref<!tpu.dma_semaphore, #tpu.memory_space<semaphore_mem>>) src(%dma_wait3A_761 : memref<96x16xf32, #tpu.memory_space<vmem>>) dst(%dma_wait3A_767 : memref<40008x16xf32, #tpu.memory_space<vmem_shared>>)
      %dma_wait3A_768 = arith.constant 2 : i32
      %dma_wait3A_769 = arith.constant 288 : i32
      %dma_wait3A_770 = arith.constant 0 : i32
      %dma_wait3A_771 = tpu.memref_slice %arg6[%dma_wait3A_768, %dma_wait3A_769, %dma_wait3A_770] : memref<3x480x16xf32, #tpu.memory_space<vmem>> -> memref<1x96x16xf32, #tpu.memory_space<vmem>>
      %dma_wait3A_772 = tpu.memref_squeeze %dma_wait3A_771 : memref<1x96x16xf32, #tpu.memory_space<vmem>> -> memref<96x16xf32, #tpu.memory_space<vmem>>
      %dma_wait3A_773 = arith.constant 0 : i32
      %dma_wait3A_774 = tpu.memref_slice %arg5[%add3A_596, %dma_wait3A_773] : memref<165x96xi32, #tpu.memory_space<vmem>> -> memref<1x96xi32, #tpu.memory_space<vmem>>
      %dma_wait3A_775 = tpu.memref_squeeze %dma_wait3A_774 : memref<1x96xi32, #tpu.memory_space<vmem>> -> memref<96xi32, #tpu.memory_space<vmem>>
      %dma_wait3A_776 = arith.constant 0 : i32
      %dma_wait3A_777 = arith.constant 0 : i32
      %dma_wait3A_778 = tpu.memref_slice %arg8[%dma_wait3A_776, %dma_wait3A_777] : memref<40008x16xf32, #tpu.memory_space<vmem_shared>> -> memref<40008x16xf32, #tpu.memory_space<vmem_shared>>
      tpu.wait_indirect_dma semaphore(%arg12 : memref<!tpu.dma_semaphore, #tpu.memory_space<semaphore_mem>>) src(%dma_wait3A_772 : memref<96x16xf32, #tpu.memory_space<vmem>>) dst(%dma_wait3A_778 : memref<40008x16xf32, #tpu.memory_space<vmem_shared>>)
      %dma_wait3A_779 = arith.constant 2 : i32
      %dma_wait3A_780 = arith.constant 384 : i32
      %dma_wait3A_781 = arith.constant 0 : i32
      %dma_wait3A_782 = tpu.memref_slice %arg6[%dma_wait3A_779, %dma_wait3A_780, %dma_wait3A_781] : memref<3x480x16xf32, #tpu.memory_space<vmem>> -> memref<1x96x16xf32, #tpu.memory_space<vmem>>
      %dma_wait3A_783 = tpu.memref_squeeze %dma_wait3A_782 : memref<1x96x16xf32, #tpu.memory_space<vmem>> -> memref<96x16xf32, #tpu.memory_space<vmem>>
      %dma_wait3A_784 = arith.constant 0 : i32
      %dma_wait3A_785 = tpu.memref_slice %arg5[%add3A_613, %dma_wait3A_784] : memref<165x96xi32, #tpu.memory_space<vmem>> -> memref<1x96xi32, #tpu.memory_space<vmem>>
      %dma_wait3A_786 = tpu.memref_squeeze %dma_wait3A_785 : memref<1x96xi32, #tpu.memory_space<vmem>> -> memref<96xi32, #tpu.memory_space<vmem>>
      %dma_wait3A_787 = arith.constant 0 : i32
      %dma_wait3A_788 = arith.constant 0 : i32
      %dma_wait3A_789 = tpu.memref_slice %arg8[%dma_wait3A_787, %dma_wait3A_788] : memref<40008x16xf32, #tpu.memory_space<vmem_shared>> -> memref<40008x16xf32, #tpu.memory_space<vmem_shared>>
      tpu.wait_indirect_dma semaphore(%arg12 : memref<!tpu.dma_semaphore, #tpu.memory_space<semaphore_mem>>) src(%dma_wait3A_783 : memref<96x16xf32, #tpu.memory_space<vmem>>) dst(%dma_wait3A_789 : memref<40008x16xf32, #tpu.memory_space<vmem_shared>>)
    }
    %scan3A_57 = arith.constant 11 : i32
    %barrier3A_58 = arith.constant 0 : index
    tpu.barrier barrier_id(%barrier3A_58)
    %mul3A_59 = arith.constant 2500 : i32
    %mul3A_60 = arith.muli %arg1, %mul3A_59 : i32
    %mul3A_61 = arith.constant 2500 : i32
    %mul3A_62 = arith.muli %arg1, %mul3A_61 : i32
    "tpu.region"() ({
      %run_scoped3A = tpu.sem_alloc : memref<!tpu.dma_semaphore, #tpu.memory_space<semaphore_mem>>
      %dma_start3A = arith.constant 0 : i32
      %dma_start3A_276 = tpu.memref_slice %arg4[%arg0, %mul3A_62, %dma_start3A] : memref<2x40000x80xf32, #tpu.memory_space<hbm>> -> memref<1x2500x16xf32, #tpu.memory_space<hbm>>
      %dma_start3A_277 = tpu.memref_squeeze %dma_start3A_276 : memref<1x2500x16xf32, #tpu.memory_space<hbm>> -> memref<2500x16xf32, #tpu.memory_space<hbm>>
      %dma_start3A_278 = arith.constant 0 : i32
      %dma_start3A_279 = tpu.memref_slice %arg8[%mul3A_60, %dma_start3A_278] : memref<40008x16xf32, #tpu.memory_space<vmem_shared>> -> memref<2500x16xf32, #tpu.memory_space<vmem_shared>>
      tpu.enqueue_dma source(%dma_start3A_279 : memref<2500x16xf32, #tpu.memory_space<vmem_shared>>) target(%dma_start3A_277 : memref<2500x16xf32, #tpu.memory_space<hbm>>) target_semaphore(%run_scoped3A : memref<!tpu.dma_semaphore, #tpu.memory_space<semaphore_mem>>)
      %dma_wait3A = arith.constant 0 : i32
      %dma_wait3A_280 = tpu.memref_slice %arg4[%arg0, %mul3A_62, %dma_wait3A] : memref<2x40000x80xf32, #tpu.memory_space<hbm>> -> memref<1x2500x16xf32, #tpu.memory_space<hbm>>
      %dma_wait3A_281 = tpu.memref_squeeze %dma_wait3A_280 : memref<1x2500x16xf32, #tpu.memory_space<hbm>> -> memref<2500x16xf32, #tpu.memory_space<hbm>>
      %dma_wait3A_282 = arith.constant 0 : i32
      %dma_wait3A_283 = tpu.memref_slice %arg8[%mul3A_60, %dma_wait3A_282] : memref<40008x16xf32, #tpu.memory_space<vmem_shared>> -> memref<2500x16xf32, #tpu.memory_space<vmem_shared>>
      tpu.wait_dma2 semaphore(%run_scoped3A : memref<!tpu.dma_semaphore, #tpu.memory_space<semaphore_mem>>) src(%dma_wait3A_283 : memref<2500x16xf32, #tpu.memory_space<vmem_shared>>) dst(%dma_wait3A_281 : memref<2500x16xf32, #tpu.memory_space<hbm>>)
      tpu.yield
    }) : () -> ()
    %barrier3A_63 = arith.constant 0 : index
    tpu.barrier barrier_id(%barrier3A_63)
    %mul3A_64 = arith.constant 2500 : i32
    %mul3A_65 = arith.muli %arg1, %mul3A_64 : i32
    %add3A_66 = arith.constant 0 : i32
    %add3A_67 = arith.addi %mul3A_65, %add3A_66 : i32
    "tpu.region"() ({
      %run_scoped3A = tpu.sem_alloc : memref<!tpu.dma_semaphore, #tpu.memory_space<semaphore_mem>>
      %dma_start3A = arith.constant 0 : i32
      %dma_start3A_276 = tpu.memref_slice %arg8[%add3A_67, %dma_start3A] : memref<40008x16xf32, #tpu.memory_space<vmem_shared>> -> memref<250x16xf32, #tpu.memory_space<vmem_shared>>
      %dma_start3A_277 = arith.constant 0 : i32
      %dma_start3A_278 = tpu.memref_slice %arg8[%add3A_67, %dma_start3A_277] : memref<40008x16xf32, #tpu.memory_space<vmem_shared>> -> memref<250x16xf32, #tpu.memory_space<vmem_shared>>
      tpu.enqueue_dma source(%arg7 : memref<250x16xf32, #tpu.memory_space<vmem>>) target(%dma_start3A_278 : memref<250x16xf32, #tpu.memory_space<vmem_shared>>) target_semaphore(%run_scoped3A : memref<!tpu.dma_semaphore, #tpu.memory_space<semaphore_mem>>)
      %dma_wait3A = arith.constant 0 : i32
      %dma_wait3A_279 = tpu.memref_slice %arg8[%add3A_67, %dma_wait3A] : memref<40008x16xf32, #tpu.memory_space<vmem_shared>> -> memref<250x16xf32, #tpu.memory_space<vmem_shared>>
      %dma_wait3A_280 = arith.constant 0 : i32
      %dma_wait3A_281 = tpu.memref_slice %arg8[%add3A_67, %dma_wait3A_280] : memref<40008x16xf32, #tpu.memory_space<vmem_shared>> -> memref<250x16xf32, #tpu.memory_space<vmem_shared>>
      tpu.wait_dma2 semaphore(%run_scoped3A : memref<!tpu.dma_semaphore, #tpu.memory_space<semaphore_mem>>) src(%arg7 : memref<250x16xf32, #tpu.memory_space<vmem>>) dst(%dma_wait3A_281 : memref<250x16xf32, #tpu.memory_space<vmem_shared>>)
      tpu.yield
    }) : () -> ()
    %mul3A_68 = arith.constant 2500 : i32
    %mul3A_69 = arith.muli %arg1, %mul3A_68 : i32
    %add3A_70 = arith.constant 250 : i32
    %add3A_71 = arith.addi %mul3A_69, %add3A_70 : i32
    "tpu.region"() ({
      %run_scoped3A = tpu.sem_alloc : memref<!tpu.dma_semaphore, #tpu.memory_space<semaphore_mem>>
      %dma_start3A = arith.constant 0 : i32
      %dma_start3A_276 = tpu.memref_slice %arg8[%add3A_71, %dma_start3A] : memref<40008x16xf32, #tpu.memory_space<vmem_shared>> -> memref<250x16xf32, #tpu.memory_space<vmem_shared>>
      %dma_start3A_277 = arith.constant 0 : i32
      %dma_start3A_278 = tpu.memref_slice %arg8[%add3A_71, %dma_start3A_277] : memref<40008x16xf32, #tpu.memory_space<vmem_shared>> -> memref<250x16xf32, #tpu.memory_space<vmem_shared>>
      tpu.enqueue_dma source(%arg7 : memref<250x16xf32, #tpu.memory_space<vmem>>) target(%dma_start3A_278 : memref<250x16xf32, #tpu.memory_space<vmem_shared>>) target_semaphore(%run_scoped3A : memref<!tpu.dma_semaphore, #tpu.memory_space<semaphore_mem>>)
      %dma_wait3A = arith.constant 0 : i32
      %dma_wait3A_279 = tpu.memref_slice %arg8[%add3A_71, %dma_wait3A] : memref<40008x16xf32, #tpu.memory_space<vmem_shared>> -> memref<250x16xf32, #tpu.memory_space<vmem_shared>>
      %dma_wait3A_280 = arith.constant 0 : i32
      %dma_wait3A_281 = tpu.memref_slice %arg8[%add3A_71, %dma_wait3A_280] : memref<40008x16xf32, #tpu.memory_space<vmem_shared>> -> memref<250x16xf32, #tpu.memory_space<vmem_shared>>
      tpu.wait_dma2 semaphore(%run_scoped3A : memref<!tpu.dma_semaphore, #tpu.memory_space<semaphore_mem>>) src(%arg7 : memref<250x16xf32, #tpu.memory_space<vmem>>) dst(%dma_wait3A_281 : memref<250x16xf32, #tpu.memory_space<vmem_shared>>)
      tpu.yield
    }) : () -> ()
    %mul3A_72 = arith.constant 2500 : i32
    %mul3A_73 = arith.muli %arg1, %mul3A_72 : i32
    %add3A_74 = arith.constant 500 : i32
    %add3A_75 = arith.addi %mul3A_73, %add3A_74 : i32
    "tpu.region"() ({
      %run_scoped3A = tpu.sem_alloc : memref<!tpu.dma_semaphore, #tpu.memory_space<semaphore_mem>>
      %dma_start3A = arith.constant 0 : i32
      %dma_start3A_276 = tpu.memref_slice %arg8[%add3A_75, %dma_start3A] : memref<40008x16xf32, #tpu.memory_space<vmem_shared>> -> memref<250x16xf32, #tpu.memory_space<vmem_shared>>
      %dma_start3A_277 = arith.constant 0 : i32
      %dma_start3A_278 = tpu.memref_slice %arg8[%add3A_75, %dma_start3A_277] : memref<40008x16xf32, #tpu.memory_space<vmem_shared>> -> memref<250x16xf32, #tpu.memory_space<vmem_shared>>
      tpu.enqueue_dma source(%arg7 : memref<250x16xf32, #tpu.memory_space<vmem>>) target(%dma_start3A_278 : memref<250x16xf32, #tpu.memory_space<vmem_shared>>) target_semaphore(%run_scoped3A : memref<!tpu.dma_semaphore, #tpu.memory_space<semaphore_mem>>)
      %dma_wait3A = arith.constant 0 : i32
      %dma_wait3A_279 = tpu.memref_slice %arg8[%add3A_75, %dma_wait3A] : memref<40008x16xf32, #tpu.memory_space<vmem_shared>> -> memref<250x16xf32, #tpu.memory_space<vmem_shared>>
      %dma_wait3A_280 = arith.constant 0 : i32
      %dma_wait3A_281 = tpu.memref_slice %arg8[%add3A_75, %dma_wait3A_280] : memref<40008x16xf32, #tpu.memory_space<vmem_shared>> -> memref<250x16xf32, #tpu.memory_space<vmem_shared>>
      tpu.wait_dma2 semaphore(%run_scoped3A : memref<!tpu.dma_semaphore, #tpu.memory_space<semaphore_mem>>) src(%arg7 : memref<250x16xf32, #tpu.memory_space<vmem>>) dst(%dma_wait3A_281 : memref<250x16xf32, #tpu.memory_space<vmem_shared>>)
      tpu.yield
    }) : () -> ()
    %mul3A_76 = arith.constant 2500 : i32
    %mul3A_77 = arith.muli %arg1, %mul3A_76 : i32
    %add3A_78 = arith.constant 750 : i32
    %add3A_79 = arith.addi %mul3A_77, %add3A_78 : i32
    "tpu.region"() ({
      %run_scoped3A = tpu.sem_alloc : memref<!tpu.dma_semaphore, #tpu.memory_space<semaphore_mem>>
      %dma_start3A = arith.constant 0 : i32
      %dma_start3A_276 = tpu.memref_slice %arg8[%add3A_79, %dma_start3A] : memref<40008x16xf32, #tpu.memory_space<vmem_shared>> -> memref<250x16xf32, #tpu.memory_space<vmem_shared>>
      %dma_start3A_277 = arith.constant 0 : i32
      %dma_start3A_278 = tpu.memref_slice %arg8[%add3A_79, %dma_start3A_277] : memref<40008x16xf32, #tpu.memory_space<vmem_shared>> -> memref<250x16xf32, #tpu.memory_space<vmem_shared>>
      tpu.enqueue_dma source(%arg7 : memref<250x16xf32, #tpu.memory_space<vmem>>) target(%dma_start3A_278 : memref<250x16xf32, #tpu.memory_space<vmem_shared>>) target_semaphore(%run_scoped3A : memref<!tpu.dma_semaphore, #tpu.memory_space<semaphore_mem>>)
      %dma_wait3A = arith.constant 0 : i32
      %dma_wait3A_279 = tpu.memref_slice %arg8[%add3A_79, %dma_wait3A] : memref<40008x16xf32, #tpu.memory_space<vmem_shared>> -> memref<250x16xf32, #tpu.memory_space<vmem_shared>>
      %dma_wait3A_280 = arith.constant 0 : i32
      %dma_wait3A_281 = tpu.memref_slice %arg8[%add3A_79, %dma_wait3A_280] : memref<40008x16xf32, #tpu.memory_space<vmem_shared>> -> memref<250x16xf32, #tpu.memory_space<vmem_shared>>
      tpu.wait_dma2 semaphore(%run_scoped3A : memref<!tpu.dma_semaphore, #tpu.memory_space<semaphore_mem>>) src(%arg7 : memref<250x16xf32, #tpu.memory_space<vmem>>) dst(%dma_wait3A_281 : memref<250x16xf32, #tpu.memory_space<vmem_shared>>)
      tpu.yield
    }) : () -> ()
    %mul3A_80 = arith.constant 2500 : i32
    %mul3A_81 = arith.muli %arg1, %mul3A_80 : i32
    %add3A_82 = arith.constant 1000 : i32
    %add3A_83 = arith.addi %mul3A_81, %add3A_82 : i32
    "tpu.region"() ({
      %run_scoped3A = tpu.sem_alloc : memref<!tpu.dma_semaphore, #tpu.memory_space<semaphore_mem>>
      %dma_start3A = arith.constant 0 : i32
      %dma_start3A_276 = tpu.memref_slice %arg8[%add3A_83, %dma_start3A] : memref<40008x16xf32, #tpu.memory_space<vmem_shared>> -> memref<250x16xf32, #tpu.memory_space<vmem_shared>>
      %dma_start3A_277 = arith.constant 0 : i32
      %dma_start3A_278 = tpu.memref_slice %arg8[%add3A_83, %dma_start3A_277] : memref<40008x16xf32, #tpu.memory_space<vmem_shared>> -> memref<250x16xf32, #tpu.memory_space<vmem_shared>>
      tpu.enqueue_dma source(%arg7 : memref<250x16xf32, #tpu.memory_space<vmem>>) target(%dma_start3A_278 : memref<250x16xf32, #tpu.memory_space<vmem_shared>>) target_semaphore(%run_scoped3A : memref<!tpu.dma_semaphore, #tpu.memory_space<semaphore_mem>>)
      %dma_wait3A = arith.constant 0 : i32
      %dma_wait3A_279 = tpu.memref_slice %arg8[%add3A_83, %dma_wait3A] : memref<40008x16xf32, #tpu.memory_space<vmem_shared>> -> memref<250x16xf32, #tpu.memory_space<vmem_shared>>
      %dma_wait3A_280 = arith.constant 0 : i32
      %dma_wait3A_281 = tpu.memref_slice %arg8[%add3A_83, %dma_wait3A_280] : memref<40008x16xf32, #tpu.memory_space<vmem_shared>> -> memref<250x16xf32, #tpu.memory_space<vmem_shared>>
      tpu.wait_dma2 semaphore(%run_scoped3A : memref<!tpu.dma_semaphore, #tpu.memory_space<semaphore_mem>>) src(%arg7 : memref<250x16xf32, #tpu.memory_space<vmem>>) dst(%dma_wait3A_281 : memref<250x16xf32, #tpu.memory_space<vmem_shared>>)
      tpu.yield
    }) : () -> ()
    %mul3A_84 = arith.constant 2500 : i32
    %mul3A_85 = arith.muli %arg1, %mul3A_84 : i32
    %add3A_86 = arith.constant 1250 : i32
    %add3A_87 = arith.addi %mul3A_85, %add3A_86 : i32
    "tpu.region"() ({
      %run_scoped3A = tpu.sem_alloc : memref<!tpu.dma_semaphore, #tpu.memory_space<semaphore_mem>>
      %dma_start3A = arith.constant 0 : i32
      %dma_start3A_276 = tpu.memref_slice %arg8[%add3A_87, %dma_start3A] : memref<40008x16xf32, #tpu.memory_space<vmem_shared>> -> memref<250x16xf32, #tpu.memory_space<vmem_shared>>
      %dma_start3A_277 = arith.constant 0 : i32
      %dma_start3A_278 = tpu.memref_slice %arg8[%add3A_87, %dma_start3A_277] : memref<40008x16xf32, #tpu.memory_space<vmem_shared>> -> memref<250x16xf32, #tpu.memory_space<vmem_shared>>
      tpu.enqueue_dma source(%arg7 : memref<250x16xf32, #tpu.memory_space<vmem>>) target(%dma_start3A_278 : memref<250x16xf32, #tpu.memory_space<vmem_shared>>) target_semaphore(%run_scoped3A : memref<!tpu.dma_semaphore, #tpu.memory_space<semaphore_mem>>)
      %dma_wait3A = arith.constant 0 : i32
      %dma_wait3A_279 = tpu.memref_slice %arg8[%add3A_87, %dma_wait3A] : memref<40008x16xf32, #tpu.memory_space<vmem_shared>> -> memref<250x16xf32, #tpu.memory_space<vmem_shared>>
      %dma_wait3A_280 = arith.constant 0 : i32
      %dma_wait3A_281 = tpu.memref_slice %arg8[%add3A_87, %dma_wait3A_280] : memref<40008x16xf32, #tpu.memory_space<vmem_shared>> -> memref<250x16xf32, #tpu.memory_space<vmem_shared>>
      tpu.wait_dma2 semaphore(%run_scoped3A : memref<!tpu.dma_semaphore, #tpu.memory_space<semaphore_mem>>) src(%arg7 : memref<250x16xf32, #tpu.memory_space<vmem>>) dst(%dma_wait3A_281 : memref<250x16xf32, #tpu.memory_space<vmem_shared>>)
      tpu.yield
    }) : () -> ()
    %mul3A_88 = arith.constant 2500 : i32
    %mul3A_89 = arith.muli %arg1, %mul3A_88 : i32
    %add3A_90 = arith.constant 1500 : i32
    %add3A_91 = arith.addi %mul3A_89, %add3A_90 : i32
    "tpu.region"() ({
      %run_scoped3A = tpu.sem_alloc : memref<!tpu.dma_semaphore, #tpu.memory_space<semaphore_mem>>
      %dma_start3A = arith.constant 0 : i32
      %dma_start3A_276 = tpu.memref_slice %arg8[%add3A_91, %dma_start3A] : memref<40008x16xf32, #tpu.memory_space<vmem_shared>> -> memref<250x16xf32, #tpu.memory_space<vmem_shared>>
      %dma_start3A_277 = arith.constant 0 : i32
      %dma_start3A_278 = tpu.memref_slice %arg8[%add3A_91, %dma_start3A_277] : memref<40008x16xf32, #tpu.memory_space<vmem_shared>> -> memref<250x16xf32, #tpu.memory_space<vmem_shared>>
      tpu.enqueue_dma source(%arg7 : memref<250x16xf32, #tpu.memory_space<vmem>>) target(%dma_start3A_278 : memref<250x16xf32, #tpu.memory_space<vmem_shared>>) target_semaphore(%run_scoped3A : memref<!tpu.dma_semaphore, #tpu.memory_space<semaphore_mem>>)
      %dma_wait3A = arith.constant 0 : i32
      %dma_wait3A_279 = tpu.memref_slice %arg8[%add3A_91, %dma_wait3A] : memref<40008x16xf32, #tpu.memory_space<vmem_shared>> -> memref<250x16xf32, #tpu.memory_space<vmem_shared>>
      %dma_wait3A_280 = arith.constant 0 : i32
      %dma_wait3A_281 = tpu.memref_slice %arg8[%add3A_91, %dma_wait3A_280] : memref<40008x16xf32, #tpu.memory_space<vmem_shared>> -> memref<250x16xf32, #tpu.memory_space<vmem_shared>>
      tpu.wait_dma2 semaphore(%run_scoped3A : memref<!tpu.dma_semaphore, #tpu.memory_space<semaphore_mem>>) src(%arg7 : memref<250x16xf32, #tpu.memory_space<vmem>>) dst(%dma_wait3A_281 : memref<250x16xf32, #tpu.memory_space<vmem_shared>>)
      tpu.yield
    }) : () -> ()
    %mul3A_92 = arith.constant 2500 : i32
    %mul3A_93 = arith.muli %arg1, %mul3A_92 : i32
    %add3A_94 = arith.constant 1750 : i32
    %add3A_95 = arith.addi %mul3A_93, %add3A_94 : i32
    "tpu.region"() ({
      %run_scoped3A = tpu.sem_alloc : memref<!tpu.dma_semaphore, #tpu.memory_space<semaphore_mem>>
      %dma_start3A = arith.constant 0 : i32
      %dma_start3A_276 = tpu.memref_slice %arg8[%add3A_95, %dma_start3A] : memref<40008x16xf32, #tpu.memory_space<vmem_shared>> -> memref<250x16xf32, #tpu.memory_space<vmem_shared>>
      %dma_start3A_277 = arith.constant 0 : i32
      %dma_start3A_278 = tpu.memref_slice %arg8[%add3A_95, %dma_start3A_277] : memref<40008x16xf32, #tpu.memory_space<vmem_shared>> -> memref<250x16xf32, #tpu.memory_space<vmem_shared>>
      tpu.enqueue_dma source(%arg7 : memref<250x16xf32, #tpu.memory_space<vmem>>) target(%dma_start3A_278 : memref<250x16xf32, #tpu.memory_space<vmem_shared>>) target_semaphore(%run_scoped3A : memref<!tpu.dma_semaphore, #tpu.memory_space<semaphore_mem>>)
      %dma_wait3A = arith.constant 0 : i32
      %dma_wait3A_279 = tpu.memref_slice %arg8[%add3A_95, %dma_wait3A] : memref<40008x16xf32, #tpu.memory_space<vmem_shared>> -> memref<250x16xf32, #tpu.memory_space<vmem_shared>>
      %dma_wait3A_280 = arith.constant 0 : i32
      %dma_wait3A_281 = tpu.memref_slice %arg8[%add3A_95, %dma_wait3A_280] : memref<40008x16xf32, #tpu.memory_space<vmem_shared>> -> memref<250x16xf32, #tpu.memory_space<vmem_shared>>
      tpu.wait_dma2 semaphore(%run_scoped3A : memref<!tpu.dma_semaphore, #tpu.memory_space<semaphore_mem>>) src(%arg7 : memref<250x16xf32, #tpu.memory_space<vmem>>) dst(%dma_wait3A_281 : memref<250x16xf32, #tpu.memory_space<vmem_shared>>)
      tpu.yield
    }) : () -> ()
    %mul3A_96 = arith.constant 2500 : i32
    %mul3A_97 = arith.muli %arg1, %mul3A_96 : i32
    %add3A_98 = arith.constant 2000 : i32
    %add3A_99 = arith.addi %mul3A_97, %add3A_98 : i32
    "tpu.region"() ({
      %run_scoped3A = tpu.sem_alloc : memref<!tpu.dma_semaphore, #tpu.memory_space<semaphore_mem>>
      %dma_start3A = arith.constant 0 : i32
      %dma_start3A_276 = tpu.memref_slice %arg8[%add3A_99, %dma_start3A] : memref<40008x16xf32, #tpu.memory_space<vmem_shared>> -> memref<250x16xf32, #tpu.memory_space<vmem_shared>>
      %dma_start3A_277 = arith.constant 0 : i32
      %dma_start3A_278 = tpu.memref_slice %arg8[%add3A_99, %dma_start3A_277] : memref<40008x16xf32, #tpu.memory_space<vmem_shared>> -> memref<250x16xf32, #tpu.memory_space<vmem_shared>>
      tpu.enqueue_dma source(%arg7 : memref<250x16xf32, #tpu.memory_space<vmem>>) target(%dma_start3A_278 : memref<250x16xf32, #tpu.memory_space<vmem_shared>>) target_semaphore(%run_scoped3A : memref<!tpu.dma_semaphore, #tpu.memory_space<semaphore_mem>>)
      %dma_wait3A = arith.constant 0 : i32
      %dma_wait3A_279 = tpu.memref_slice %arg8[%add3A_99, %dma_wait3A] : memref<40008x16xf32, #tpu.memory_space<vmem_shared>> -> memref<250x16xf32, #tpu.memory_space<vmem_shared>>
      %dma_wait3A_280 = arith.constant 0 : i32
      %dma_wait3A_281 = tpu.memref_slice %arg8[%add3A_99, %dma_wait3A_280] : memref<40008x16xf32, #tpu.memory_space<vmem_shared>> -> memref<250x16xf32, #tpu.memory_space<vmem_shared>>
      tpu.wait_dma2 semaphore(%run_scoped3A : memref<!tpu.dma_semaphore, #tpu.memory_space<semaphore_mem>>) src(%arg7 : memref<250x16xf32, #tpu.memory_space<vmem>>) dst(%dma_wait3A_281 : memref<250x16xf32, #tpu.memory_space<vmem_shared>>)
      tpu.yield
    }) : () -> ()
    %mul3A_100 = arith.constant 2500 : i32
    %mul3A_101 = arith.muli %arg1, %mul3A_100 : i32
    %add3A_102 = arith.constant 2250 : i32
    %add3A_103 = arith.addi %mul3A_101, %add3A_102 : i32
    "tpu.region"() ({
      %run_scoped3A = tpu.sem_alloc : memref<!tpu.dma_semaphore, #tpu.memory_space<semaphore_mem>>
      %dma_start3A = arith.constant 0 : i32
      %dma_start3A_276 = tpu.memref_slice %arg8[%add3A_103, %dma_start3A] : memref<40008x16xf32, #tpu.memory_space<vmem_shared>> -> memref<250x16xf32, #tpu.memory_space<vmem_shared>>
      %dma_start3A_277 = arith.constant 0 : i32
      %dma_start3A_278 = tpu.memref_slice %arg8[%add3A_103, %dma_start3A_277] : memref<40008x16xf32, #tpu.memory_space<vmem_shared>> -> memref<250x16xf32, #tpu.memory_space<vmem_shared>>
      tpu.enqueue_dma source(%arg7 : memref<250x16xf32, #tpu.memory_space<vmem>>) target(%dma_start3A_278 : memref<250x16xf32, #tpu.memory_space<vmem_shared>>) target_semaphore(%run_scoped3A : memref<!tpu.dma_semaphore, #tpu.memory_space<semaphore_mem>>)
      %dma_wait3A = arith.constant 0 : i32
      %dma_wait3A_279 = tpu.memref_slice %arg8[%add3A_103, %dma_wait3A] : memref<40008x16xf32, #tpu.memory_space<vmem_shared>> -> memref<250x16xf32, #tpu.memory_space<vmem_shared>>
      %dma_wait3A_280 = arith.constant 0 : i32
      %dma_wait3A_281 = tpu.memref_slice %arg8[%add3A_103, %dma_wait3A_280] : memref<40008x16xf32, #tpu.memory_space<vmem_shared>> -> memref<250x16xf32, #tpu.memory_space<vmem_shared>>
      tpu.wait_dma2 semaphore(%run_scoped3A : memref<!tpu.dma_semaphore, #tpu.memory_space<semaphore_mem>>) src(%arg7 : memref<250x16xf32, #tpu.memory_space<vmem>>) dst(%dma_wait3A_281 : memref<250x16xf32, #tpu.memory_space<vmem_shared>>)
      tpu.yield
    }) : () -> ()
    %barrier3A_104 = arith.constant 0 : index
    tpu.barrier barrier_id(%barrier3A_104)
    %scan3A_105 = arith.constant 0 : i32
    %scan3A_106 = arith.constant 0 : i32
    %scan3A_107 = arith.constant 11 : i32
    %scan3A_108 = arith.addi %scan3A_106, %scan3A_107 : i32
    %scan3A_109 = arith.constant 1 : i32
    scf.for %scan3A_276 = %scan3A_106 to %scan3A_108 step %scan3A_109  : i32 {
      %mul3A_277 = arith.constant 3 : i32
      %mul3A_278 = arith.muli %scan3A_276, %mul3A_277 : i32
      %add3A_279 = arith.constant 0 : i32
      %add3A_280 = arith.addi %mul3A_278, %add3A_279 : i32
      %mul3A_281 = arith.constant 480 : i32
      %mul3A_282 = arith.muli %add3A_280, %mul3A_281 : i32
      %add3A_283 = arith.addi %add3A_5, %mul3A_282 : i32
      %dma_start3A = arith.constant 0 : i32
      %dma_start3A_284 = arith.constant 0 : i32
      %dma_start3A_285 = arith.constant 0 : i32
      %dma_start3A_286 = tpu.memref_slice %arg6[%dma_start3A, %dma_start3A_284, %dma_start3A_285] : memref<3x480x16xf32, #tpu.memory_space<vmem>> -> memref<1x480x16xf32, #tpu.memory_space<vmem>>
      %dma_start3A_287 = tpu.memref_squeeze %dma_start3A_286 : memref<1x480x16xf32, #tpu.memory_space<vmem>> -> memref<480x16xf32, #tpu.memory_space<vmem>>
      %dma_start3A_288 = arith.constant 16 : i32
      %dma_start3A_289 = tpu.memref_slice %arg3[%add3A_283, %dma_start3A_288] : memref<506880x80xf32, #tpu.memory_space<hbm>> -> memref<480x16xf32, #tpu.memory_space<hbm>>
      %dma_start3A_290 = arith.constant 0 : i32
      %dma_start3A_291 = arith.constant 0 : i32
      %dma_start3A_292 = tpu.memref_slice %arg6[%dma_start3A, %dma_start3A_290, %dma_start3A_291] : memref<3x480x16xf32, #tpu.memory_space<vmem>> -> memref<1x480x16xf32, #tpu.memory_space<vmem>>
      %dma_start3A_293 = tpu.memref_squeeze %dma_start3A_292 : memref<1x480x16xf32, #tpu.memory_space<vmem>> -> memref<480x16xf32, #tpu.memory_space<vmem>>
      %dma_start3A_294 = arith.constant 16 : i32
      %dma_start3A_295 = tpu.memref_slice %arg3[%add3A_283, %dma_start3A_294] : memref<506880x80xf32, #tpu.memory_space<hbm>> -> memref<480x16xf32, #tpu.memory_space<hbm>>
      tpu.enqueue_dma source(%dma_start3A_295 : memref<480x16xf32, #tpu.memory_space<hbm>>) target(%dma_start3A_293 : memref<480x16xf32, #tpu.memory_space<vmem>>) target_semaphore(%arg9 : memref<!tpu.dma_semaphore, #tpu.memory_space<semaphore_mem>>)
      %add3A_296 = arith.constant 1 : i32
      %add3A_297 = arith.addi %mul3A_278, %add3A_296 : i32
      %mul3A_298 = arith.constant 480 : i32
      %mul3A_299 = arith.muli %add3A_297, %mul3A_298 : i32
      %add3A_300 = arith.addi %add3A_5, %mul3A_299 : i32
      %dma_start3A_301 = arith.constant 1 : i32
      %dma_start3A_302 = arith.constant 0 : i32
      %dma_start3A_303 = arith.constant 0 : i32
      %dma_start3A_304 = tpu.memref_slice %arg6[%dma_start3A_301, %dma_start3A_302, %dma_start3A_303] : memref<3x480x16xf32, #tpu.memory_space<vmem>> -> memref<1x480x16xf32, #tpu.memory_space<vmem>>
      %dma_start3A_305 = tpu.memref_squeeze %dma_start3A_304 : memref<1x480x16xf32, #tpu.memory_space<vmem>> -> memref<480x16xf32, #tpu.memory_space<vmem>>
      %dma_start3A_306 = arith.constant 16 : i32
      %dma_start3A_307 = tpu.memref_slice %arg3[%add3A_300, %dma_start3A_306] : memref<506880x80xf32, #tpu.memory_space<hbm>> -> memref<480x16xf32, #tpu.memory_space<hbm>>
      %dma_start3A_308 = arith.constant 0 : i32
      %dma_start3A_309 = arith.constant 0 : i32
      %dma_start3A_310 = tpu.memref_slice %arg6[%dma_start3A_301, %dma_start3A_308, %dma_start3A_309] : memref<3x480x16xf32, #tpu.memory_space<vmem>> -> memref<1x480x16xf32, #tpu.memory_space<vmem>>
      %dma_start3A_311 = tpu.memref_squeeze %dma_start3A_310 : memref<1x480x16xf32, #tpu.memory_space<vmem>> -> memref<480x16xf32, #tpu.memory_space<vmem>>
      %dma_start3A_312 = arith.constant 16 : i32
      %dma_start3A_313 = tpu.memref_slice %arg3[%add3A_300, %dma_start3A_312] : memref<506880x80xf32, #tpu.memory_space<hbm>> -> memref<480x16xf32, #tpu.memory_space<hbm>>
      tpu.enqueue_dma source(%dma_start3A_313 : memref<480x16xf32, #tpu.memory_space<hbm>>) target(%dma_start3A_311 : memref<480x16xf32, #tpu.memory_space<vmem>>) target_semaphore(%arg10 : memref<!tpu.dma_semaphore, #tpu.memory_space<semaphore_mem>>)
      %add3A_314 = arith.constant 2 : i32
      %add3A_315 = arith.addi %mul3A_278, %add3A_314 : i32
      %mul3A_316 = arith.constant 480 : i32
      %mul3A_317 = arith.muli %add3A_315, %mul3A_316 : i32
      %add3A_318 = arith.addi %add3A_5, %mul3A_317 : i32
      %dma_start3A_319 = arith.constant 2 : i32
      %dma_start3A_320 = arith.constant 0 : i32
      %dma_start3A_321 = arith.constant 0 : i32
      %dma_start3A_322 = tpu.memref_slice %arg6[%dma_start3A_319, %dma_start3A_320, %dma_start3A_321] : memref<3x480x16xf32, #tpu.memory_space<vmem>> -> memref<1x480x16xf32, #tpu.memory_space<vmem>>
      %dma_start3A_323 = tpu.memref_squeeze %dma_start3A_322 : memref<1x480x16xf32, #tpu.memory_space<vmem>> -> memref<480x16xf32, #tpu.memory_space<vmem>>
      %dma_start3A_324 = arith.constant 16 : i32
      %dma_start3A_325 = tpu.memref_slice %arg3[%add3A_318, %dma_start3A_324] : memref<506880x80xf32, #tpu.memory_space<hbm>> -> memref<480x16xf32, #tpu.memory_space<hbm>>
      %dma_start3A_326 = arith.constant 0 : i32
      %dma_start3A_327 = arith.constant 0 : i32
      %dma_start3A_328 = tpu.memref_slice %arg6[%dma_start3A_319, %dma_start3A_326, %dma_start3A_327] : memref<3x480x16xf32, #tpu.memory_space<vmem>> -> memref<1x480x16xf32, #tpu.memory_space<vmem>>
      %dma_start3A_329 = tpu.memref_squeeze %dma_start3A_328 : memref<1x480x16xf32, #tpu.memory_space<vmem>> -> memref<480x16xf32, #tpu.memory_space<vmem>>
      %dma_start3A_330 = arith.constant 16 : i32
      %dma_start3A_331 = tpu.memref_slice %arg3[%add3A_318, %dma_start3A_330] : memref<506880x80xf32, #tpu.memory_space<hbm>> -> memref<480x16xf32, #tpu.memory_space<hbm>>
      tpu.enqueue_dma source(%dma_start3A_331 : memref<480x16xf32, #tpu.memory_space<hbm>>) target(%dma_start3A_329 : memref<480x16xf32, #tpu.memory_space<vmem>>) target_semaphore(%arg11 : memref<!tpu.dma_semaphore, #tpu.memory_space<semaphore_mem>>)
      %dma_wait3A = arith.constant 0 : i32
      %dma_wait3A_332 = arith.constant 0 : i32
      %dma_wait3A_333 = arith.constant 0 : i32
      %dma_wait3A_334 = tpu.memref_slice %arg6[%dma_wait3A, %dma_wait3A_332, %dma_wait3A_333] : memref<3x480x16xf32, #tpu.memory_space<vmem>> -> memref<1x480x16xf32, #tpu.memory_space<vmem>>
      %dma_wait3A_335 = tpu.memref_squeeze %dma_wait3A_334 : memref<1x480x16xf32, #tpu.memory_space<vmem>> -> memref<480x16xf32, #tpu.memory_space<vmem>>
      %dma_wait3A_336 = arith.constant 16 : i32
      %dma_wait3A_337 = tpu.memref_slice %arg3[%add3A_283, %dma_wait3A_336] : memref<506880x80xf32, #tpu.memory_space<hbm>> -> memref<480x16xf32, #tpu.memory_space<hbm>>
      %dma_wait3A_338 = arith.constant 0 : i32
      %dma_wait3A_339 = arith.constant 0 : i32
      %dma_wait3A_340 = tpu.memref_slice %arg6[%dma_wait3A, %dma_wait3A_338, %dma_wait3A_339] : memref<3x480x16xf32, #tpu.memory_space<vmem>> -> memref<1x480x16xf32, #tpu.memory_space<vmem>>
      %dma_wait3A_341 = tpu.memref_squeeze %dma_wait3A_340 : memref<1x480x16xf32, #tpu.memory_space<vmem>> -> memref<480x16xf32, #tpu.memory_space<vmem>>
      %dma_wait3A_342 = arith.constant 16 : i32
      %dma_wait3A_343 = tpu.memref_slice %arg3[%add3A_283, %dma_wait3A_342] : memref<506880x80xf32, #tpu.memory_space<hbm>> -> memref<480x16xf32, #tpu.memory_space<hbm>>
      tpu.wait_dma2 semaphore(%arg9 : memref<!tpu.dma_semaphore, #tpu.memory_space<semaphore_mem>>) src(%dma_wait3A_343 : memref<480x16xf32, #tpu.memory_space<hbm>>) dst(%dma_wait3A_341 : memref<480x16xf32, #tpu.memory_space<vmem>>)
      %add3A_344 = arith.constant 0 : i32
      %add3A_345 = arith.addi %mul3A_278, %add3A_344 : i32
      %mul3A_346 = arith.constant 5 : i32
      %mul3A_347 = arith.muli %add3A_345, %mul3A_346 : i32
      %add3A_348 = arith.constant 0 : i32
      %add3A_349 = arith.addi %mul3A_347, %add3A_348 : i32
      %dma_start3A_350 = arith.constant 0 : i32
      %dma_start3A_351 = arith.constant 0 : i32
      %dma_start3A_352 = arith.constant 0 : i32
      %dma_start3A_353 = tpu.memref_slice %arg6[%dma_start3A_350, %dma_start3A_351, %dma_start3A_352] : memref<3x480x16xf32, #tpu.memory_space<vmem>> -> memref<1x96x16xf32, #tpu.memory_space<vmem>>
      %dma_start3A_354 = tpu.memref_squeeze %dma_start3A_353 : memref<1x96x16xf32, #tpu.memory_space<vmem>> -> memref<96x16xf32, #tpu.memory_space<vmem>>
      %dma_start3A_355 = arith.constant 0 : i32
      %dma_start3A_356 = tpu.memref_slice %arg5[%add3A_349, %dma_start3A_355] : memref<165x96xi32, #tpu.memory_space<vmem>> -> memref<1x96xi32, #tpu.memory_space<vmem>>
      %dma_start3A_357 = tpu.memref_squeeze %dma_start3A_356 : memref<1x96xi32, #tpu.memory_space<vmem>> -> memref<96xi32, #tpu.memory_space<vmem>>
      %dma_start3A_358 = arith.constant 0 : i32
      %dma_start3A_359 = arith.constant 0 : i32
      %dma_start3A_360 = tpu.memref_slice %arg8[%dma_start3A_358, %dma_start3A_359] : memref<40008x16xf32, #tpu.memory_space<vmem_shared>> -> memref<40008x16xf32, #tpu.memory_space<vmem_shared>>
      tpu.enqueue_indirect_dma source(%dma_start3A_354 : memref<96x16xf32, #tpu.memory_space<vmem>>) target(%dma_start3A_360 : memref<40008x16xf32, #tpu.memory_space<vmem_shared>>) offsets(%dma_start3A_357 : memref<96xi32, #tpu.memory_space<vmem>>) semaphore(%arg12 : memref<!tpu.dma_semaphore, #tpu.memory_space<semaphore_mem>>) {add = true}
      %add3A_361 = arith.constant 0 : i32
      %add3A_362 = arith.addi %mul3A_278, %add3A_361 : i32
      %mul3A_363 = arith.constant 5 : i32
      %mul3A_364 = arith.muli %add3A_362, %mul3A_363 : i32
      %add3A_365 = arith.constant 1 : i32
      %add3A_366 = arith.addi %mul3A_364, %add3A_365 : i32
      %dma_start3A_367 = arith.constant 0 : i32
      %dma_start3A_368 = arith.constant 96 : i32
      %dma_start3A_369 = arith.constant 0 : i32
      %dma_start3A_370 = tpu.memref_slice %arg6[%dma_start3A_367, %dma_start3A_368, %dma_start3A_369] : memref<3x480x16xf32, #tpu.memory_space<vmem>> -> memref<1x96x16xf32, #tpu.memory_space<vmem>>
      %dma_start3A_371 = tpu.memref_squeeze %dma_start3A_370 : memref<1x96x16xf32, #tpu.memory_space<vmem>> -> memref<96x16xf32, #tpu.memory_space<vmem>>
      %dma_start3A_372 = arith.constant 0 : i32
      %dma_start3A_373 = tpu.memref_slice %arg5[%add3A_366, %dma_start3A_372] : memref<165x96xi32, #tpu.memory_space<vmem>> -> memref<1x96xi32, #tpu.memory_space<vmem>>
      %dma_start3A_374 = tpu.memref_squeeze %dma_start3A_373 : memref<1x96xi32, #tpu.memory_space<vmem>> -> memref<96xi32, #tpu.memory_space<vmem>>
      %dma_start3A_375 = arith.constant 0 : i32
      %dma_start3A_376 = arith.constant 0 : i32
      %dma_start3A_377 = tpu.memref_slice %arg8[%dma_start3A_375, %dma_start3A_376] : memref<40008x16xf32, #tpu.memory_space<vmem_shared>> -> memref<40008x16xf32, #tpu.memory_space<vmem_shared>>
      tpu.enqueue_indirect_dma source(%dma_start3A_371 : memref<96x16xf32, #tpu.memory_space<vmem>>) target(%dma_start3A_377 : memref<40008x16xf32, #tpu.memory_space<vmem_shared>>) offsets(%dma_start3A_374 : memref<96xi32, #tpu.memory_space<vmem>>) semaphore(%arg12 : memref<!tpu.dma_semaphore, #tpu.memory_space<semaphore_mem>>) {add = true}
      %add3A_378 = arith.constant 0 : i32
      %add3A_379 = arith.addi %mul3A_278, %add3A_378 : i32
      %mul3A_380 = arith.constant 5 : i32
      %mul3A_381 = arith.muli %add3A_379, %mul3A_380 : i32
      %add3A_382 = arith.constant 2 : i32
      %add3A_383 = arith.addi %mul3A_381, %add3A_382 : i32
      %dma_start3A_384 = arith.constant 0 : i32
      %dma_start3A_385 = arith.constant 192 : i32
      %dma_start3A_386 = arith.constant 0 : i32
      %dma_start3A_387 = tpu.memref_slice %arg6[%dma_start3A_384, %dma_start3A_385, %dma_start3A_386] : memref<3x480x16xf32, #tpu.memory_space<vmem>> -> memref<1x96x16xf32, #tpu.memory_space<vmem>>
      %dma_start3A_388 = tpu.memref_squeeze %dma_start3A_387 : memref<1x96x16xf32, #tpu.memory_space<vmem>> -> memref<96x16xf32, #tpu.memory_space<vmem>>
      %dma_start3A_389 = arith.constant 0 : i32
      %dma_start3A_390 = tpu.memref_slice %arg5[%add3A_383, %dma_start3A_389] : memref<165x96xi32, #tpu.memory_space<vmem>> -> memref<1x96xi32, #tpu.memory_space<vmem>>
      %dma_start3A_391 = tpu.memref_squeeze %dma_start3A_390 : memref<1x96xi32, #tpu.memory_space<vmem>> -> memref<96xi32, #tpu.memory_space<vmem>>
      %dma_start3A_392 = arith.constant 0 : i32
      %dma_start3A_393 = arith.constant 0 : i32
      %dma_start3A_394 = tpu.memref_slice %arg8[%dma_start3A_392, %dma_start3A_393] : memref<40008x16xf32, #tpu.memory_space<vmem_shared>> -> memref<40008x16xf32, #tpu.memory_space<vmem_shared>>
      tpu.enqueue_indirect_dma source(%dma_start3A_388 : memref<96x16xf32, #tpu.memory_space<vmem>>) target(%dma_start3A_394 : memref<40008x16xf32, #tpu.memory_space<vmem_shared>>) offsets(%dma_start3A_391 : memref<96xi32, #tpu.memory_space<vmem>>) semaphore(%arg12 : memref<!tpu.dma_semaphore, #tpu.memory_space<semaphore_mem>>) {add = true}
      %add3A_395 = arith.constant 0 : i32
      %add3A_396 = arith.addi %mul3A_278, %add3A_395 : i32
      %mul3A_397 = arith.constant 5 : i32
      %mul3A_398 = arith.muli %add3A_396, %mul3A_397 : i32
      %add3A_399 = arith.constant 3 : i32
      %add3A_400 = arith.addi %mul3A_398, %add3A_399 : i32
      %dma_start3A_401 = arith.constant 0 : i32
      %dma_start3A_402 = arith.constant 288 : i32
      %dma_start3A_403 = arith.constant 0 : i32
      %dma_start3A_404 = tpu.memref_slice %arg6[%dma_start3A_401, %dma_start3A_402, %dma_start3A_403] : memref<3x480x16xf32, #tpu.memory_space<vmem>> -> memref<1x96x16xf32, #tpu.memory_space<vmem>>
      %dma_start3A_405 = tpu.memref_squeeze %dma_start3A_404 : memref<1x96x16xf32, #tpu.memory_space<vmem>> -> memref<96x16xf32, #tpu.memory_space<vmem>>
      %dma_start3A_406 = arith.constant 0 : i32
      %dma_start3A_407 = tpu.memref_slice %arg5[%add3A_400, %dma_start3A_406] : memref<165x96xi32, #tpu.memory_space<vmem>> -> memref<1x96xi32, #tpu.memory_space<vmem>>
      %dma_start3A_408 = tpu.memref_squeeze %dma_start3A_407 : memref<1x96xi32, #tpu.memory_space<vmem>> -> memref<96xi32, #tpu.memory_space<vmem>>
      %dma_start3A_409 = arith.constant 0 : i32
      %dma_start3A_410 = arith.constant 0 : i32
      %dma_start3A_411 = tpu.memref_slice %arg8[%dma_start3A_409, %dma_start3A_410] : memref<40008x16xf32, #tpu.memory_space<vmem_shared>> -> memref<40008x16xf32, #tpu.memory_space<vmem_shared>>
      tpu.enqueue_indirect_dma source(%dma_start3A_405 : memref<96x16xf32, #tpu.memory_space<vmem>>) target(%dma_start3A_411 : memref<40008x16xf32, #tpu.memory_space<vmem_shared>>) offsets(%dma_start3A_408 : memref<96xi32, #tpu.memory_space<vmem>>) semaphore(%arg12 : memref<!tpu.dma_semaphore, #tpu.memory_space<semaphore_mem>>) {add = true}
      %add3A_412 = arith.constant 0 : i32
      %add3A_413 = arith.addi %mul3A_278, %add3A_412 : i32
      %mul3A_414 = arith.constant 5 : i32
      %mul3A_415 = arith.muli %add3A_413, %mul3A_414 : i32
      %add3A_416 = arith.constant 4 : i32
      %add3A_417 = arith.addi %mul3A_415, %add3A_416 : i32
      %dma_start3A_418 = arith.constant 0 : i32
      %dma_start3A_419 = arith.constant 384 : i32
      %dma_start3A_420 = arith.constant 0 : i32
      %dma_start3A_421 = tpu.memref_slice %arg6[%dma_start3A_418, %dma_start3A_419, %dma_start3A_420] : memref<3x480x16xf32, #tpu.memory_space<vmem>> -> memref<1x96x16xf32, #tpu.memory_space<vmem>>
      %dma_start3A_422 = tpu.memref_squeeze %dma_start3A_421 : memref<1x96x16xf32, #tpu.memory_space<vmem>> -> memref<96x16xf32, #tpu.memory_space<vmem>>
      %dma_start3A_423 = arith.constant 0 : i32
      %dma_start3A_424 = tpu.memref_slice %arg5[%add3A_417, %dma_start3A_423] : memref<165x96xi32, #tpu.memory_space<vmem>> -> memref<1x96xi32, #tpu.memory_space<vmem>>
      %dma_start3A_425 = tpu.memref_squeeze %dma_start3A_424 : memref<1x96xi32, #tpu.memory_space<vmem>> -> memref<96xi32, #tpu.memory_space<vmem>>
      %dma_start3A_426 = arith.constant 0 : i32
      %dma_start3A_427 = arith.constant 0 : i32
      %dma_start3A_428 = tpu.memref_slice %arg8[%dma_start3A_426, %dma_start3A_427] : memref<40008x16xf32, #tpu.memory_space<vmem_shared>> -> memref<40008x16xf32, #tpu.memory_space<vmem_shared>>
      tpu.enqueue_indirect_dma source(%dma_start3A_422 : memref<96x16xf32, #tpu.memory_space<vmem>>) target(%dma_start3A_428 : memref<40008x16xf32, #tpu.memory_space<vmem_shared>>) offsets(%dma_start3A_425 : memref<96xi32, #tpu.memory_space<vmem>>) semaphore(%arg12 : memref<!tpu.dma_semaphore, #tpu.memory_space<semaphore_mem>>) {add = true}
      %dma_wait3A_429 = arith.constant 1 : i32
      %dma_wait3A_430 = arith.constant 0 : i32
      %dma_wait3A_431 = arith.constant 0 : i32
      %dma_wait3A_432 = tpu.memref_slice %arg6[%dma_wait3A_429, %dma_wait3A_430, %dma_wait3A_431] : memref<3x480x16xf32, #tpu.memory_space<vmem>> -> memref<1x480x16xf32, #tpu.memory_space<vmem>>
      %dma_wait3A_433 = tpu.memref_squeeze %dma_wait3A_432 : memref<1x480x16xf32, #tpu.memory_space<vmem>> -> memref<480x16xf32, #tpu.memory_space<vmem>>
      %dma_wait3A_434 = arith.constant 16 : i32
      %dma_wait3A_435 = tpu.memref_slice %arg3[%add3A_300, %dma_wait3A_434] : memref<506880x80xf32, #tpu.memory_space<hbm>> -> memref<480x16xf32, #tpu.memory_space<hbm>>
      %dma_wait3A_436 = arith.constant 0 : i32
      %dma_wait3A_437 = arith.constant 0 : i32
      %dma_wait3A_438 = tpu.memref_slice %arg6[%dma_wait3A_429, %dma_wait3A_436, %dma_wait3A_437] : memref<3x480x16xf32, #tpu.memory_space<vmem>> -> memref<1x480x16xf32, #tpu.memory_space<vmem>>
      %dma_wait3A_439 = tpu.memref_squeeze %dma_wait3A_438 : memref<1x480x16xf32, #tpu.memory_space<vmem>> -> memref<480x16xf32, #tpu.memory_space<vmem>>
      %dma_wait3A_440 = arith.constant 16 : i32
      %dma_wait3A_441 = tpu.memref_slice %arg3[%add3A_300, %dma_wait3A_440] : memref<506880x80xf32, #tpu.memory_space<hbm>> -> memref<480x16xf32, #tpu.memory_space<hbm>>
      tpu.wait_dma2 semaphore(%arg10 : memref<!tpu.dma_semaphore, #tpu.memory_space<semaphore_mem>>) src(%dma_wait3A_441 : memref<480x16xf32, #tpu.memory_space<hbm>>) dst(%dma_wait3A_439 : memref<480x16xf32, #tpu.memory_space<vmem>>)
      %add3A_442 = arith.constant 1 : i32
      %add3A_443 = arith.addi %mul3A_278, %add3A_442 : i32
      %mul3A_444 = arith.constant 5 : i32
      %mul3A_445 = arith.muli %add3A_443, %mul3A_444 : i32
      %add3A_446 = arith.constant 0 : i32
      %add3A_447 = arith.addi %mul3A_445, %add3A_446 : i32
      %dma_start3A_448 = arith.constant 1 : i32
      %dma_start3A_449 = arith.constant 0 : i32
      %dma_start3A_450 = arith.constant 0 : i32
      %dma_start3A_451 = tpu.memref_slice %arg6[%dma_start3A_448, %dma_start3A_449, %dma_start3A_450] : memref<3x480x16xf32, #tpu.memory_space<vmem>> -> memref<1x96x16xf32, #tpu.memory_space<vmem>>
      %dma_start3A_452 = tpu.memref_squeeze %dma_start3A_451 : memref<1x96x16xf32, #tpu.memory_space<vmem>> -> memref<96x16xf32, #tpu.memory_space<vmem>>
      %dma_start3A_453 = arith.constant 0 : i32
      %dma_start3A_454 = tpu.memref_slice %arg5[%add3A_447, %dma_start3A_453] : memref<165x96xi32, #tpu.memory_space<vmem>> -> memref<1x96xi32, #tpu.memory_space<vmem>>
      %dma_start3A_455 = tpu.memref_squeeze %dma_start3A_454 : memref<1x96xi32, #tpu.memory_space<vmem>> -> memref<96xi32, #tpu.memory_space<vmem>>
      %dma_start3A_456 = arith.constant 0 : i32
      %dma_start3A_457 = arith.constant 0 : i32
      %dma_start3A_458 = tpu.memref_slice %arg8[%dma_start3A_456, %dma_start3A_457] : memref<40008x16xf32, #tpu.memory_space<vmem_shared>> -> memref<40008x16xf32, #tpu.memory_space<vmem_shared>>
      tpu.enqueue_indirect_dma source(%dma_start3A_452 : memref<96x16xf32, #tpu.memory_space<vmem>>) target(%dma_start3A_458 : memref<40008x16xf32, #tpu.memory_space<vmem_shared>>) offsets(%dma_start3A_455 : memref<96xi32, #tpu.memory_space<vmem>>) semaphore(%arg12 : memref<!tpu.dma_semaphore, #tpu.memory_space<semaphore_mem>>) {add = true}
      %add3A_459 = arith.constant 1 : i32
      %add3A_460 = arith.addi %mul3A_278, %add3A_459 : i32
      %mul3A_461 = arith.constant 5 : i32
      %mul3A_462 = arith.muli %add3A_460, %mul3A_461 : i32
      %add3A_463 = arith.constant 1 : i32
      %add3A_464 = arith.addi %mul3A_462, %add3A_463 : i32
      %dma_start3A_465 = arith.constant 1 : i32
      %dma_start3A_466 = arith.constant 96 : i32
      %dma_start3A_467 = arith.constant 0 : i32
      %dma_start3A_468 = tpu.memref_slice %arg6[%dma_start3A_465, %dma_start3A_466, %dma_start3A_467] : memref<3x480x16xf32, #tpu.memory_space<vmem>> -> memref<1x96x16xf32, #tpu.memory_space<vmem>>
      %dma_start3A_469 = tpu.memref_squeeze %dma_start3A_468 : memref<1x96x16xf32, #tpu.memory_space<vmem>> -> memref<96x16xf32, #tpu.memory_space<vmem>>
      %dma_start3A_470 = arith.constant 0 : i32
      %dma_start3A_471 = tpu.memref_slice %arg5[%add3A_464, %dma_start3A_470] : memref<165x96xi32, #tpu.memory_space<vmem>> -> memref<1x96xi32, #tpu.memory_space<vmem>>
      %dma_start3A_472 = tpu.memref_squeeze %dma_start3A_471 : memref<1x96xi32, #tpu.memory_space<vmem>> -> memref<96xi32, #tpu.memory_space<vmem>>
      %dma_start3A_473 = arith.constant 0 : i32
      %dma_start3A_474 = arith.constant 0 : i32
      %dma_start3A_475 = tpu.memref_slice %arg8[%dma_start3A_473, %dma_start3A_474] : memref<40008x16xf32, #tpu.memory_space<vmem_shared>> -> memref<40008x16xf32, #tpu.memory_space<vmem_shared>>
      tpu.enqueue_indirect_dma source(%dma_start3A_469 : memref<96x16xf32, #tpu.memory_space<vmem>>) target(%dma_start3A_475 : memref<40008x16xf32, #tpu.memory_space<vmem_shared>>) offsets(%dma_start3A_472 : memref<96xi32, #tpu.memory_space<vmem>>) semaphore(%arg12 : memref<!tpu.dma_semaphore, #tpu.memory_space<semaphore_mem>>) {add = true}
      %add3A_476 = arith.constant 1 : i32
      %add3A_477 = arith.addi %mul3A_278, %add3A_476 : i32
      %mul3A_478 = arith.constant 5 : i32
      %mul3A_479 = arith.muli %add3A_477, %mul3A_478 : i32
      %add3A_480 = arith.constant 2 : i32
      %add3A_481 = arith.addi %mul3A_479, %add3A_480 : i32
      %dma_start3A_482 = arith.constant 1 : i32
      %dma_start3A_483 = arith.constant 192 : i32
      %dma_start3A_484 = arith.constant 0 : i32
      %dma_start3A_485 = tpu.memref_slice %arg6[%dma_start3A_482, %dma_start3A_483, %dma_start3A_484] : memref<3x480x16xf32, #tpu.memory_space<vmem>> -> memref<1x96x16xf32, #tpu.memory_space<vmem>>
      %dma_start3A_486 = tpu.memref_squeeze %dma_start3A_485 : memref<1x96x16xf32, #tpu.memory_space<vmem>> -> memref<96x16xf32, #tpu.memory_space<vmem>>
      %dma_start3A_487 = arith.constant 0 : i32
      %dma_start3A_488 = tpu.memref_slice %arg5[%add3A_481, %dma_start3A_487] : memref<165x96xi32, #tpu.memory_space<vmem>> -> memref<1x96xi32, #tpu.memory_space<vmem>>
      %dma_start3A_489 = tpu.memref_squeeze %dma_start3A_488 : memref<1x96xi32, #tpu.memory_space<vmem>> -> memref<96xi32, #tpu.memory_space<vmem>>
      %dma_start3A_490 = arith.constant 0 : i32
      %dma_start3A_491 = arith.constant 0 : i32
      %dma_start3A_492 = tpu.memref_slice %arg8[%dma_start3A_490, %dma_start3A_491] : memref<40008x16xf32, #tpu.memory_space<vmem_shared>> -> memref<40008x16xf32, #tpu.memory_space<vmem_shared>>
      tpu.enqueue_indirect_dma source(%dma_start3A_486 : memref<96x16xf32, #tpu.memory_space<vmem>>) target(%dma_start3A_492 : memref<40008x16xf32, #tpu.memory_space<vmem_shared>>) offsets(%dma_start3A_489 : memref<96xi32, #tpu.memory_space<vmem>>) semaphore(%arg12 : memref<!tpu.dma_semaphore, #tpu.memory_space<semaphore_mem>>) {add = true}
      %add3A_493 = arith.constant 1 : i32
      %add3A_494 = arith.addi %mul3A_278, %add3A_493 : i32
      %mul3A_495 = arith.constant 5 : i32
      %mul3A_496 = arith.muli %add3A_494, %mul3A_495 : i32
      %add3A_497 = arith.constant 3 : i32
      %add3A_498 = arith.addi %mul3A_496, %add3A_497 : i32
      %dma_start3A_499 = arith.constant 1 : i32
      %dma_start3A_500 = arith.constant 288 : i32
      %dma_start3A_501 = arith.constant 0 : i32
      %dma_start3A_502 = tpu.memref_slice %arg6[%dma_start3A_499, %dma_start3A_500, %dma_start3A_501] : memref<3x480x16xf32, #tpu.memory_space<vmem>> -> memref<1x96x16xf32, #tpu.memory_space<vmem>>
      %dma_start3A_503 = tpu.memref_squeeze %dma_start3A_502 : memref<1x96x16xf32, #tpu.memory_space<vmem>> -> memref<96x16xf32, #tpu.memory_space<vmem>>
      %dma_start3A_504 = arith.constant 0 : i32
      %dma_start3A_505 = tpu.memref_slice %arg5[%add3A_498, %dma_start3A_504] : memref<165x96xi32, #tpu.memory_space<vmem>> -> memref<1x96xi32, #tpu.memory_space<vmem>>
      %dma_start3A_506 = tpu.memref_squeeze %dma_start3A_505 : memref<1x96xi32, #tpu.memory_space<vmem>> -> memref<96xi32, #tpu.memory_space<vmem>>
      %dma_start3A_507 = arith.constant 0 : i32
      %dma_start3A_508 = arith.constant 0 : i32
      %dma_start3A_509 = tpu.memref_slice %arg8[%dma_start3A_507, %dma_start3A_508] : memref<40008x16xf32, #tpu.memory_space<vmem_shared>> -> memref<40008x16xf32, #tpu.memory_space<vmem_shared>>
      tpu.enqueue_indirect_dma source(%dma_start3A_503 : memref<96x16xf32, #tpu.memory_space<vmem>>) target(%dma_start3A_509 : memref<40008x16xf32, #tpu.memory_space<vmem_shared>>) offsets(%dma_start3A_506 : memref<96xi32, #tpu.memory_space<vmem>>) semaphore(%arg12 : memref<!tpu.dma_semaphore, #tpu.memory_space<semaphore_mem>>) {add = true}
      %add3A_510 = arith.constant 1 : i32
      %add3A_511 = arith.addi %mul3A_278, %add3A_510 : i32
      %mul3A_512 = arith.constant 5 : i32
      %mul3A_513 = arith.muli %add3A_511, %mul3A_512 : i32
      %add3A_514 = arith.constant 4 : i32
      %add3A_515 = arith.addi %mul3A_513, %add3A_514 : i32
      %dma_start3A_516 = arith.constant 1 : i32
      %dma_start3A_517 = arith.constant 384 : i32
      %dma_start3A_518 = arith.constant 0 : i32
      %dma_start3A_519 = tpu.memref_slice %arg6[%dma_start3A_516, %dma_start3A_517, %dma_start3A_518] : memref<3x480x16xf32, #tpu.memory_space<vmem>> -> memref<1x96x16xf32, #tpu.memory_space<vmem>>
      %dma_start3A_520 = tpu.memref_squeeze %dma_start3A_519 : memref<1x96x16xf32, #tpu.memory_space<vmem>> -> memref<96x16xf32, #tpu.memory_space<vmem>>
      %dma_start3A_521 = arith.constant 0 : i32
      %dma_start3A_522 = tpu.memref_slice %arg5[%add3A_515, %dma_start3A_521] : memref<165x96xi32, #tpu.memory_space<vmem>> -> memref<1x96xi32, #tpu.memory_space<vmem>>
      %dma_start3A_523 = tpu.memref_squeeze %dma_start3A_522 : memref<1x96xi32, #tpu.memory_space<vmem>> -> memref<96xi32, #tpu.memory_space<vmem>>
      %dma_start3A_524 = arith.constant 0 : i32
      %dma_start3A_525 = arith.constant 0 : i32
      %dma_start3A_526 = tpu.memref_slice %arg8[%dma_start3A_524, %dma_start3A_525] : memref<40008x16xf32, #tpu.memory_space<vmem_shared>> -> memref<40008x16xf32, #tpu.memory_space<vmem_shared>>
      tpu.enqueue_indirect_dma source(%dma_start3A_520 : memref<96x16xf32, #tpu.memory_space<vmem>>) target(%dma_start3A_526 : memref<40008x16xf32, #tpu.memory_space<vmem_shared>>) offsets(%dma_start3A_523 : memref<96xi32, #tpu.memory_space<vmem>>) semaphore(%arg12 : memref<!tpu.dma_semaphore, #tpu.memory_space<semaphore_mem>>) {add = true}
      %dma_wait3A_527 = arith.constant 2 : i32
      %dma_wait3A_528 = arith.constant 0 : i32
      %dma_wait3A_529 = arith.constant 0 : i32
      %dma_wait3A_530 = tpu.memref_slice %arg6[%dma_wait3A_527, %dma_wait3A_528, %dma_wait3A_529] : memref<3x480x16xf32, #tpu.memory_space<vmem>> -> memref<1x480x16xf32, #tpu.memory_space<vmem>>
      %dma_wait3A_531 = tpu.memref_squeeze %dma_wait3A_530 : memref<1x480x16xf32, #tpu.memory_space<vmem>> -> memref<480x16xf32, #tpu.memory_space<vmem>>
      %dma_wait3A_532 = arith.constant 16 : i32
      %dma_wait3A_533 = tpu.memref_slice %arg3[%add3A_318, %dma_wait3A_532] : memref<506880x80xf32, #tpu.memory_space<hbm>> -> memref<480x16xf32, #tpu.memory_space<hbm>>
      %dma_wait3A_534 = arith.constant 0 : i32
      %dma_wait3A_535 = arith.constant 0 : i32
      %dma_wait3A_536 = tpu.memref_slice %arg6[%dma_wait3A_527, %dma_wait3A_534, %dma_wait3A_535] : memref<3x480x16xf32, #tpu.memory_space<vmem>> -> memref<1x480x16xf32, #tpu.memory_space<vmem>>
      %dma_wait3A_537 = tpu.memref_squeeze %dma_wait3A_536 : memref<1x480x16xf32, #tpu.memory_space<vmem>> -> memref<480x16xf32, #tpu.memory_space<vmem>>
      %dma_wait3A_538 = arith.constant 16 : i32
      %dma_wait3A_539 = tpu.memref_slice %arg3[%add3A_318, %dma_wait3A_538] : memref<506880x80xf32, #tpu.memory_space<hbm>> -> memref<480x16xf32, #tpu.memory_space<hbm>>
      tpu.wait_dma2 semaphore(%arg11 : memref<!tpu.dma_semaphore, #tpu.memory_space<semaphore_mem>>) src(%dma_wait3A_539 : memref<480x16xf32, #tpu.memory_space<hbm>>) dst(%dma_wait3A_537 : memref<480x16xf32, #tpu.memory_space<vmem>>)
      %add3A_540 = arith.constant 2 : i32
      %add3A_541 = arith.addi %mul3A_278, %add3A_540 : i32
      %mul3A_542 = arith.constant 5 : i32
      %mul3A_543 = arith.muli %add3A_541, %mul3A_542 : i32
      %add3A_544 = arith.constant 0 : i32
      %add3A_545 = arith.addi %mul3A_543, %add3A_544 : i32
      %dma_start3A_546 = arith.constant 2 : i32
      %dma_start3A_547 = arith.constant 0 : i32
      %dma_start3A_548 = arith.constant 0 : i32
      %dma_start3A_549 = tpu.memref_slice %arg6[%dma_start3A_546, %dma_start3A_547, %dma_start3A_548] : memref<3x480x16xf32, #tpu.memory_space<vmem>> -> memref<1x96x16xf32, #tpu.memory_space<vmem>>
      %dma_start3A_550 = tpu.memref_squeeze %dma_start3A_549 : memref<1x96x16xf32, #tpu.memory_space<vmem>> -> memref<96x16xf32, #tpu.memory_space<vmem>>
      %dma_start3A_551 = arith.constant 0 : i32
      %dma_start3A_552 = tpu.memref_slice %arg5[%add3A_545, %dma_start3A_551] : memref<165x96xi32, #tpu.memory_space<vmem>> -> memref<1x96xi32, #tpu.memory_space<vmem>>
      %dma_start3A_553 = tpu.memref_squeeze %dma_start3A_552 : memref<1x96xi32, #tpu.memory_space<vmem>> -> memref<96xi32, #tpu.memory_space<vmem>>
      %dma_start3A_554 = arith.constant 0 : i32
      %dma_start3A_555 = arith.constant 0 : i32
      %dma_start3A_556 = tpu.memref_slice %arg8[%dma_start3A_554, %dma_start3A_555] : memref<40008x16xf32, #tpu.memory_space<vmem_shared>> -> memref<40008x16xf32, #tpu.memory_space<vmem_shared>>
      tpu.enqueue_indirect_dma source(%dma_start3A_550 : memref<96x16xf32, #tpu.memory_space<vmem>>) target(%dma_start3A_556 : memref<40008x16xf32, #tpu.memory_space<vmem_shared>>) offsets(%dma_start3A_553 : memref<96xi32, #tpu.memory_space<vmem>>) semaphore(%arg12 : memref<!tpu.dma_semaphore, #tpu.memory_space<semaphore_mem>>) {add = true}
      %add3A_557 = arith.constant 2 : i32
      %add3A_558 = arith.addi %mul3A_278, %add3A_557 : i32
      %mul3A_559 = arith.constant 5 : i32
      %mul3A_560 = arith.muli %add3A_558, %mul3A_559 : i32
      %add3A_561 = arith.constant 1 : i32
      %add3A_562 = arith.addi %mul3A_560, %add3A_561 : i32
      %dma_start3A_563 = arith.constant 2 : i32
      %dma_start3A_564 = arith.constant 96 : i32
      %dma_start3A_565 = arith.constant 0 : i32
      %dma_start3A_566 = tpu.memref_slice %arg6[%dma_start3A_563, %dma_start3A_564, %dma_start3A_565] : memref<3x480x16xf32, #tpu.memory_space<vmem>> -> memref<1x96x16xf32, #tpu.memory_space<vmem>>
      %dma_start3A_567 = tpu.memref_squeeze %dma_start3A_566 : memref<1x96x16xf32, #tpu.memory_space<vmem>> -> memref<96x16xf32, #tpu.memory_space<vmem>>
      %dma_start3A_568 = arith.constant 0 : i32
      %dma_start3A_569 = tpu.memref_slice %arg5[%add3A_562, %dma_start3A_568] : memref<165x96xi32, #tpu.memory_space<vmem>> -> memref<1x96xi32, #tpu.memory_space<vmem>>
      %dma_start3A_570 = tpu.memref_squeeze %dma_start3A_569 : memref<1x96xi32, #tpu.memory_space<vmem>> -> memref<96xi32, #tpu.memory_space<vmem>>
      %dma_start3A_571 = arith.constant 0 : i32
      %dma_start3A_572 = arith.constant 0 : i32
      %dma_start3A_573 = tpu.memref_slice %arg8[%dma_start3A_571, %dma_start3A_572] : memref<40008x16xf32, #tpu.memory_space<vmem_shared>> -> memref<40008x16xf32, #tpu.memory_space<vmem_shared>>
      tpu.enqueue_indirect_dma source(%dma_start3A_567 : memref<96x16xf32, #tpu.memory_space<vmem>>) target(%dma_start3A_573 : memref<40008x16xf32, #tpu.memory_space<vmem_shared>>) offsets(%dma_start3A_570 : memref<96xi32, #tpu.memory_space<vmem>>) semaphore(%arg12 : memref<!tpu.dma_semaphore, #tpu.memory_space<semaphore_mem>>) {add = true}
      %add3A_574 = arith.constant 2 : i32
      %add3A_575 = arith.addi %mul3A_278, %add3A_574 : i32
      %mul3A_576 = arith.constant 5 : i32
      %mul3A_577 = arith.muli %add3A_575, %mul3A_576 : i32
      %add3A_578 = arith.constant 2 : i32
      %add3A_579 = arith.addi %mul3A_577, %add3A_578 : i32
      %dma_start3A_580 = arith.constant 2 : i32
      %dma_start3A_581 = arith.constant 192 : i32
      %dma_start3A_582 = arith.constant 0 : i32
      %dma_start3A_583 = tpu.memref_slice %arg6[%dma_start3A_580, %dma_start3A_581, %dma_start3A_582] : memref<3x480x16xf32, #tpu.memory_space<vmem>> -> memref<1x96x16xf32, #tpu.memory_space<vmem>>
      %dma_start3A_584 = tpu.memref_squeeze %dma_start3A_583 : memref<1x96x16xf32, #tpu.memory_space<vmem>> -> memref<96x16xf32, #tpu.memory_space<vmem>>
      %dma_start3A_585 = arith.constant 0 : i32
      %dma_start3A_586 = tpu.memref_slice %arg5[%add3A_579, %dma_start3A_585] : memref<165x96xi32, #tpu.memory_space<vmem>> -> memref<1x96xi32, #tpu.memory_space<vmem>>
      %dma_start3A_587 = tpu.memref_squeeze %dma_start3A_586 : memref<1x96xi32, #tpu.memory_space<vmem>> -> memref<96xi32, #tpu.memory_space<vmem>>
      %dma_start3A_588 = arith.constant 0 : i32
      %dma_start3A_589 = arith.constant 0 : i32
      %dma_start3A_590 = tpu.memref_slice %arg8[%dma_start3A_588, %dma_start3A_589] : memref<40008x16xf32, #tpu.memory_space<vmem_shared>> -> memref<40008x16xf32, #tpu.memory_space<vmem_shared>>
      tpu.enqueue_indirect_dma source(%dma_start3A_584 : memref<96x16xf32, #tpu.memory_space<vmem>>) target(%dma_start3A_590 : memref<40008x16xf32, #tpu.memory_space<vmem_shared>>) offsets(%dma_start3A_587 : memref<96xi32, #tpu.memory_space<vmem>>) semaphore(%arg12 : memref<!tpu.dma_semaphore, #tpu.memory_space<semaphore_mem>>) {add = true}
      %add3A_591 = arith.constant 2 : i32
      %add3A_592 = arith.addi %mul3A_278, %add3A_591 : i32
      %mul3A_593 = arith.constant 5 : i32
      %mul3A_594 = arith.muli %add3A_592, %mul3A_593 : i32
      %add3A_595 = arith.constant 3 : i32
      %add3A_596 = arith.addi %mul3A_594, %add3A_595 : i32
      %dma_start3A_597 = arith.constant 2 : i32
      %dma_start3A_598 = arith.constant 288 : i32
      %dma_start3A_599 = arith.constant 0 : i32
      %dma_start3A_600 = tpu.memref_slice %arg6[%dma_start3A_597, %dma_start3A_598, %dma_start3A_599] : memref<3x480x16xf32, #tpu.memory_space<vmem>> -> memref<1x96x16xf32, #tpu.memory_space<vmem>>
      %dma_start3A_601 = tpu.memref_squeeze %dma_start3A_600 : memref<1x96x16xf32, #tpu.memory_space<vmem>> -> memref<96x16xf32, #tpu.memory_space<vmem>>
      %dma_start3A_602 = arith.constant 0 : i32
      %dma_start3A_603 = tpu.memref_slice %arg5[%add3A_596, %dma_start3A_602] : memref<165x96xi32, #tpu.memory_space<vmem>> -> memref<1x96xi32, #tpu.memory_space<vmem>>
      %dma_start3A_604 = tpu.memref_squeeze %dma_start3A_603 : memref<1x96xi32, #tpu.memory_space<vmem>> -> memref<96xi32, #tpu.memory_space<vmem>>
      %dma_start3A_605 = arith.constant 0 : i32
      %dma_start3A_606 = arith.constant 0 : i32
      %dma_start3A_607 = tpu.memref_slice %arg8[%dma_start3A_605, %dma_start3A_606] : memref<40008x16xf32, #tpu.memory_space<vmem_shared>> -> memref<40008x16xf32, #tpu.memory_space<vmem_shared>>
      tpu.enqueue_indirect_dma source(%dma_start3A_601 : memref<96x16xf32, #tpu.memory_space<vmem>>) target(%dma_start3A_607 : memref<40008x16xf32, #tpu.memory_space<vmem_shared>>) offsets(%dma_start3A_604 : memref<96xi32, #tpu.memory_space<vmem>>) semaphore(%arg12 : memref<!tpu.dma_semaphore, #tpu.memory_space<semaphore_mem>>) {add = true}
      %add3A_608 = arith.constant 2 : i32
      %add3A_609 = arith.addi %mul3A_278, %add3A_608 : i32
      %mul3A_610 = arith.constant 5 : i32
      %mul3A_611 = arith.muli %add3A_609, %mul3A_610 : i32
      %add3A_612 = arith.constant 4 : i32
      %add3A_613 = arith.addi %mul3A_611, %add3A_612 : i32
      %dma_start3A_614 = arith.constant 2 : i32
      %dma_start3A_615 = arith.constant 384 : i32
      %dma_start3A_616 = arith.constant 0 : i32
      %dma_start3A_617 = tpu.memref_slice %arg6[%dma_start3A_614, %dma_start3A_615, %dma_start3A_616] : memref<3x480x16xf32, #tpu.memory_space<vmem>> -> memref<1x96x16xf32, #tpu.memory_space<vmem>>
      %dma_start3A_618 = tpu.memref_squeeze %dma_start3A_617 : memref<1x96x16xf32, #tpu.memory_space<vmem>> -> memref<96x16xf32, #tpu.memory_space<vmem>>
      %dma_start3A_619 = arith.constant 0 : i32
      %dma_start3A_620 = tpu.memref_slice %arg5[%add3A_613, %dma_start3A_619] : memref<165x96xi32, #tpu.memory_space<vmem>> -> memref<1x96xi32, #tpu.memory_space<vmem>>
      %dma_start3A_621 = tpu.memref_squeeze %dma_start3A_620 : memref<1x96xi32, #tpu.memory_space<vmem>> -> memref<96xi32, #tpu.memory_space<vmem>>
      %dma_start3A_622 = arith.constant 0 : i32
      %dma_start3A_623 = arith.constant 0 : i32
      %dma_start3A_624 = tpu.memref_slice %arg8[%dma_start3A_622, %dma_start3A_623] : memref<40008x16xf32, #tpu.memory_space<vmem_shared>> -> memref<40008x16xf32, #tpu.memory_space<vmem_shared>>
      tpu.enqueue_indirect_dma source(%dma_start3A_618 : memref<96x16xf32, #tpu.memory_space<vmem>>) target(%dma_start3A_624 : memref<40008x16xf32, #tpu.memory_space<vmem_shared>>) offsets(%dma_start3A_621 : memref<96xi32, #tpu.memory_space<vmem>>) semaphore(%arg12 : memref<!tpu.dma_semaphore, #tpu.memory_space<semaphore_mem>>) {add = true}
      %dma_wait3A_625 = arith.constant 0 : i32
      %dma_wait3A_626 = arith.constant 0 : i32
      %dma_wait3A_627 = arith.constant 0 : i32
      %dma_wait3A_628 = tpu.memref_slice %arg6[%dma_wait3A_625, %dma_wait3A_626, %dma_wait3A_627] : memref<3x480x16xf32, #tpu.memory_space<vmem>> -> memref<1x96x16xf32, #tpu.memory_space<vmem>>
      %dma_wait3A_629 = tpu.memref_squeeze %dma_wait3A_628 : memref<1x96x16xf32, #tpu.memory_space<vmem>> -> memref<96x16xf32, #tpu.memory_space<vmem>>
      %dma_wait3A_630 = arith.constant 0 : i32
      %dma_wait3A_631 = tpu.memref_slice %arg5[%add3A_349, %dma_wait3A_630] : memref<165x96xi32, #tpu.memory_space<vmem>> -> memref<1x96xi32, #tpu.memory_space<vmem>>
      %dma_wait3A_632 = tpu.memref_squeeze %dma_wait3A_631 : memref<1x96xi32, #tpu.memory_space<vmem>> -> memref<96xi32, #tpu.memory_space<vmem>>
      %dma_wait3A_633 = arith.constant 0 : i32
      %dma_wait3A_634 = arith.constant 0 : i32
      %dma_wait3A_635 = tpu.memref_slice %arg8[%dma_wait3A_633, %dma_wait3A_634] : memref<40008x16xf32, #tpu.memory_space<vmem_shared>> -> memref<40008x16xf32, #tpu.memory_space<vmem_shared>>
      tpu.wait_indirect_dma semaphore(%arg12 : memref<!tpu.dma_semaphore, #tpu.memory_space<semaphore_mem>>) src(%dma_wait3A_629 : memref<96x16xf32, #tpu.memory_space<vmem>>) dst(%dma_wait3A_635 : memref<40008x16xf32, #tpu.memory_space<vmem_shared>>)
      %dma_wait3A_636 = arith.constant 0 : i32
      %dma_wait3A_637 = arith.constant 96 : i32
      %dma_wait3A_638 = arith.constant 0 : i32
      %dma_wait3A_639 = tpu.memref_slice %arg6[%dma_wait3A_636, %dma_wait3A_637, %dma_wait3A_638] : memref<3x480x16xf32, #tpu.memory_space<vmem>> -> memref<1x96x16xf32, #tpu.memory_space<vmem>>
      %dma_wait3A_640 = tpu.memref_squeeze %dma_wait3A_639 : memref<1x96x16xf32, #tpu.memory_space<vmem>> -> memref<96x16xf32, #tpu.memory_space<vmem>>
      %dma_wait3A_641 = arith.constant 0 : i32
      %dma_wait3A_642 = tpu.memref_slice %arg5[%add3A_366, %dma_wait3A_641] : memref<165x96xi32, #tpu.memory_space<vmem>> -> memref<1x96xi32, #tpu.memory_space<vmem>>
      %dma_wait3A_643 = tpu.memref_squeeze %dma_wait3A_642 : memref<1x96xi32, #tpu.memory_space<vmem>> -> memref<96xi32, #tpu.memory_space<vmem>>
      %dma_wait3A_644 = arith.constant 0 : i32
      %dma_wait3A_645 = arith.constant 0 : i32
      %dma_wait3A_646 = tpu.memref_slice %arg8[%dma_wait3A_644, %dma_wait3A_645] : memref<40008x16xf32, #tpu.memory_space<vmem_shared>> -> memref<40008x16xf32, #tpu.memory_space<vmem_shared>>
      tpu.wait_indirect_dma semaphore(%arg12 : memref<!tpu.dma_semaphore, #tpu.memory_space<semaphore_mem>>) src(%dma_wait3A_640 : memref<96x16xf32, #tpu.memory_space<vmem>>) dst(%dma_wait3A_646 : memref<40008x16xf32, #tpu.memory_space<vmem_shared>>)
      %dma_wait3A_647 = arith.constant 0 : i32
      %dma_wait3A_648 = arith.constant 192 : i32
      %dma_wait3A_649 = arith.constant 0 : i32
      %dma_wait3A_650 = tpu.memref_slice %arg6[%dma_wait3A_647, %dma_wait3A_648, %dma_wait3A_649] : memref<3x480x16xf32, #tpu.memory_space<vmem>> -> memref<1x96x16xf32, #tpu.memory_space<vmem>>
      %dma_wait3A_651 = tpu.memref_squeeze %dma_wait3A_650 : memref<1x96x16xf32, #tpu.memory_space<vmem>> -> memref<96x16xf32, #tpu.memory_space<vmem>>
      %dma_wait3A_652 = arith.constant 0 : i32
      %dma_wait3A_653 = tpu.memref_slice %arg5[%add3A_383, %dma_wait3A_652] : memref<165x96xi32, #tpu.memory_space<vmem>> -> memref<1x96xi32, #tpu.memory_space<vmem>>
      %dma_wait3A_654 = tpu.memref_squeeze %dma_wait3A_653 : memref<1x96xi32, #tpu.memory_space<vmem>> -> memref<96xi32, #tpu.memory_space<vmem>>
      %dma_wait3A_655 = arith.constant 0 : i32
      %dma_wait3A_656 = arith.constant 0 : i32
      %dma_wait3A_657 = tpu.memref_slice %arg8[%dma_wait3A_655, %dma_wait3A_656] : memref<40008x16xf32, #tpu.memory_space<vmem_shared>> -> memref<40008x16xf32, #tpu.memory_space<vmem_shared>>
      tpu.wait_indirect_dma semaphore(%arg12 : memref<!tpu.dma_semaphore, #tpu.memory_space<semaphore_mem>>) src(%dma_wait3A_651 : memref<96x16xf32, #tpu.memory_space<vmem>>) dst(%dma_wait3A_657 : memref<40008x16xf32, #tpu.memory_space<vmem_shared>>)
      %dma_wait3A_658 = arith.constant 0 : i32
      %dma_wait3A_659 = arith.constant 288 : i32
      %dma_wait3A_660 = arith.constant 0 : i32
      %dma_wait3A_661 = tpu.memref_slice %arg6[%dma_wait3A_658, %dma_wait3A_659, %dma_wait3A_660] : memref<3x480x16xf32, #tpu.memory_space<vmem>> -> memref<1x96x16xf32, #tpu.memory_space<vmem>>
      %dma_wait3A_662 = tpu.memref_squeeze %dma_wait3A_661 : memref<1x96x16xf32, #tpu.memory_space<vmem>> -> memref<96x16xf32, #tpu.memory_space<vmem>>
      %dma_wait3A_663 = arith.constant 0 : i32
      %dma_wait3A_664 = tpu.memref_slice %arg5[%add3A_400, %dma_wait3A_663] : memref<165x96xi32, #tpu.memory_space<vmem>> -> memref<1x96xi32, #tpu.memory_space<vmem>>
      %dma_wait3A_665 = tpu.memref_squeeze %dma_wait3A_664 : memref<1x96xi32, #tpu.memory_space<vmem>> -> memref<96xi32, #tpu.memory_space<vmem>>
      %dma_wait3A_666 = arith.constant 0 : i32
      %dma_wait3A_667 = arith.constant 0 : i32
      %dma_wait3A_668 = tpu.memref_slice %arg8[%dma_wait3A_666, %dma_wait3A_667] : memref<40008x16xf32, #tpu.memory_space<vmem_shared>> -> memref<40008x16xf32, #tpu.memory_space<vmem_shared>>
      tpu.wait_indirect_dma semaphore(%arg12 : memref<!tpu.dma_semaphore, #tpu.memory_space<semaphore_mem>>) src(%dma_wait3A_662 : memref<96x16xf32, #tpu.memory_space<vmem>>) dst(%dma_wait3A_668 : memref<40008x16xf32, #tpu.memory_space<vmem_shared>>)
      %dma_wait3A_669 = arith.constant 0 : i32
      %dma_wait3A_670 = arith.constant 384 : i32
      %dma_wait3A_671 = arith.constant 0 : i32
      %dma_wait3A_672 = tpu.memref_slice %arg6[%dma_wait3A_669, %dma_wait3A_670, %dma_wait3A_671] : memref<3x480x16xf32, #tpu.memory_space<vmem>> -> memref<1x96x16xf32, #tpu.memory_space<vmem>>
      %dma_wait3A_673 = tpu.memref_squeeze %dma_wait3A_672 : memref<1x96x16xf32, #tpu.memory_space<vmem>> -> memref<96x16xf32, #tpu.memory_space<vmem>>
      %dma_wait3A_674 = arith.constant 0 : i32
      %dma_wait3A_675 = tpu.memref_slice %arg5[%add3A_417, %dma_wait3A_674] : memref<165x96xi32, #tpu.memory_space<vmem>> -> memref<1x96xi32, #tpu.memory_space<vmem>>
      %dma_wait3A_676 = tpu.memref_squeeze %dma_wait3A_675 : memref<1x96xi32, #tpu.memory_space<vmem>> -> memref<96xi32, #tpu.memory_space<vmem>>
      %dma_wait3A_677 = arith.constant 0 : i32
      %dma_wait3A_678 = arith.constant 0 : i32
      %dma_wait3A_679 = tpu.memref_slice %arg8[%dma_wait3A_677, %dma_wait3A_678] : memref<40008x16xf32, #tpu.memory_space<vmem_shared>> -> memref<40008x16xf32, #tpu.memory_space<vmem_shared>>
      tpu.wait_indirect_dma semaphore(%arg12 : memref<!tpu.dma_semaphore, #tpu.memory_space<semaphore_mem>>) src(%dma_wait3A_673 : memref<96x16xf32, #tpu.memory_space<vmem>>) dst(%dma_wait3A_679 : memref<40008x16xf32, #tpu.memory_space<vmem_shared>>)
      %dma_wait3A_680 = arith.constant 1 : i32
      %dma_wait3A_681 = arith.constant 0 : i32
      %dma_wait3A_682 = arith.constant 0 : i32
      %dma_wait3A_683 = tpu.memref_slice %arg6[%dma_wait3A_680, %dma_wait3A_681, %dma_wait3A_682] : memref<3x480x16xf32, #tpu.memory_space<vmem>> -> memref<1x96x16xf32, #tpu.memory_space<vmem>>
      %dma_wait3A_684 = tpu.memref_squeeze %dma_wait3A_683 : memref<1x96x16xf32, #tpu.memory_space<vmem>> -> memref<96x16xf32, #tpu.memory_space<vmem>>
      %dma_wait3A_685 = arith.constant 0 : i32
      %dma_wait3A_686 = tpu.memref_slice %arg5[%add3A_447, %dma_wait3A_685] : memref<165x96xi32, #tpu.memory_space<vmem>> -> memref<1x96xi32, #tpu.memory_space<vmem>>
      %dma_wait3A_687 = tpu.memref_squeeze %dma_wait3A_686 : memref<1x96xi32, #tpu.memory_space<vmem>> -> memref<96xi32, #tpu.memory_space<vmem>>
      %dma_wait3A_688 = arith.constant 0 : i32
      %dma_wait3A_689 = arith.constant 0 : i32
      %dma_wait3A_690 = tpu.memref_slice %arg8[%dma_wait3A_688, %dma_wait3A_689] : memref<40008x16xf32, #tpu.memory_space<vmem_shared>> -> memref<40008x16xf32, #tpu.memory_space<vmem_shared>>
      tpu.wait_indirect_dma semaphore(%arg12 : memref<!tpu.dma_semaphore, #tpu.memory_space<semaphore_mem>>) src(%dma_wait3A_684 : memref<96x16xf32, #tpu.memory_space<vmem>>) dst(%dma_wait3A_690 : memref<40008x16xf32, #tpu.memory_space<vmem_shared>>)
      %dma_wait3A_691 = arith.constant 1 : i32
      %dma_wait3A_692 = arith.constant 96 : i32
      %dma_wait3A_693 = arith.constant 0 : i32
      %dma_wait3A_694 = tpu.memref_slice %arg6[%dma_wait3A_691, %dma_wait3A_692, %dma_wait3A_693] : memref<3x480x16xf32, #tpu.memory_space<vmem>> -> memref<1x96x16xf32, #tpu.memory_space<vmem>>
      %dma_wait3A_695 = tpu.memref_squeeze %dma_wait3A_694 : memref<1x96x16xf32, #tpu.memory_space<vmem>> -> memref<96x16xf32, #tpu.memory_space<vmem>>
      %dma_wait3A_696 = arith.constant 0 : i32
      %dma_wait3A_697 = tpu.memref_slice %arg5[%add3A_464, %dma_wait3A_696] : memref<165x96xi32, #tpu.memory_space<vmem>> -> memref<1x96xi32, #tpu.memory_space<vmem>>
      %dma_wait3A_698 = tpu.memref_squeeze %dma_wait3A_697 : memref<1x96xi32, #tpu.memory_space<vmem>> -> memref<96xi32, #tpu.memory_space<vmem>>
      %dma_wait3A_699 = arith.constant 0 : i32
      %dma_wait3A_700 = arith.constant 0 : i32
      %dma_wait3A_701 = tpu.memref_slice %arg8[%dma_wait3A_699, %dma_wait3A_700] : memref<40008x16xf32, #tpu.memory_space<vmem_shared>> -> memref<40008x16xf32, #tpu.memory_space<vmem_shared>>
      tpu.wait_indirect_dma semaphore(%arg12 : memref<!tpu.dma_semaphore, #tpu.memory_space<semaphore_mem>>) src(%dma_wait3A_695 : memref<96x16xf32, #tpu.memory_space<vmem>>) dst(%dma_wait3A_701 : memref<40008x16xf32, #tpu.memory_space<vmem_shared>>)
      %dma_wait3A_702 = arith.constant 1 : i32
      %dma_wait3A_703 = arith.constant 192 : i32
      %dma_wait3A_704 = arith.constant 0 : i32
      %dma_wait3A_705 = tpu.memref_slice %arg6[%dma_wait3A_702, %dma_wait3A_703, %dma_wait3A_704] : memref<3x480x16xf32, #tpu.memory_space<vmem>> -> memref<1x96x16xf32, #tpu.memory_space<vmem>>
      %dma_wait3A_706 = tpu.memref_squeeze %dma_wait3A_705 : memref<1x96x16xf32, #tpu.memory_space<vmem>> -> memref<96x16xf32, #tpu.memory_space<vmem>>
      %dma_wait3A_707 = arith.constant 0 : i32
      %dma_wait3A_708 = tpu.memref_slice %arg5[%add3A_481, %dma_wait3A_707] : memref<165x96xi32, #tpu.memory_space<vmem>> -> memref<1x96xi32, #tpu.memory_space<vmem>>
      %dma_wait3A_709 = tpu.memref_squeeze %dma_wait3A_708 : memref<1x96xi32, #tpu.memory_space<vmem>> -> memref<96xi32, #tpu.memory_space<vmem>>
      %dma_wait3A_710 = arith.constant 0 : i32
      %dma_wait3A_711 = arith.constant 0 : i32
      %dma_wait3A_712 = tpu.memref_slice %arg8[%dma_wait3A_710, %dma_wait3A_711] : memref<40008x16xf32, #tpu.memory_space<vmem_shared>> -> memref<40008x16xf32, #tpu.memory_space<vmem_shared>>
      tpu.wait_indirect_dma semaphore(%arg12 : memref<!tpu.dma_semaphore, #tpu.memory_space<semaphore_mem>>) src(%dma_wait3A_706 : memref<96x16xf32, #tpu.memory_space<vmem>>) dst(%dma_wait3A_712 : memref<40008x16xf32, #tpu.memory_space<vmem_shared>>)
      %dma_wait3A_713 = arith.constant 1 : i32
      %dma_wait3A_714 = arith.constant 288 : i32
      %dma_wait3A_715 = arith.constant 0 : i32
      %dma_wait3A_716 = tpu.memref_slice %arg6[%dma_wait3A_713, %dma_wait3A_714, %dma_wait3A_715] : memref<3x480x16xf32, #tpu.memory_space<vmem>> -> memref<1x96x16xf32, #tpu.memory_space<vmem>>
      %dma_wait3A_717 = tpu.memref_squeeze %dma_wait3A_716 : memref<1x96x16xf32, #tpu.memory_space<vmem>> -> memref<96x16xf32, #tpu.memory_space<vmem>>
      %dma_wait3A_718 = arith.constant 0 : i32
      %dma_wait3A_719 = tpu.memref_slice %arg5[%add3A_498, %dma_wait3A_718] : memref<165x96xi32, #tpu.memory_space<vmem>> -> memref<1x96xi32, #tpu.memory_space<vmem>>
      %dma_wait3A_720 = tpu.memref_squeeze %dma_wait3A_719 : memref<1x96xi32, #tpu.memory_space<vmem>> -> memref<96xi32, #tpu.memory_space<vmem>>
      %dma_wait3A_721 = arith.constant 0 : i32
      %dma_wait3A_722 = arith.constant 0 : i32
      %dma_wait3A_723 = tpu.memref_slice %arg8[%dma_wait3A_721, %dma_wait3A_722] : memref<40008x16xf32, #tpu.memory_space<vmem_shared>> -> memref<40008x16xf32, #tpu.memory_space<vmem_shared>>
      tpu.wait_indirect_dma semaphore(%arg12 : memref<!tpu.dma_semaphore, #tpu.memory_space<semaphore_mem>>) src(%dma_wait3A_717 : memref<96x16xf32, #tpu.memory_space<vmem>>) dst(%dma_wait3A_723 : memref<40008x16xf32, #tpu.memory_space<vmem_shared>>)
      %dma_wait3A_724 = arith.constant 1 : i32
      %dma_wait3A_725 = arith.constant 384 : i32
      %dma_wait3A_726 = arith.constant 0 : i32
      %dma_wait3A_727 = tpu.memref_slice %arg6[%dma_wait3A_724, %dma_wait3A_725, %dma_wait3A_726] : memref<3x480x16xf32, #tpu.memory_space<vmem>> -> memref<1x96x16xf32, #tpu.memory_space<vmem>>
      %dma_wait3A_728 = tpu.memref_squeeze %dma_wait3A_727 : memref<1x96x16xf32, #tpu.memory_space<vmem>> -> memref<96x16xf32, #tpu.memory_space<vmem>>
      %dma_wait3A_729 = arith.constant 0 : i32
      %dma_wait3A_730 = tpu.memref_slice %arg5[%add3A_515, %dma_wait3A_729] : memref<165x96xi32, #tpu.memory_space<vmem>> -> memref<1x96xi32, #tpu.memory_space<vmem>>
      %dma_wait3A_731 = tpu.memref_squeeze %dma_wait3A_730 : memref<1x96xi32, #tpu.memory_space<vmem>> -> memref<96xi32, #tpu.memory_space<vmem>>
      %dma_wait3A_732 = arith.constant 0 : i32
      %dma_wait3A_733 = arith.constant 0 : i32
      %dma_wait3A_734 = tpu.memref_slice %arg8[%dma_wait3A_732, %dma_wait3A_733] : memref<40008x16xf32, #tpu.memory_space<vmem_shared>> -> memref<40008x16xf32, #tpu.memory_space<vmem_shared>>
      tpu.wait_indirect_dma semaphore(%arg12 : memref<!tpu.dma_semaphore, #tpu.memory_space<semaphore_mem>>) src(%dma_wait3A_728 : memref<96x16xf32, #tpu.memory_space<vmem>>) dst(%dma_wait3A_734 : memref<40008x16xf32, #tpu.memory_space<vmem_shared>>)
      %dma_wait3A_735 = arith.constant 2 : i32
      %dma_wait3A_736 = arith.constant 0 : i32
      %dma_wait3A_737 = arith.constant 0 : i32
      %dma_wait3A_738 = tpu.memref_slice %arg6[%dma_wait3A_735, %dma_wait3A_736, %dma_wait3A_737] : memref<3x480x16xf32, #tpu.memory_space<vmem>> -> memref<1x96x16xf32, #tpu.memory_space<vmem>>
      %dma_wait3A_739 = tpu.memref_squeeze %dma_wait3A_738 : memref<1x96x16xf32, #tpu.memory_space<vmem>> -> memref<96x16xf32, #tpu.memory_space<vmem>>
      %dma_wait3A_740 = arith.constant 0 : i32
      %dma_wait3A_741 = tpu.memref_slice %arg5[%add3A_545, %dma_wait3A_740] : memref<165x96xi32, #tpu.memory_space<vmem>> -> memref<1x96xi32, #tpu.memory_space<vmem>>
      %dma_wait3A_742 = tpu.memref_squeeze %dma_wait3A_741 : memref<1x96xi32, #tpu.memory_space<vmem>> -> memref<96xi32, #tpu.memory_space<vmem>>
      %dma_wait3A_743 = arith.constant 0 : i32
      %dma_wait3A_744 = arith.constant 0 : i32
      %dma_wait3A_745 = tpu.memref_slice %arg8[%dma_wait3A_743, %dma_wait3A_744] : memref<40008x16xf32, #tpu.memory_space<vmem_shared>> -> memref<40008x16xf32, #tpu.memory_space<vmem_shared>>
      tpu.wait_indirect_dma semaphore(%arg12 : memref<!tpu.dma_semaphore, #tpu.memory_space<semaphore_mem>>) src(%dma_wait3A_739 : memref<96x16xf32, #tpu.memory_space<vmem>>) dst(%dma_wait3A_745 : memref<40008x16xf32, #tpu.memory_space<vmem_shared>>)
      %dma_wait3A_746 = arith.constant 2 : i32
      %dma_wait3A_747 = arith.constant 96 : i32
      %dma_wait3A_748 = arith.constant 0 : i32
      %dma_wait3A_749 = tpu.memref_slice %arg6[%dma_wait3A_746, %dma_wait3A_747, %dma_wait3A_748] : memref<3x480x16xf32, #tpu.memory_space<vmem>> -> memref<1x96x16xf32, #tpu.memory_space<vmem>>
      %dma_wait3A_750 = tpu.memref_squeeze %dma_wait3A_749 : memref<1x96x16xf32, #tpu.memory_space<vmem>> -> memref<96x16xf32, #tpu.memory_space<vmem>>
      %dma_wait3A_751 = arith.constant 0 : i32
      %dma_wait3A_752 = tpu.memref_slice %arg5[%add3A_562, %dma_wait3A_751] : memref<165x96xi32, #tpu.memory_space<vmem>> -> memref<1x96xi32, #tpu.memory_space<vmem>>
      %dma_wait3A_753 = tpu.memref_squeeze %dma_wait3A_752 : memref<1x96xi32, #tpu.memory_space<vmem>> -> memref<96xi32, #tpu.memory_space<vmem>>
      %dma_wait3A_754 = arith.constant 0 : i32
      %dma_wait3A_755 = arith.constant 0 : i32
      %dma_wait3A_756 = tpu.memref_slice %arg8[%dma_wait3A_754, %dma_wait3A_755] : memref<40008x16xf32, #tpu.memory_space<vmem_shared>> -> memref<40008x16xf32, #tpu.memory_space<vmem_shared>>
      tpu.wait_indirect_dma semaphore(%arg12 : memref<!tpu.dma_semaphore, #tpu.memory_space<semaphore_mem>>) src(%dma_wait3A_750 : memref<96x16xf32, #tpu.memory_space<vmem>>) dst(%dma_wait3A_756 : memref<40008x16xf32, #tpu.memory_space<vmem_shared>>)
      %dma_wait3A_757 = arith.constant 2 : i32
      %dma_wait3A_758 = arith.constant 192 : i32
      %dma_wait3A_759 = arith.constant 0 : i32
      %dma_wait3A_760 = tpu.memref_slice %arg6[%dma_wait3A_757, %dma_wait3A_758, %dma_wait3A_759] : memref<3x480x16xf32, #tpu.memory_space<vmem>> -> memref<1x96x16xf32, #tpu.memory_space<vmem>>
      %dma_wait3A_761 = tpu.memref_squeeze %dma_wait3A_760 : memref<1x96x16xf32, #tpu.memory_space<vmem>> -> memref<96x16xf32, #tpu.memory_space<vmem>>
      %dma_wait3A_762 = arith.constant 0 : i32
      %dma_wait3A_763 = tpu.memref_slice %arg5[%add3A_579, %dma_wait3A_762] : memref<165x96xi32, #tpu.memory_space<vmem>> -> memref<1x96xi32, #tpu.memory_space<vmem>>
      %dma_wait3A_764 = tpu.memref_squeeze %dma_wait3A_763 : memref<1x96xi32, #tpu.memory_space<vmem>> -> memref<96xi32, #tpu.memory_space<vmem>>
      %dma_wait3A_765 = arith.constant 0 : i32
      %dma_wait3A_766 = arith.constant 0 : i32
      %dma_wait3A_767 = tpu.memref_slice %arg8[%dma_wait3A_765, %dma_wait3A_766] : memref<40008x16xf32, #tpu.memory_space<vmem_shared>> -> memref<40008x16xf32, #tpu.memory_space<vmem_shared>>
      tpu.wait_indirect_dma semaphore(%arg12 : memref<!tpu.dma_semaphore, #tpu.memory_space<semaphore_mem>>) src(%dma_wait3A_761 : memref<96x16xf32, #tpu.memory_space<vmem>>) dst(%dma_wait3A_767 : memref<40008x16xf32, #tpu.memory_space<vmem_shared>>)
      %dma_wait3A_768 = arith.constant 2 : i32
      %dma_wait3A_769 = arith.constant 288 : i32
      %dma_wait3A_770 = arith.constant 0 : i32
      %dma_wait3A_771 = tpu.memref_slice %arg6[%dma_wait3A_768, %dma_wait3A_769, %dma_wait3A_770] : memref<3x480x16xf32, #tpu.memory_space<vmem>> -> memref<1x96x16xf32, #tpu.memory_space<vmem>>
      %dma_wait3A_772 = tpu.memref_squeeze %dma_wait3A_771 : memref<1x96x16xf32, #tpu.memory_space<vmem>> -> memref<96x16xf32, #tpu.memory_space<vmem>>
      %dma_wait3A_773 = arith.constant 0 : i32
      %dma_wait3A_774 = tpu.memref_slice %arg5[%add3A_596, %dma_wait3A_773] : memref<165x96xi32, #tpu.memory_space<vmem>> -> memref<1x96xi32, #tpu.memory_space<vmem>>
      %dma_wait3A_775 = tpu.memref_squeeze %dma_wait3A_774 : memref<1x96xi32, #tpu.memory_space<vmem>> -> memref<96xi32, #tpu.memory_space<vmem>>
      %dma_wait3A_776 = arith.constant 0 : i32
      %dma_wait3A_777 = arith.constant 0 : i32
      %dma_wait3A_778 = tpu.memref_slice %arg8[%dma_wait3A_776, %dma_wait3A_777] : memref<40008x16xf32, #tpu.memory_space<vmem_shared>> -> memref<40008x16xf32, #tpu.memory_space<vmem_shared>>
      tpu.wait_indirect_dma semaphore(%arg12 : memref<!tpu.dma_semaphore, #tpu.memory_space<semaphore_mem>>) src(%dma_wait3A_772 : memref<96x16xf32, #tpu.memory_space<vmem>>) dst(%dma_wait3A_778 : memref<40008x16xf32, #tpu.memory_space<vmem_shared>>)
      %dma_wait3A_779 = arith.constant 2 : i32
      %dma_wait3A_780 = arith.constant 384 : i32
      %dma_wait3A_781 = arith.constant 0 : i32
      %dma_wait3A_782 = tpu.memref_slice %arg6[%dma_wait3A_779, %dma_wait3A_780, %dma_wait3A_781] : memref<3x480x16xf32, #tpu.memory_space<vmem>> -> memref<1x96x16xf32, #tpu.memory_space<vmem>>
      %dma_wait3A_783 = tpu.memref_squeeze %dma_wait3A_782 : memref<1x96x16xf32, #tpu.memory_space<vmem>> -> memref<96x16xf32, #tpu.memory_space<vmem>>
      %dma_wait3A_784 = arith.constant 0 : i32
      %dma_wait3A_785 = tpu.memref_slice %arg5[%add3A_613, %dma_wait3A_784] : memref<165x96xi32, #tpu.memory_space<vmem>> -> memref<1x96xi32, #tpu.memory_space<vmem>>
      %dma_wait3A_786 = tpu.memref_squeeze %dma_wait3A_785 : memref<1x96xi32, #tpu.memory_space<vmem>> -> memref<96xi32, #tpu.memory_space<vmem>>
      %dma_wait3A_787 = arith.constant 0 : i32
      %dma_wait3A_788 = arith.constant 0 : i32
      %dma_wait3A_789 = tpu.memref_slice %arg8[%dma_wait3A_787, %dma_wait3A_788] : memref<40008x16xf32, #tpu.memory_space<vmem_shared>> -> memref<40008x16xf32, #tpu.memory_space<vmem_shared>>
      tpu.wait_indirect_dma semaphore(%arg12 : memref<!tpu.dma_semaphore, #tpu.memory_space<semaphore_mem>>) src(%dma_wait3A_783 : memref<96x16xf32, #tpu.memory_space<vmem>>) dst(%dma_wait3A_789 : memref<40008x16xf32, #tpu.memory_space<vmem_shared>>)
    }
    %scan3A_110 = arith.constant 11 : i32
    %barrier3A_111 = arith.constant 0 : index
    tpu.barrier barrier_id(%barrier3A_111)
    %mul3A_112 = arith.constant 2500 : i32
    %mul3A_113 = arith.muli %arg1, %mul3A_112 : i32
    %mul3A_114 = arith.constant 2500 : i32
    %mul3A_115 = arith.muli %arg1, %mul3A_114 : i32
    "tpu.region"() ({
      %run_scoped3A = tpu.sem_alloc : memref<!tpu.dma_semaphore, #tpu.memory_space<semaphore_mem>>
      %dma_start3A = arith.constant 16 : i32
      %dma_start3A_276 = tpu.memref_slice %arg4[%arg0, %mul3A_115, %dma_start3A] : memref<2x40000x80xf32, #tpu.memory_space<hbm>> -> memref<1x2500x16xf32, #tpu.memory_space<hbm>>
      %dma_start3A_277 = tpu.memref_squeeze %dma_start3A_276 : memref<1x2500x16xf32, #tpu.memory_space<hbm>> -> memref<2500x16xf32, #tpu.memory_space<hbm>>
      %dma_start3A_278 = arith.constant 0 : i32
      %dma_start3A_279 = tpu.memref_slice %arg8[%mul3A_113, %dma_start3A_278] : memref<40008x16xf32, #tpu.memory_space<vmem_shared>> -> memref<2500x16xf32, #tpu.memory_space<vmem_shared>>
      tpu.enqueue_dma source(%dma_start3A_279 : memref<2500x16xf32, #tpu.memory_space<vmem_shared>>) target(%dma_start3A_277 : memref<2500x16xf32, #tpu.memory_space<hbm>>) target_semaphore(%run_scoped3A : memref<!tpu.dma_semaphore, #tpu.memory_space<semaphore_mem>>)
      %dma_wait3A = arith.constant 16 : i32
      %dma_wait3A_280 = tpu.memref_slice %arg4[%arg0, %mul3A_115, %dma_wait3A] : memref<2x40000x80xf32, #tpu.memory_space<hbm>> -> memref<1x2500x16xf32, #tpu.memory_space<hbm>>
      %dma_wait3A_281 = tpu.memref_squeeze %dma_wait3A_280 : memref<1x2500x16xf32, #tpu.memory_space<hbm>> -> memref<2500x16xf32, #tpu.memory_space<hbm>>
      %dma_wait3A_282 = arith.constant 0 : i32
      %dma_wait3A_283 = tpu.memref_slice %arg8[%mul3A_113, %dma_wait3A_282] : memref<40008x16xf32, #tpu.memory_space<vmem_shared>> -> memref<2500x16xf32, #tpu.memory_space<vmem_shared>>
      tpu.wait_dma2 semaphore(%run_scoped3A : memref<!tpu.dma_semaphore, #tpu.memory_space<semaphore_mem>>) src(%dma_wait3A_283 : memref<2500x16xf32, #tpu.memory_space<vmem_shared>>) dst(%dma_wait3A_281 : memref<2500x16xf32, #tpu.memory_space<hbm>>)
      tpu.yield
    }) : () -> ()
    %barrier3A_116 = arith.constant 0 : index
    tpu.barrier barrier_id(%barrier3A_116)
    %mul3A_117 = arith.constant 2500 : i32
    %mul3A_118 = arith.muli %arg1, %mul3A_117 : i32
    %add3A_119 = arith.constant 0 : i32
    %add3A_120 = arith.addi %mul3A_118, %add3A_119 : i32
    "tpu.region"() ({
      %run_scoped3A = tpu.sem_alloc : memref<!tpu.dma_semaphore, #tpu.memory_space<semaphore_mem>>
      %dma_start3A = arith.constant 0 : i32
      %dma_start3A_276 = tpu.memref_slice %arg8[%add3A_120, %dma_start3A] : memref<40008x16xf32, #tpu.memory_space<vmem_shared>> -> memref<250x16xf32, #tpu.memory_space<vmem_shared>>
      %dma_start3A_277 = arith.constant 0 : i32
      %dma_start3A_278 = tpu.memref_slice %arg8[%add3A_120, %dma_start3A_277] : memref<40008x16xf32, #tpu.memory_space<vmem_shared>> -> memref<250x16xf32, #tpu.memory_space<vmem_shared>>
      tpu.enqueue_dma source(%arg7 : memref<250x16xf32, #tpu.memory_space<vmem>>) target(%dma_start3A_278 : memref<250x16xf32, #tpu.memory_space<vmem_shared>>) target_semaphore(%run_scoped3A : memref<!tpu.dma_semaphore, #tpu.memory_space<semaphore_mem>>)
      %dma_wait3A = arith.constant 0 : i32
      %dma_wait3A_279 = tpu.memref_slice %arg8[%add3A_120, %dma_wait3A] : memref<40008x16xf32, #tpu.memory_space<vmem_shared>> -> memref<250x16xf32, #tpu.memory_space<vmem_shared>>
      %dma_wait3A_280 = arith.constant 0 : i32
      %dma_wait3A_281 = tpu.memref_slice %arg8[%add3A_120, %dma_wait3A_280] : memref<40008x16xf32, #tpu.memory_space<vmem_shared>> -> memref<250x16xf32, #tpu.memory_space<vmem_shared>>
      tpu.wait_dma2 semaphore(%run_scoped3A : memref<!tpu.dma_semaphore, #tpu.memory_space<semaphore_mem>>) src(%arg7 : memref<250x16xf32, #tpu.memory_space<vmem>>) dst(%dma_wait3A_281 : memref<250x16xf32, #tpu.memory_space<vmem_shared>>)
      tpu.yield
    }) : () -> ()
    %mul3A_121 = arith.constant 2500 : i32
    %mul3A_122 = arith.muli %arg1, %mul3A_121 : i32
    %add3A_123 = arith.constant 250 : i32
    %add3A_124 = arith.addi %mul3A_122, %add3A_123 : i32
    "tpu.region"() ({
      %run_scoped3A = tpu.sem_alloc : memref<!tpu.dma_semaphore, #tpu.memory_space<semaphore_mem>>
      %dma_start3A = arith.constant 0 : i32
      %dma_start3A_276 = tpu.memref_slice %arg8[%add3A_124, %dma_start3A] : memref<40008x16xf32, #tpu.memory_space<vmem_shared>> -> memref<250x16xf32, #tpu.memory_space<vmem_shared>>
      %dma_start3A_277 = arith.constant 0 : i32
      %dma_start3A_278 = tpu.memref_slice %arg8[%add3A_124, %dma_start3A_277] : memref<40008x16xf32, #tpu.memory_space<vmem_shared>> -> memref<250x16xf32, #tpu.memory_space<vmem_shared>>
      tpu.enqueue_dma source(%arg7 : memref<250x16xf32, #tpu.memory_space<vmem>>) target(%dma_start3A_278 : memref<250x16xf32, #tpu.memory_space<vmem_shared>>) target_semaphore(%run_scoped3A : memref<!tpu.dma_semaphore, #tpu.memory_space<semaphore_mem>>)
      %dma_wait3A = arith.constant 0 : i32
      %dma_wait3A_279 = tpu.memref_slice %arg8[%add3A_124, %dma_wait3A] : memref<40008x16xf32, #tpu.memory_space<vmem_shared>> -> memref<250x16xf32, #tpu.memory_space<vmem_shared>>
      %dma_wait3A_280 = arith.constant 0 : i32
      %dma_wait3A_281 = tpu.memref_slice %arg8[%add3A_124, %dma_wait3A_280] : memref<40008x16xf32, #tpu.memory_space<vmem_shared>> -> memref<250x16xf32, #tpu.memory_space<vmem_shared>>
      tpu.wait_dma2 semaphore(%run_scoped3A : memref<!tpu.dma_semaphore, #tpu.memory_space<semaphore_mem>>) src(%arg7 : memref<250x16xf32, #tpu.memory_space<vmem>>) dst(%dma_wait3A_281 : memref<250x16xf32, #tpu.memory_space<vmem_shared>>)
      tpu.yield
    }) : () -> ()
    %mul3A_125 = arith.constant 2500 : i32
    %mul3A_126 = arith.muli %arg1, %mul3A_125 : i32
    %add3A_127 = arith.constant 500 : i32
    %add3A_128 = arith.addi %mul3A_126, %add3A_127 : i32
    "tpu.region"() ({
      %run_scoped3A = tpu.sem_alloc : memref<!tpu.dma_semaphore, #tpu.memory_space<semaphore_mem>>
      %dma_start3A = arith.constant 0 : i32
      %dma_start3A_276 = tpu.memref_slice %arg8[%add3A_128, %dma_start3A] : memref<40008x16xf32, #tpu.memory_space<vmem_shared>> -> memref<250x16xf32, #tpu.memory_space<vmem_shared>>
      %dma_start3A_277 = arith.constant 0 : i32
      %dma_start3A_278 = tpu.memref_slice %arg8[%add3A_128, %dma_start3A_277] : memref<40008x16xf32, #tpu.memory_space<vmem_shared>> -> memref<250x16xf32, #tpu.memory_space<vmem_shared>>
      tpu.enqueue_dma source(%arg7 : memref<250x16xf32, #tpu.memory_space<vmem>>) target(%dma_start3A_278 : memref<250x16xf32, #tpu.memory_space<vmem_shared>>) target_semaphore(%run_scoped3A : memref<!tpu.dma_semaphore, #tpu.memory_space<semaphore_mem>>)
      %dma_wait3A = arith.constant 0 : i32
      %dma_wait3A_279 = tpu.memref_slice %arg8[%add3A_128, %dma_wait3A] : memref<40008x16xf32, #tpu.memory_space<vmem_shared>> -> memref<250x16xf32, #tpu.memory_space<vmem_shared>>
      %dma_wait3A_280 = arith.constant 0 : i32
      %dma_wait3A_281 = tpu.memref_slice %arg8[%add3A_128, %dma_wait3A_280] : memref<40008x16xf32, #tpu.memory_space<vmem_shared>> -> memref<250x16xf32, #tpu.memory_space<vmem_shared>>
      tpu.wait_dma2 semaphore(%run_scoped3A : memref<!tpu.dma_semaphore, #tpu.memory_space<semaphore_mem>>) src(%arg7 : memref<250x16xf32, #tpu.memory_space<vmem>>) dst(%dma_wait3A_281 : memref<250x16xf32, #tpu.memory_space<vmem_shared>>)
      tpu.yield
    }) : () -> ()
    %mul3A_129 = arith.constant 2500 : i32
    %mul3A_130 = arith.muli %arg1, %mul3A_129 : i32
    %add3A_131 = arith.constant 750 : i32
    %add3A_132 = arith.addi %mul3A_130, %add3A_131 : i32
    "tpu.region"() ({
      %run_scoped3A = tpu.sem_alloc : memref<!tpu.dma_semaphore, #tpu.memory_space<semaphore_mem>>
      %dma_start3A = arith.constant 0 : i32
      %dma_start3A_276 = tpu.memref_slice %arg8[%add3A_132, %dma_start3A] : memref<40008x16xf32, #tpu.memory_space<vmem_shared>> -> memref<250x16xf32, #tpu.memory_space<vmem_shared>>
      %dma_start3A_277 = arith.constant 0 : i32
      %dma_start3A_278 = tpu.memref_slice %arg8[%add3A_132, %dma_start3A_277] : memref<40008x16xf32, #tpu.memory_space<vmem_shared>> -> memref<250x16xf32, #tpu.memory_space<vmem_shared>>
      tpu.enqueue_dma source(%arg7 : memref<250x16xf32, #tpu.memory_space<vmem>>) target(%dma_start3A_278 : memref<250x16xf32, #tpu.memory_space<vmem_shared>>) target_semaphore(%run_scoped3A : memref<!tpu.dma_semaphore, #tpu.memory_space<semaphore_mem>>)
      %dma_wait3A = arith.constant 0 : i32
      %dma_wait3A_279 = tpu.memref_slice %arg8[%add3A_132, %dma_wait3A] : memref<40008x16xf32, #tpu.memory_space<vmem_shared>> -> memref<250x16xf32, #tpu.memory_space<vmem_shared>>
      %dma_wait3A_280 = arith.constant 0 : i32
      %dma_wait3A_281 = tpu.memref_slice %arg8[%add3A_132, %dma_wait3A_280] : memref<40008x16xf32, #tpu.memory_space<vmem_shared>> -> memref<250x16xf32, #tpu.memory_space<vmem_shared>>
      tpu.wait_dma2 semaphore(%run_scoped3A : memref<!tpu.dma_semaphore, #tpu.memory_space<semaphore_mem>>) src(%arg7 : memref<250x16xf32, #tpu.memory_space<vmem>>) dst(%dma_wait3A_281 : memref<250x16xf32, #tpu.memory_space<vmem_shared>>)
      tpu.yield
    }) : () -> ()
    %mul3A_133 = arith.constant 2500 : i32
    %mul3A_134 = arith.muli %arg1, %mul3A_133 : i32
    %add3A_135 = arith.constant 1000 : i32
    %add3A_136 = arith.addi %mul3A_134, %add3A_135 : i32
    "tpu.region"() ({
      %run_scoped3A = tpu.sem_alloc : memref<!tpu.dma_semaphore, #tpu.memory_space<semaphore_mem>>
      %dma_start3A = arith.constant 0 : i32
      %dma_start3A_276 = tpu.memref_slice %arg8[%add3A_136, %dma_start3A] : memref<40008x16xf32, #tpu.memory_space<vmem_shared>> -> memref<250x16xf32, #tpu.memory_space<vmem_shared>>
      %dma_start3A_277 = arith.constant 0 : i32
      %dma_start3A_278 = tpu.memref_slice %arg8[%add3A_136, %dma_start3A_277] : memref<40008x16xf32, #tpu.memory_space<vmem_shared>> -> memref<250x16xf32, #tpu.memory_space<vmem_shared>>
      tpu.enqueue_dma source(%arg7 : memref<250x16xf32, #tpu.memory_space<vmem>>) target(%dma_start3A_278 : memref<250x16xf32, #tpu.memory_space<vmem_shared>>) target_semaphore(%run_scoped3A : memref<!tpu.dma_semaphore, #tpu.memory_space<semaphore_mem>>)
      %dma_wait3A = arith.constant 0 : i32
      %dma_wait3A_279 = tpu.memref_slice %arg8[%add3A_136, %dma_wait3A] : memref<40008x16xf32, #tpu.memory_space<vmem_shared>> -> memref<250x16xf32, #tpu.memory_space<vmem_shared>>
      %dma_wait3A_280 = arith.constant 0 : i32
      %dma_wait3A_281 = tpu.memref_slice %arg8[%add3A_136, %dma_wait3A_280] : memref<40008x16xf32, #tpu.memory_space<vmem_shared>> -> memref<250x16xf32, #tpu.memory_space<vmem_shared>>
      tpu.wait_dma2 semaphore(%run_scoped3A : memref<!tpu.dma_semaphore, #tpu.memory_space<semaphore_mem>>) src(%arg7 : memref<250x16xf32, #tpu.memory_space<vmem>>) dst(%dma_wait3A_281 : memref<250x16xf32, #tpu.memory_space<vmem_shared>>)
      tpu.yield
    }) : () -> ()
    %mul3A_137 = arith.constant 2500 : i32
    %mul3A_138 = arith.muli %arg1, %mul3A_137 : i32
    %add3A_139 = arith.constant 1250 : i32
    %add3A_140 = arith.addi %mul3A_138, %add3A_139 : i32
    "tpu.region"() ({
      %run_scoped3A = tpu.sem_alloc : memref<!tpu.dma_semaphore, #tpu.memory_space<semaphore_mem>>
      %dma_start3A = arith.constant 0 : i32
      %dma_start3A_276 = tpu.memref_slice %arg8[%add3A_140, %dma_start3A] : memref<40008x16xf32, #tpu.memory_space<vmem_shared>> -> memref<250x16xf32, #tpu.memory_space<vmem_shared>>
      %dma_start3A_277 = arith.constant 0 : i32
      %dma_start3A_278 = tpu.memref_slice %arg8[%add3A_140, %dma_start3A_277] : memref<40008x16xf32, #tpu.memory_space<vmem_shared>> -> memref<250x16xf32, #tpu.memory_space<vmem_shared>>
      tpu.enqueue_dma source(%arg7 : memref<250x16xf32, #tpu.memory_space<vmem>>) target(%dma_start3A_278 : memref<250x16xf32, #tpu.memory_space<vmem_shared>>) target_semaphore(%run_scoped3A : memref<!tpu.dma_semaphore, #tpu.memory_space<semaphore_mem>>)
      %dma_wait3A = arith.constant 0 : i32
      %dma_wait3A_279 = tpu.memref_slice %arg8[%add3A_140, %dma_wait3A] : memref<40008x16xf32, #tpu.memory_space<vmem_shared>> -> memref<250x16xf32, #tpu.memory_space<vmem_shared>>
      %dma_wait3A_280 = arith.constant 0 : i32
      %dma_wait3A_281 = tpu.memref_slice %arg8[%add3A_140, %dma_wait3A_280] : memref<40008x16xf32, #tpu.memory_space<vmem_shared>> -> memref<250x16xf32, #tpu.memory_space<vmem_shared>>
      tpu.wait_dma2 semaphore(%run_scoped3A : memref<!tpu.dma_semaphore, #tpu.memory_space<semaphore_mem>>) src(%arg7 : memref<250x16xf32, #tpu.memory_space<vmem>>) dst(%dma_wait3A_281 : memref<250x16xf32, #tpu.memory_space<vmem_shared>>)
      tpu.yield
    }) : () -> ()
    %mul3A_141 = arith.constant 2500 : i32
    %mul3A_142 = arith.muli %arg1, %mul3A_141 : i32
    %add3A_143 = arith.constant 1500 : i32
    %add3A_144 = arith.addi %mul3A_142, %add3A_143 : i32
    "tpu.region"() ({
      %run_scoped3A = tpu.sem_alloc : memref<!tpu.dma_semaphore, #tpu.memory_space<semaphore_mem>>
      %dma_start3A = arith.constant 0 : i32
      %dma_start3A_276 = tpu.memref_slice %arg8[%add3A_144, %dma_start3A] : memref<40008x16xf32, #tpu.memory_space<vmem_shared>> -> memref<250x16xf32, #tpu.memory_space<vmem_shared>>
      %dma_start3A_277 = arith.constant 0 : i32
      %dma_start3A_278 = tpu.memref_slice %arg8[%add3A_144, %dma_start3A_277] : memref<40008x16xf32, #tpu.memory_space<vmem_shared>> -> memref<250x16xf32, #tpu.memory_space<vmem_shared>>
      tpu.enqueue_dma source(%arg7 : memref<250x16xf32, #tpu.memory_space<vmem>>) target(%dma_start3A_278 : memref<250x16xf32, #tpu.memory_space<vmem_shared>>) target_semaphore(%run_scoped3A : memref<!tpu.dma_semaphore, #tpu.memory_space<semaphore_mem>>)
      %dma_wait3A = arith.constant 0 : i32
      %dma_wait3A_279 = tpu.memref_slice %arg8[%add3A_144, %dma_wait3A] : memref<40008x16xf32, #tpu.memory_space<vmem_shared>> -> memref<250x16xf32, #tpu.memory_space<vmem_shared>>
      %dma_wait3A_280 = arith.constant 0 : i32
      %dma_wait3A_281 = tpu.memref_slice %arg8[%add3A_144, %dma_wait3A_280] : memref<40008x16xf32, #tpu.memory_space<vmem_shared>> -> memref<250x16xf32, #tpu.memory_space<vmem_shared>>
      tpu.wait_dma2 semaphore(%run_scoped3A : memref<!tpu.dma_semaphore, #tpu.memory_space<semaphore_mem>>) src(%arg7 : memref<250x16xf32, #tpu.memory_space<vmem>>) dst(%dma_wait3A_281 : memref<250x16xf32, #tpu.memory_space<vmem_shared>>)
      tpu.yield
    }) : () -> ()
    %mul3A_145 = arith.constant 2500 : i32
    %mul3A_146 = arith.muli %arg1, %mul3A_145 : i32
    %add3A_147 = arith.constant 1750 : i32
    %add3A_148 = arith.addi %mul3A_146, %add3A_147 : i32
    "tpu.region"() ({
      %run_scoped3A = tpu.sem_alloc : memref<!tpu.dma_semaphore, #tpu.memory_space<semaphore_mem>>
      %dma_start3A = arith.constant 0 : i32
      %dma_start3A_276 = tpu.memref_slice %arg8[%add3A_148, %dma_start3A] : memref<40008x16xf32, #tpu.memory_space<vmem_shared>> -> memref<250x16xf32, #tpu.memory_space<vmem_shared>>
      %dma_start3A_277 = arith.constant 0 : i32
      %dma_start3A_278 = tpu.memref_slice %arg8[%add3A_148, %dma_start3A_277] : memref<40008x16xf32, #tpu.memory_space<vmem_shared>> -> memref<250x16xf32, #tpu.memory_space<vmem_shared>>
      tpu.enqueue_dma source(%arg7 : memref<250x16xf32, #tpu.memory_space<vmem>>) target(%dma_start3A_278 : memref<250x16xf32, #tpu.memory_space<vmem_shared>>) target_semaphore(%run_scoped3A : memref<!tpu.dma_semaphore, #tpu.memory_space<semaphore_mem>>)
      %dma_wait3A = arith.constant 0 : i32
      %dma_wait3A_279 = tpu.memref_slice %arg8[%add3A_148, %dma_wait3A] : memref<40008x16xf32, #tpu.memory_space<vmem_shared>> -> memref<250x16xf32, #tpu.memory_space<vmem_shared>>
      %dma_wait3A_280 = arith.constant 0 : i32
      %dma_wait3A_281 = tpu.memref_slice %arg8[%add3A_148, %dma_wait3A_280] : memref<40008x16xf32, #tpu.memory_space<vmem_shared>> -> memref<250x16xf32, #tpu.memory_space<vmem_shared>>
      tpu.wait_dma2 semaphore(%run_scoped3A : memref<!tpu.dma_semaphore, #tpu.memory_space<semaphore_mem>>) src(%arg7 : memref<250x16xf32, #tpu.memory_space<vmem>>) dst(%dma_wait3A_281 : memref<250x16xf32, #tpu.memory_space<vmem_shared>>)
      tpu.yield
    }) : () -> ()
    %mul3A_149 = arith.constant 2500 : i32
    %mul3A_150 = arith.muli %arg1, %mul3A_149 : i32
    %add3A_151 = arith.constant 2000 : i32
    %add3A_152 = arith.addi %mul3A_150, %add3A_151 : i32
    "tpu.region"() ({
      %run_scoped3A = tpu.sem_alloc : memref<!tpu.dma_semaphore, #tpu.memory_space<semaphore_mem>>
      %dma_start3A = arith.constant 0 : i32
      %dma_start3A_276 = tpu.memref_slice %arg8[%add3A_152, %dma_start3A] : memref<40008x16xf32, #tpu.memory_space<vmem_shared>> -> memref<250x16xf32, #tpu.memory_space<vmem_shared>>
      %dma_start3A_277 = arith.constant 0 : i32
      %dma_start3A_278 = tpu.memref_slice %arg8[%add3A_152, %dma_start3A_277] : memref<40008x16xf32, #tpu.memory_space<vmem_shared>> -> memref<250x16xf32, #tpu.memory_space<vmem_shared>>
      tpu.enqueue_dma source(%arg7 : memref<250x16xf32, #tpu.memory_space<vmem>>) target(%dma_start3A_278 : memref<250x16xf32, #tpu.memory_space<vmem_shared>>) target_semaphore(%run_scoped3A : memref<!tpu.dma_semaphore, #tpu.memory_space<semaphore_mem>>)
      %dma_wait3A = arith.constant 0 : i32
      %dma_wait3A_279 = tpu.memref_slice %arg8[%add3A_152, %dma_wait3A] : memref<40008x16xf32, #tpu.memory_space<vmem_shared>> -> memref<250x16xf32, #tpu.memory_space<vmem_shared>>
      %dma_wait3A_280 = arith.constant 0 : i32
      %dma_wait3A_281 = tpu.memref_slice %arg8[%add3A_152, %dma_wait3A_280] : memref<40008x16xf32, #tpu.memory_space<vmem_shared>> -> memref<250x16xf32, #tpu.memory_space<vmem_shared>>
      tpu.wait_dma2 semaphore(%run_scoped3A : memref<!tpu.dma_semaphore, #tpu.memory_space<semaphore_mem>>) src(%arg7 : memref<250x16xf32, #tpu.memory_space<vmem>>) dst(%dma_wait3A_281 : memref<250x16xf32, #tpu.memory_space<vmem_shared>>)
      tpu.yield
    }) : () -> ()
    %mul3A_153 = arith.constant 2500 : i32
    %mul3A_154 = arith.muli %arg1, %mul3A_153 : i32
    %add3A_155 = arith.constant 2250 : i32
    %add3A_156 = arith.addi %mul3A_154, %add3A_155 : i32
    "tpu.region"() ({
      %run_scoped3A = tpu.sem_alloc : memref<!tpu.dma_semaphore, #tpu.memory_space<semaphore_mem>>
      %dma_start3A = arith.constant 0 : i32
      %dma_start3A_276 = tpu.memref_slice %arg8[%add3A_156, %dma_start3A] : memref<40008x16xf32, #tpu.memory_space<vmem_shared>> -> memref<250x16xf32, #tpu.memory_space<vmem_shared>>
      %dma_start3A_277 = arith.constant 0 : i32
      %dma_start3A_278 = tpu.memref_slice %arg8[%add3A_156, %dma_start3A_277] : memref<40008x16xf32, #tpu.memory_space<vmem_shared>> -> memref<250x16xf32, #tpu.memory_space<vmem_shared>>
      tpu.enqueue_dma source(%arg7 : memref<250x16xf32, #tpu.memory_space<vmem>>) target(%dma_start3A_278 : memref<250x16xf32, #tpu.memory_space<vmem_shared>>) target_semaphore(%run_scoped3A : memref<!tpu.dma_semaphore, #tpu.memory_space<semaphore_mem>>)
      %dma_wait3A = arith.constant 0 : i32
      %dma_wait3A_279 = tpu.memref_slice %arg8[%add3A_156, %dma_wait3A] : memref<40008x16xf32, #tpu.memory_space<vmem_shared>> -> memref<250x16xf32, #tpu.memory_space<vmem_shared>>
      %dma_wait3A_280 = arith.constant 0 : i32
      %dma_wait3A_281 = tpu.memref_slice %arg8[%add3A_156, %dma_wait3A_280] : memref<40008x16xf32, #tpu.memory_space<vmem_shared>> -> memref<250x16xf32, #tpu.memory_space<vmem_shared>>
      tpu.wait_dma2 semaphore(%run_scoped3A : memref<!tpu.dma_semaphore, #tpu.memory_space<semaphore_mem>>) src(%arg7 : memref<250x16xf32, #tpu.memory_space<vmem>>) dst(%dma_wait3A_281 : memref<250x16xf32, #tpu.memory_space<vmem_shared>>)
      tpu.yield
    }) : () -> ()
    %barrier3A_157 = arith.constant 0 : index
    tpu.barrier barrier_id(%barrier3A_157)
    %scan3A_158 = arith.constant 0 : i32
    %scan3A_159 = arith.constant 0 : i32
    %scan3A_160 = arith.constant 11 : i32
    %scan3A_161 = arith.addi %scan3A_159, %scan3A_160 : i32
    %scan3A_162 = arith.constant 1 : i32
    scf.for %scan3A_276 = %scan3A_159 to %scan3A_161 step %scan3A_162  : i32 {
      %mul3A_277 = arith.constant 3 : i32
      %mul3A_278 = arith.muli %scan3A_276, %mul3A_277 : i32
      %add3A_279 = arith.constant 0 : i32
      %add3A_280 = arith.addi %mul3A_278, %add3A_279 : i32
      %mul3A_281 = arith.constant 480 : i32
      %mul3A_282 = arith.muli %add3A_280, %mul3A_281 : i32
      %add3A_283 = arith.addi %add3A_5, %mul3A_282 : i32
      %dma_start3A = arith.constant 0 : i32
      %dma_start3A_284 = arith.constant 0 : i32
      %dma_start3A_285 = arith.constant 0 : i32
      %dma_start3A_286 = tpu.memref_slice %arg6[%dma_start3A, %dma_start3A_284, %dma_start3A_285] : memref<3x480x16xf32, #tpu.memory_space<vmem>> -> memref<1x480x16xf32, #tpu.memory_space<vmem>>
      %dma_start3A_287 = tpu.memref_squeeze %dma_start3A_286 : memref<1x480x16xf32, #tpu.memory_space<vmem>> -> memref<480x16xf32, #tpu.memory_space<vmem>>
      %dma_start3A_288 = arith.constant 32 : i32
      %dma_start3A_289 = tpu.memref_slice %arg3[%add3A_283, %dma_start3A_288] : memref<506880x80xf32, #tpu.memory_space<hbm>> -> memref<480x16xf32, #tpu.memory_space<hbm>>
      %dma_start3A_290 = arith.constant 0 : i32
      %dma_start3A_291 = arith.constant 0 : i32
      %dma_start3A_292 = tpu.memref_slice %arg6[%dma_start3A, %dma_start3A_290, %dma_start3A_291] : memref<3x480x16xf32, #tpu.memory_space<vmem>> -> memref<1x480x16xf32, #tpu.memory_space<vmem>>
      %dma_start3A_293 = tpu.memref_squeeze %dma_start3A_292 : memref<1x480x16xf32, #tpu.memory_space<vmem>> -> memref<480x16xf32, #tpu.memory_space<vmem>>
      %dma_start3A_294 = arith.constant 32 : i32
      %dma_start3A_295 = tpu.memref_slice %arg3[%add3A_283, %dma_start3A_294] : memref<506880x80xf32, #tpu.memory_space<hbm>> -> memref<480x16xf32, #tpu.memory_space<hbm>>
      tpu.enqueue_dma source(%dma_start3A_295 : memref<480x16xf32, #tpu.memory_space<hbm>>) target(%dma_start3A_293 : memref<480x16xf32, #tpu.memory_space<vmem>>) target_semaphore(%arg9 : memref<!tpu.dma_semaphore, #tpu.memory_space<semaphore_mem>>)
      %add3A_296 = arith.constant 1 : i32
      %add3A_297 = arith.addi %mul3A_278, %add3A_296 : i32
      %mul3A_298 = arith.constant 480 : i32
      %mul3A_299 = arith.muli %add3A_297, %mul3A_298 : i32
      %add3A_300 = arith.addi %add3A_5, %mul3A_299 : i32
      %dma_start3A_301 = arith.constant 1 : i32
      %dma_start3A_302 = arith.constant 0 : i32
      %dma_start3A_303 = arith.constant 0 : i32
      %dma_start3A_304 = tpu.memref_slice %arg6[%dma_start3A_301, %dma_start3A_302, %dma_start3A_303] : memref<3x480x16xf32, #tpu.memory_space<vmem>> -> memref<1x480x16xf32, #tpu.memory_space<vmem>>
      %dma_start3A_305 = tpu.memref_squeeze %dma_start3A_304 : memref<1x480x16xf32, #tpu.memory_space<vmem>> -> memref<480x16xf32, #tpu.memory_space<vmem>>
      %dma_start3A_306 = arith.constant 32 : i32
      %dma_start3A_307 = tpu.memref_slice %arg3[%add3A_300, %dma_start3A_306] : memref<506880x80xf32, #tpu.memory_space<hbm>> -> memref<480x16xf32, #tpu.memory_space<hbm>>
      %dma_start3A_308 = arith.constant 0 : i32
      %dma_start3A_309 = arith.constant 0 : i32
      %dma_start3A_310 = tpu.memref_slice %arg6[%dma_start3A_301, %dma_start3A_308, %dma_start3A_309] : memref<3x480x16xf32, #tpu.memory_space<vmem>> -> memref<1x480x16xf32, #tpu.memory_space<vmem>>
      %dma_start3A_311 = tpu.memref_squeeze %dma_start3A_310 : memref<1x480x16xf32, #tpu.memory_space<vmem>> -> memref<480x16xf32, #tpu.memory_space<vmem>>
      %dma_start3A_312 = arith.constant 32 : i32
      %dma_start3A_313 = tpu.memref_slice %arg3[%add3A_300, %dma_start3A_312] : memref<506880x80xf32, #tpu.memory_space<hbm>> -> memref<480x16xf32, #tpu.memory_space<hbm>>
      tpu.enqueue_dma source(%dma_start3A_313 : memref<480x16xf32, #tpu.memory_space<hbm>>) target(%dma_start3A_311 : memref<480x16xf32, #tpu.memory_space<vmem>>) target_semaphore(%arg10 : memref<!tpu.dma_semaphore, #tpu.memory_space<semaphore_mem>>)
      %add3A_314 = arith.constant 2 : i32
      %add3A_315 = arith.addi %mul3A_278, %add3A_314 : i32
      %mul3A_316 = arith.constant 480 : i32
      %mul3A_317 = arith.muli %add3A_315, %mul3A_316 : i32
      %add3A_318 = arith.addi %add3A_5, %mul3A_317 : i32
      %dma_start3A_319 = arith.constant 2 : i32
      %dma_start3A_320 = arith.constant 0 : i32
      %dma_start3A_321 = arith.constant 0 : i32
      %dma_start3A_322 = tpu.memref_slice %arg6[%dma_start3A_319, %dma_start3A_320, %dma_start3A_321] : memref<3x480x16xf32, #tpu.memory_space<vmem>> -> memref<1x480x16xf32, #tpu.memory_space<vmem>>
      %dma_start3A_323 = tpu.memref_squeeze %dma_start3A_322 : memref<1x480x16xf32, #tpu.memory_space<vmem>> -> memref<480x16xf32, #tpu.memory_space<vmem>>
      %dma_start3A_324 = arith.constant 32 : i32
      %dma_start3A_325 = tpu.memref_slice %arg3[%add3A_318, %dma_start3A_324] : memref<506880x80xf32, #tpu.memory_space<hbm>> -> memref<480x16xf32, #tpu.memory_space<hbm>>
      %dma_start3A_326 = arith.constant 0 : i32
      %dma_start3A_327 = arith.constant 0 : i32
      %dma_start3A_328 = tpu.memref_slice %arg6[%dma_start3A_319, %dma_start3A_326, %dma_start3A_327] : memref<3x480x16xf32, #tpu.memory_space<vmem>> -> memref<1x480x16xf32, #tpu.memory_space<vmem>>
      %dma_start3A_329 = tpu.memref_squeeze %dma_start3A_328 : memref<1x480x16xf32, #tpu.memory_space<vmem>> -> memref<480x16xf32, #tpu.memory_space<vmem>>
      %dma_start3A_330 = arith.constant 32 : i32
      %dma_start3A_331 = tpu.memref_slice %arg3[%add3A_318, %dma_start3A_330] : memref<506880x80xf32, #tpu.memory_space<hbm>> -> memref<480x16xf32, #tpu.memory_space<hbm>>
      tpu.enqueue_dma source(%dma_start3A_331 : memref<480x16xf32, #tpu.memory_space<hbm>>) target(%dma_start3A_329 : memref<480x16xf32, #tpu.memory_space<vmem>>) target_semaphore(%arg11 : memref<!tpu.dma_semaphore, #tpu.memory_space<semaphore_mem>>)
      %dma_wait3A = arith.constant 0 : i32
      %dma_wait3A_332 = arith.constant 0 : i32
      %dma_wait3A_333 = arith.constant 0 : i32
      %dma_wait3A_334 = tpu.memref_slice %arg6[%dma_wait3A, %dma_wait3A_332, %dma_wait3A_333] : memref<3x480x16xf32, #tpu.memory_space<vmem>> -> memref<1x480x16xf32, #tpu.memory_space<vmem>>
      %dma_wait3A_335 = tpu.memref_squeeze %dma_wait3A_334 : memref<1x480x16xf32, #tpu.memory_space<vmem>> -> memref<480x16xf32, #tpu.memory_space<vmem>>
      %dma_wait3A_336 = arith.constant 32 : i32
      %dma_wait3A_337 = tpu.memref_slice %arg3[%add3A_283, %dma_wait3A_336] : memref<506880x80xf32, #tpu.memory_space<hbm>> -> memref<480x16xf32, #tpu.memory_space<hbm>>
      %dma_wait3A_338 = arith.constant 0 : i32
      %dma_wait3A_339 = arith.constant 0 : i32
      %dma_wait3A_340 = tpu.memref_slice %arg6[%dma_wait3A, %dma_wait3A_338, %dma_wait3A_339] : memref<3x480x16xf32, #tpu.memory_space<vmem>> -> memref<1x480x16xf32, #tpu.memory_space<vmem>>
      %dma_wait3A_341 = tpu.memref_squeeze %dma_wait3A_340 : memref<1x480x16xf32, #tpu.memory_space<vmem>> -> memref<480x16xf32, #tpu.memory_space<vmem>>
      %dma_wait3A_342 = arith.constant 32 : i32
      %dma_wait3A_343 = tpu.memref_slice %arg3[%add3A_283, %dma_wait3A_342] : memref<506880x80xf32, #tpu.memory_space<hbm>> -> memref<480x16xf32, #tpu.memory_space<hbm>>
      tpu.wait_dma2 semaphore(%arg9 : memref<!tpu.dma_semaphore, #tpu.memory_space<semaphore_mem>>) src(%dma_wait3A_343 : memref<480x16xf32, #tpu.memory_space<hbm>>) dst(%dma_wait3A_341 : memref<480x16xf32, #tpu.memory_space<vmem>>)
      %add3A_344 = arith.constant 0 : i32
      %add3A_345 = arith.addi %mul3A_278, %add3A_344 : i32
      %mul3A_346 = arith.constant 5 : i32
      %mul3A_347 = arith.muli %add3A_345, %mul3A_346 : i32
      %add3A_348 = arith.constant 0 : i32
      %add3A_349 = arith.addi %mul3A_347, %add3A_348 : i32
      %dma_start3A_350 = arith.constant 0 : i32
      %dma_start3A_351 = arith.constant 0 : i32
      %dma_start3A_352 = arith.constant 0 : i32
      %dma_start3A_353 = tpu.memref_slice %arg6[%dma_start3A_350, %dma_start3A_351, %dma_start3A_352] : memref<3x480x16xf32, #tpu.memory_space<vmem>> -> memref<1x96x16xf32, #tpu.memory_space<vmem>>
      %dma_start3A_354 = tpu.memref_squeeze %dma_start3A_353 : memref<1x96x16xf32, #tpu.memory_space<vmem>> -> memref<96x16xf32, #tpu.memory_space<vmem>>
      %dma_start3A_355 = arith.constant 0 : i32
      %dma_start3A_356 = tpu.memref_slice %arg5[%add3A_349, %dma_start3A_355] : memref<165x96xi32, #tpu.memory_space<vmem>> -> memref<1x96xi32, #tpu.memory_space<vmem>>
      %dma_start3A_357 = tpu.memref_squeeze %dma_start3A_356 : memref<1x96xi32, #tpu.memory_space<vmem>> -> memref<96xi32, #tpu.memory_space<vmem>>
      %dma_start3A_358 = arith.constant 0 : i32
      %dma_start3A_359 = arith.constant 0 : i32
      %dma_start3A_360 = tpu.memref_slice %arg8[%dma_start3A_358, %dma_start3A_359] : memref<40008x16xf32, #tpu.memory_space<vmem_shared>> -> memref<40008x16xf32, #tpu.memory_space<vmem_shared>>
      tpu.enqueue_indirect_dma source(%dma_start3A_354 : memref<96x16xf32, #tpu.memory_space<vmem>>) target(%dma_start3A_360 : memref<40008x16xf32, #tpu.memory_space<vmem_shared>>) offsets(%dma_start3A_357 : memref<96xi32, #tpu.memory_space<vmem>>) semaphore(%arg12 : memref<!tpu.dma_semaphore, #tpu.memory_space<semaphore_mem>>) {add = true}
      %add3A_361 = arith.constant 0 : i32
      %add3A_362 = arith.addi %mul3A_278, %add3A_361 : i32
      %mul3A_363 = arith.constant 5 : i32
      %mul3A_364 = arith.muli %add3A_362, %mul3A_363 : i32
      %add3A_365 = arith.constant 1 : i32
      %add3A_366 = arith.addi %mul3A_364, %add3A_365 : i32
      %dma_start3A_367 = arith.constant 0 : i32
      %dma_start3A_368 = arith.constant 96 : i32
      %dma_start3A_369 = arith.constant 0 : i32
      %dma_start3A_370 = tpu.memref_slice %arg6[%dma_start3A_367, %dma_start3A_368, %dma_start3A_369] : memref<3x480x16xf32, #tpu.memory_space<vmem>> -> memref<1x96x16xf32, #tpu.memory_space<vmem>>
      %dma_start3A_371 = tpu.memref_squeeze %dma_start3A_370 : memref<1x96x16xf32, #tpu.memory_space<vmem>> -> memref<96x16xf32, #tpu.memory_space<vmem>>
      %dma_start3A_372 = arith.constant 0 : i32
      %dma_start3A_373 = tpu.memref_slice %arg5[%add3A_366, %dma_start3A_372] : memref<165x96xi32, #tpu.memory_space<vmem>> -> memref<1x96xi32, #tpu.memory_space<vmem>>
      %dma_start3A_374 = tpu.memref_squeeze %dma_start3A_373 : memref<1x96xi32, #tpu.memory_space<vmem>> -> memref<96xi32, #tpu.memory_space<vmem>>
      %dma_start3A_375 = arith.constant 0 : i32
      %dma_start3A_376 = arith.constant 0 : i32
      %dma_start3A_377 = tpu.memref_slice %arg8[%dma_start3A_375, %dma_start3A_376] : memref<40008x16xf32, #tpu.memory_space<vmem_shared>> -> memref<40008x16xf32, #tpu.memory_space<vmem_shared>>
      tpu.enqueue_indirect_dma source(%dma_start3A_371 : memref<96x16xf32, #tpu.memory_space<vmem>>) target(%dma_start3A_377 : memref<40008x16xf32, #tpu.memory_space<vmem_shared>>) offsets(%dma_start3A_374 : memref<96xi32, #tpu.memory_space<vmem>>) semaphore(%arg12 : memref<!tpu.dma_semaphore, #tpu.memory_space<semaphore_mem>>) {add = true}
      %add3A_378 = arith.constant 0 : i32
      %add3A_379 = arith.addi %mul3A_278, %add3A_378 : i32
      %mul3A_380 = arith.constant 5 : i32
      %mul3A_381 = arith.muli %add3A_379, %mul3A_380 : i32
      %add3A_382 = arith.constant 2 : i32
      %add3A_383 = arith.addi %mul3A_381, %add3A_382 : i32
      %dma_start3A_384 = arith.constant 0 : i32
      %dma_start3A_385 = arith.constant 192 : i32
      %dma_start3A_386 = arith.constant 0 : i32
      %dma_start3A_387 = tpu.memref_slice %arg6[%dma_start3A_384, %dma_start3A_385, %dma_start3A_386] : memref<3x480x16xf32, #tpu.memory_space<vmem>> -> memref<1x96x16xf32, #tpu.memory_space<vmem>>
      %dma_start3A_388 = tpu.memref_squeeze %dma_start3A_387 : memref<1x96x16xf32, #tpu.memory_space<vmem>> -> memref<96x16xf32, #tpu.memory_space<vmem>>
      %dma_start3A_389 = arith.constant 0 : i32
      %dma_start3A_390 = tpu.memref_slice %arg5[%add3A_383, %dma_start3A_389] : memref<165x96xi32, #tpu.memory_space<vmem>> -> memref<1x96xi32, #tpu.memory_space<vmem>>
      %dma_start3A_391 = tpu.memref_squeeze %dma_start3A_390 : memref<1x96xi32, #tpu.memory_space<vmem>> -> memref<96xi32, #tpu.memory_space<vmem>>
      %dma_start3A_392 = arith.constant 0 : i32
      %dma_start3A_393 = arith.constant 0 : i32
      %dma_start3A_394 = tpu.memref_slice %arg8[%dma_start3A_392, %dma_start3A_393] : memref<40008x16xf32, #tpu.memory_space<vmem_shared>> -> memref<40008x16xf32, #tpu.memory_space<vmem_shared>>
      tpu.enqueue_indirect_dma source(%dma_start3A_388 : memref<96x16xf32, #tpu.memory_space<vmem>>) target(%dma_start3A_394 : memref<40008x16xf32, #tpu.memory_space<vmem_shared>>) offsets(%dma_start3A_391 : memref<96xi32, #tpu.memory_space<vmem>>) semaphore(%arg12 : memref<!tpu.dma_semaphore, #tpu.memory_space<semaphore_mem>>) {add = true}
      %add3A_395 = arith.constant 0 : i32
      %add3A_396 = arith.addi %mul3A_278, %add3A_395 : i32
      %mul3A_397 = arith.constant 5 : i32
      %mul3A_398 = arith.muli %add3A_396, %mul3A_397 : i32
      %add3A_399 = arith.constant 3 : i32
      %add3A_400 = arith.addi %mul3A_398, %add3A_399 : i32
      %dma_start3A_401 = arith.constant 0 : i32
      %dma_start3A_402 = arith.constant 288 : i32
      %dma_start3A_403 = arith.constant 0 : i32
      %dma_start3A_404 = tpu.memref_slice %arg6[%dma_start3A_401, %dma_start3A_402, %dma_start3A_403] : memref<3x480x16xf32, #tpu.memory_space<vmem>> -> memref<1x96x16xf32, #tpu.memory_space<vmem>>
      %dma_start3A_405 = tpu.memref_squeeze %dma_start3A_404 : memref<1x96x16xf32, #tpu.memory_space<vmem>> -> memref<96x16xf32, #tpu.memory_space<vmem>>
      %dma_start3A_406 = arith.constant 0 : i32
      %dma_start3A_407 = tpu.memref_slice %arg5[%add3A_400, %dma_start3A_406] : memref<165x96xi32, #tpu.memory_space<vmem>> -> memref<1x96xi32, #tpu.memory_space<vmem>>
      %dma_start3A_408 = tpu.memref_squeeze %dma_start3A_407 : memref<1x96xi32, #tpu.memory_space<vmem>> -> memref<96xi32, #tpu.memory_space<vmem>>
      %dma_start3A_409 = arith.constant 0 : i32
      %dma_start3A_410 = arith.constant 0 : i32
      %dma_start3A_411 = tpu.memref_slice %arg8[%dma_start3A_409, %dma_start3A_410] : memref<40008x16xf32, #tpu.memory_space<vmem_shared>> -> memref<40008x16xf32, #tpu.memory_space<vmem_shared>>
      tpu.enqueue_indirect_dma source(%dma_start3A_405 : memref<96x16xf32, #tpu.memory_space<vmem>>) target(%dma_start3A_411 : memref<40008x16xf32, #tpu.memory_space<vmem_shared>>) offsets(%dma_start3A_408 : memref<96xi32, #tpu.memory_space<vmem>>) semaphore(%arg12 : memref<!tpu.dma_semaphore, #tpu.memory_space<semaphore_mem>>) {add = true}
      %add3A_412 = arith.constant 0 : i32
      %add3A_413 = arith.addi %mul3A_278, %add3A_412 : i32
      %mul3A_414 = arith.constant 5 : i32
      %mul3A_415 = arith.muli %add3A_413, %mul3A_414 : i32
      %add3A_416 = arith.constant 4 : i32
      %add3A_417 = arith.addi %mul3A_415, %add3A_416 : i32
      %dma_start3A_418 = arith.constant 0 : i32
      %dma_start3A_419 = arith.constant 384 : i32
      %dma_start3A_420 = arith.constant 0 : i32
      %dma_start3A_421 = tpu.memref_slice %arg6[%dma_start3A_418, %dma_start3A_419, %dma_start3A_420] : memref<3x480x16xf32, #tpu.memory_space<vmem>> -> memref<1x96x16xf32, #tpu.memory_space<vmem>>
      %dma_start3A_422 = tpu.memref_squeeze %dma_start3A_421 : memref<1x96x16xf32, #tpu.memory_space<vmem>> -> memref<96x16xf32, #tpu.memory_space<vmem>>
      %dma_start3A_423 = arith.constant 0 : i32
      %dma_start3A_424 = tpu.memref_slice %arg5[%add3A_417, %dma_start3A_423] : memref<165x96xi32, #tpu.memory_space<vmem>> -> memref<1x96xi32, #tpu.memory_space<vmem>>
      %dma_start3A_425 = tpu.memref_squeeze %dma_start3A_424 : memref<1x96xi32, #tpu.memory_space<vmem>> -> memref<96xi32, #tpu.memory_space<vmem>>
      %dma_start3A_426 = arith.constant 0 : i32
      %dma_start3A_427 = arith.constant 0 : i32
      %dma_start3A_428 = tpu.memref_slice %arg8[%dma_start3A_426, %dma_start3A_427] : memref<40008x16xf32, #tpu.memory_space<vmem_shared>> -> memref<40008x16xf32, #tpu.memory_space<vmem_shared>>
      tpu.enqueue_indirect_dma source(%dma_start3A_422 : memref<96x16xf32, #tpu.memory_space<vmem>>) target(%dma_start3A_428 : memref<40008x16xf32, #tpu.memory_space<vmem_shared>>) offsets(%dma_start3A_425 : memref<96xi32, #tpu.memory_space<vmem>>) semaphore(%arg12 : memref<!tpu.dma_semaphore, #tpu.memory_space<semaphore_mem>>) {add = true}
      %dma_wait3A_429 = arith.constant 1 : i32
      %dma_wait3A_430 = arith.constant 0 : i32
      %dma_wait3A_431 = arith.constant 0 : i32
      %dma_wait3A_432 = tpu.memref_slice %arg6[%dma_wait3A_429, %dma_wait3A_430, %dma_wait3A_431] : memref<3x480x16xf32, #tpu.memory_space<vmem>> -> memref<1x480x16xf32, #tpu.memory_space<vmem>>
      %dma_wait3A_433 = tpu.memref_squeeze %dma_wait3A_432 : memref<1x480x16xf32, #tpu.memory_space<vmem>> -> memref<480x16xf32, #tpu.memory_space<vmem>>
      %dma_wait3A_434 = arith.constant 32 : i32
      %dma_wait3A_435 = tpu.memref_slice %arg3[%add3A_300, %dma_wait3A_434] : memref<506880x80xf32, #tpu.memory_space<hbm>> -> memref<480x16xf32, #tpu.memory_space<hbm>>
      %dma_wait3A_436 = arith.constant 0 : i32
      %dma_wait3A_437 = arith.constant 0 : i32
      %dma_wait3A_438 = tpu.memref_slice %arg6[%dma_wait3A_429, %dma_wait3A_436, %dma_wait3A_437] : memref<3x480x16xf32, #tpu.memory_space<vmem>> -> memref<1x480x16xf32, #tpu.memory_space<vmem>>
      %dma_wait3A_439 = tpu.memref_squeeze %dma_wait3A_438 : memref<1x480x16xf32, #tpu.memory_space<vmem>> -> memref<480x16xf32, #tpu.memory_space<vmem>>
      %dma_wait3A_440 = arith.constant 32 : i32
      %dma_wait3A_441 = tpu.memref_slice %arg3[%add3A_300, %dma_wait3A_440] : memref<506880x80xf32, #tpu.memory_space<hbm>> -> memref<480x16xf32, #tpu.memory_space<hbm>>
      tpu.wait_dma2 semaphore(%arg10 : memref<!tpu.dma_semaphore, #tpu.memory_space<semaphore_mem>>) src(%dma_wait3A_441 : memref<480x16xf32, #tpu.memory_space<hbm>>) dst(%dma_wait3A_439 : memref<480x16xf32, #tpu.memory_space<vmem>>)
      %add3A_442 = arith.constant 1 : i32
      %add3A_443 = arith.addi %mul3A_278, %add3A_442 : i32
      %mul3A_444 = arith.constant 5 : i32
      %mul3A_445 = arith.muli %add3A_443, %mul3A_444 : i32
      %add3A_446 = arith.constant 0 : i32
      %add3A_447 = arith.addi %mul3A_445, %add3A_446 : i32
      %dma_start3A_448 = arith.constant 1 : i32
      %dma_start3A_449 = arith.constant 0 : i32
      %dma_start3A_450 = arith.constant 0 : i32
      %dma_start3A_451 = tpu.memref_slice %arg6[%dma_start3A_448, %dma_start3A_449, %dma_start3A_450] : memref<3x480x16xf32, #tpu.memory_space<vmem>> -> memref<1x96x16xf32, #tpu.memory_space<vmem>>
      %dma_start3A_452 = tpu.memref_squeeze %dma_start3A_451 : memref<1x96x16xf32, #tpu.memory_space<vmem>> -> memref<96x16xf32, #tpu.memory_space<vmem>>
      %dma_start3A_453 = arith.constant 0 : i32
      %dma_start3A_454 = tpu.memref_slice %arg5[%add3A_447, %dma_start3A_453] : memref<165x96xi32, #tpu.memory_space<vmem>> -> memref<1x96xi32, #tpu.memory_space<vmem>>
      %dma_start3A_455 = tpu.memref_squeeze %dma_start3A_454 : memref<1x96xi32, #tpu.memory_space<vmem>> -> memref<96xi32, #tpu.memory_space<vmem>>
      %dma_start3A_456 = arith.constant 0 : i32
      %dma_start3A_457 = arith.constant 0 : i32
      %dma_start3A_458 = tpu.memref_slice %arg8[%dma_start3A_456, %dma_start3A_457] : memref<40008x16xf32, #tpu.memory_space<vmem_shared>> -> memref<40008x16xf32, #tpu.memory_space<vmem_shared>>
      tpu.enqueue_indirect_dma source(%dma_start3A_452 : memref<96x16xf32, #tpu.memory_space<vmem>>) target(%dma_start3A_458 : memref<40008x16xf32, #tpu.memory_space<vmem_shared>>) offsets(%dma_start3A_455 : memref<96xi32, #tpu.memory_space<vmem>>) semaphore(%arg12 : memref<!tpu.dma_semaphore, #tpu.memory_space<semaphore_mem>>) {add = true}
      %add3A_459 = arith.constant 1 : i32
      %add3A_460 = arith.addi %mul3A_278, %add3A_459 : i32
      %mul3A_461 = arith.constant 5 : i32
      %mul3A_462 = arith.muli %add3A_460, %mul3A_461 : i32
      %add3A_463 = arith.constant 1 : i32
      %add3A_464 = arith.addi %mul3A_462, %add3A_463 : i32
      %dma_start3A_465 = arith.constant 1 : i32
      %dma_start3A_466 = arith.constant 96 : i32
      %dma_start3A_467 = arith.constant 0 : i32
      %dma_start3A_468 = tpu.memref_slice %arg6[%dma_start3A_465, %dma_start3A_466, %dma_start3A_467] : memref<3x480x16xf32, #tpu.memory_space<vmem>> -> memref<1x96x16xf32, #tpu.memory_space<vmem>>
      %dma_start3A_469 = tpu.memref_squeeze %dma_start3A_468 : memref<1x96x16xf32, #tpu.memory_space<vmem>> -> memref<96x16xf32, #tpu.memory_space<vmem>>
      %dma_start3A_470 = arith.constant 0 : i32
      %dma_start3A_471 = tpu.memref_slice %arg5[%add3A_464, %dma_start3A_470] : memref<165x96xi32, #tpu.memory_space<vmem>> -> memref<1x96xi32, #tpu.memory_space<vmem>>
      %dma_start3A_472 = tpu.memref_squeeze %dma_start3A_471 : memref<1x96xi32, #tpu.memory_space<vmem>> -> memref<96xi32, #tpu.memory_space<vmem>>
      %dma_start3A_473 = arith.constant 0 : i32
      %dma_start3A_474 = arith.constant 0 : i32
      %dma_start3A_475 = tpu.memref_slice %arg8[%dma_start3A_473, %dma_start3A_474] : memref<40008x16xf32, #tpu.memory_space<vmem_shared>> -> memref<40008x16xf32, #tpu.memory_space<vmem_shared>>
      tpu.enqueue_indirect_dma source(%dma_start3A_469 : memref<96x16xf32, #tpu.memory_space<vmem>>) target(%dma_start3A_475 : memref<40008x16xf32, #tpu.memory_space<vmem_shared>>) offsets(%dma_start3A_472 : memref<96xi32, #tpu.memory_space<vmem>>) semaphore(%arg12 : memref<!tpu.dma_semaphore, #tpu.memory_space<semaphore_mem>>) {add = true}
      %add3A_476 = arith.constant 1 : i32
      %add3A_477 = arith.addi %mul3A_278, %add3A_476 : i32
      %mul3A_478 = arith.constant 5 : i32
      %mul3A_479 = arith.muli %add3A_477, %mul3A_478 : i32
      %add3A_480 = arith.constant 2 : i32
      %add3A_481 = arith.addi %mul3A_479, %add3A_480 : i32
      %dma_start3A_482 = arith.constant 1 : i32
      %dma_start3A_483 = arith.constant 192 : i32
      %dma_start3A_484 = arith.constant 0 : i32
      %dma_start3A_485 = tpu.memref_slice %arg6[%dma_start3A_482, %dma_start3A_483, %dma_start3A_484] : memref<3x480x16xf32, #tpu.memory_space<vmem>> -> memref<1x96x16xf32, #tpu.memory_space<vmem>>
      %dma_start3A_486 = tpu.memref_squeeze %dma_start3A_485 : memref<1x96x16xf32, #tpu.memory_space<vmem>> -> memref<96x16xf32, #tpu.memory_space<vmem>>
      %dma_start3A_487 = arith.constant 0 : i32
      %dma_start3A_488 = tpu.memref_slice %arg5[%add3A_481, %dma_start3A_487] : memref<165x96xi32, #tpu.memory_space<vmem>> -> memref<1x96xi32, #tpu.memory_space<vmem>>
      %dma_start3A_489 = tpu.memref_squeeze %dma_start3A_488 : memref<1x96xi32, #tpu.memory_space<vmem>> -> memref<96xi32, #tpu.memory_space<vmem>>
      %dma_start3A_490 = arith.constant 0 : i32
      %dma_start3A_491 = arith.constant 0 : i32
      %dma_start3A_492 = tpu.memref_slice %arg8[%dma_start3A_490, %dma_start3A_491] : memref<40008x16xf32, #tpu.memory_space<vmem_shared>> -> memref<40008x16xf32, #tpu.memory_space<vmem_shared>>
      tpu.enqueue_indirect_dma source(%dma_start3A_486 : memref<96x16xf32, #tpu.memory_space<vmem>>) target(%dma_start3A_492 : memref<40008x16xf32, #tpu.memory_space<vmem_shared>>) offsets(%dma_start3A_489 : memref<96xi32, #tpu.memory_space<vmem>>) semaphore(%arg12 : memref<!tpu.dma_semaphore, #tpu.memory_space<semaphore_mem>>) {add = true}
      %add3A_493 = arith.constant 1 : i32
      %add3A_494 = arith.addi %mul3A_278, %add3A_493 : i32
      %mul3A_495 = arith.constant 5 : i32
      %mul3A_496 = arith.muli %add3A_494, %mul3A_495 : i32
      %add3A_497 = arith.constant 3 : i32
      %add3A_498 = arith.addi %mul3A_496, %add3A_497 : i32
      %dma_start3A_499 = arith.constant 1 : i32
      %dma_start3A_500 = arith.constant 288 : i32
      %dma_start3A_501 = arith.constant 0 : i32
      %dma_start3A_502 = tpu.memref_slice %arg6[%dma_start3A_499, %dma_start3A_500, %dma_start3A_501] : memref<3x480x16xf32, #tpu.memory_space<vmem>> -> memref<1x96x16xf32, #tpu.memory_space<vmem>>
      %dma_start3A_503 = tpu.memref_squeeze %dma_start3A_502 : memref<1x96x16xf32, #tpu.memory_space<vmem>> -> memref<96x16xf32, #tpu.memory_space<vmem>>
      %dma_start3A_504 = arith.constant 0 : i32
      %dma_start3A_505 = tpu.memref_slice %arg5[%add3A_498, %dma_start3A_504] : memref<165x96xi32, #tpu.memory_space<vmem>> -> memref<1x96xi32, #tpu.memory_space<vmem>>
      %dma_start3A_506 = tpu.memref_squeeze %dma_start3A_505 : memref<1x96xi32, #tpu.memory_space<vmem>> -> memref<96xi32, #tpu.memory_space<vmem>>
      %dma_start3A_507 = arith.constant 0 : i32
      %dma_start3A_508 = arith.constant 0 : i32
      %dma_start3A_509 = tpu.memref_slice %arg8[%dma_start3A_507, %dma_start3A_508] : memref<40008x16xf32, #tpu.memory_space<vmem_shared>> -> memref<40008x16xf32, #tpu.memory_space<vmem_shared>>
      tpu.enqueue_indirect_dma source(%dma_start3A_503 : memref<96x16xf32, #tpu.memory_space<vmem>>) target(%dma_start3A_509 : memref<40008x16xf32, #tpu.memory_space<vmem_shared>>) offsets(%dma_start3A_506 : memref<96xi32, #tpu.memory_space<vmem>>) semaphore(%arg12 : memref<!tpu.dma_semaphore, #tpu.memory_space<semaphore_mem>>) {add = true}
      %add3A_510 = arith.constant 1 : i32
      %add3A_511 = arith.addi %mul3A_278, %add3A_510 : i32
      %mul3A_512 = arith.constant 5 : i32
      %mul3A_513 = arith.muli %add3A_511, %mul3A_512 : i32
      %add3A_514 = arith.constant 4 : i32
      %add3A_515 = arith.addi %mul3A_513, %add3A_514 : i32
      %dma_start3A_516 = arith.constant 1 : i32
      %dma_start3A_517 = arith.constant 384 : i32
      %dma_start3A_518 = arith.constant 0 : i32
      %dma_start3A_519 = tpu.memref_slice %arg6[%dma_start3A_516, %dma_start3A_517, %dma_start3A_518] : memref<3x480x16xf32, #tpu.memory_space<vmem>> -> memref<1x96x16xf32, #tpu.memory_space<vmem>>
      %dma_start3A_520 = tpu.memref_squeeze %dma_start3A_519 : memref<1x96x16xf32, #tpu.memory_space<vmem>> -> memref<96x16xf32, #tpu.memory_space<vmem>>
      %dma_start3A_521 = arith.constant 0 : i32
      %dma_start3A_522 = tpu.memref_slice %arg5[%add3A_515, %dma_start3A_521] : memref<165x96xi32, #tpu.memory_space<vmem>> -> memref<1x96xi32, #tpu.memory_space<vmem>>
      %dma_start3A_523 = tpu.memref_squeeze %dma_start3A_522 : memref<1x96xi32, #tpu.memory_space<vmem>> -> memref<96xi32, #tpu.memory_space<vmem>>
      %dma_start3A_524 = arith.constant 0 : i32
      %dma_start3A_525 = arith.constant 0 : i32
      %dma_start3A_526 = tpu.memref_slice %arg8[%dma_start3A_524, %dma_start3A_525] : memref<40008x16xf32, #tpu.memory_space<vmem_shared>> -> memref<40008x16xf32, #tpu.memory_space<vmem_shared>>
      tpu.enqueue_indirect_dma source(%dma_start3A_520 : memref<96x16xf32, #tpu.memory_space<vmem>>) target(%dma_start3A_526 : memref<40008x16xf32, #tpu.memory_space<vmem_shared>>) offsets(%dma_start3A_523 : memref<96xi32, #tpu.memory_space<vmem>>) semaphore(%arg12 : memref<!tpu.dma_semaphore, #tpu.memory_space<semaphore_mem>>) {add = true}
      %dma_wait3A_527 = arith.constant 2 : i32
      %dma_wait3A_528 = arith.constant 0 : i32
      %dma_wait3A_529 = arith.constant 0 : i32
      %dma_wait3A_530 = tpu.memref_slice %arg6[%dma_wait3A_527, %dma_wait3A_528, %dma_wait3A_529] : memref<3x480x16xf32, #tpu.memory_space<vmem>> -> memref<1x480x16xf32, #tpu.memory_space<vmem>>
      %dma_wait3A_531 = tpu.memref_squeeze %dma_wait3A_530 : memref<1x480x16xf32, #tpu.memory_space<vmem>> -> memref<480x16xf32, #tpu.memory_space<vmem>>
      %dma_wait3A_532 = arith.constant 32 : i32
      %dma_wait3A_533 = tpu.memref_slice %arg3[%add3A_318, %dma_wait3A_532] : memref<506880x80xf32, #tpu.memory_space<hbm>> -> memref<480x16xf32, #tpu.memory_space<hbm>>
      %dma_wait3A_534 = arith.constant 0 : i32
      %dma_wait3A_535 = arith.constant 0 : i32
      %dma_wait3A_536 = tpu.memref_slice %arg6[%dma_wait3A_527, %dma_wait3A_534, %dma_wait3A_535] : memref<3x480x16xf32, #tpu.memory_space<vmem>> -> memref<1x480x16xf32, #tpu.memory_space<vmem>>
      %dma_wait3A_537 = tpu.memref_squeeze %dma_wait3A_536 : memref<1x480x16xf32, #tpu.memory_space<vmem>> -> memref<480x16xf32, #tpu.memory_space<vmem>>
      %dma_wait3A_538 = arith.constant 32 : i32
      %dma_wait3A_539 = tpu.memref_slice %arg3[%add3A_318, %dma_wait3A_538] : memref<506880x80xf32, #tpu.memory_space<hbm>> -> memref<480x16xf32, #tpu.memory_space<hbm>>
      tpu.wait_dma2 semaphore(%arg11 : memref<!tpu.dma_semaphore, #tpu.memory_space<semaphore_mem>>) src(%dma_wait3A_539 : memref<480x16xf32, #tpu.memory_space<hbm>>) dst(%dma_wait3A_537 : memref<480x16xf32, #tpu.memory_space<vmem>>)
      %add3A_540 = arith.constant 2 : i32
      %add3A_541 = arith.addi %mul3A_278, %add3A_540 : i32
      %mul3A_542 = arith.constant 5 : i32
      %mul3A_543 = arith.muli %add3A_541, %mul3A_542 : i32
      %add3A_544 = arith.constant 0 : i32
      %add3A_545 = arith.addi %mul3A_543, %add3A_544 : i32
      %dma_start3A_546 = arith.constant 2 : i32
      %dma_start3A_547 = arith.constant 0 : i32
      %dma_start3A_548 = arith.constant 0 : i32
      %dma_start3A_549 = tpu.memref_slice %arg6[%dma_start3A_546, %dma_start3A_547, %dma_start3A_548] : memref<3x480x16xf32, #tpu.memory_space<vmem>> -> memref<1x96x16xf32, #tpu.memory_space<vmem>>
      %dma_start3A_550 = tpu.memref_squeeze %dma_start3A_549 : memref<1x96x16xf32, #tpu.memory_space<vmem>> -> memref<96x16xf32, #tpu.memory_space<vmem>>
      %dma_start3A_551 = arith.constant 0 : i32
      %dma_start3A_552 = tpu.memref_slice %arg5[%add3A_545, %dma_start3A_551] : memref<165x96xi32, #tpu.memory_space<vmem>> -> memref<1x96xi32, #tpu.memory_space<vmem>>
      %dma_start3A_553 = tpu.memref_squeeze %dma_start3A_552 : memref<1x96xi32, #tpu.memory_space<vmem>> -> memref<96xi32, #tpu.memory_space<vmem>>
      %dma_start3A_554 = arith.constant 0 : i32
      %dma_start3A_555 = arith.constant 0 : i32
      %dma_start3A_556 = tpu.memref_slice %arg8[%dma_start3A_554, %dma_start3A_555] : memref<40008x16xf32, #tpu.memory_space<vmem_shared>> -> memref<40008x16xf32, #tpu.memory_space<vmem_shared>>
      tpu.enqueue_indirect_dma source(%dma_start3A_550 : memref<96x16xf32, #tpu.memory_space<vmem>>) target(%dma_start3A_556 : memref<40008x16xf32, #tpu.memory_space<vmem_shared>>) offsets(%dma_start3A_553 : memref<96xi32, #tpu.memory_space<vmem>>) semaphore(%arg12 : memref<!tpu.dma_semaphore, #tpu.memory_space<semaphore_mem>>) {add = true}
      %add3A_557 = arith.constant 2 : i32
      %add3A_558 = arith.addi %mul3A_278, %add3A_557 : i32
      %mul3A_559 = arith.constant 5 : i32
      %mul3A_560 = arith.muli %add3A_558, %mul3A_559 : i32
      %add3A_561 = arith.constant 1 : i32
      %add3A_562 = arith.addi %mul3A_560, %add3A_561 : i32
      %dma_start3A_563 = arith.constant 2 : i32
      %dma_start3A_564 = arith.constant 96 : i32
      %dma_start3A_565 = arith.constant 0 : i32
      %dma_start3A_566 = tpu.memref_slice %arg6[%dma_start3A_563, %dma_start3A_564, %dma_start3A_565] : memref<3x480x16xf32, #tpu.memory_space<vmem>> -> memref<1x96x16xf32, #tpu.memory_space<vmem>>
      %dma_start3A_567 = tpu.memref_squeeze %dma_start3A_566 : memref<1x96x16xf32, #tpu.memory_space<vmem>> -> memref<96x16xf32, #tpu.memory_space<vmem>>
      %dma_start3A_568 = arith.constant 0 : i32
      %dma_start3A_569 = tpu.memref_slice %arg5[%add3A_562, %dma_start3A_568] : memref<165x96xi32, #tpu.memory_space<vmem>> -> memref<1x96xi32, #tpu.memory_space<vmem>>
      %dma_start3A_570 = tpu.memref_squeeze %dma_start3A_569 : memref<1x96xi32, #tpu.memory_space<vmem>> -> memref<96xi32, #tpu.memory_space<vmem>>
      %dma_start3A_571 = arith.constant 0 : i32
      %dma_start3A_572 = arith.constant 0 : i32
      %dma_start3A_573 = tpu.memref_slice %arg8[%dma_start3A_571, %dma_start3A_572] : memref<40008x16xf32, #tpu.memory_space<vmem_shared>> -> memref<40008x16xf32, #tpu.memory_space<vmem_shared>>
      tpu.enqueue_indirect_dma source(%dma_start3A_567 : memref<96x16xf32, #tpu.memory_space<vmem>>) target(%dma_start3A_573 : memref<40008x16xf32, #tpu.memory_space<vmem_shared>>) offsets(%dma_start3A_570 : memref<96xi32, #tpu.memory_space<vmem>>) semaphore(%arg12 : memref<!tpu.dma_semaphore, #tpu.memory_space<semaphore_mem>>) {add = true}
      %add3A_574 = arith.constant 2 : i32
      %add3A_575 = arith.addi %mul3A_278, %add3A_574 : i32
      %mul3A_576 = arith.constant 5 : i32
      %mul3A_577 = arith.muli %add3A_575, %mul3A_576 : i32
      %add3A_578 = arith.constant 2 : i32
      %add3A_579 = arith.addi %mul3A_577, %add3A_578 : i32
      %dma_start3A_580 = arith.constant 2 : i32
      %dma_start3A_581 = arith.constant 192 : i32
      %dma_start3A_582 = arith.constant 0 : i32
      %dma_start3A_583 = tpu.memref_slice %arg6[%dma_start3A_580, %dma_start3A_581, %dma_start3A_582] : memref<3x480x16xf32, #tpu.memory_space<vmem>> -> memref<1x96x16xf32, #tpu.memory_space<vmem>>
      %dma_start3A_584 = tpu.memref_squeeze %dma_start3A_583 : memref<1x96x16xf32, #tpu.memory_space<vmem>> -> memref<96x16xf32, #tpu.memory_space<vmem>>
      %dma_start3A_585 = arith.constant 0 : i32
      %dma_start3A_586 = tpu.memref_slice %arg5[%add3A_579, %dma_start3A_585] : memref<165x96xi32, #tpu.memory_space<vmem>> -> memref<1x96xi32, #tpu.memory_space<vmem>>
      %dma_start3A_587 = tpu.memref_squeeze %dma_start3A_586 : memref<1x96xi32, #tpu.memory_space<vmem>> -> memref<96xi32, #tpu.memory_space<vmem>>
      %dma_start3A_588 = arith.constant 0 : i32
      %dma_start3A_589 = arith.constant 0 : i32
      %dma_start3A_590 = tpu.memref_slice %arg8[%dma_start3A_588, %dma_start3A_589] : memref<40008x16xf32, #tpu.memory_space<vmem_shared>> -> memref<40008x16xf32, #tpu.memory_space<vmem_shared>>
      tpu.enqueue_indirect_dma source(%dma_start3A_584 : memref<96x16xf32, #tpu.memory_space<vmem>>) target(%dma_start3A_590 : memref<40008x16xf32, #tpu.memory_space<vmem_shared>>) offsets(%dma_start3A_587 : memref<96xi32, #tpu.memory_space<vmem>>) semaphore(%arg12 : memref<!tpu.dma_semaphore, #tpu.memory_space<semaphore_mem>>) {add = true}
      %add3A_591 = arith.constant 2 : i32
      %add3A_592 = arith.addi %mul3A_278, %add3A_591 : i32
      %mul3A_593 = arith.constant 5 : i32
      %mul3A_594 = arith.muli %add3A_592, %mul3A_593 : i32
      %add3A_595 = arith.constant 3 : i32
      %add3A_596 = arith.addi %mul3A_594, %add3A_595 : i32
      %dma_start3A_597 = arith.constant 2 : i32
      %dma_start3A_598 = arith.constant 288 : i32
      %dma_start3A_599 = arith.constant 0 : i32
      %dma_start3A_600 = tpu.memref_slice %arg6[%dma_start3A_597, %dma_start3A_598, %dma_start3A_599] : memref<3x480x16xf32, #tpu.memory_space<vmem>> -> memref<1x96x16xf32, #tpu.memory_space<vmem>>
      %dma_start3A_601 = tpu.memref_squeeze %dma_start3A_600 : memref<1x96x16xf32, #tpu.memory_space<vmem>> -> memref<96x16xf32, #tpu.memory_space<vmem>>
      %dma_start3A_602 = arith.constant 0 : i32
      %dma_start3A_603 = tpu.memref_slice %arg5[%add3A_596, %dma_start3A_602] : memref<165x96xi32, #tpu.memory_space<vmem>> -> memref<1x96xi32, #tpu.memory_space<vmem>>
      %dma_start3A_604 = tpu.memref_squeeze %dma_start3A_603 : memref<1x96xi32, #tpu.memory_space<vmem>> -> memref<96xi32, #tpu.memory_space<vmem>>
      %dma_start3A_605 = arith.constant 0 : i32
      %dma_start3A_606 = arith.constant 0 : i32
      %dma_start3A_607 = tpu.memref_slice %arg8[%dma_start3A_605, %dma_start3A_606] : memref<40008x16xf32, #tpu.memory_space<vmem_shared>> -> memref<40008x16xf32, #tpu.memory_space<vmem_shared>>
      tpu.enqueue_indirect_dma source(%dma_start3A_601 : memref<96x16xf32, #tpu.memory_space<vmem>>) target(%dma_start3A_607 : memref<40008x16xf32, #tpu.memory_space<vmem_shared>>) offsets(%dma_start3A_604 : memref<96xi32, #tpu.memory_space<vmem>>) semaphore(%arg12 : memref<!tpu.dma_semaphore, #tpu.memory_space<semaphore_mem>>) {add = true}
      %add3A_608 = arith.constant 2 : i32
      %add3A_609 = arith.addi %mul3A_278, %add3A_608 : i32
      %mul3A_610 = arith.constant 5 : i32
      %mul3A_611 = arith.muli %add3A_609, %mul3A_610 : i32
      %add3A_612 = arith.constant 4 : i32
      %add3A_613 = arith.addi %mul3A_611, %add3A_612 : i32
      %dma_start3A_614 = arith.constant 2 : i32
      %dma_start3A_615 = arith.constant 384 : i32
      %dma_start3A_616 = arith.constant 0 : i32
      %dma_start3A_617 = tpu.memref_slice %arg6[%dma_start3A_614, %dma_start3A_615, %dma_start3A_616] : memref<3x480x16xf32, #tpu.memory_space<vmem>> -> memref<1x96x16xf32, #tpu.memory_space<vmem>>
      %dma_start3A_618 = tpu.memref_squeeze %dma_start3A_617 : memref<1x96x16xf32, #tpu.memory_space<vmem>> -> memref<96x16xf32, #tpu.memory_space<vmem>>
      %dma_start3A_619 = arith.constant 0 : i32
      %dma_start3A_620 = tpu.memref_slice %arg5[%add3A_613, %dma_start3A_619] : memref<165x96xi32, #tpu.memory_space<vmem>> -> memref<1x96xi32, #tpu.memory_space<vmem>>
      %dma_start3A_621 = tpu.memref_squeeze %dma_start3A_620 : memref<1x96xi32, #tpu.memory_space<vmem>> -> memref<96xi32, #tpu.memory_space<vmem>>
      %dma_start3A_622 = arith.constant 0 : i32
      %dma_start3A_623 = arith.constant 0 : i32
      %dma_start3A_624 = tpu.memref_slice %arg8[%dma_start3A_622, %dma_start3A_623] : memref<40008x16xf32, #tpu.memory_space<vmem_shared>> -> memref<40008x16xf32, #tpu.memory_space<vmem_shared>>
      tpu.enqueue_indirect_dma source(%dma_start3A_618 : memref<96x16xf32, #tpu.memory_space<vmem>>) target(%dma_start3A_624 : memref<40008x16xf32, #tpu.memory_space<vmem_shared>>) offsets(%dma_start3A_621 : memref<96xi32, #tpu.memory_space<vmem>>) semaphore(%arg12 : memref<!tpu.dma_semaphore, #tpu.memory_space<semaphore_mem>>) {add = true}
      %dma_wait3A_625 = arith.constant 0 : i32
      %dma_wait3A_626 = arith.constant 0 : i32
      %dma_wait3A_627 = arith.constant 0 : i32
      %dma_wait3A_628 = tpu.memref_slice %arg6[%dma_wait3A_625, %dma_wait3A_626, %dma_wait3A_627] : memref<3x480x16xf32, #tpu.memory_space<vmem>> -> memref<1x96x16xf32, #tpu.memory_space<vmem>>
      %dma_wait3A_629 = tpu.memref_squeeze %dma_wait3A_628 : memref<1x96x16xf32, #tpu.memory_space<vmem>> -> memref<96x16xf32, #tpu.memory_space<vmem>>
      %dma_wait3A_630 = arith.constant 0 : i32
      %dma_wait3A_631 = tpu.memref_slice %arg5[%add3A_349, %dma_wait3A_630] : memref<165x96xi32, #tpu.memory_space<vmem>> -> memref<1x96xi32, #tpu.memory_space<vmem>>
      %dma_wait3A_632 = tpu.memref_squeeze %dma_wait3A_631 : memref<1x96xi32, #tpu.memory_space<vmem>> -> memref<96xi32, #tpu.memory_space<vmem>>
      %dma_wait3A_633 = arith.constant 0 : i32
      %dma_wait3A_634 = arith.constant 0 : i32
      %dma_wait3A_635 = tpu.memref_slice %arg8[%dma_wait3A_633, %dma_wait3A_634] : memref<40008x16xf32, #tpu.memory_space<vmem_shared>> -> memref<40008x16xf32, #tpu.memory_space<vmem_shared>>
      tpu.wait_indirect_dma semaphore(%arg12 : memref<!tpu.dma_semaphore, #tpu.memory_space<semaphore_mem>>) src(%dma_wait3A_629 : memref<96x16xf32, #tpu.memory_space<vmem>>) dst(%dma_wait3A_635 : memref<40008x16xf32, #tpu.memory_space<vmem_shared>>)
      %dma_wait3A_636 = arith.constant 0 : i32
      %dma_wait3A_637 = arith.constant 96 : i32
      %dma_wait3A_638 = arith.constant 0 : i32
      %dma_wait3A_639 = tpu.memref_slice %arg6[%dma_wait3A_636, %dma_wait3A_637, %dma_wait3A_638] : memref<3x480x16xf32, #tpu.memory_space<vmem>> -> memref<1x96x16xf32, #tpu.memory_space<vmem>>
      %dma_wait3A_640 = tpu.memref_squeeze %dma_wait3A_639 : memref<1x96x16xf32, #tpu.memory_space<vmem>> -> memref<96x16xf32, #tpu.memory_space<vmem>>
      %dma_wait3A_641 = arith.constant 0 : i32
      %dma_wait3A_642 = tpu.memref_slice %arg5[%add3A_366, %dma_wait3A_641] : memref<165x96xi32, #tpu.memory_space<vmem>> -> memref<1x96xi32, #tpu.memory_space<vmem>>
      %dma_wait3A_643 = tpu.memref_squeeze %dma_wait3A_642 : memref<1x96xi32, #tpu.memory_space<vmem>> -> memref<96xi32, #tpu.memory_space<vmem>>
      %dma_wait3A_644 = arith.constant 0 : i32
      %dma_wait3A_645 = arith.constant 0 : i32
      %dma_wait3A_646 = tpu.memref_slice %arg8[%dma_wait3A_644, %dma_wait3A_645] : memref<40008x16xf32, #tpu.memory_space<vmem_shared>> -> memref<40008x16xf32, #tpu.memory_space<vmem_shared>>
      tpu.wait_indirect_dma semaphore(%arg12 : memref<!tpu.dma_semaphore, #tpu.memory_space<semaphore_mem>>) src(%dma_wait3A_640 : memref<96x16xf32, #tpu.memory_space<vmem>>) dst(%dma_wait3A_646 : memref<40008x16xf32, #tpu.memory_space<vmem_shared>>)
      %dma_wait3A_647 = arith.constant 0 : i32
      %dma_wait3A_648 = arith.constant 192 : i32
      %dma_wait3A_649 = arith.constant 0 : i32
      %dma_wait3A_650 = tpu.memref_slice %arg6[%dma_wait3A_647, %dma_wait3A_648, %dma_wait3A_649] : memref<3x480x16xf32, #tpu.memory_space<vmem>> -> memref<1x96x16xf32, #tpu.memory_space<vmem>>
      %dma_wait3A_651 = tpu.memref_squeeze %dma_wait3A_650 : memref<1x96x16xf32, #tpu.memory_space<vmem>> -> memref<96x16xf32, #tpu.memory_space<vmem>>
      %dma_wait3A_652 = arith.constant 0 : i32
      %dma_wait3A_653 = tpu.memref_slice %arg5[%add3A_383, %dma_wait3A_652] : memref<165x96xi32, #tpu.memory_space<vmem>> -> memref<1x96xi32, #tpu.memory_space<vmem>>
      %dma_wait3A_654 = tpu.memref_squeeze %dma_wait3A_653 : memref<1x96xi32, #tpu.memory_space<vmem>> -> memref<96xi32, #tpu.memory_space<vmem>>
      %dma_wait3A_655 = arith.constant 0 : i32
      %dma_wait3A_656 = arith.constant 0 : i32
      %dma_wait3A_657 = tpu.memref_slice %arg8[%dma_wait3A_655, %dma_wait3A_656] : memref<40008x16xf32, #tpu.memory_space<vmem_shared>> -> memref<40008x16xf32, #tpu.memory_space<vmem_shared>>
      tpu.wait_indirect_dma semaphore(%arg12 : memref<!tpu.dma_semaphore, #tpu.memory_space<semaphore_mem>>) src(%dma_wait3A_651 : memref<96x16xf32, #tpu.memory_space<vmem>>) dst(%dma_wait3A_657 : memref<40008x16xf32, #tpu.memory_space<vmem_shared>>)
      %dma_wait3A_658 = arith.constant 0 : i32
      %dma_wait3A_659 = arith.constant 288 : i32
      %dma_wait3A_660 = arith.constant 0 : i32
      %dma_wait3A_661 = tpu.memref_slice %arg6[%dma_wait3A_658, %dma_wait3A_659, %dma_wait3A_660] : memref<3x480x16xf32, #tpu.memory_space<vmem>> -> memref<1x96x16xf32, #tpu.memory_space<vmem>>
      %dma_wait3A_662 = tpu.memref_squeeze %dma_wait3A_661 : memref<1x96x16xf32, #tpu.memory_space<vmem>> -> memref<96x16xf32, #tpu.memory_space<vmem>>
      %dma_wait3A_663 = arith.constant 0 : i32
      %dma_wait3A_664 = tpu.memref_slice %arg5[%add3A_400, %dma_wait3A_663] : memref<165x96xi32, #tpu.memory_space<vmem>> -> memref<1x96xi32, #tpu.memory_space<vmem>>
      %dma_wait3A_665 = tpu.memref_squeeze %dma_wait3A_664 : memref<1x96xi32, #tpu.memory_space<vmem>> -> memref<96xi32, #tpu.memory_space<vmem>>
      %dma_wait3A_666 = arith.constant 0 : i32
      %dma_wait3A_667 = arith.constant 0 : i32
      %dma_wait3A_668 = tpu.memref_slice %arg8[%dma_wait3A_666, %dma_wait3A_667] : memref<40008x16xf32, #tpu.memory_space<vmem_shared>> -> memref<40008x16xf32, #tpu.memory_space<vmem_shared>>
      tpu.wait_indirect_dma semaphore(%arg12 : memref<!tpu.dma_semaphore, #tpu.memory_space<semaphore_mem>>) src(%dma_wait3A_662 : memref<96x16xf32, #tpu.memory_space<vmem>>) dst(%dma_wait3A_668 : memref<40008x16xf32, #tpu.memory_space<vmem_shared>>)
      %dma_wait3A_669 = arith.constant 0 : i32
      %dma_wait3A_670 = arith.constant 384 : i32
      %dma_wait3A_671 = arith.constant 0 : i32
      %dma_wait3A_672 = tpu.memref_slice %arg6[%dma_wait3A_669, %dma_wait3A_670, %dma_wait3A_671] : memref<3x480x16xf32, #tpu.memory_space<vmem>> -> memref<1x96x16xf32, #tpu.memory_space<vmem>>
      %dma_wait3A_673 = tpu.memref_squeeze %dma_wait3A_672 : memref<1x96x16xf32, #tpu.memory_space<vmem>> -> memref<96x16xf32, #tpu.memory_space<vmem>>
      %dma_wait3A_674 = arith.constant 0 : i32
      %dma_wait3A_675 = tpu.memref_slice %arg5[%add3A_417, %dma_wait3A_674] : memref<165x96xi32, #tpu.memory_space<vmem>> -> memref<1x96xi32, #tpu.memory_space<vmem>>
      %dma_wait3A_676 = tpu.memref_squeeze %dma_wait3A_675 : memref<1x96xi32, #tpu.memory_space<vmem>> -> memref<96xi32, #tpu.memory_space<vmem>>
      %dma_wait3A_677 = arith.constant 0 : i32
      %dma_wait3A_678 = arith.constant 0 : i32
      %dma_wait3A_679 = tpu.memref_slice %arg8[%dma_wait3A_677, %dma_wait3A_678] : memref<40008x16xf32, #tpu.memory_space<vmem_shared>> -> memref<40008x16xf32, #tpu.memory_space<vmem_shared>>
      tpu.wait_indirect_dma semaphore(%arg12 : memref<!tpu.dma_semaphore, #tpu.memory_space<semaphore_mem>>) src(%dma_wait3A_673 : memref<96x16xf32, #tpu.memory_space<vmem>>) dst(%dma_wait3A_679 : memref<40008x16xf32, #tpu.memory_space<vmem_shared>>)
      %dma_wait3A_680 = arith.constant 1 : i32
      %dma_wait3A_681 = arith.constant 0 : i32
      %dma_wait3A_682 = arith.constant 0 : i32
      %dma_wait3A_683 = tpu.memref_slice %arg6[%dma_wait3A_680, %dma_wait3A_681, %dma_wait3A_682] : memref<3x480x16xf32, #tpu.memory_space<vmem>> -> memref<1x96x16xf32, #tpu.memory_space<vmem>>
      %dma_wait3A_684 = tpu.memref_squeeze %dma_wait3A_683 : memref<1x96x16xf32, #tpu.memory_space<vmem>> -> memref<96x16xf32, #tpu.memory_space<vmem>>
      %dma_wait3A_685 = arith.constant 0 : i32
      %dma_wait3A_686 = tpu.memref_slice %arg5[%add3A_447, %dma_wait3A_685] : memref<165x96xi32, #tpu.memory_space<vmem>> -> memref<1x96xi32, #tpu.memory_space<vmem>>
      %dma_wait3A_687 = tpu.memref_squeeze %dma_wait3A_686 : memref<1x96xi32, #tpu.memory_space<vmem>> -> memref<96xi32, #tpu.memory_space<vmem>>
      %dma_wait3A_688 = arith.constant 0 : i32
      %dma_wait3A_689 = arith.constant 0 : i32
      %dma_wait3A_690 = tpu.memref_slice %arg8[%dma_wait3A_688, %dma_wait3A_689] : memref<40008x16xf32, #tpu.memory_space<vmem_shared>> -> memref<40008x16xf32, #tpu.memory_space<vmem_shared>>
      tpu.wait_indirect_dma semaphore(%arg12 : memref<!tpu.dma_semaphore, #tpu.memory_space<semaphore_mem>>) src(%dma_wait3A_684 : memref<96x16xf32, #tpu.memory_space<vmem>>) dst(%dma_wait3A_690 : memref<40008x16xf32, #tpu.memory_space<vmem_shared>>)
      %dma_wait3A_691 = arith.constant 1 : i32
      %dma_wait3A_692 = arith.constant 96 : i32
      %dma_wait3A_693 = arith.constant 0 : i32
      %dma_wait3A_694 = tpu.memref_slice %arg6[%dma_wait3A_691, %dma_wait3A_692, %dma_wait3A_693] : memref<3x480x16xf32, #tpu.memory_space<vmem>> -> memref<1x96x16xf32, #tpu.memory_space<vmem>>
      %dma_wait3A_695 = tpu.memref_squeeze %dma_wait3A_694 : memref<1x96x16xf32, #tpu.memory_space<vmem>> -> memref<96x16xf32, #tpu.memory_space<vmem>>
      %dma_wait3A_696 = arith.constant 0 : i32
      %dma_wait3A_697 = tpu.memref_slice %arg5[%add3A_464, %dma_wait3A_696] : memref<165x96xi32, #tpu.memory_space<vmem>> -> memref<1x96xi32, #tpu.memory_space<vmem>>
      %dma_wait3A_698 = tpu.memref_squeeze %dma_wait3A_697 : memref<1x96xi32, #tpu.memory_space<vmem>> -> memref<96xi32, #tpu.memory_space<vmem>>
      %dma_wait3A_699 = arith.constant 0 : i32
      %dma_wait3A_700 = arith.constant 0 : i32
      %dma_wait3A_701 = tpu.memref_slice %arg8[%dma_wait3A_699, %dma_wait3A_700] : memref<40008x16xf32, #tpu.memory_space<vmem_shared>> -> memref<40008x16xf32, #tpu.memory_space<vmem_shared>>
      tpu.wait_indirect_dma semaphore(%arg12 : memref<!tpu.dma_semaphore, #tpu.memory_space<semaphore_mem>>) src(%dma_wait3A_695 : memref<96x16xf32, #tpu.memory_space<vmem>>) dst(%dma_wait3A_701 : memref<40008x16xf32, #tpu.memory_space<vmem_shared>>)
      %dma_wait3A_702 = arith.constant 1 : i32
      %dma_wait3A_703 = arith.constant 192 : i32
      %dma_wait3A_704 = arith.constant 0 : i32
      %dma_wait3A_705 = tpu.memref_slice %arg6[%dma_wait3A_702, %dma_wait3A_703, %dma_wait3A_704] : memref<3x480x16xf32, #tpu.memory_space<vmem>> -> memref<1x96x16xf32, #tpu.memory_space<vmem>>
      %dma_wait3A_706 = tpu.memref_squeeze %dma_wait3A_705 : memref<1x96x16xf32, #tpu.memory_space<vmem>> -> memref<96x16xf32, #tpu.memory_space<vmem>>
      %dma_wait3A_707 = arith.constant 0 : i32
      %dma_wait3A_708 = tpu.memref_slice %arg5[%add3A_481, %dma_wait3A_707] : memref<165x96xi32, #tpu.memory_space<vmem>> -> memref<1x96xi32, #tpu.memory_space<vmem>>
      %dma_wait3A_709 = tpu.memref_squeeze %dma_wait3A_708 : memref<1x96xi32, #tpu.memory_space<vmem>> -> memref<96xi32, #tpu.memory_space<vmem>>
      %dma_wait3A_710 = arith.constant 0 : i32
      %dma_wait3A_711 = arith.constant 0 : i32
      %dma_wait3A_712 = tpu.memref_slice %arg8[%dma_wait3A_710, %dma_wait3A_711] : memref<40008x16xf32, #tpu.memory_space<vmem_shared>> -> memref<40008x16xf32, #tpu.memory_space<vmem_shared>>
      tpu.wait_indirect_dma semaphore(%arg12 : memref<!tpu.dma_semaphore, #tpu.memory_space<semaphore_mem>>) src(%dma_wait3A_706 : memref<96x16xf32, #tpu.memory_space<vmem>>) dst(%dma_wait3A_712 : memref<40008x16xf32, #tpu.memory_space<vmem_shared>>)
      %dma_wait3A_713 = arith.constant 1 : i32
      %dma_wait3A_714 = arith.constant 288 : i32
      %dma_wait3A_715 = arith.constant 0 : i32
      %dma_wait3A_716 = tpu.memref_slice %arg6[%dma_wait3A_713, %dma_wait3A_714, %dma_wait3A_715] : memref<3x480x16xf32, #tpu.memory_space<vmem>> -> memref<1x96x16xf32, #tpu.memory_space<vmem>>
      %dma_wait3A_717 = tpu.memref_squeeze %dma_wait3A_716 : memref<1x96x16xf32, #tpu.memory_space<vmem>> -> memref<96x16xf32, #tpu.memory_space<vmem>>
      %dma_wait3A_718 = arith.constant 0 : i32
      %dma_wait3A_719 = tpu.memref_slice %arg5[%add3A_498, %dma_wait3A_718] : memref<165x96xi32, #tpu.memory_space<vmem>> -> memref<1x96xi32, #tpu.memory_space<vmem>>
      %dma_wait3A_720 = tpu.memref_squeeze %dma_wait3A_719 : memref<1x96xi32, #tpu.memory_space<vmem>> -> memref<96xi32, #tpu.memory_space<vmem>>
      %dma_wait3A_721 = arith.constant 0 : i32
      %dma_wait3A_722 = arith.constant 0 : i32
      %dma_wait3A_723 = tpu.memref_slice %arg8[%dma_wait3A_721, %dma_wait3A_722] : memref<40008x16xf32, #tpu.memory_space<vmem_shared>> -> memref<40008x16xf32, #tpu.memory_space<vmem_shared>>
      tpu.wait_indirect_dma semaphore(%arg12 : memref<!tpu.dma_semaphore, #tpu.memory_space<semaphore_mem>>) src(%dma_wait3A_717 : memref<96x16xf32, #tpu.memory_space<vmem>>) dst(%dma_wait3A_723 : memref<40008x16xf32, #tpu.memory_space<vmem_shared>>)
      %dma_wait3A_724 = arith.constant 1 : i32
      %dma_wait3A_725 = arith.constant 384 : i32
      %dma_wait3A_726 = arith.constant 0 : i32
      %dma_wait3A_727 = tpu.memref_slice %arg6[%dma_wait3A_724, %dma_wait3A_725, %dma_wait3A_726] : memref<3x480x16xf32, #tpu.memory_space<vmem>> -> memref<1x96x16xf32, #tpu.memory_space<vmem>>
      %dma_wait3A_728 = tpu.memref_squeeze %dma_wait3A_727 : memref<1x96x16xf32, #tpu.memory_space<vmem>> -> memref<96x16xf32, #tpu.memory_space<vmem>>
      %dma_wait3A_729 = arith.constant 0 : i32
      %dma_wait3A_730 = tpu.memref_slice %arg5[%add3A_515, %dma_wait3A_729] : memref<165x96xi32, #tpu.memory_space<vmem>> -> memref<1x96xi32, #tpu.memory_space<vmem>>
      %dma_wait3A_731 = tpu.memref_squeeze %dma_wait3A_730 : memref<1x96xi32, #tpu.memory_space<vmem>> -> memref<96xi32, #tpu.memory_space<vmem>>
      %dma_wait3A_732 = arith.constant 0 : i32
      %dma_wait3A_733 = arith.constant 0 : i32
      %dma_wait3A_734 = tpu.memref_slice %arg8[%dma_wait3A_732, %dma_wait3A_733] : memref<40008x16xf32, #tpu.memory_space<vmem_shared>> -> memref<40008x16xf32, #tpu.memory_space<vmem_shared>>
      tpu.wait_indirect_dma semaphore(%arg12 : memref<!tpu.dma_semaphore, #tpu.memory_space<semaphore_mem>>) src(%dma_wait3A_728 : memref<96x16xf32, #tpu.memory_space<vmem>>) dst(%dma_wait3A_734 : memref<40008x16xf32, #tpu.memory_space<vmem_shared>>)
      %dma_wait3A_735 = arith.constant 2 : i32
      %dma_wait3A_736 = arith.constant 0 : i32
      %dma_wait3A_737 = arith.constant 0 : i32
      %dma_wait3A_738 = tpu.memref_slice %arg6[%dma_wait3A_735, %dma_wait3A_736, %dma_wait3A_737] : memref<3x480x16xf32, #tpu.memory_space<vmem>> -> memref<1x96x16xf32, #tpu.memory_space<vmem>>
      %dma_wait3A_739 = tpu.memref_squeeze %dma_wait3A_738 : memref<1x96x16xf32, #tpu.memory_space<vmem>> -> memref<96x16xf32, #tpu.memory_space<vmem>>
      %dma_wait3A_740 = arith.constant 0 : i32
      %dma_wait3A_741 = tpu.memref_slice %arg5[%add3A_545, %dma_wait3A_740] : memref<165x96xi32, #tpu.memory_space<vmem>> -> memref<1x96xi32, #tpu.memory_space<vmem>>
      %dma_wait3A_742 = tpu.memref_squeeze %dma_wait3A_741 : memref<1x96xi32, #tpu.memory_space<vmem>> -> memref<96xi32, #tpu.memory_space<vmem>>
      %dma_wait3A_743 = arith.constant 0 : i32
      %dma_wait3A_744 = arith.constant 0 : i32
      %dma_wait3A_745 = tpu.memref_slice %arg8[%dma_wait3A_743, %dma_wait3A_744] : memref<40008x16xf32, #tpu.memory_space<vmem_shared>> -> memref<40008x16xf32, #tpu.memory_space<vmem_shared>>
      tpu.wait_indirect_dma semaphore(%arg12 : memref<!tpu.dma_semaphore, #tpu.memory_space<semaphore_mem>>) src(%dma_wait3A_739 : memref<96x16xf32, #tpu.memory_space<vmem>>) dst(%dma_wait3A_745 : memref<40008x16xf32, #tpu.memory_space<vmem_shared>>)
      %dma_wait3A_746 = arith.constant 2 : i32
      %dma_wait3A_747 = arith.constant 96 : i32
      %dma_wait3A_748 = arith.constant 0 : i32
      %dma_wait3A_749 = tpu.memref_slice %arg6[%dma_wait3A_746, %dma_wait3A_747, %dma_wait3A_748] : memref<3x480x16xf32, #tpu.memory_space<vmem>> -> memref<1x96x16xf32, #tpu.memory_space<vmem>>
      %dma_wait3A_750 = tpu.memref_squeeze %dma_wait3A_749 : memref<1x96x16xf32, #tpu.memory_space<vmem>> -> memref<96x16xf32, #tpu.memory_space<vmem>>
      %dma_wait3A_751 = arith.constant 0 : i32
      %dma_wait3A_752 = tpu.memref_slice %arg5[%add3A_562, %dma_wait3A_751] : memref<165x96xi32, #tpu.memory_space<vmem>> -> memref<1x96xi32, #tpu.memory_space<vmem>>
      %dma_wait3A_753 = tpu.memref_squeeze %dma_wait3A_752 : memref<1x96xi32, #tpu.memory_space<vmem>> -> memref<96xi32, #tpu.memory_space<vmem>>
      %dma_wait3A_754 = arith.constant 0 : i32
      %dma_wait3A_755 = arith.constant 0 : i32
      %dma_wait3A_756 = tpu.memref_slice %arg8[%dma_wait3A_754, %dma_wait3A_755] : memref<40008x16xf32, #tpu.memory_space<vmem_shared>> -> memref<40008x16xf32, #tpu.memory_space<vmem_shared>>
      tpu.wait_indirect_dma semaphore(%arg12 : memref<!tpu.dma_semaphore, #tpu.memory_space<semaphore_mem>>) src(%dma_wait3A_750 : memref<96x16xf32, #tpu.memory_space<vmem>>) dst(%dma_wait3A_756 : memref<40008x16xf32, #tpu.memory_space<vmem_shared>>)
      %dma_wait3A_757 = arith.constant 2 : i32
      %dma_wait3A_758 = arith.constant 192 : i32
      %dma_wait3A_759 = arith.constant 0 : i32
      %dma_wait3A_760 = tpu.memref_slice %arg6[%dma_wait3A_757, %dma_wait3A_758, %dma_wait3A_759] : memref<3x480x16xf32, #tpu.memory_space<vmem>> -> memref<1x96x16xf32, #tpu.memory_space<vmem>>
      %dma_wait3A_761 = tpu.memref_squeeze %dma_wait3A_760 : memref<1x96x16xf32, #tpu.memory_space<vmem>> -> memref<96x16xf32, #tpu.memory_space<vmem>>
      %dma_wait3A_762 = arith.constant 0 : i32
      %dma_wait3A_763 = tpu.memref_slice %arg5[%add3A_579, %dma_wait3A_762] : memref<165x96xi32, #tpu.memory_space<vmem>> -> memref<1x96xi32, #tpu.memory_space<vmem>>
      %dma_wait3A_764 = tpu.memref_squeeze %dma_wait3A_763 : memref<1x96xi32, #tpu.memory_space<vmem>> -> memref<96xi32, #tpu.memory_space<vmem>>
      %dma_wait3A_765 = arith.constant 0 : i32
      %dma_wait3A_766 = arith.constant 0 : i32
      %dma_wait3A_767 = tpu.memref_slice %arg8[%dma_wait3A_765, %dma_wait3A_766] : memref<40008x16xf32, #tpu.memory_space<vmem_shared>> -> memref<40008x16xf32, #tpu.memory_space<vmem_shared>>
      tpu.wait_indirect_dma semaphore(%arg12 : memref<!tpu.dma_semaphore, #tpu.memory_space<semaphore_mem>>) src(%dma_wait3A_761 : memref<96x16xf32, #tpu.memory_space<vmem>>) dst(%dma_wait3A_767 : memref<40008x16xf32, #tpu.memory_space<vmem_shared>>)
      %dma_wait3A_768 = arith.constant 2 : i32
      %dma_wait3A_769 = arith.constant 288 : i32
      %dma_wait3A_770 = arith.constant 0 : i32
      %dma_wait3A_771 = tpu.memref_slice %arg6[%dma_wait3A_768, %dma_wait3A_769, %dma_wait3A_770] : memref<3x480x16xf32, #tpu.memory_space<vmem>> -> memref<1x96x16xf32, #tpu.memory_space<vmem>>
      %dma_wait3A_772 = tpu.memref_squeeze %dma_wait3A_771 : memref<1x96x16xf32, #tpu.memory_space<vmem>> -> memref<96x16xf32, #tpu.memory_space<vmem>>
      %dma_wait3A_773 = arith.constant 0 : i32
      %dma_wait3A_774 = tpu.memref_slice %arg5[%add3A_596, %dma_wait3A_773] : memref<165x96xi32, #tpu.memory_space<vmem>> -> memref<1x96xi32, #tpu.memory_space<vmem>>
      %dma_wait3A_775 = tpu.memref_squeeze %dma_wait3A_774 : memref<1x96xi32, #tpu.memory_space<vmem>> -> memref<96xi32, #tpu.memory_space<vmem>>
      %dma_wait3A_776 = arith.constant 0 : i32
      %dma_wait3A_777 = arith.constant 0 : i32
      %dma_wait3A_778 = tpu.memref_slice %arg8[%dma_wait3A_776, %dma_wait3A_777] : memref<40008x16xf32, #tpu.memory_space<vmem_shared>> -> memref<40008x16xf32, #tpu.memory_space<vmem_shared>>
      tpu.wait_indirect_dma semaphore(%arg12 : memref<!tpu.dma_semaphore, #tpu.memory_space<semaphore_mem>>) src(%dma_wait3A_772 : memref<96x16xf32, #tpu.memory_space<vmem>>) dst(%dma_wait3A_778 : memref<40008x16xf32, #tpu.memory_space<vmem_shared>>)
      %dma_wait3A_779 = arith.constant 2 : i32
      %dma_wait3A_780 = arith.constant 384 : i32
      %dma_wait3A_781 = arith.constant 0 : i32
      %dma_wait3A_782 = tpu.memref_slice %arg6[%dma_wait3A_779, %dma_wait3A_780, %dma_wait3A_781] : memref<3x480x16xf32, #tpu.memory_space<vmem>> -> memref<1x96x16xf32, #tpu.memory_space<vmem>>
      %dma_wait3A_783 = tpu.memref_squeeze %dma_wait3A_782 : memref<1x96x16xf32, #tpu.memory_space<vmem>> -> memref<96x16xf32, #tpu.memory_space<vmem>>
      %dma_wait3A_784 = arith.constant 0 : i32
      %dma_wait3A_785 = tpu.memref_slice %arg5[%add3A_613, %dma_wait3A_784] : memref<165x96xi32, #tpu.memory_space<vmem>> -> memref<1x96xi32, #tpu.memory_space<vmem>>
      %dma_wait3A_786 = tpu.memref_squeeze %dma_wait3A_785 : memref<1x96xi32, #tpu.memory_space<vmem>> -> memref<96xi32, #tpu.memory_space<vmem>>
      %dma_wait3A_787 = arith.constant 0 : i32
      %dma_wait3A_788 = arith.constant 0 : i32
      %dma_wait3A_789 = tpu.memref_slice %arg8[%dma_wait3A_787, %dma_wait3A_788] : memref<40008x16xf32, #tpu.memory_space<vmem_shared>> -> memref<40008x16xf32, #tpu.memory_space<vmem_shared>>
      tpu.wait_indirect_dma semaphore(%arg12 : memref<!tpu.dma_semaphore, #tpu.memory_space<semaphore_mem>>) src(%dma_wait3A_783 : memref<96x16xf32, #tpu.memory_space<vmem>>) dst(%dma_wait3A_789 : memref<40008x16xf32, #tpu.memory_space<vmem_shared>>)
    }
    %scan3A_163 = arith.constant 11 : i32
    %barrier3A_164 = arith.constant 0 : index
    tpu.barrier barrier_id(%barrier3A_164)
    %mul3A_165 = arith.constant 2500 : i32
    %mul3A_166 = arith.muli %arg1, %mul3A_165 : i32
    %mul3A_167 = arith.constant 2500 : i32
    %mul3A_168 = arith.muli %arg1, %mul3A_167 : i32
    "tpu.region"() ({
      %run_scoped3A = tpu.sem_alloc : memref<!tpu.dma_semaphore, #tpu.memory_space<semaphore_mem>>
      %dma_start3A = arith.constant 32 : i32
      %dma_start3A_276 = tpu.memref_slice %arg4[%arg0, %mul3A_168, %dma_start3A] : memref<2x40000x80xf32, #tpu.memory_space<hbm>> -> memref<1x2500x16xf32, #tpu.memory_space<hbm>>
      %dma_start3A_277 = tpu.memref_squeeze %dma_start3A_276 : memref<1x2500x16xf32, #tpu.memory_space<hbm>> -> memref<2500x16xf32, #tpu.memory_space<hbm>>
      %dma_start3A_278 = arith.constant 0 : i32
      %dma_start3A_279 = tpu.memref_slice %arg8[%mul3A_166, %dma_start3A_278] : memref<40008x16xf32, #tpu.memory_space<vmem_shared>> -> memref<2500x16xf32, #tpu.memory_space<vmem_shared>>
      tpu.enqueue_dma source(%dma_start3A_279 : memref<2500x16xf32, #tpu.memory_space<vmem_shared>>) target(%dma_start3A_277 : memref<2500x16xf32, #tpu.memory_space<hbm>>) target_semaphore(%run_scoped3A : memref<!tpu.dma_semaphore, #tpu.memory_space<semaphore_mem>>)
      %dma_wait3A = arith.constant 32 : i32
      %dma_wait3A_280 = tpu.memref_slice %arg4[%arg0, %mul3A_168, %dma_wait3A] : memref<2x40000x80xf32, #tpu.memory_space<hbm>> -> memref<1x2500x16xf32, #tpu.memory_space<hbm>>
      %dma_wait3A_281 = tpu.memref_squeeze %dma_wait3A_280 : memref<1x2500x16xf32, #tpu.memory_space<hbm>> -> memref<2500x16xf32, #tpu.memory_space<hbm>>
      %dma_wait3A_282 = arith.constant 0 : i32
      %dma_wait3A_283 = tpu.memref_slice %arg8[%mul3A_166, %dma_wait3A_282] : memref<40008x16xf32, #tpu.memory_space<vmem_shared>> -> memref<2500x16xf32, #tpu.memory_space<vmem_shared>>
      tpu.wait_dma2 semaphore(%run_scoped3A : memref<!tpu.dma_semaphore, #tpu.memory_space<semaphore_mem>>) src(%dma_wait3A_283 : memref<2500x16xf32, #tpu.memory_space<vmem_shared>>) dst(%dma_wait3A_281 : memref<2500x16xf32, #tpu.memory_space<hbm>>)
      tpu.yield
    }) : () -> ()
    %barrier3A_169 = arith.constant 0 : index
    tpu.barrier barrier_id(%barrier3A_169)
    %mul3A_170 = arith.constant 2500 : i32
    %mul3A_171 = arith.muli %arg1, %mul3A_170 : i32
    %add3A_172 = arith.constant 0 : i32
    %add3A_173 = arith.addi %mul3A_171, %add3A_172 : i32
    "tpu.region"() ({
      %run_scoped3A = tpu.sem_alloc : memref<!tpu.dma_semaphore, #tpu.memory_space<semaphore_mem>>
      %dma_start3A = arith.constant 0 : i32
      %dma_start3A_276 = tpu.memref_slice %arg8[%add3A_173, %dma_start3A] : memref<40008x16xf32, #tpu.memory_space<vmem_shared>> -> memref<250x16xf32, #tpu.memory_space<vmem_shared>>
      %dma_start3A_277 = arith.constant 0 : i32
      %dma_start3A_278 = tpu.memref_slice %arg8[%add3A_173, %dma_start3A_277] : memref<40008x16xf32, #tpu.memory_space<vmem_shared>> -> memref<250x16xf32, #tpu.memory_space<vmem_shared>>
      tpu.enqueue_dma source(%arg7 : memref<250x16xf32, #tpu.memory_space<vmem>>) target(%dma_start3A_278 : memref<250x16xf32, #tpu.memory_space<vmem_shared>>) target_semaphore(%run_scoped3A : memref<!tpu.dma_semaphore, #tpu.memory_space<semaphore_mem>>)
      %dma_wait3A = arith.constant 0 : i32
      %dma_wait3A_279 = tpu.memref_slice %arg8[%add3A_173, %dma_wait3A] : memref<40008x16xf32, #tpu.memory_space<vmem_shared>> -> memref<250x16xf32, #tpu.memory_space<vmem_shared>>
      %dma_wait3A_280 = arith.constant 0 : i32
      %dma_wait3A_281 = tpu.memref_slice %arg8[%add3A_173, %dma_wait3A_280] : memref<40008x16xf32, #tpu.memory_space<vmem_shared>> -> memref<250x16xf32, #tpu.memory_space<vmem_shared>>
      tpu.wait_dma2 semaphore(%run_scoped3A : memref<!tpu.dma_semaphore, #tpu.memory_space<semaphore_mem>>) src(%arg7 : memref<250x16xf32, #tpu.memory_space<vmem>>) dst(%dma_wait3A_281 : memref<250x16xf32, #tpu.memory_space<vmem_shared>>)
      tpu.yield
    }) : () -> ()
    %mul3A_174 = arith.constant 2500 : i32
    %mul3A_175 = arith.muli %arg1, %mul3A_174 : i32
    %add3A_176 = arith.constant 250 : i32
    %add3A_177 = arith.addi %mul3A_175, %add3A_176 : i32
    "tpu.region"() ({
      %run_scoped3A = tpu.sem_alloc : memref<!tpu.dma_semaphore, #tpu.memory_space<semaphore_mem>>
      %dma_start3A = arith.constant 0 : i32
      %dma_start3A_276 = tpu.memref_slice %arg8[%add3A_177, %dma_start3A] : memref<40008x16xf32, #tpu.memory_space<vmem_shared>> -> memref<250x16xf32, #tpu.memory_space<vmem_shared>>
      %dma_start3A_277 = arith.constant 0 : i32
      %dma_start3A_278 = tpu.memref_slice %arg8[%add3A_177, %dma_start3A_277] : memref<40008x16xf32, #tpu.memory_space<vmem_shared>> -> memref<250x16xf32, #tpu.memory_space<vmem_shared>>
      tpu.enqueue_dma source(%arg7 : memref<250x16xf32, #tpu.memory_space<vmem>>) target(%dma_start3A_278 : memref<250x16xf32, #tpu.memory_space<vmem_shared>>) target_semaphore(%run_scoped3A : memref<!tpu.dma_semaphore, #tpu.memory_space<semaphore_mem>>)
      %dma_wait3A = arith.constant 0 : i32
      %dma_wait3A_279 = tpu.memref_slice %arg8[%add3A_177, %dma_wait3A] : memref<40008x16xf32, #tpu.memory_space<vmem_shared>> -> memref<250x16xf32, #tpu.memory_space<vmem_shared>>
      %dma_wait3A_280 = arith.constant 0 : i32
      %dma_wait3A_281 = tpu.memref_slice %arg8[%add3A_177, %dma_wait3A_280] : memref<40008x16xf32, #tpu.memory_space<vmem_shared>> -> memref<250x16xf32, #tpu.memory_space<vmem_shared>>
      tpu.wait_dma2 semaphore(%run_scoped3A : memref<!tpu.dma_semaphore, #tpu.memory_space<semaphore_mem>>) src(%arg7 : memref<250x16xf32, #tpu.memory_space<vmem>>) dst(%dma_wait3A_281 : memref<250x16xf32, #tpu.memory_space<vmem_shared>>)
      tpu.yield
    }) : () -> ()
    %mul3A_178 = arith.constant 2500 : i32
    %mul3A_179 = arith.muli %arg1, %mul3A_178 : i32
    %add3A_180 = arith.constant 500 : i32
    %add3A_181 = arith.addi %mul3A_179, %add3A_180 : i32
    "tpu.region"() ({
      %run_scoped3A = tpu.sem_alloc : memref<!tpu.dma_semaphore, #tpu.memory_space<semaphore_mem>>
      %dma_start3A = arith.constant 0 : i32
      %dma_start3A_276 = tpu.memref_slice %arg8[%add3A_181, %dma_start3A] : memref<40008x16xf32, #tpu.memory_space<vmem_shared>> -> memref<250x16xf32, #tpu.memory_space<vmem_shared>>
      %dma_start3A_277 = arith.constant 0 : i32
      %dma_start3A_278 = tpu.memref_slice %arg8[%add3A_181, %dma_start3A_277] : memref<40008x16xf32, #tpu.memory_space<vmem_shared>> -> memref<250x16xf32, #tpu.memory_space<vmem_shared>>
      tpu.enqueue_dma source(%arg7 : memref<250x16xf32, #tpu.memory_space<vmem>>) target(%dma_start3A_278 : memref<250x16xf32, #tpu.memory_space<vmem_shared>>) target_semaphore(%run_scoped3A : memref<!tpu.dma_semaphore, #tpu.memory_space<semaphore_mem>>)
      %dma_wait3A = arith.constant 0 : i32
      %dma_wait3A_279 = tpu.memref_slice %arg8[%add3A_181, %dma_wait3A] : memref<40008x16xf32, #tpu.memory_space<vmem_shared>> -> memref<250x16xf32, #tpu.memory_space<vmem_shared>>
      %dma_wait3A_280 = arith.constant 0 : i32
      %dma_wait3A_281 = tpu.memref_slice %arg8[%add3A_181, %dma_wait3A_280] : memref<40008x16xf32, #tpu.memory_space<vmem_shared>> -> memref<250x16xf32, #tpu.memory_space<vmem_shared>>
      tpu.wait_dma2 semaphore(%run_scoped3A : memref<!tpu.dma_semaphore, #tpu.memory_space<semaphore_mem>>) src(%arg7 : memref<250x16xf32, #tpu.memory_space<vmem>>) dst(%dma_wait3A_281 : memref<250x16xf32, #tpu.memory_space<vmem_shared>>)
      tpu.yield
    }) : () -> ()
    %mul3A_182 = arith.constant 2500 : i32
    %mul3A_183 = arith.muli %arg1, %mul3A_182 : i32
    %add3A_184 = arith.constant 750 : i32
    %add3A_185 = arith.addi %mul3A_183, %add3A_184 : i32
    "tpu.region"() ({
      %run_scoped3A = tpu.sem_alloc : memref<!tpu.dma_semaphore, #tpu.memory_space<semaphore_mem>>
      %dma_start3A = arith.constant 0 : i32
      %dma_start3A_276 = tpu.memref_slice %arg8[%add3A_185, %dma_start3A] : memref<40008x16xf32, #tpu.memory_space<vmem_shared>> -> memref<250x16xf32, #tpu.memory_space<vmem_shared>>
      %dma_start3A_277 = arith.constant 0 : i32
      %dma_start3A_278 = tpu.memref_slice %arg8[%add3A_185, %dma_start3A_277] : memref<40008x16xf32, #tpu.memory_space<vmem_shared>> -> memref<250x16xf32, #tpu.memory_space<vmem_shared>>
      tpu.enqueue_dma source(%arg7 : memref<250x16xf32, #tpu.memory_space<vmem>>) target(%dma_start3A_278 : memref<250x16xf32, #tpu.memory_space<vmem_shared>>) target_semaphore(%run_scoped3A : memref<!tpu.dma_semaphore, #tpu.memory_space<semaphore_mem>>)
      %dma_wait3A = arith.constant 0 : i32
      %dma_wait3A_279 = tpu.memref_slice %arg8[%add3A_185, %dma_wait3A] : memref<40008x16xf32, #tpu.memory_space<vmem_shared>> -> memref<250x16xf32, #tpu.memory_space<vmem_shared>>
      %dma_wait3A_280 = arith.constant 0 : i32
      %dma_wait3A_281 = tpu.memref_slice %arg8[%add3A_185, %dma_wait3A_280] : memref<40008x16xf32, #tpu.memory_space<vmem_shared>> -> memref<250x16xf32, #tpu.memory_space<vmem_shared>>
      tpu.wait_dma2 semaphore(%run_scoped3A : memref<!tpu.dma_semaphore, #tpu.memory_space<semaphore_mem>>) src(%arg7 : memref<250x16xf32, #tpu.memory_space<vmem>>) dst(%dma_wait3A_281 : memref<250x16xf32, #tpu.memory_space<vmem_shared>>)
      tpu.yield
    }) : () -> ()
    %mul3A_186 = arith.constant 2500 : i32
    %mul3A_187 = arith.muli %arg1, %mul3A_186 : i32
    %add3A_188 = arith.constant 1000 : i32
    %add3A_189 = arith.addi %mul3A_187, %add3A_188 : i32
    "tpu.region"() ({
      %run_scoped3A = tpu.sem_alloc : memref<!tpu.dma_semaphore, #tpu.memory_space<semaphore_mem>>
      %dma_start3A = arith.constant 0 : i32
      %dma_start3A_276 = tpu.memref_slice %arg8[%add3A_189, %dma_start3A] : memref<40008x16xf32, #tpu.memory_space<vmem_shared>> -> memref<250x16xf32, #tpu.memory_space<vmem_shared>>
      %dma_start3A_277 = arith.constant 0 : i32
      %dma_start3A_278 = tpu.memref_slice %arg8[%add3A_189, %dma_start3A_277] : memref<40008x16xf32, #tpu.memory_space<vmem_shared>> -> memref<250x16xf32, #tpu.memory_space<vmem_shared>>
      tpu.enqueue_dma source(%arg7 : memref<250x16xf32, #tpu.memory_space<vmem>>) target(%dma_start3A_278 : memref<250x16xf32, #tpu.memory_space<vmem_shared>>) target_semaphore(%run_scoped3A : memref<!tpu.dma_semaphore, #tpu.memory_space<semaphore_mem>>)
      %dma_wait3A = arith.constant 0 : i32
      %dma_wait3A_279 = tpu.memref_slice %arg8[%add3A_189, %dma_wait3A] : memref<40008x16xf32, #tpu.memory_space<vmem_shared>> -> memref<250x16xf32, #tpu.memory_space<vmem_shared>>
      %dma_wait3A_280 = arith.constant 0 : i32
      %dma_wait3A_281 = tpu.memref_slice %arg8[%add3A_189, %dma_wait3A_280] : memref<40008x16xf32, #tpu.memory_space<vmem_shared>> -> memref<250x16xf32, #tpu.memory_space<vmem_shared>>
      tpu.wait_dma2 semaphore(%run_scoped3A : memref<!tpu.dma_semaphore, #tpu.memory_space<semaphore_mem>>) src(%arg7 : memref<250x16xf32, #tpu.memory_space<vmem>>) dst(%dma_wait3A_281 : memref<250x16xf32, #tpu.memory_space<vmem_shared>>)
      tpu.yield
    }) : () -> ()
    %mul3A_190 = arith.constant 2500 : i32
    %mul3A_191 = arith.muli %arg1, %mul3A_190 : i32
    %add3A_192 = arith.constant 1250 : i32
    %add3A_193 = arith.addi %mul3A_191, %add3A_192 : i32
    "tpu.region"() ({
      %run_scoped3A = tpu.sem_alloc : memref<!tpu.dma_semaphore, #tpu.memory_space<semaphore_mem>>
      %dma_start3A = arith.constant 0 : i32
      %dma_start3A_276 = tpu.memref_slice %arg8[%add3A_193, %dma_start3A] : memref<40008x16xf32, #tpu.memory_space<vmem_shared>> -> memref<250x16xf32, #tpu.memory_space<vmem_shared>>
      %dma_start3A_277 = arith.constant 0 : i32
      %dma_start3A_278 = tpu.memref_slice %arg8[%add3A_193, %dma_start3A_277] : memref<40008x16xf32, #tpu.memory_space<vmem_shared>> -> memref<250x16xf32, #tpu.memory_space<vmem_shared>>
      tpu.enqueue_dma source(%arg7 : memref<250x16xf32, #tpu.memory_space<vmem>>) target(%dma_start3A_278 : memref<250x16xf32, #tpu.memory_space<vmem_shared>>) target_semaphore(%run_scoped3A : memref<!tpu.dma_semaphore, #tpu.memory_space<semaphore_mem>>)
      %dma_wait3A = arith.constant 0 : i32
      %dma_wait3A_279 = tpu.memref_slice %arg8[%add3A_193, %dma_wait3A] : memref<40008x16xf32, #tpu.memory_space<vmem_shared>> -> memref<250x16xf32, #tpu.memory_space<vmem_shared>>
      %dma_wait3A_280 = arith.constant 0 : i32
      %dma_wait3A_281 = tpu.memref_slice %arg8[%add3A_193, %dma_wait3A_280] : memref<40008x16xf32, #tpu.memory_space<vmem_shared>> -> memref<250x16xf32, #tpu.memory_space<vmem_shared>>
      tpu.wait_dma2 semaphore(%run_scoped3A : memref<!tpu.dma_semaphore, #tpu.memory_space<semaphore_mem>>) src(%arg7 : memref<250x16xf32, #tpu.memory_space<vmem>>) dst(%dma_wait3A_281 : memref<250x16xf32, #tpu.memory_space<vmem_shared>>)
      tpu.yield
    }) : () -> ()
    %mul3A_194 = arith.constant 2500 : i32
    %mul3A_195 = arith.muli %arg1, %mul3A_194 : i32
    %add3A_196 = arith.constant 1500 : i32
    %add3A_197 = arith.addi %mul3A_195, %add3A_196 : i32
    "tpu.region"() ({
      %run_scoped3A = tpu.sem_alloc : memref<!tpu.dma_semaphore, #tpu.memory_space<semaphore_mem>>
      %dma_start3A = arith.constant 0 : i32
      %dma_start3A_276 = tpu.memref_slice %arg8[%add3A_197, %dma_start3A] : memref<40008x16xf32, #tpu.memory_space<vmem_shared>> -> memref<250x16xf32, #tpu.memory_space<vmem_shared>>
      %dma_start3A_277 = arith.constant 0 : i32
      %dma_start3A_278 = tpu.memref_slice %arg8[%add3A_197, %dma_start3A_277] : memref<40008x16xf32, #tpu.memory_space<vmem_shared>> -> memref<250x16xf32, #tpu.memory_space<vmem_shared>>
      tpu.enqueue_dma source(%arg7 : memref<250x16xf32, #tpu.memory_space<vmem>>) target(%dma_start3A_278 : memref<250x16xf32, #tpu.memory_space<vmem_shared>>) target_semaphore(%run_scoped3A : memref<!tpu.dma_semaphore, #tpu.memory_space<semaphore_mem>>)
      %dma_wait3A = arith.constant 0 : i32
      %dma_wait3A_279 = tpu.memref_slice %arg8[%add3A_197, %dma_wait3A] : memref<40008x16xf32, #tpu.memory_space<vmem_shared>> -> memref<250x16xf32, #tpu.memory_space<vmem_shared>>
      %dma_wait3A_280 = arith.constant 0 : i32
      %dma_wait3A_281 = tpu.memref_slice %arg8[%add3A_197, %dma_wait3A_280] : memref<40008x16xf32, #tpu.memory_space<vmem_shared>> -> memref<250x16xf32, #tpu.memory_space<vmem_shared>>
      tpu.wait_dma2 semaphore(%run_scoped3A : memref<!tpu.dma_semaphore, #tpu.memory_space<semaphore_mem>>) src(%arg7 : memref<250x16xf32, #tpu.memory_space<vmem>>) dst(%dma_wait3A_281 : memref<250x16xf32, #tpu.memory_space<vmem_shared>>)
      tpu.yield
    }) : () -> ()
    %mul3A_198 = arith.constant 2500 : i32
    %mul3A_199 = arith.muli %arg1, %mul3A_198 : i32
    %add3A_200 = arith.constant 1750 : i32
    %add3A_201 = arith.addi %mul3A_199, %add3A_200 : i32
    "tpu.region"() ({
      %run_scoped3A = tpu.sem_alloc : memref<!tpu.dma_semaphore, #tpu.memory_space<semaphore_mem>>
      %dma_start3A = arith.constant 0 : i32
      %dma_start3A_276 = tpu.memref_slice %arg8[%add3A_201, %dma_start3A] : memref<40008x16xf32, #tpu.memory_space<vmem_shared>> -> memref<250x16xf32, #tpu.memory_space<vmem_shared>>
      %dma_start3A_277 = arith.constant 0 : i32
      %dma_start3A_278 = tpu.memref_slice %arg8[%add3A_201, %dma_start3A_277] : memref<40008x16xf32, #tpu.memory_space<vmem_shared>> -> memref<250x16xf32, #tpu.memory_space<vmem_shared>>
      tpu.enqueue_dma source(%arg7 : memref<250x16xf32, #tpu.memory_space<vmem>>) target(%dma_start3A_278 : memref<250x16xf32, #tpu.memory_space<vmem_shared>>) target_semaphore(%run_scoped3A : memref<!tpu.dma_semaphore, #tpu.memory_space<semaphore_mem>>)
      %dma_wait3A = arith.constant 0 : i32
      %dma_wait3A_279 = tpu.memref_slice %arg8[%add3A_201, %dma_wait3A] : memref<40008x16xf32, #tpu.memory_space<vmem_shared>> -> memref<250x16xf32, #tpu.memory_space<vmem_shared>>
      %dma_wait3A_280 = arith.constant 0 : i32
      %dma_wait3A_281 = tpu.memref_slice %arg8[%add3A_201, %dma_wait3A_280] : memref<40008x16xf32, #tpu.memory_space<vmem_shared>> -> memref<250x16xf32, #tpu.memory_space<vmem_shared>>
      tpu.wait_dma2 semaphore(%run_scoped3A : memref<!tpu.dma_semaphore, #tpu.memory_space<semaphore_mem>>) src(%arg7 : memref<250x16xf32, #tpu.memory_space<vmem>>) dst(%dma_wait3A_281 : memref<250x16xf32, #tpu.memory_space<vmem_shared>>)
      tpu.yield
    }) : () -> ()
    %mul3A_202 = arith.constant 2500 : i32
    %mul3A_203 = arith.muli %arg1, %mul3A_202 : i32
    %add3A_204 = arith.constant 2000 : i32
    %add3A_205 = arith.addi %mul3A_203, %add3A_204 : i32
    "tpu.region"() ({
      %run_scoped3A = tpu.sem_alloc : memref<!tpu.dma_semaphore, #tpu.memory_space<semaphore_mem>>
      %dma_start3A = arith.constant 0 : i32
      %dma_start3A_276 = tpu.memref_slice %arg8[%add3A_205, %dma_start3A] : memref<40008x16xf32, #tpu.memory_space<vmem_shared>> -> memref<250x16xf32, #tpu.memory_space<vmem_shared>>
      %dma_start3A_277 = arith.constant 0 : i32
      %dma_start3A_278 = tpu.memref_slice %arg8[%add3A_205, %dma_start3A_277] : memref<40008x16xf32, #tpu.memory_space<vmem_shared>> -> memref<250x16xf32, #tpu.memory_space<vmem_shared>>
      tpu.enqueue_dma source(%arg7 : memref<250x16xf32, #tpu.memory_space<vmem>>) target(%dma_start3A_278 : memref<250x16xf32, #tpu.memory_space<vmem_shared>>) target_semaphore(%run_scoped3A : memref<!tpu.dma_semaphore, #tpu.memory_space<semaphore_mem>>)
      %dma_wait3A = arith.constant 0 : i32
      %dma_wait3A_279 = tpu.memref_slice %arg8[%add3A_205, %dma_wait3A] : memref<40008x16xf32, #tpu.memory_space<vmem_shared>> -> memref<250x16xf32, #tpu.memory_space<vmem_shared>>
      %dma_wait3A_280 = arith.constant 0 : i32
      %dma_wait3A_281 = tpu.memref_slice %arg8[%add3A_205, %dma_wait3A_280] : memref<40008x16xf32, #tpu.memory_space<vmem_shared>> -> memref<250x16xf32, #tpu.memory_space<vmem_shared>>
      tpu.wait_dma2 semaphore(%run_scoped3A : memref<!tpu.dma_semaphore, #tpu.memory_space<semaphore_mem>>) src(%arg7 : memref<250x16xf32, #tpu.memory_space<vmem>>) dst(%dma_wait3A_281 : memref<250x16xf32, #tpu.memory_space<vmem_shared>>)
      tpu.yield
    }) : () -> ()
    %mul3A_206 = arith.constant 2500 : i32
    %mul3A_207 = arith.muli %arg1, %mul3A_206 : i32
    %add3A_208 = arith.constant 2250 : i32
    %add3A_209 = arith.addi %mul3A_207, %add3A_208 : i32
    "tpu.region"() ({
      %run_scoped3A = tpu.sem_alloc : memref<!tpu.dma_semaphore, #tpu.memory_space<semaphore_mem>>
      %dma_start3A = arith.constant 0 : i32
      %dma_start3A_276 = tpu.memref_slice %arg8[%add3A_209, %dma_start3A] : memref<40008x16xf32, #tpu.memory_space<vmem_shared>> -> memref<250x16xf32, #tpu.memory_space<vmem_shared>>
      %dma_start3A_277 = arith.constant 0 : i32
      %dma_start3A_278 = tpu.memref_slice %arg8[%add3A_209, %dma_start3A_277] : memref<40008x16xf32, #tpu.memory_space<vmem_shared>> -> memref<250x16xf32, #tpu.memory_space<vmem_shared>>
      tpu.enqueue_dma source(%arg7 : memref<250x16xf32, #tpu.memory_space<vmem>>) target(%dma_start3A_278 : memref<250x16xf32, #tpu.memory_space<vmem_shared>>) target_semaphore(%run_scoped3A : memref<!tpu.dma_semaphore, #tpu.memory_space<semaphore_mem>>)
      %dma_wait3A = arith.constant 0 : i32
      %dma_wait3A_279 = tpu.memref_slice %arg8[%add3A_209, %dma_wait3A] : memref<40008x16xf32, #tpu.memory_space<vmem_shared>> -> memref<250x16xf32, #tpu.memory_space<vmem_shared>>
      %dma_wait3A_280 = arith.constant 0 : i32
      %dma_wait3A_281 = tpu.memref_slice %arg8[%add3A_209, %dma_wait3A_280] : memref<40008x16xf32, #tpu.memory_space<vmem_shared>> -> memref<250x16xf32, #tpu.memory_space<vmem_shared>>
      tpu.wait_dma2 semaphore(%run_scoped3A : memref<!tpu.dma_semaphore, #tpu.memory_space<semaphore_mem>>) src(%arg7 : memref<250x16xf32, #tpu.memory_space<vmem>>) dst(%dma_wait3A_281 : memref<250x16xf32, #tpu.memory_space<vmem_shared>>)
      tpu.yield
    }) : () -> ()
    %barrier3A_210 = arith.constant 0 : index
    tpu.barrier barrier_id(%barrier3A_210)
    %scan3A_211 = arith.constant 0 : i32
    %scan3A_212 = arith.constant 0 : i32
    %scan3A_213 = arith.constant 11 : i32
    %scan3A_214 = arith.addi %scan3A_212, %scan3A_213 : i32
    %scan3A_215 = arith.constant 1 : i32
    scf.for %scan3A_276 = %scan3A_212 to %scan3A_214 step %scan3A_215  : i32 {
      %mul3A_277 = arith.constant 3 : i32
      %mul3A_278 = arith.muli %scan3A_276, %mul3A_277 : i32
      %add3A_279 = arith.constant 0 : i32
      %add3A_280 = arith.addi %mul3A_278, %add3A_279 : i32
      %mul3A_281 = arith.constant 480 : i32
      %mul3A_282 = arith.muli %add3A_280, %mul3A_281 : i32
      %add3A_283 = arith.addi %add3A_5, %mul3A_282 : i32
      %dma_start3A = arith.constant 0 : i32
      %dma_start3A_284 = arith.constant 0 : i32
      %dma_start3A_285 = arith.constant 0 : i32
      %dma_start3A_286 = tpu.memref_slice %arg6[%dma_start3A, %dma_start3A_284, %dma_start3A_285] : memref<3x480x16xf32, #tpu.memory_space<vmem>> -> memref<1x480x16xf32, #tpu.memory_space<vmem>>
      %dma_start3A_287 = tpu.memref_squeeze %dma_start3A_286 : memref<1x480x16xf32, #tpu.memory_space<vmem>> -> memref<480x16xf32, #tpu.memory_space<vmem>>
      %dma_start3A_288 = arith.constant 48 : i32
      %dma_start3A_289 = tpu.memref_slice %arg3[%add3A_283, %dma_start3A_288] : memref<506880x80xf32, #tpu.memory_space<hbm>> -> memref<480x16xf32, #tpu.memory_space<hbm>>
      %dma_start3A_290 = arith.constant 0 : i32
      %dma_start3A_291 = arith.constant 0 : i32
      %dma_start3A_292 = tpu.memref_slice %arg6[%dma_start3A, %dma_start3A_290, %dma_start3A_291] : memref<3x480x16xf32, #tpu.memory_space<vmem>> -> memref<1x480x16xf32, #tpu.memory_space<vmem>>
      %dma_start3A_293 = tpu.memref_squeeze %dma_start3A_292 : memref<1x480x16xf32, #tpu.memory_space<vmem>> -> memref<480x16xf32, #tpu.memory_space<vmem>>
      %dma_start3A_294 = arith.constant 48 : i32
      %dma_start3A_295 = tpu.memref_slice %arg3[%add3A_283, %dma_start3A_294] : memref<506880x80xf32, #tpu.memory_space<hbm>> -> memref<480x16xf32, #tpu.memory_space<hbm>>
      tpu.enqueue_dma source(%dma_start3A_295 : memref<480x16xf32, #tpu.memory_space<hbm>>) target(%dma_start3A_293 : memref<480x16xf32, #tpu.memory_space<vmem>>) target_semaphore(%arg9 : memref<!tpu.dma_semaphore, #tpu.memory_space<semaphore_mem>>)
      %add3A_296 = arith.constant 1 : i32
      %add3A_297 = arith.addi %mul3A_278, %add3A_296 : i32
      %mul3A_298 = arith.constant 480 : i32
      %mul3A_299 = arith.muli %add3A_297, %mul3A_298 : i32
      %add3A_300 = arith.addi %add3A_5, %mul3A_299 : i32
      %dma_start3A_301 = arith.constant 1 : i32
      %dma_start3A_302 = arith.constant 0 : i32
      %dma_start3A_303 = arith.constant 0 : i32
      %dma_start3A_304 = tpu.memref_slice %arg6[%dma_start3A_301, %dma_start3A_302, %dma_start3A_303] : memref<3x480x16xf32, #tpu.memory_space<vmem>> -> memref<1x480x16xf32, #tpu.memory_space<vmem>>
      %dma_start3A_305 = tpu.memref_squeeze %dma_start3A_304 : memref<1x480x16xf32, #tpu.memory_space<vmem>> -> memref<480x16xf32, #tpu.memory_space<vmem>>
      %dma_start3A_306 = arith.constant 48 : i32
      %dma_start3A_307 = tpu.memref_slice %arg3[%add3A_300, %dma_start3A_306] : memref<506880x80xf32, #tpu.memory_space<hbm>> -> memref<480x16xf32, #tpu.memory_space<hbm>>
      %dma_start3A_308 = arith.constant 0 : i32
      %dma_start3A_309 = arith.constant 0 : i32
      %dma_start3A_310 = tpu.memref_slice %arg6[%dma_start3A_301, %dma_start3A_308, %dma_start3A_309] : memref<3x480x16xf32, #tpu.memory_space<vmem>> -> memref<1x480x16xf32, #tpu.memory_space<vmem>>
      %dma_start3A_311 = tpu.memref_squeeze %dma_start3A_310 : memref<1x480x16xf32, #tpu.memory_space<vmem>> -> memref<480x16xf32, #tpu.memory_space<vmem>>
      %dma_start3A_312 = arith.constant 48 : i32
      %dma_start3A_313 = tpu.memref_slice %arg3[%add3A_300, %dma_start3A_312] : memref<506880x80xf32, #tpu.memory_space<hbm>> -> memref<480x16xf32, #tpu.memory_space<hbm>>
      tpu.enqueue_dma source(%dma_start3A_313 : memref<480x16xf32, #tpu.memory_space<hbm>>) target(%dma_start3A_311 : memref<480x16xf32, #tpu.memory_space<vmem>>) target_semaphore(%arg10 : memref<!tpu.dma_semaphore, #tpu.memory_space<semaphore_mem>>)
      %add3A_314 = arith.constant 2 : i32
      %add3A_315 = arith.addi %mul3A_278, %add3A_314 : i32
      %mul3A_316 = arith.constant 480 : i32
      %mul3A_317 = arith.muli %add3A_315, %mul3A_316 : i32
      %add3A_318 = arith.addi %add3A_5, %mul3A_317 : i32
      %dma_start3A_319 = arith.constant 2 : i32
      %dma_start3A_320 = arith.constant 0 : i32
      %dma_start3A_321 = arith.constant 0 : i32
      %dma_start3A_322 = tpu.memref_slice %arg6[%dma_start3A_319, %dma_start3A_320, %dma_start3A_321] : memref<3x480x16xf32, #tpu.memory_space<vmem>> -> memref<1x480x16xf32, #tpu.memory_space<vmem>>
      %dma_start3A_323 = tpu.memref_squeeze %dma_start3A_322 : memref<1x480x16xf32, #tpu.memory_space<vmem>> -> memref<480x16xf32, #tpu.memory_space<vmem>>
      %dma_start3A_324 = arith.constant 48 : i32
      %dma_start3A_325 = tpu.memref_slice %arg3[%add3A_318, %dma_start3A_324] : memref<506880x80xf32, #tpu.memory_space<hbm>> -> memref<480x16xf32, #tpu.memory_space<hbm>>
      %dma_start3A_326 = arith.constant 0 : i32
      %dma_start3A_327 = arith.constant 0 : i32
      %dma_start3A_328 = tpu.memref_slice %arg6[%dma_start3A_319, %dma_start3A_326, %dma_start3A_327] : memref<3x480x16xf32, #tpu.memory_space<vmem>> -> memref<1x480x16xf32, #tpu.memory_space<vmem>>
      %dma_start3A_329 = tpu.memref_squeeze %dma_start3A_328 : memref<1x480x16xf32, #tpu.memory_space<vmem>> -> memref<480x16xf32, #tpu.memory_space<vmem>>
      %dma_start3A_330 = arith.constant 48 : i32
      %dma_start3A_331 = tpu.memref_slice %arg3[%add3A_318, %dma_start3A_330] : memref<506880x80xf32, #tpu.memory_space<hbm>> -> memref<480x16xf32, #tpu.memory_space<hbm>>
      tpu.enqueue_dma source(%dma_start3A_331 : memref<480x16xf32, #tpu.memory_space<hbm>>) target(%dma_start3A_329 : memref<480x16xf32, #tpu.memory_space<vmem>>) target_semaphore(%arg11 : memref<!tpu.dma_semaphore, #tpu.memory_space<semaphore_mem>>)
      %dma_wait3A = arith.constant 0 : i32
      %dma_wait3A_332 = arith.constant 0 : i32
      %dma_wait3A_333 = arith.constant 0 : i32
      %dma_wait3A_334 = tpu.memref_slice %arg6[%dma_wait3A, %dma_wait3A_332, %dma_wait3A_333] : memref<3x480x16xf32, #tpu.memory_space<vmem>> -> memref<1x480x16xf32, #tpu.memory_space<vmem>>
      %dma_wait3A_335 = tpu.memref_squeeze %dma_wait3A_334 : memref<1x480x16xf32, #tpu.memory_space<vmem>> -> memref<480x16xf32, #tpu.memory_space<vmem>>
      %dma_wait3A_336 = arith.constant 48 : i32
      %dma_wait3A_337 = tpu.memref_slice %arg3[%add3A_283, %dma_wait3A_336] : memref<506880x80xf32, #tpu.memory_space<hbm>> -> memref<480x16xf32, #tpu.memory_space<hbm>>
      %dma_wait3A_338 = arith.constant 0 : i32
      %dma_wait3A_339 = arith.constant 0 : i32
      %dma_wait3A_340 = tpu.memref_slice %arg6[%dma_wait3A, %dma_wait3A_338, %dma_wait3A_339] : memref<3x480x16xf32, #tpu.memory_space<vmem>> -> memref<1x480x16xf32, #tpu.memory_space<vmem>>
      %dma_wait3A_341 = tpu.memref_squeeze %dma_wait3A_340 : memref<1x480x16xf32, #tpu.memory_space<vmem>> -> memref<480x16xf32, #tpu.memory_space<vmem>>
      %dma_wait3A_342 = arith.constant 48 : i32
      %dma_wait3A_343 = tpu.memref_slice %arg3[%add3A_283, %dma_wait3A_342] : memref<506880x80xf32, #tpu.memory_space<hbm>> -> memref<480x16xf32, #tpu.memory_space<hbm>>
      tpu.wait_dma2 semaphore(%arg9 : memref<!tpu.dma_semaphore, #tpu.memory_space<semaphore_mem>>) src(%dma_wait3A_343 : memref<480x16xf32, #tpu.memory_space<hbm>>) dst(%dma_wait3A_341 : memref<480x16xf32, #tpu.memory_space<vmem>>)
      %add3A_344 = arith.constant 0 : i32
      %add3A_345 = arith.addi %mul3A_278, %add3A_344 : i32
      %mul3A_346 = arith.constant 5 : i32
      %mul3A_347 = arith.muli %add3A_345, %mul3A_346 : i32
      %add3A_348 = arith.constant 0 : i32
      %add3A_349 = arith.addi %mul3A_347, %add3A_348 : i32
      %dma_start3A_350 = arith.constant 0 : i32
      %dma_start3A_351 = arith.constant 0 : i32
      %dma_start3A_352 = arith.constant 0 : i32
      %dma_start3A_353 = tpu.memref_slice %arg6[%dma_start3A_350, %dma_start3A_351, %dma_start3A_352] : memref<3x480x16xf32, #tpu.memory_space<vmem>> -> memref<1x96x16xf32, #tpu.memory_space<vmem>>
      %dma_start3A_354 = tpu.memref_squeeze %dma_start3A_353 : memref<1x96x16xf32, #tpu.memory_space<vmem>> -> memref<96x16xf32, #tpu.memory_space<vmem>>
      %dma_start3A_355 = arith.constant 0 : i32
      %dma_start3A_356 = tpu.memref_slice %arg5[%add3A_349, %dma_start3A_355] : memref<165x96xi32, #tpu.memory_space<vmem>> -> memref<1x96xi32, #tpu.memory_space<vmem>>
      %dma_start3A_357 = tpu.memref_squeeze %dma_start3A_356 : memref<1x96xi32, #tpu.memory_space<vmem>> -> memref<96xi32, #tpu.memory_space<vmem>>
      %dma_start3A_358 = arith.constant 0 : i32
      %dma_start3A_359 = arith.constant 0 : i32
      %dma_start3A_360 = tpu.memref_slice %arg8[%dma_start3A_358, %dma_start3A_359] : memref<40008x16xf32, #tpu.memory_space<vmem_shared>> -> memref<40008x16xf32, #tpu.memory_space<vmem_shared>>
      tpu.enqueue_indirect_dma source(%dma_start3A_354 : memref<96x16xf32, #tpu.memory_space<vmem>>) target(%dma_start3A_360 : memref<40008x16xf32, #tpu.memory_space<vmem_shared>>) offsets(%dma_start3A_357 : memref<96xi32, #tpu.memory_space<vmem>>) semaphore(%arg12 : memref<!tpu.dma_semaphore, #tpu.memory_space<semaphore_mem>>) {add = true}
      %add3A_361 = arith.constant 0 : i32
      %add3A_362 = arith.addi %mul3A_278, %add3A_361 : i32
      %mul3A_363 = arith.constant 5 : i32
      %mul3A_364 = arith.muli %add3A_362, %mul3A_363 : i32
      %add3A_365 = arith.constant 1 : i32
      %add3A_366 = arith.addi %mul3A_364, %add3A_365 : i32
      %dma_start3A_367 = arith.constant 0 : i32
      %dma_start3A_368 = arith.constant 96 : i32
      %dma_start3A_369 = arith.constant 0 : i32
      %dma_start3A_370 = tpu.memref_slice %arg6[%dma_start3A_367, %dma_start3A_368, %dma_start3A_369] : memref<3x480x16xf32, #tpu.memory_space<vmem>> -> memref<1x96x16xf32, #tpu.memory_space<vmem>>
      %dma_start3A_371 = tpu.memref_squeeze %dma_start3A_370 : memref<1x96x16xf32, #tpu.memory_space<vmem>> -> memref<96x16xf32, #tpu.memory_space<vmem>>
      %dma_start3A_372 = arith.constant 0 : i32
      %dma_start3A_373 = tpu.memref_slice %arg5[%add3A_366, %dma_start3A_372] : memref<165x96xi32, #tpu.memory_space<vmem>> -> memref<1x96xi32, #tpu.memory_space<vmem>>
      %dma_start3A_374 = tpu.memref_squeeze %dma_start3A_373 : memref<1x96xi32, #tpu.memory_space<vmem>> -> memref<96xi32, #tpu.memory_space<vmem>>
      %dma_start3A_375 = arith.constant 0 : i32
      %dma_start3A_376 = arith.constant 0 : i32
      %dma_start3A_377 = tpu.memref_slice %arg8[%dma_start3A_375, %dma_start3A_376] : memref<40008x16xf32, #tpu.memory_space<vmem_shared>> -> memref<40008x16xf32, #tpu.memory_space<vmem_shared>>
      tpu.enqueue_indirect_dma source(%dma_start3A_371 : memref<96x16xf32, #tpu.memory_space<vmem>>) target(%dma_start3A_377 : memref<40008x16xf32, #tpu.memory_space<vmem_shared>>) offsets(%dma_start3A_374 : memref<96xi32, #tpu.memory_space<vmem>>) semaphore(%arg12 : memref<!tpu.dma_semaphore, #tpu.memory_space<semaphore_mem>>) {add = true}
      %add3A_378 = arith.constant 0 : i32
      %add3A_379 = arith.addi %mul3A_278, %add3A_378 : i32
      %mul3A_380 = arith.constant 5 : i32
      %mul3A_381 = arith.muli %add3A_379, %mul3A_380 : i32
      %add3A_382 = arith.constant 2 : i32
      %add3A_383 = arith.addi %mul3A_381, %add3A_382 : i32
      %dma_start3A_384 = arith.constant 0 : i32
      %dma_start3A_385 = arith.constant 192 : i32
      %dma_start3A_386 = arith.constant 0 : i32
      %dma_start3A_387 = tpu.memref_slice %arg6[%dma_start3A_384, %dma_start3A_385, %dma_start3A_386] : memref<3x480x16xf32, #tpu.memory_space<vmem>> -> memref<1x96x16xf32, #tpu.memory_space<vmem>>
      %dma_start3A_388 = tpu.memref_squeeze %dma_start3A_387 : memref<1x96x16xf32, #tpu.memory_space<vmem>> -> memref<96x16xf32, #tpu.memory_space<vmem>>
      %dma_start3A_389 = arith.constant 0 : i32
      %dma_start3A_390 = tpu.memref_slice %arg5[%add3A_383, %dma_start3A_389] : memref<165x96xi32, #tpu.memory_space<vmem>> -> memref<1x96xi32, #tpu.memory_space<vmem>>
      %dma_start3A_391 = tpu.memref_squeeze %dma_start3A_390 : memref<1x96xi32, #tpu.memory_space<vmem>> -> memref<96xi32, #tpu.memory_space<vmem>>
      %dma_start3A_392 = arith.constant 0 : i32
      %dma_start3A_393 = arith.constant 0 : i32
      %dma_start3A_394 = tpu.memref_slice %arg8[%dma_start3A_392, %dma_start3A_393] : memref<40008x16xf32, #tpu.memory_space<vmem_shared>> -> memref<40008x16xf32, #tpu.memory_space<vmem_shared>>
      tpu.enqueue_indirect_dma source(%dma_start3A_388 : memref<96x16xf32, #tpu.memory_space<vmem>>) target(%dma_start3A_394 : memref<40008x16xf32, #tpu.memory_space<vmem_shared>>) offsets(%dma_start3A_391 : memref<96xi32, #tpu.memory_space<vmem>>) semaphore(%arg12 : memref<!tpu.dma_semaphore, #tpu.memory_space<semaphore_mem>>) {add = true}
      %add3A_395 = arith.constant 0 : i32
      %add3A_396 = arith.addi %mul3A_278, %add3A_395 : i32
      %mul3A_397 = arith.constant 5 : i32
      %mul3A_398 = arith.muli %add3A_396, %mul3A_397 : i32
      %add3A_399 = arith.constant 3 : i32
      %add3A_400 = arith.addi %mul3A_398, %add3A_399 : i32
      %dma_start3A_401 = arith.constant 0 : i32
      %dma_start3A_402 = arith.constant 288 : i32
      %dma_start3A_403 = arith.constant 0 : i32
      %dma_start3A_404 = tpu.memref_slice %arg6[%dma_start3A_401, %dma_start3A_402, %dma_start3A_403] : memref<3x480x16xf32, #tpu.memory_space<vmem>> -> memref<1x96x16xf32, #tpu.memory_space<vmem>>
      %dma_start3A_405 = tpu.memref_squeeze %dma_start3A_404 : memref<1x96x16xf32, #tpu.memory_space<vmem>> -> memref<96x16xf32, #tpu.memory_space<vmem>>
      %dma_start3A_406 = arith.constant 0 : i32
      %dma_start3A_407 = tpu.memref_slice %arg5[%add3A_400, %dma_start3A_406] : memref<165x96xi32, #tpu.memory_space<vmem>> -> memref<1x96xi32, #tpu.memory_space<vmem>>
      %dma_start3A_408 = tpu.memref_squeeze %dma_start3A_407 : memref<1x96xi32, #tpu.memory_space<vmem>> -> memref<96xi32, #tpu.memory_space<vmem>>
      %dma_start3A_409 = arith.constant 0 : i32
      %dma_start3A_410 = arith.constant 0 : i32
      %dma_start3A_411 = tpu.memref_slice %arg8[%dma_start3A_409, %dma_start3A_410] : memref<40008x16xf32, #tpu.memory_space<vmem_shared>> -> memref<40008x16xf32, #tpu.memory_space<vmem_shared>>
      tpu.enqueue_indirect_dma source(%dma_start3A_405 : memref<96x16xf32, #tpu.memory_space<vmem>>) target(%dma_start3A_411 : memref<40008x16xf32, #tpu.memory_space<vmem_shared>>) offsets(%dma_start3A_408 : memref<96xi32, #tpu.memory_space<vmem>>) semaphore(%arg12 : memref<!tpu.dma_semaphore, #tpu.memory_space<semaphore_mem>>) {add = true}
      %add3A_412 = arith.constant 0 : i32
      %add3A_413 = arith.addi %mul3A_278, %add3A_412 : i32
      %mul3A_414 = arith.constant 5 : i32
      %mul3A_415 = arith.muli %add3A_413, %mul3A_414 : i32
      %add3A_416 = arith.constant 4 : i32
      %add3A_417 = arith.addi %mul3A_415, %add3A_416 : i32
      %dma_start3A_418 = arith.constant 0 : i32
      %dma_start3A_419 = arith.constant 384 : i32
      %dma_start3A_420 = arith.constant 0 : i32
      %dma_start3A_421 = tpu.memref_slice %arg6[%dma_start3A_418, %dma_start3A_419, %dma_start3A_420] : memref<3x480x16xf32, #tpu.memory_space<vmem>> -> memref<1x96x16xf32, #tpu.memory_space<vmem>>
      %dma_start3A_422 = tpu.memref_squeeze %dma_start3A_421 : memref<1x96x16xf32, #tpu.memory_space<vmem>> -> memref<96x16xf32, #tpu.memory_space<vmem>>
      %dma_start3A_423 = arith.constant 0 : i32
      %dma_start3A_424 = tpu.memref_slice %arg5[%add3A_417, %dma_start3A_423] : memref<165x96xi32, #tpu.memory_space<vmem>> -> memref<1x96xi32, #tpu.memory_space<vmem>>
      %dma_start3A_425 = tpu.memref_squeeze %dma_start3A_424 : memref<1x96xi32, #tpu.memory_space<vmem>> -> memref<96xi32, #tpu.memory_space<vmem>>
      %dma_start3A_426 = arith.constant 0 : i32
      %dma_start3A_427 = arith.constant 0 : i32
      %dma_start3A_428 = tpu.memref_slice %arg8[%dma_start3A_426, %dma_start3A_427] : memref<40008x16xf32, #tpu.memory_space<vmem_shared>> -> memref<40008x16xf32, #tpu.memory_space<vmem_shared>>
      tpu.enqueue_indirect_dma source(%dma_start3A_422 : memref<96x16xf32, #tpu.memory_space<vmem>>) target(%dma_start3A_428 : memref<40008x16xf32, #tpu.memory_space<vmem_shared>>) offsets(%dma_start3A_425 : memref<96xi32, #tpu.memory_space<vmem>>) semaphore(%arg12 : memref<!tpu.dma_semaphore, #tpu.memory_space<semaphore_mem>>) {add = true}
      %dma_wait3A_429 = arith.constant 1 : i32
      %dma_wait3A_430 = arith.constant 0 : i32
      %dma_wait3A_431 = arith.constant 0 : i32
      %dma_wait3A_432 = tpu.memref_slice %arg6[%dma_wait3A_429, %dma_wait3A_430, %dma_wait3A_431] : memref<3x480x16xf32, #tpu.memory_space<vmem>> -> memref<1x480x16xf32, #tpu.memory_space<vmem>>
      %dma_wait3A_433 = tpu.memref_squeeze %dma_wait3A_432 : memref<1x480x16xf32, #tpu.memory_space<vmem>> -> memref<480x16xf32, #tpu.memory_space<vmem>>
      %dma_wait3A_434 = arith.constant 48 : i32
      %dma_wait3A_435 = tpu.memref_slice %arg3[%add3A_300, %dma_wait3A_434] : memref<506880x80xf32, #tpu.memory_space<hbm>> -> memref<480x16xf32, #tpu.memory_space<hbm>>
      %dma_wait3A_436 = arith.constant 0 : i32
      %dma_wait3A_437 = arith.constant 0 : i32
      %dma_wait3A_438 = tpu.memref_slice %arg6[%dma_wait3A_429, %dma_wait3A_436, %dma_wait3A_437] : memref<3x480x16xf32, #tpu.memory_space<vmem>> -> memref<1x480x16xf32, #tpu.memory_space<vmem>>
      %dma_wait3A_439 = tpu.memref_squeeze %dma_wait3A_438 : memref<1x480x16xf32, #tpu.memory_space<vmem>> -> memref<480x16xf32, #tpu.memory_space<vmem>>
      %dma_wait3A_440 = arith.constant 48 : i32
      %dma_wait3A_441 = tpu.memref_slice %arg3[%add3A_300, %dma_wait3A_440] : memref<506880x80xf32, #tpu.memory_space<hbm>> -> memref<480x16xf32, #tpu.memory_space<hbm>>
      tpu.wait_dma2 semaphore(%arg10 : memref<!tpu.dma_semaphore, #tpu.memory_space<semaphore_mem>>) src(%dma_wait3A_441 : memref<480x16xf32, #tpu.memory_space<hbm>>) dst(%dma_wait3A_439 : memref<480x16xf32, #tpu.memory_space<vmem>>)
      %add3A_442 = arith.constant 1 : i32
      %add3A_443 = arith.addi %mul3A_278, %add3A_442 : i32
      %mul3A_444 = arith.constant 5 : i32
      %mul3A_445 = arith.muli %add3A_443, %mul3A_444 : i32
      %add3A_446 = arith.constant 0 : i32
      %add3A_447 = arith.addi %mul3A_445, %add3A_446 : i32
      %dma_start3A_448 = arith.constant 1 : i32
      %dma_start3A_449 = arith.constant 0 : i32
      %dma_start3A_450 = arith.constant 0 : i32
      %dma_start3A_451 = tpu.memref_slice %arg6[%dma_start3A_448, %dma_start3A_449, %dma_start3A_450] : memref<3x480x16xf32, #tpu.memory_space<vmem>> -> memref<1x96x16xf32, #tpu.memory_space<vmem>>
      %dma_start3A_452 = tpu.memref_squeeze %dma_start3A_451 : memref<1x96x16xf32, #tpu.memory_space<vmem>> -> memref<96x16xf32, #tpu.memory_space<vmem>>
      %dma_start3A_453 = arith.constant 0 : i32
      %dma_start3A_454 = tpu.memref_slice %arg5[%add3A_447, %dma_start3A_453] : memref<165x96xi32, #tpu.memory_space<vmem>> -> memref<1x96xi32, #tpu.memory_space<vmem>>
      %dma_start3A_455 = tpu.memref_squeeze %dma_start3A_454 : memref<1x96xi32, #tpu.memory_space<vmem>> -> memref<96xi32, #tpu.memory_space<vmem>>
      %dma_start3A_456 = arith.constant 0 : i32
      %dma_start3A_457 = arith.constant 0 : i32
      %dma_start3A_458 = tpu.memref_slice %arg8[%dma_start3A_456, %dma_start3A_457] : memref<40008x16xf32, #tpu.memory_space<vmem_shared>> -> memref<40008x16xf32, #tpu.memory_space<vmem_shared>>
      tpu.enqueue_indirect_dma source(%dma_start3A_452 : memref<96x16xf32, #tpu.memory_space<vmem>>) target(%dma_start3A_458 : memref<40008x16xf32, #tpu.memory_space<vmem_shared>>) offsets(%dma_start3A_455 : memref<96xi32, #tpu.memory_space<vmem>>) semaphore(%arg12 : memref<!tpu.dma_semaphore, #tpu.memory_space<semaphore_mem>>) {add = true}
      %add3A_459 = arith.constant 1 : i32
      %add3A_460 = arith.addi %mul3A_278, %add3A_459 : i32
      %mul3A_461 = arith.constant 5 : i32
      %mul3A_462 = arith.muli %add3A_460, %mul3A_461 : i32
      %add3A_463 = arith.constant 1 : i32
      %add3A_464 = arith.addi %mul3A_462, %add3A_463 : i32
      %dma_start3A_465 = arith.constant 1 : i32
      %dma_start3A_466 = arith.constant 96 : i32
      %dma_start3A_467 = arith.constant 0 : i32
      %dma_start3A_468 = tpu.memref_slice %arg6[%dma_start3A_465, %dma_start3A_466, %dma_start3A_467] : memref<3x480x16xf32, #tpu.memory_space<vmem>> -> memref<1x96x16xf32, #tpu.memory_space<vmem>>
      %dma_start3A_469 = tpu.memref_squeeze %dma_start3A_468 : memref<1x96x16xf32, #tpu.memory_space<vmem>> -> memref<96x16xf32, #tpu.memory_space<vmem>>
      %dma_start3A_470 = arith.constant 0 : i32
      %dma_start3A_471 = tpu.memref_slice %arg5[%add3A_464, %dma_start3A_470] : memref<165x96xi32, #tpu.memory_space<vmem>> -> memref<1x96xi32, #tpu.memory_space<vmem>>
      %dma_start3A_472 = tpu.memref_squeeze %dma_start3A_471 : memref<1x96xi32, #tpu.memory_space<vmem>> -> memref<96xi32, #tpu.memory_space<vmem>>
      %dma_start3A_473 = arith.constant 0 : i32
      %dma_start3A_474 = arith.constant 0 : i32
      %dma_start3A_475 = tpu.memref_slice %arg8[%dma_start3A_473, %dma_start3A_474] : memref<40008x16xf32, #tpu.memory_space<vmem_shared>> -> memref<40008x16xf32, #tpu.memory_space<vmem_shared>>
      tpu.enqueue_indirect_dma source(%dma_start3A_469 : memref<96x16xf32, #tpu.memory_space<vmem>>) target(%dma_start3A_475 : memref<40008x16xf32, #tpu.memory_space<vmem_shared>>) offsets(%dma_start3A_472 : memref<96xi32, #tpu.memory_space<vmem>>) semaphore(%arg12 : memref<!tpu.dma_semaphore, #tpu.memory_space<semaphore_mem>>) {add = true}
      %add3A_476 = arith.constant 1 : i32
      %add3A_477 = arith.addi %mul3A_278, %add3A_476 : i32
      %mul3A_478 = arith.constant 5 : i32
      %mul3A_479 = arith.muli %add3A_477, %mul3A_478 : i32
      %add3A_480 = arith.constant 2 : i32
      %add3A_481 = arith.addi %mul3A_479, %add3A_480 : i32
      %dma_start3A_482 = arith.constant 1 : i32
      %dma_start3A_483 = arith.constant 192 : i32
      %dma_start3A_484 = arith.constant 0 : i32
      %dma_start3A_485 = tpu.memref_slice %arg6[%dma_start3A_482, %dma_start3A_483, %dma_start3A_484] : memref<3x480x16xf32, #tpu.memory_space<vmem>> -> memref<1x96x16xf32, #tpu.memory_space<vmem>>
      %dma_start3A_486 = tpu.memref_squeeze %dma_start3A_485 : memref<1x96x16xf32, #tpu.memory_space<vmem>> -> memref<96x16xf32, #tpu.memory_space<vmem>>
      %dma_start3A_487 = arith.constant 0 : i32
      %dma_start3A_488 = tpu.memref_slice %arg5[%add3A_481, %dma_start3A_487] : memref<165x96xi32, #tpu.memory_space<vmem>> -> memref<1x96xi32, #tpu.memory_space<vmem>>
      %dma_start3A_489 = tpu.memref_squeeze %dma_start3A_488 : memref<1x96xi32, #tpu.memory_space<vmem>> -> memref<96xi32, #tpu.memory_space<vmem>>
      %dma_start3A_490 = arith.constant 0 : i32
      %dma_start3A_491 = arith.constant 0 : i32
      %dma_start3A_492 = tpu.memref_slice %arg8[%dma_start3A_490, %dma_start3A_491] : memref<40008x16xf32, #tpu.memory_space<vmem_shared>> -> memref<40008x16xf32, #tpu.memory_space<vmem_shared>>
      tpu.enqueue_indirect_dma source(%dma_start3A_486 : memref<96x16xf32, #tpu.memory_space<vmem>>) target(%dma_start3A_492 : memref<40008x16xf32, #tpu.memory_space<vmem_shared>>) offsets(%dma_start3A_489 : memref<96xi32, #tpu.memory_space<vmem>>) semaphore(%arg12 : memref<!tpu.dma_semaphore, #tpu.memory_space<semaphore_mem>>) {add = true}
      %add3A_493 = arith.constant 1 : i32
      %add3A_494 = arith.addi %mul3A_278, %add3A_493 : i32
      %mul3A_495 = arith.constant 5 : i32
      %mul3A_496 = arith.muli %add3A_494, %mul3A_495 : i32
      %add3A_497 = arith.constant 3 : i32
      %add3A_498 = arith.addi %mul3A_496, %add3A_497 : i32
      %dma_start3A_499 = arith.constant 1 : i32
      %dma_start3A_500 = arith.constant 288 : i32
      %dma_start3A_501 = arith.constant 0 : i32
      %dma_start3A_502 = tpu.memref_slice %arg6[%dma_start3A_499, %dma_start3A_500, %dma_start3A_501] : memref<3x480x16xf32, #tpu.memory_space<vmem>> -> memref<1x96x16xf32, #tpu.memory_space<vmem>>
      %dma_start3A_503 = tpu.memref_squeeze %dma_start3A_502 : memref<1x96x16xf32, #tpu.memory_space<vmem>> -> memref<96x16xf32, #tpu.memory_space<vmem>>
      %dma_start3A_504 = arith.constant 0 : i32
      %dma_start3A_505 = tpu.memref_slice %arg5[%add3A_498, %dma_start3A_504] : memref<165x96xi32, #tpu.memory_space<vmem>> -> memref<1x96xi32, #tpu.memory_space<vmem>>
      %dma_start3A_506 = tpu.memref_squeeze %dma_start3A_505 : memref<1x96xi32, #tpu.memory_space<vmem>> -> memref<96xi32, #tpu.memory_space<vmem>>
      %dma_start3A_507 = arith.constant 0 : i32
      %dma_start3A_508 = arith.constant 0 : i32
      %dma_start3A_509 = tpu.memref_slice %arg8[%dma_start3A_507, %dma_start3A_508] : memref<40008x16xf32, #tpu.memory_space<vmem_shared>> -> memref<40008x16xf32, #tpu.memory_space<vmem_shared>>
      tpu.enqueue_indirect_dma source(%dma_start3A_503 : memref<96x16xf32, #tpu.memory_space<vmem>>) target(%dma_start3A_509 : memref<40008x16xf32, #tpu.memory_space<vmem_shared>>) offsets(%dma_start3A_506 : memref<96xi32, #tpu.memory_space<vmem>>) semaphore(%arg12 : memref<!tpu.dma_semaphore, #tpu.memory_space<semaphore_mem>>) {add = true}
      %add3A_510 = arith.constant 1 : i32
      %add3A_511 = arith.addi %mul3A_278, %add3A_510 : i32
      %mul3A_512 = arith.constant 5 : i32
      %mul3A_513 = arith.muli %add3A_511, %mul3A_512 : i32
      %add3A_514 = arith.constant 4 : i32
      %add3A_515 = arith.addi %mul3A_513, %add3A_514 : i32
      %dma_start3A_516 = arith.constant 1 : i32
      %dma_start3A_517 = arith.constant 384 : i32
      %dma_start3A_518 = arith.constant 0 : i32
      %dma_start3A_519 = tpu.memref_slice %arg6[%dma_start3A_516, %dma_start3A_517, %dma_start3A_518] : memref<3x480x16xf32, #tpu.memory_space<vmem>> -> memref<1x96x16xf32, #tpu.memory_space<vmem>>
      %dma_start3A_520 = tpu.memref_squeeze %dma_start3A_519 : memref<1x96x16xf32, #tpu.memory_space<vmem>> -> memref<96x16xf32, #tpu.memory_space<vmem>>
      %dma_start3A_521 = arith.constant 0 : i32
      %dma_start3A_522 = tpu.memref_slice %arg5[%add3A_515, %dma_start3A_521] : memref<165x96xi32, #tpu.memory_space<vmem>> -> memref<1x96xi32, #tpu.memory_space<vmem>>
      %dma_start3A_523 = tpu.memref_squeeze %dma_start3A_522 : memref<1x96xi32, #tpu.memory_space<vmem>> -> memref<96xi32, #tpu.memory_space<vmem>>
      %dma_start3A_524 = arith.constant 0 : i32
      %dma_start3A_525 = arith.constant 0 : i32
      %dma_start3A_526 = tpu.memref_slice %arg8[%dma_start3A_524, %dma_start3A_525] : memref<40008x16xf32, #tpu.memory_space<vmem_shared>> -> memref<40008x16xf32, #tpu.memory_space<vmem_shared>>
      tpu.enqueue_indirect_dma source(%dma_start3A_520 : memref<96x16xf32, #tpu.memory_space<vmem>>) target(%dma_start3A_526 : memref<40008x16xf32, #tpu.memory_space<vmem_shared>>) offsets(%dma_start3A_523 : memref<96xi32, #tpu.memory_space<vmem>>) semaphore(%arg12 : memref<!tpu.dma_semaphore, #tpu.memory_space<semaphore_mem>>) {add = true}
      %dma_wait3A_527 = arith.constant 2 : i32
      %dma_wait3A_528 = arith.constant 0 : i32
      %dma_wait3A_529 = arith.constant 0 : i32
      %dma_wait3A_530 = tpu.memref_slice %arg6[%dma_wait3A_527, %dma_wait3A_528, %dma_wait3A_529] : memref<3x480x16xf32, #tpu.memory_space<vmem>> -> memref<1x480x16xf32, #tpu.memory_space<vmem>>
      %dma_wait3A_531 = tpu.memref_squeeze %dma_wait3A_530 : memref<1x480x16xf32, #tpu.memory_space<vmem>> -> memref<480x16xf32, #tpu.memory_space<vmem>>
      %dma_wait3A_532 = arith.constant 48 : i32
      %dma_wait3A_533 = tpu.memref_slice %arg3[%add3A_318, %dma_wait3A_532] : memref<506880x80xf32, #tpu.memory_space<hbm>> -> memref<480x16xf32, #tpu.memory_space<hbm>>
      %dma_wait3A_534 = arith.constant 0 : i32
      %dma_wait3A_535 = arith.constant 0 : i32
      %dma_wait3A_536 = tpu.memref_slice %arg6[%dma_wait3A_527, %dma_wait3A_534, %dma_wait3A_535] : memref<3x480x16xf32, #tpu.memory_space<vmem>> -> memref<1x480x16xf32, #tpu.memory_space<vmem>>
      %dma_wait3A_537 = tpu.memref_squeeze %dma_wait3A_536 : memref<1x480x16xf32, #tpu.memory_space<vmem>> -> memref<480x16xf32, #tpu.memory_space<vmem>>
      %dma_wait3A_538 = arith.constant 48 : i32
      %dma_wait3A_539 = tpu.memref_slice %arg3[%add3A_318, %dma_wait3A_538] : memref<506880x80xf32, #tpu.memory_space<hbm>> -> memref<480x16xf32, #tpu.memory_space<hbm>>
      tpu.wait_dma2 semaphore(%arg11 : memref<!tpu.dma_semaphore, #tpu.memory_space<semaphore_mem>>) src(%dma_wait3A_539 : memref<480x16xf32, #tpu.memory_space<hbm>>) dst(%dma_wait3A_537 : memref<480x16xf32, #tpu.memory_space<vmem>>)
      %add3A_540 = arith.constant 2 : i32
      %add3A_541 = arith.addi %mul3A_278, %add3A_540 : i32
      %mul3A_542 = arith.constant 5 : i32
      %mul3A_543 = arith.muli %add3A_541, %mul3A_542 : i32
      %add3A_544 = arith.constant 0 : i32
      %add3A_545 = arith.addi %mul3A_543, %add3A_544 : i32
      %dma_start3A_546 = arith.constant 2 : i32
      %dma_start3A_547 = arith.constant 0 : i32
      %dma_start3A_548 = arith.constant 0 : i32
      %dma_start3A_549 = tpu.memref_slice %arg6[%dma_start3A_546, %dma_start3A_547, %dma_start3A_548] : memref<3x480x16xf32, #tpu.memory_space<vmem>> -> memref<1x96x16xf32, #tpu.memory_space<vmem>>
      %dma_start3A_550 = tpu.memref_squeeze %dma_start3A_549 : memref<1x96x16xf32, #tpu.memory_space<vmem>> -> memref<96x16xf32, #tpu.memory_space<vmem>>
      %dma_start3A_551 = arith.constant 0 : i32
      %dma_start3A_552 = tpu.memref_slice %arg5[%add3A_545, %dma_start3A_551] : memref<165x96xi32, #tpu.memory_space<vmem>> -> memref<1x96xi32, #tpu.memory_space<vmem>>
      %dma_start3A_553 = tpu.memref_squeeze %dma_start3A_552 : memref<1x96xi32, #tpu.memory_space<vmem>> -> memref<96xi32, #tpu.memory_space<vmem>>
      %dma_start3A_554 = arith.constant 0 : i32
      %dma_start3A_555 = arith.constant 0 : i32
      %dma_start3A_556 = tpu.memref_slice %arg8[%dma_start3A_554, %dma_start3A_555] : memref<40008x16xf32, #tpu.memory_space<vmem_shared>> -> memref<40008x16xf32, #tpu.memory_space<vmem_shared>>
      tpu.enqueue_indirect_dma source(%dma_start3A_550 : memref<96x16xf32, #tpu.memory_space<vmem>>) target(%dma_start3A_556 : memref<40008x16xf32, #tpu.memory_space<vmem_shared>>) offsets(%dma_start3A_553 : memref<96xi32, #tpu.memory_space<vmem>>) semaphore(%arg12 : memref<!tpu.dma_semaphore, #tpu.memory_space<semaphore_mem>>) {add = true}
      %add3A_557 = arith.constant 2 : i32
      %add3A_558 = arith.addi %mul3A_278, %add3A_557 : i32
      %mul3A_559 = arith.constant 5 : i32
      %mul3A_560 = arith.muli %add3A_558, %mul3A_559 : i32
      %add3A_561 = arith.constant 1 : i32
      %add3A_562 = arith.addi %mul3A_560, %add3A_561 : i32
      %dma_start3A_563 = arith.constant 2 : i32
      %dma_start3A_564 = arith.constant 96 : i32
      %dma_start3A_565 = arith.constant 0 : i32
      %dma_start3A_566 = tpu.memref_slice %arg6[%dma_start3A_563, %dma_start3A_564, %dma_start3A_565] : memref<3x480x16xf32, #tpu.memory_space<vmem>> -> memref<1x96x16xf32, #tpu.memory_space<vmem>>
      %dma_start3A_567 = tpu.memref_squeeze %dma_start3A_566 : memref<1x96x16xf32, #tpu.memory_space<vmem>> -> memref<96x16xf32, #tpu.memory_space<vmem>>
      %dma_start3A_568 = arith.constant 0 : i32
      %dma_start3A_569 = tpu.memref_slice %arg5[%add3A_562, %dma_start3A_568] : memref<165x96xi32, #tpu.memory_space<vmem>> -> memref<1x96xi32, #tpu.memory_space<vmem>>
      %dma_start3A_570 = tpu.memref_squeeze %dma_start3A_569 : memref<1x96xi32, #tpu.memory_space<vmem>> -> memref<96xi32, #tpu.memory_space<vmem>>
      %dma_start3A_571 = arith.constant 0 : i32
      %dma_start3A_572 = arith.constant 0 : i32
      %dma_start3A_573 = tpu.memref_slice %arg8[%dma_start3A_571, %dma_start3A_572] : memref<40008x16xf32, #tpu.memory_space<vmem_shared>> -> memref<40008x16xf32, #tpu.memory_space<vmem_shared>>
      tpu.enqueue_indirect_dma source(%dma_start3A_567 : memref<96x16xf32, #tpu.memory_space<vmem>>) target(%dma_start3A_573 : memref<40008x16xf32, #tpu.memory_space<vmem_shared>>) offsets(%dma_start3A_570 : memref<96xi32, #tpu.memory_space<vmem>>) semaphore(%arg12 : memref<!tpu.dma_semaphore, #tpu.memory_space<semaphore_mem>>) {add = true}
      %add3A_574 = arith.constant 2 : i32
      %add3A_575 = arith.addi %mul3A_278, %add3A_574 : i32
      %mul3A_576 = arith.constant 5 : i32
      %mul3A_577 = arith.muli %add3A_575, %mul3A_576 : i32
      %add3A_578 = arith.constant 2 : i32
      %add3A_579 = arith.addi %mul3A_577, %add3A_578 : i32
      %dma_start3A_580 = arith.constant 2 : i32
      %dma_start3A_581 = arith.constant 192 : i32
      %dma_start3A_582 = arith.constant 0 : i32
      %dma_start3A_583 = tpu.memref_slice %arg6[%dma_start3A_580, %dma_start3A_581, %dma_start3A_582] : memref<3x480x16xf32, #tpu.memory_space<vmem>> -> memref<1x96x16xf32, #tpu.memory_space<vmem>>
      %dma_start3A_584 = tpu.memref_squeeze %dma_start3A_583 : memref<1x96x16xf32, #tpu.memory_space<vmem>> -> memref<96x16xf32, #tpu.memory_space<vmem>>
      %dma_start3A_585 = arith.constant 0 : i32
      %dma_start3A_586 = tpu.memref_slice %arg5[%add3A_579, %dma_start3A_585] : memref<165x96xi32, #tpu.memory_space<vmem>> -> memref<1x96xi32, #tpu.memory_space<vmem>>
      %dma_start3A_587 = tpu.memref_squeeze %dma_start3A_586 : memref<1x96xi32, #tpu.memory_space<vmem>> -> memref<96xi32, #tpu.memory_space<vmem>>
      %dma_start3A_588 = arith.constant 0 : i32
      %dma_start3A_589 = arith.constant 0 : i32
      %dma_start3A_590 = tpu.memref_slice %arg8[%dma_start3A_588, %dma_start3A_589] : memref<40008x16xf32, #tpu.memory_space<vmem_shared>> -> memref<40008x16xf32, #tpu.memory_space<vmem_shared>>
      tpu.enqueue_indirect_dma source(%dma_start3A_584 : memref<96x16xf32, #tpu.memory_space<vmem>>) target(%dma_start3A_590 : memref<40008x16xf32, #tpu.memory_space<vmem_shared>>) offsets(%dma_start3A_587 : memref<96xi32, #tpu.memory_space<vmem>>) semaphore(%arg12 : memref<!tpu.dma_semaphore, #tpu.memory_space<semaphore_mem>>) {add = true}
      %add3A_591 = arith.constant 2 : i32
      %add3A_592 = arith.addi %mul3A_278, %add3A_591 : i32
      %mul3A_593 = arith.constant 5 : i32
      %mul3A_594 = arith.muli %add3A_592, %mul3A_593 : i32
      %add3A_595 = arith.constant 3 : i32
      %add3A_596 = arith.addi %mul3A_594, %add3A_595 : i32
      %dma_start3A_597 = arith.constant 2 : i32
      %dma_start3A_598 = arith.constant 288 : i32
      %dma_start3A_599 = arith.constant 0 : i32
      %dma_start3A_600 = tpu.memref_slice %arg6[%dma_start3A_597, %dma_start3A_598, %dma_start3A_599] : memref<3x480x16xf32, #tpu.memory_space<vmem>> -> memref<1x96x16xf32, #tpu.memory_space<vmem>>
      %dma_start3A_601 = tpu.memref_squeeze %dma_start3A_600 : memref<1x96x16xf32, #tpu.memory_space<vmem>> -> memref<96x16xf32, #tpu.memory_space<vmem>>
      %dma_start3A_602 = arith.constant 0 : i32
      %dma_start3A_603 = tpu.memref_slice %arg5[%add3A_596, %dma_start3A_602] : memref<165x96xi32, #tpu.memory_space<vmem>> -> memref<1x96xi32, #tpu.memory_space<vmem>>
      %dma_start3A_604 = tpu.memref_squeeze %dma_start3A_603 : memref<1x96xi32, #tpu.memory_space<vmem>> -> memref<96xi32, #tpu.memory_space<vmem>>
      %dma_start3A_605 = arith.constant 0 : i32
      %dma_start3A_606 = arith.constant 0 : i32
      %dma_start3A_607 = tpu.memref_slice %arg8[%dma_start3A_605, %dma_start3A_606] : memref<40008x16xf32, #tpu.memory_space<vmem_shared>> -> memref<40008x16xf32, #tpu.memory_space<vmem_shared>>
      tpu.enqueue_indirect_dma source(%dma_start3A_601 : memref<96x16xf32, #tpu.memory_space<vmem>>) target(%dma_start3A_607 : memref<40008x16xf32, #tpu.memory_space<vmem_shared>>) offsets(%dma_start3A_604 : memref<96xi32, #tpu.memory_space<vmem>>) semaphore(%arg12 : memref<!tpu.dma_semaphore, #tpu.memory_space<semaphore_mem>>) {add = true}
      %add3A_608 = arith.constant 2 : i32
      %add3A_609 = arith.addi %mul3A_278, %add3A_608 : i32
      %mul3A_610 = arith.constant 5 : i32
      %mul3A_611 = arith.muli %add3A_609, %mul3A_610 : i32
      %add3A_612 = arith.constant 4 : i32
      %add3A_613 = arith.addi %mul3A_611, %add3A_612 : i32
      %dma_start3A_614 = arith.constant 2 : i32
      %dma_start3A_615 = arith.constant 384 : i32
      %dma_start3A_616 = arith.constant 0 : i32
      %dma_start3A_617 = tpu.memref_slice %arg6[%dma_start3A_614, %dma_start3A_615, %dma_start3A_616] : memref<3x480x16xf32, #tpu.memory_space<vmem>> -> memref<1x96x16xf32, #tpu.memory_space<vmem>>
      %dma_start3A_618 = tpu.memref_squeeze %dma_start3A_617 : memref<1x96x16xf32, #tpu.memory_space<vmem>> -> memref<96x16xf32, #tpu.memory_space<vmem>>
      %dma_start3A_619 = arith.constant 0 : i32
      %dma_start3A_620 = tpu.memref_slice %arg5[%add3A_613, %dma_start3A_619] : memref<165x96xi32, #tpu.memory_space<vmem>> -> memref<1x96xi32, #tpu.memory_space<vmem>>
      %dma_start3A_621 = tpu.memref_squeeze %dma_start3A_620 : memref<1x96xi32, #tpu.memory_space<vmem>> -> memref<96xi32, #tpu.memory_space<vmem>>
      %dma_start3A_622 = arith.constant 0 : i32
      %dma_start3A_623 = arith.constant 0 : i32
      %dma_start3A_624 = tpu.memref_slice %arg8[%dma_start3A_622, %dma_start3A_623] : memref<40008x16xf32, #tpu.memory_space<vmem_shared>> -> memref<40008x16xf32, #tpu.memory_space<vmem_shared>>
      tpu.enqueue_indirect_dma source(%dma_start3A_618 : memref<96x16xf32, #tpu.memory_space<vmem>>) target(%dma_start3A_624 : memref<40008x16xf32, #tpu.memory_space<vmem_shared>>) offsets(%dma_start3A_621 : memref<96xi32, #tpu.memory_space<vmem>>) semaphore(%arg12 : memref<!tpu.dma_semaphore, #tpu.memory_space<semaphore_mem>>) {add = true}
      %dma_wait3A_625 = arith.constant 0 : i32
      %dma_wait3A_626 = arith.constant 0 : i32
      %dma_wait3A_627 = arith.constant 0 : i32
      %dma_wait3A_628 = tpu.memref_slice %arg6[%dma_wait3A_625, %dma_wait3A_626, %dma_wait3A_627] : memref<3x480x16xf32, #tpu.memory_space<vmem>> -> memref<1x96x16xf32, #tpu.memory_space<vmem>>
      %dma_wait3A_629 = tpu.memref_squeeze %dma_wait3A_628 : memref<1x96x16xf32, #tpu.memory_space<vmem>> -> memref<96x16xf32, #tpu.memory_space<vmem>>
      %dma_wait3A_630 = arith.constant 0 : i32
      %dma_wait3A_631 = tpu.memref_slice %arg5[%add3A_349, %dma_wait3A_630] : memref<165x96xi32, #tpu.memory_space<vmem>> -> memref<1x96xi32, #tpu.memory_space<vmem>>
      %dma_wait3A_632 = tpu.memref_squeeze %dma_wait3A_631 : memref<1x96xi32, #tpu.memory_space<vmem>> -> memref<96xi32, #tpu.memory_space<vmem>>
      %dma_wait3A_633 = arith.constant 0 : i32
      %dma_wait3A_634 = arith.constant 0 : i32
      %dma_wait3A_635 = tpu.memref_slice %arg8[%dma_wait3A_633, %dma_wait3A_634] : memref<40008x16xf32, #tpu.memory_space<vmem_shared>> -> memref<40008x16xf32, #tpu.memory_space<vmem_shared>>
      tpu.wait_indirect_dma semaphore(%arg12 : memref<!tpu.dma_semaphore, #tpu.memory_space<semaphore_mem>>) src(%dma_wait3A_629 : memref<96x16xf32, #tpu.memory_space<vmem>>) dst(%dma_wait3A_635 : memref<40008x16xf32, #tpu.memory_space<vmem_shared>>)
      %dma_wait3A_636 = arith.constant 0 : i32
      %dma_wait3A_637 = arith.constant 96 : i32
      %dma_wait3A_638 = arith.constant 0 : i32
      %dma_wait3A_639 = tpu.memref_slice %arg6[%dma_wait3A_636, %dma_wait3A_637, %dma_wait3A_638] : memref<3x480x16xf32, #tpu.memory_space<vmem>> -> memref<1x96x16xf32, #tpu.memory_space<vmem>>
      %dma_wait3A_640 = tpu.memref_squeeze %dma_wait3A_639 : memref<1x96x16xf32, #tpu.memory_space<vmem>> -> memref<96x16xf32, #tpu.memory_space<vmem>>
      %dma_wait3A_641 = arith.constant 0 : i32
      %dma_wait3A_642 = tpu.memref_slice %arg5[%add3A_366, %dma_wait3A_641] : memref<165x96xi32, #tpu.memory_space<vmem>> -> memref<1x96xi32, #tpu.memory_space<vmem>>
      %dma_wait3A_643 = tpu.memref_squeeze %dma_wait3A_642 : memref<1x96xi32, #tpu.memory_space<vmem>> -> memref<96xi32, #tpu.memory_space<vmem>>
      %dma_wait3A_644 = arith.constant 0 : i32
      %dma_wait3A_645 = arith.constant 0 : i32
      %dma_wait3A_646 = tpu.memref_slice %arg8[%dma_wait3A_644, %dma_wait3A_645] : memref<40008x16xf32, #tpu.memory_space<vmem_shared>> -> memref<40008x16xf32, #tpu.memory_space<vmem_shared>>
      tpu.wait_indirect_dma semaphore(%arg12 : memref<!tpu.dma_semaphore, #tpu.memory_space<semaphore_mem>>) src(%dma_wait3A_640 : memref<96x16xf32, #tpu.memory_space<vmem>>) dst(%dma_wait3A_646 : memref<40008x16xf32, #tpu.memory_space<vmem_shared>>)
      %dma_wait3A_647 = arith.constant 0 : i32
      %dma_wait3A_648 = arith.constant 192 : i32
      %dma_wait3A_649 = arith.constant 0 : i32
      %dma_wait3A_650 = tpu.memref_slice %arg6[%dma_wait3A_647, %dma_wait3A_648, %dma_wait3A_649] : memref<3x480x16xf32, #tpu.memory_space<vmem>> -> memref<1x96x16xf32, #tpu.memory_space<vmem>>
      %dma_wait3A_651 = tpu.memref_squeeze %dma_wait3A_650 : memref<1x96x16xf32, #tpu.memory_space<vmem>> -> memref<96x16xf32, #tpu.memory_space<vmem>>
      %dma_wait3A_652 = arith.constant 0 : i32
      %dma_wait3A_653 = tpu.memref_slice %arg5[%add3A_383, %dma_wait3A_652] : memref<165x96xi32, #tpu.memory_space<vmem>> -> memref<1x96xi32, #tpu.memory_space<vmem>>
      %dma_wait3A_654 = tpu.memref_squeeze %dma_wait3A_653 : memref<1x96xi32, #tpu.memory_space<vmem>> -> memref<96xi32, #tpu.memory_space<vmem>>
      %dma_wait3A_655 = arith.constant 0 : i32
      %dma_wait3A_656 = arith.constant 0 : i32
      %dma_wait3A_657 = tpu.memref_slice %arg8[%dma_wait3A_655, %dma_wait3A_656] : memref<40008x16xf32, #tpu.memory_space<vmem_shared>> -> memref<40008x16xf32, #tpu.memory_space<vmem_shared>>
      tpu.wait_indirect_dma semaphore(%arg12 : memref<!tpu.dma_semaphore, #tpu.memory_space<semaphore_mem>>) src(%dma_wait3A_651 : memref<96x16xf32, #tpu.memory_space<vmem>>) dst(%dma_wait3A_657 : memref<40008x16xf32, #tpu.memory_space<vmem_shared>>)
      %dma_wait3A_658 = arith.constant 0 : i32
      %dma_wait3A_659 = arith.constant 288 : i32
      %dma_wait3A_660 = arith.constant 0 : i32
      %dma_wait3A_661 = tpu.memref_slice %arg6[%dma_wait3A_658, %dma_wait3A_659, %dma_wait3A_660] : memref<3x480x16xf32, #tpu.memory_space<vmem>> -> memref<1x96x16xf32, #tpu.memory_space<vmem>>
      %dma_wait3A_662 = tpu.memref_squeeze %dma_wait3A_661 : memref<1x96x16xf32, #tpu.memory_space<vmem>> -> memref<96x16xf32, #tpu.memory_space<vmem>>
      %dma_wait3A_663 = arith.constant 0 : i32
      %dma_wait3A_664 = tpu.memref_slice %arg5[%add3A_400, %dma_wait3A_663] : memref<165x96xi32, #tpu.memory_space<vmem>> -> memref<1x96xi32, #tpu.memory_space<vmem>>
      %dma_wait3A_665 = tpu.memref_squeeze %dma_wait3A_664 : memref<1x96xi32, #tpu.memory_space<vmem>> -> memref<96xi32, #tpu.memory_space<vmem>>
      %dma_wait3A_666 = arith.constant 0 : i32
      %dma_wait3A_667 = arith.constant 0 : i32
      %dma_wait3A_668 = tpu.memref_slice %arg8[%dma_wait3A_666, %dma_wait3A_667] : memref<40008x16xf32, #tpu.memory_space<vmem_shared>> -> memref<40008x16xf32, #tpu.memory_space<vmem_shared>>
      tpu.wait_indirect_dma semaphore(%arg12 : memref<!tpu.dma_semaphore, #tpu.memory_space<semaphore_mem>>) src(%dma_wait3A_662 : memref<96x16xf32, #tpu.memory_space<vmem>>) dst(%dma_wait3A_668 : memref<40008x16xf32, #tpu.memory_space<vmem_shared>>)
      %dma_wait3A_669 = arith.constant 0 : i32
      %dma_wait3A_670 = arith.constant 384 : i32
      %dma_wait3A_671 = arith.constant 0 : i32
      %dma_wait3A_672 = tpu.memref_slice %arg6[%dma_wait3A_669, %dma_wait3A_670, %dma_wait3A_671] : memref<3x480x16xf32, #tpu.memory_space<vmem>> -> memref<1x96x16xf32, #tpu.memory_space<vmem>>
      %dma_wait3A_673 = tpu.memref_squeeze %dma_wait3A_672 : memref<1x96x16xf32, #tpu.memory_space<vmem>> -> memref<96x16xf32, #tpu.memory_space<vmem>>
      %dma_wait3A_674 = arith.constant 0 : i32
      %dma_wait3A_675 = tpu.memref_slice %arg5[%add3A_417, %dma_wait3A_674] : memref<165x96xi32, #tpu.memory_space<vmem>> -> memref<1x96xi32, #tpu.memory_space<vmem>>
      %dma_wait3A_676 = tpu.memref_squeeze %dma_wait3A_675 : memref<1x96xi32, #tpu.memory_space<vmem>> -> memref<96xi32, #tpu.memory_space<vmem>>
      %dma_wait3A_677 = arith.constant 0 : i32
      %dma_wait3A_678 = arith.constant 0 : i32
      %dma_wait3A_679 = tpu.memref_slice %arg8[%dma_wait3A_677, %dma_wait3A_678] : memref<40008x16xf32, #tpu.memory_space<vmem_shared>> -> memref<40008x16xf32, #tpu.memory_space<vmem_shared>>
      tpu.wait_indirect_dma semaphore(%arg12 : memref<!tpu.dma_semaphore, #tpu.memory_space<semaphore_mem>>) src(%dma_wait3A_673 : memref<96x16xf32, #tpu.memory_space<vmem>>) dst(%dma_wait3A_679 : memref<40008x16xf32, #tpu.memory_space<vmem_shared>>)
      %dma_wait3A_680 = arith.constant 1 : i32
      %dma_wait3A_681 = arith.constant 0 : i32
      %dma_wait3A_682 = arith.constant 0 : i32
      %dma_wait3A_683 = tpu.memref_slice %arg6[%dma_wait3A_680, %dma_wait3A_681, %dma_wait3A_682] : memref<3x480x16xf32, #tpu.memory_space<vmem>> -> memref<1x96x16xf32, #tpu.memory_space<vmem>>
      %dma_wait3A_684 = tpu.memref_squeeze %dma_wait3A_683 : memref<1x96x16xf32, #tpu.memory_space<vmem>> -> memref<96x16xf32, #tpu.memory_space<vmem>>
      %dma_wait3A_685 = arith.constant 0 : i32
      %dma_wait3A_686 = tpu.memref_slice %arg5[%add3A_447, %dma_wait3A_685] : memref<165x96xi32, #tpu.memory_space<vmem>> -> memref<1x96xi32, #tpu.memory_space<vmem>>
      %dma_wait3A_687 = tpu.memref_squeeze %dma_wait3A_686 : memref<1x96xi32, #tpu.memory_space<vmem>> -> memref<96xi32, #tpu.memory_space<vmem>>
      %dma_wait3A_688 = arith.constant 0 : i32
      %dma_wait3A_689 = arith.constant 0 : i32
      %dma_wait3A_690 = tpu.memref_slice %arg8[%dma_wait3A_688, %dma_wait3A_689] : memref<40008x16xf32, #tpu.memory_space<vmem_shared>> -> memref<40008x16xf32, #tpu.memory_space<vmem_shared>>
      tpu.wait_indirect_dma semaphore(%arg12 : memref<!tpu.dma_semaphore, #tpu.memory_space<semaphore_mem>>) src(%dma_wait3A_684 : memref<96x16xf32, #tpu.memory_space<vmem>>) dst(%dma_wait3A_690 : memref<40008x16xf32, #tpu.memory_space<vmem_shared>>)
      %dma_wait3A_691 = arith.constant 1 : i32
      %dma_wait3A_692 = arith.constant 96 : i32
      %dma_wait3A_693 = arith.constant 0 : i32
      %dma_wait3A_694 = tpu.memref_slice %arg6[%dma_wait3A_691, %dma_wait3A_692, %dma_wait3A_693] : memref<3x480x16xf32, #tpu.memory_space<vmem>> -> memref<1x96x16xf32, #tpu.memory_space<vmem>>
      %dma_wait3A_695 = tpu.memref_squeeze %dma_wait3A_694 : memref<1x96x16xf32, #tpu.memory_space<vmem>> -> memref<96x16xf32, #tpu.memory_space<vmem>>
      %dma_wait3A_696 = arith.constant 0 : i32
      %dma_wait3A_697 = tpu.memref_slice %arg5[%add3A_464, %dma_wait3A_696] : memref<165x96xi32, #tpu.memory_space<vmem>> -> memref<1x96xi32, #tpu.memory_space<vmem>>
      %dma_wait3A_698 = tpu.memref_squeeze %dma_wait3A_697 : memref<1x96xi32, #tpu.memory_space<vmem>> -> memref<96xi32, #tpu.memory_space<vmem>>
      %dma_wait3A_699 = arith.constant 0 : i32
      %dma_wait3A_700 = arith.constant 0 : i32
      %dma_wait3A_701 = tpu.memref_slice %arg8[%dma_wait3A_699, %dma_wait3A_700] : memref<40008x16xf32, #tpu.memory_space<vmem_shared>> -> memref<40008x16xf32, #tpu.memory_space<vmem_shared>>
      tpu.wait_indirect_dma semaphore(%arg12 : memref<!tpu.dma_semaphore, #tpu.memory_space<semaphore_mem>>) src(%dma_wait3A_695 : memref<96x16xf32, #tpu.memory_space<vmem>>) dst(%dma_wait3A_701 : memref<40008x16xf32, #tpu.memory_space<vmem_shared>>)
      %dma_wait3A_702 = arith.constant 1 : i32
      %dma_wait3A_703 = arith.constant 192 : i32
      %dma_wait3A_704 = arith.constant 0 : i32
      %dma_wait3A_705 = tpu.memref_slice %arg6[%dma_wait3A_702, %dma_wait3A_703, %dma_wait3A_704] : memref<3x480x16xf32, #tpu.memory_space<vmem>> -> memref<1x96x16xf32, #tpu.memory_space<vmem>>
      %dma_wait3A_706 = tpu.memref_squeeze %dma_wait3A_705 : memref<1x96x16xf32, #tpu.memory_space<vmem>> -> memref<96x16xf32, #tpu.memory_space<vmem>>
      %dma_wait3A_707 = arith.constant 0 : i32
      %dma_wait3A_708 = tpu.memref_slice %arg5[%add3A_481, %dma_wait3A_707] : memref<165x96xi32, #tpu.memory_space<vmem>> -> memref<1x96xi32, #tpu.memory_space<vmem>>
      %dma_wait3A_709 = tpu.memref_squeeze %dma_wait3A_708 : memref<1x96xi32, #tpu.memory_space<vmem>> -> memref<96xi32, #tpu.memory_space<vmem>>
      %dma_wait3A_710 = arith.constant 0 : i32
      %dma_wait3A_711 = arith.constant 0 : i32
      %dma_wait3A_712 = tpu.memref_slice %arg8[%dma_wait3A_710, %dma_wait3A_711] : memref<40008x16xf32, #tpu.memory_space<vmem_shared>> -> memref<40008x16xf32, #tpu.memory_space<vmem_shared>>
      tpu.wait_indirect_dma semaphore(%arg12 : memref<!tpu.dma_semaphore, #tpu.memory_space<semaphore_mem>>) src(%dma_wait3A_706 : memref<96x16xf32, #tpu.memory_space<vmem>>) dst(%dma_wait3A_712 : memref<40008x16xf32, #tpu.memory_space<vmem_shared>>)
      %dma_wait3A_713 = arith.constant 1 : i32
      %dma_wait3A_714 = arith.constant 288 : i32
      %dma_wait3A_715 = arith.constant 0 : i32
      %dma_wait3A_716 = tpu.memref_slice %arg6[%dma_wait3A_713, %dma_wait3A_714, %dma_wait3A_715] : memref<3x480x16xf32, #tpu.memory_space<vmem>> -> memref<1x96x16xf32, #tpu.memory_space<vmem>>
      %dma_wait3A_717 = tpu.memref_squeeze %dma_wait3A_716 : memref<1x96x16xf32, #tpu.memory_space<vmem>> -> memref<96x16xf32, #tpu.memory_space<vmem>>
      %dma_wait3A_718 = arith.constant 0 : i32
      %dma_wait3A_719 = tpu.memref_slice %arg5[%add3A_498, %dma_wait3A_718] : memref<165x96xi32, #tpu.memory_space<vmem>> -> memref<1x96xi32, #tpu.memory_space<vmem>>
      %dma_wait3A_720 = tpu.memref_squeeze %dma_wait3A_719 : memref<1x96xi32, #tpu.memory_space<vmem>> -> memref<96xi32, #tpu.memory_space<vmem>>
      %dma_wait3A_721 = arith.constant 0 : i32
      %dma_wait3A_722 = arith.constant 0 : i32
      %dma_wait3A_723 = tpu.memref_slice %arg8[%dma_wait3A_721, %dma_wait3A_722] : memref<40008x16xf32, #tpu.memory_space<vmem_shared>> -> memref<40008x16xf32, #tpu.memory_space<vmem_shared>>
      tpu.wait_indirect_dma semaphore(%arg12 : memref<!tpu.dma_semaphore, #tpu.memory_space<semaphore_mem>>) src(%dma_wait3A_717 : memref<96x16xf32, #tpu.memory_space<vmem>>) dst(%dma_wait3A_723 : memref<40008x16xf32, #tpu.memory_space<vmem_shared>>)
      %dma_wait3A_724 = arith.constant 1 : i32
      %dma_wait3A_725 = arith.constant 384 : i32
      %dma_wait3A_726 = arith.constant 0 : i32
      %dma_wait3A_727 = tpu.memref_slice %arg6[%dma_wait3A_724, %dma_wait3A_725, %dma_wait3A_726] : memref<3x480x16xf32, #tpu.memory_space<vmem>> -> memref<1x96x16xf32, #tpu.memory_space<vmem>>
      %dma_wait3A_728 = tpu.memref_squeeze %dma_wait3A_727 : memref<1x96x16xf32, #tpu.memory_space<vmem>> -> memref<96x16xf32, #tpu.memory_space<vmem>>
      %dma_wait3A_729 = arith.constant 0 : i32
      %dma_wait3A_730 = tpu.memref_slice %arg5[%add3A_515, %dma_wait3A_729] : memref<165x96xi32, #tpu.memory_space<vmem>> -> memref<1x96xi32, #tpu.memory_space<vmem>>
      %dma_wait3A_731 = tpu.memref_squeeze %dma_wait3A_730 : memref<1x96xi32, #tpu.memory_space<vmem>> -> memref<96xi32, #tpu.memory_space<vmem>>
      %dma_wait3A_732 = arith.constant 0 : i32
      %dma_wait3A_733 = arith.constant 0 : i32
      %dma_wait3A_734 = tpu.memref_slice %arg8[%dma_wait3A_732, %dma_wait3A_733] : memref<40008x16xf32, #tpu.memory_space<vmem_shared>> -> memref<40008x16xf32, #tpu.memory_space<vmem_shared>>
      tpu.wait_indirect_dma semaphore(%arg12 : memref<!tpu.dma_semaphore, #tpu.memory_space<semaphore_mem>>) src(%dma_wait3A_728 : memref<96x16xf32, #tpu.memory_space<vmem>>) dst(%dma_wait3A_734 : memref<40008x16xf32, #tpu.memory_space<vmem_shared>>)
      %dma_wait3A_735 = arith.constant 2 : i32
      %dma_wait3A_736 = arith.constant 0 : i32
      %dma_wait3A_737 = arith.constant 0 : i32
      %dma_wait3A_738 = tpu.memref_slice %arg6[%dma_wait3A_735, %dma_wait3A_736, %dma_wait3A_737] : memref<3x480x16xf32, #tpu.memory_space<vmem>> -> memref<1x96x16xf32, #tpu.memory_space<vmem>>
      %dma_wait3A_739 = tpu.memref_squeeze %dma_wait3A_738 : memref<1x96x16xf32, #tpu.memory_space<vmem>> -> memref<96x16xf32, #tpu.memory_space<vmem>>
      %dma_wait3A_740 = arith.constant 0 : i32
      %dma_wait3A_741 = tpu.memref_slice %arg5[%add3A_545, %dma_wait3A_740] : memref<165x96xi32, #tpu.memory_space<vmem>> -> memref<1x96xi32, #tpu.memory_space<vmem>>
      %dma_wait3A_742 = tpu.memref_squeeze %dma_wait3A_741 : memref<1x96xi32, #tpu.memory_space<vmem>> -> memref<96xi32, #tpu.memory_space<vmem>>
      %dma_wait3A_743 = arith.constant 0 : i32
      %dma_wait3A_744 = arith.constant 0 : i32
      %dma_wait3A_745 = tpu.memref_slice %arg8[%dma_wait3A_743, %dma_wait3A_744] : memref<40008x16xf32, #tpu.memory_space<vmem_shared>> -> memref<40008x16xf32, #tpu.memory_space<vmem_shared>>
      tpu.wait_indirect_dma semaphore(%arg12 : memref<!tpu.dma_semaphore, #tpu.memory_space<semaphore_mem>>) src(%dma_wait3A_739 : memref<96x16xf32, #tpu.memory_space<vmem>>) dst(%dma_wait3A_745 : memref<40008x16xf32, #tpu.memory_space<vmem_shared>>)
      %dma_wait3A_746 = arith.constant 2 : i32
      %dma_wait3A_747 = arith.constant 96 : i32
      %dma_wait3A_748 = arith.constant 0 : i32
      %dma_wait3A_749 = tpu.memref_slice %arg6[%dma_wait3A_746, %dma_wait3A_747, %dma_wait3A_748] : memref<3x480x16xf32, #tpu.memory_space<vmem>> -> memref<1x96x16xf32, #tpu.memory_space<vmem>>
      %dma_wait3A_750 = tpu.memref_squeeze %dma_wait3A_749 : memref<1x96x16xf32, #tpu.memory_space<vmem>> -> memref<96x16xf32, #tpu.memory_space<vmem>>
      %dma_wait3A_751 = arith.constant 0 : i32
      %dma_wait3A_752 = tpu.memref_slice %arg5[%add3A_562, %dma_wait3A_751] : memref<165x96xi32, #tpu.memory_space<vmem>> -> memref<1x96xi32, #tpu.memory_space<vmem>>
      %dma_wait3A_753 = tpu.memref_squeeze %dma_wait3A_752 : memref<1x96xi32, #tpu.memory_space<vmem>> -> memref<96xi32, #tpu.memory_space<vmem>>
      %dma_wait3A_754 = arith.constant 0 : i32
      %dma_wait3A_755 = arith.constant 0 : i32
      %dma_wait3A_756 = tpu.memref_slice %arg8[%dma_wait3A_754, %dma_wait3A_755] : memref<40008x16xf32, #tpu.memory_space<vmem_shared>> -> memref<40008x16xf32, #tpu.memory_space<vmem_shared>>
      tpu.wait_indirect_dma semaphore(%arg12 : memref<!tpu.dma_semaphore, #tpu.memory_space<semaphore_mem>>) src(%dma_wait3A_750 : memref<96x16xf32, #tpu.memory_space<vmem>>) dst(%dma_wait3A_756 : memref<40008x16xf32, #tpu.memory_space<vmem_shared>>)
      %dma_wait3A_757 = arith.constant 2 : i32
      %dma_wait3A_758 = arith.constant 192 : i32
      %dma_wait3A_759 = arith.constant 0 : i32
      %dma_wait3A_760 = tpu.memref_slice %arg6[%dma_wait3A_757, %dma_wait3A_758, %dma_wait3A_759] : memref<3x480x16xf32, #tpu.memory_space<vmem>> -> memref<1x96x16xf32, #tpu.memory_space<vmem>>
      %dma_wait3A_761 = tpu.memref_squeeze %dma_wait3A_760 : memref<1x96x16xf32, #tpu.memory_space<vmem>> -> memref<96x16xf32, #tpu.memory_space<vmem>>
      %dma_wait3A_762 = arith.constant 0 : i32
      %dma_wait3A_763 = tpu.memref_slice %arg5[%add3A_579, %dma_wait3A_762] : memref<165x96xi32, #tpu.memory_space<vmem>> -> memref<1x96xi32, #tpu.memory_space<vmem>>
      %dma_wait3A_764 = tpu.memref_squeeze %dma_wait3A_763 : memref<1x96xi32, #tpu.memory_space<vmem>> -> memref<96xi32, #tpu.memory_space<vmem>>
      %dma_wait3A_765 = arith.constant 0 : i32
      %dma_wait3A_766 = arith.constant 0 : i32
      %dma_wait3A_767 = tpu.memref_slice %arg8[%dma_wait3A_765, %dma_wait3A_766] : memref<40008x16xf32, #tpu.memory_space<vmem_shared>> -> memref<40008x16xf32, #tpu.memory_space<vmem_shared>>
      tpu.wait_indirect_dma semaphore(%arg12 : memref<!tpu.dma_semaphore, #tpu.memory_space<semaphore_mem>>) src(%dma_wait3A_761 : memref<96x16xf32, #tpu.memory_space<vmem>>) dst(%dma_wait3A_767 : memref<40008x16xf32, #tpu.memory_space<vmem_shared>>)
      %dma_wait3A_768 = arith.constant 2 : i32
      %dma_wait3A_769 = arith.constant 288 : i32
      %dma_wait3A_770 = arith.constant 0 : i32
      %dma_wait3A_771 = tpu.memref_slice %arg6[%dma_wait3A_768, %dma_wait3A_769, %dma_wait3A_770] : memref<3x480x16xf32, #tpu.memory_space<vmem>> -> memref<1x96x16xf32, #tpu.memory_space<vmem>>
      %dma_wait3A_772 = tpu.memref_squeeze %dma_wait3A_771 : memref<1x96x16xf32, #tpu.memory_space<vmem>> -> memref<96x16xf32, #tpu.memory_space<vmem>>
      %dma_wait3A_773 = arith.constant 0 : i32
      %dma_wait3A_774 = tpu.memref_slice %arg5[%add3A_596, %dma_wait3A_773] : memref<165x96xi32, #tpu.memory_space<vmem>> -> memref<1x96xi32, #tpu.memory_space<vmem>>
      %dma_wait3A_775 = tpu.memref_squeeze %dma_wait3A_774 : memref<1x96xi32, #tpu.memory_space<vmem>> -> memref<96xi32, #tpu.memory_space<vmem>>
      %dma_wait3A_776 = arith.constant 0 : i32
      %dma_wait3A_777 = arith.constant 0 : i32
      %dma_wait3A_778 = tpu.memref_slice %arg8[%dma_wait3A_776, %dma_wait3A_777] : memref<40008x16xf32, #tpu.memory_space<vmem_shared>> -> memref<40008x16xf32, #tpu.memory_space<vmem_shared>>
      tpu.wait_indirect_dma semaphore(%arg12 : memref<!tpu.dma_semaphore, #tpu.memory_space<semaphore_mem>>) src(%dma_wait3A_772 : memref<96x16xf32, #tpu.memory_space<vmem>>) dst(%dma_wait3A_778 : memref<40008x16xf32, #tpu.memory_space<vmem_shared>>)
      %dma_wait3A_779 = arith.constant 2 : i32
      %dma_wait3A_780 = arith.constant 384 : i32
      %dma_wait3A_781 = arith.constant 0 : i32
      %dma_wait3A_782 = tpu.memref_slice %arg6[%dma_wait3A_779, %dma_wait3A_780, %dma_wait3A_781] : memref<3x480x16xf32, #tpu.memory_space<vmem>> -> memref<1x96x16xf32, #tpu.memory_space<vmem>>
      %dma_wait3A_783 = tpu.memref_squeeze %dma_wait3A_782 : memref<1x96x16xf32, #tpu.memory_space<vmem>> -> memref<96x16xf32, #tpu.memory_space<vmem>>
      %dma_wait3A_784 = arith.constant 0 : i32
      %dma_wait3A_785 = tpu.memref_slice %arg5[%add3A_613, %dma_wait3A_784] : memref<165x96xi32, #tpu.memory_space<vmem>> -> memref<1x96xi32, #tpu.memory_space<vmem>>
      %dma_wait3A_786 = tpu.memref_squeeze %dma_wait3A_785 : memref<1x96xi32, #tpu.memory_space<vmem>> -> memref<96xi32, #tpu.memory_space<vmem>>
      %dma_wait3A_787 = arith.constant 0 : i32
      %dma_wait3A_788 = arith.constant 0 : i32
      %dma_wait3A_789 = tpu.memref_slice %arg8[%dma_wait3A_787, %dma_wait3A_788] : memref<40008x16xf32, #tpu.memory_space<vmem_shared>> -> memref<40008x16xf32, #tpu.memory_space<vmem_shared>>
      tpu.wait_indirect_dma semaphore(%arg12 : memref<!tpu.dma_semaphore, #tpu.memory_space<semaphore_mem>>) src(%dma_wait3A_783 : memref<96x16xf32, #tpu.memory_space<vmem>>) dst(%dma_wait3A_789 : memref<40008x16xf32, #tpu.memory_space<vmem_shared>>)
    }
    %scan3A_216 = arith.constant 11 : i32
    %barrier3A_217 = arith.constant 0 : index
    tpu.barrier barrier_id(%barrier3A_217)
    %mul3A_218 = arith.constant 2500 : i32
    %mul3A_219 = arith.muli %arg1, %mul3A_218 : i32
    %mul3A_220 = arith.constant 2500 : i32
    %mul3A_221 = arith.muli %arg1, %mul3A_220 : i32
    "tpu.region"() ({
      %run_scoped3A = tpu.sem_alloc : memref<!tpu.dma_semaphore, #tpu.memory_space<semaphore_mem>>
      %dma_start3A = arith.constant 48 : i32
      %dma_start3A_276 = tpu.memref_slice %arg4[%arg0, %mul3A_221, %dma_start3A] : memref<2x40000x80xf32, #tpu.memory_space<hbm>> -> memref<1x2500x16xf32, #tpu.memory_space<hbm>>
      %dma_start3A_277 = tpu.memref_squeeze %dma_start3A_276 : memref<1x2500x16xf32, #tpu.memory_space<hbm>> -> memref<2500x16xf32, #tpu.memory_space<hbm>>
      %dma_start3A_278 = arith.constant 0 : i32
      %dma_start3A_279 = tpu.memref_slice %arg8[%mul3A_219, %dma_start3A_278] : memref<40008x16xf32, #tpu.memory_space<vmem_shared>> -> memref<2500x16xf32, #tpu.memory_space<vmem_shared>>
      tpu.enqueue_dma source(%dma_start3A_279 : memref<2500x16xf32, #tpu.memory_space<vmem_shared>>) target(%dma_start3A_277 : memref<2500x16xf32, #tpu.memory_space<hbm>>) target_semaphore(%run_scoped3A : memref<!tpu.dma_semaphore, #tpu.memory_space<semaphore_mem>>)
      %dma_wait3A = arith.constant 48 : i32
      %dma_wait3A_280 = tpu.memref_slice %arg4[%arg0, %mul3A_221, %dma_wait3A] : memref<2x40000x80xf32, #tpu.memory_space<hbm>> -> memref<1x2500x16xf32, #tpu.memory_space<hbm>>
      %dma_wait3A_281 = tpu.memref_squeeze %dma_wait3A_280 : memref<1x2500x16xf32, #tpu.memory_space<hbm>> -> memref<2500x16xf32, #tpu.memory_space<hbm>>
      %dma_wait3A_282 = arith.constant 0 : i32
      %dma_wait3A_283 = tpu.memref_slice %arg8[%mul3A_219, %dma_wait3A_282] : memref<40008x16xf32, #tpu.memory_space<vmem_shared>> -> memref<2500x16xf32, #tpu.memory_space<vmem_shared>>
      tpu.wait_dma2 semaphore(%run_scoped3A : memref<!tpu.dma_semaphore, #tpu.memory_space<semaphore_mem>>) src(%dma_wait3A_283 : memref<2500x16xf32, #tpu.memory_space<vmem_shared>>) dst(%dma_wait3A_281 : memref<2500x16xf32, #tpu.memory_space<hbm>>)
      tpu.yield
    }) : () -> ()
    %barrier3A_222 = arith.constant 0 : index
    tpu.barrier barrier_id(%barrier3A_222)
    %mul3A_223 = arith.constant 2500 : i32
    %mul3A_224 = arith.muli %arg1, %mul3A_223 : i32
    %add3A_225 = arith.constant 0 : i32
    %add3A_226 = arith.addi %mul3A_224, %add3A_225 : i32
    "tpu.region"() ({
      %run_scoped3A = tpu.sem_alloc : memref<!tpu.dma_semaphore, #tpu.memory_space<semaphore_mem>>
      %dma_start3A = arith.constant 0 : i32
      %dma_start3A_276 = tpu.memref_slice %arg8[%add3A_226, %dma_start3A] : memref<40008x16xf32, #tpu.memory_space<vmem_shared>> -> memref<250x16xf32, #tpu.memory_space<vmem_shared>>
      %dma_start3A_277 = arith.constant 0 : i32
      %dma_start3A_278 = tpu.memref_slice %arg8[%add3A_226, %dma_start3A_277] : memref<40008x16xf32, #tpu.memory_space<vmem_shared>> -> memref<250x16xf32, #tpu.memory_space<vmem_shared>>
      tpu.enqueue_dma source(%arg7 : memref<250x16xf32, #tpu.memory_space<vmem>>) target(%dma_start3A_278 : memref<250x16xf32, #tpu.memory_space<vmem_shared>>) target_semaphore(%run_scoped3A : memref<!tpu.dma_semaphore, #tpu.memory_space<semaphore_mem>>)
      %dma_wait3A = arith.constant 0 : i32
      %dma_wait3A_279 = tpu.memref_slice %arg8[%add3A_226, %dma_wait3A] : memref<40008x16xf32, #tpu.memory_space<vmem_shared>> -> memref<250x16xf32, #tpu.memory_space<vmem_shared>>
      %dma_wait3A_280 = arith.constant 0 : i32
      %dma_wait3A_281 = tpu.memref_slice %arg8[%add3A_226, %dma_wait3A_280] : memref<40008x16xf32, #tpu.memory_space<vmem_shared>> -> memref<250x16xf32, #tpu.memory_space<vmem_shared>>
      tpu.wait_dma2 semaphore(%run_scoped3A : memref<!tpu.dma_semaphore, #tpu.memory_space<semaphore_mem>>) src(%arg7 : memref<250x16xf32, #tpu.memory_space<vmem>>) dst(%dma_wait3A_281 : memref<250x16xf32, #tpu.memory_space<vmem_shared>>)
      tpu.yield
    }) : () -> ()
    %mul3A_227 = arith.constant 2500 : i32
    %mul3A_228 = arith.muli %arg1, %mul3A_227 : i32
    %add3A_229 = arith.constant 250 : i32
    %add3A_230 = arith.addi %mul3A_228, %add3A_229 : i32
    "tpu.region"() ({
      %run_scoped3A = tpu.sem_alloc : memref<!tpu.dma_semaphore, #tpu.memory_space<semaphore_mem>>
      %dma_start3A = arith.constant 0 : i32
      %dma_start3A_276 = tpu.memref_slice %arg8[%add3A_230, %dma_start3A] : memref<40008x16xf32, #tpu.memory_space<vmem_shared>> -> memref<250x16xf32, #tpu.memory_space<vmem_shared>>
      %dma_start3A_277 = arith.constant 0 : i32
      %dma_start3A_278 = tpu.memref_slice %arg8[%add3A_230, %dma_start3A_277] : memref<40008x16xf32, #tpu.memory_space<vmem_shared>> -> memref<250x16xf32, #tpu.memory_space<vmem_shared>>
      tpu.enqueue_dma source(%arg7 : memref<250x16xf32, #tpu.memory_space<vmem>>) target(%dma_start3A_278 : memref<250x16xf32, #tpu.memory_space<vmem_shared>>) target_semaphore(%run_scoped3A : memref<!tpu.dma_semaphore, #tpu.memory_space<semaphore_mem>>)
      %dma_wait3A = arith.constant 0 : i32
      %dma_wait3A_279 = tpu.memref_slice %arg8[%add3A_230, %dma_wait3A] : memref<40008x16xf32, #tpu.memory_space<vmem_shared>> -> memref<250x16xf32, #tpu.memory_space<vmem_shared>>
      %dma_wait3A_280 = arith.constant 0 : i32
      %dma_wait3A_281 = tpu.memref_slice %arg8[%add3A_230, %dma_wait3A_280] : memref<40008x16xf32, #tpu.memory_space<vmem_shared>> -> memref<250x16xf32, #tpu.memory_space<vmem_shared>>
      tpu.wait_dma2 semaphore(%run_scoped3A : memref<!tpu.dma_semaphore, #tpu.memory_space<semaphore_mem>>) src(%arg7 : memref<250x16xf32, #tpu.memory_space<vmem>>) dst(%dma_wait3A_281 : memref<250x16xf32, #tpu.memory_space<vmem_shared>>)
      tpu.yield
    }) : () -> ()
    %mul3A_231 = arith.constant 2500 : i32
    %mul3A_232 = arith.muli %arg1, %mul3A_231 : i32
    %add3A_233 = arith.constant 500 : i32
    %add3A_234 = arith.addi %mul3A_232, %add3A_233 : i32
    "tpu.region"() ({
      %run_scoped3A = tpu.sem_alloc : memref<!tpu.dma_semaphore, #tpu.memory_space<semaphore_mem>>
      %dma_start3A = arith.constant 0 : i32
      %dma_start3A_276 = tpu.memref_slice %arg8[%add3A_234, %dma_start3A] : memref<40008x16xf32, #tpu.memory_space<vmem_shared>> -> memref<250x16xf32, #tpu.memory_space<vmem_shared>>
      %dma_start3A_277 = arith.constant 0 : i32
      %dma_start3A_278 = tpu.memref_slice %arg8[%add3A_234, %dma_start3A_277] : memref<40008x16xf32, #tpu.memory_space<vmem_shared>> -> memref<250x16xf32, #tpu.memory_space<vmem_shared>>
      tpu.enqueue_dma source(%arg7 : memref<250x16xf32, #tpu.memory_space<vmem>>) target(%dma_start3A_278 : memref<250x16xf32, #tpu.memory_space<vmem_shared>>) target_semaphore(%run_scoped3A : memref<!tpu.dma_semaphore, #tpu.memory_space<semaphore_mem>>)
      %dma_wait3A = arith.constant 0 : i32
      %dma_wait3A_279 = tpu.memref_slice %arg8[%add3A_234, %dma_wait3A] : memref<40008x16xf32, #tpu.memory_space<vmem_shared>> -> memref<250x16xf32, #tpu.memory_space<vmem_shared>>
      %dma_wait3A_280 = arith.constant 0 : i32
      %dma_wait3A_281 = tpu.memref_slice %arg8[%add3A_234, %dma_wait3A_280] : memref<40008x16xf32, #tpu.memory_space<vmem_shared>> -> memref<250x16xf32, #tpu.memory_space<vmem_shared>>
      tpu.wait_dma2 semaphore(%run_scoped3A : memref<!tpu.dma_semaphore, #tpu.memory_space<semaphore_mem>>) src(%arg7 : memref<250x16xf32, #tpu.memory_space<vmem>>) dst(%dma_wait3A_281 : memref<250x16xf32, #tpu.memory_space<vmem_shared>>)
      tpu.yield
    }) : () -> ()
    %mul3A_235 = arith.constant 2500 : i32
    %mul3A_236 = arith.muli %arg1, %mul3A_235 : i32
    %add3A_237 = arith.constant 750 : i32
    %add3A_238 = arith.addi %mul3A_236, %add3A_237 : i32
    "tpu.region"() ({
      %run_scoped3A = tpu.sem_alloc : memref<!tpu.dma_semaphore, #tpu.memory_space<semaphore_mem>>
      %dma_start3A = arith.constant 0 : i32
      %dma_start3A_276 = tpu.memref_slice %arg8[%add3A_238, %dma_start3A] : memref<40008x16xf32, #tpu.memory_space<vmem_shared>> -> memref<250x16xf32, #tpu.memory_space<vmem_shared>>
      %dma_start3A_277 = arith.constant 0 : i32
      %dma_start3A_278 = tpu.memref_slice %arg8[%add3A_238, %dma_start3A_277] : memref<40008x16xf32, #tpu.memory_space<vmem_shared>> -> memref<250x16xf32, #tpu.memory_space<vmem_shared>>
      tpu.enqueue_dma source(%arg7 : memref<250x16xf32, #tpu.memory_space<vmem>>) target(%dma_start3A_278 : memref<250x16xf32, #tpu.memory_space<vmem_shared>>) target_semaphore(%run_scoped3A : memref<!tpu.dma_semaphore, #tpu.memory_space<semaphore_mem>>)
      %dma_wait3A = arith.constant 0 : i32
      %dma_wait3A_279 = tpu.memref_slice %arg8[%add3A_238, %dma_wait3A] : memref<40008x16xf32, #tpu.memory_space<vmem_shared>> -> memref<250x16xf32, #tpu.memory_space<vmem_shared>>
      %dma_wait3A_280 = arith.constant 0 : i32
      %dma_wait3A_281 = tpu.memref_slice %arg8[%add3A_238, %dma_wait3A_280] : memref<40008x16xf32, #tpu.memory_space<vmem_shared>> -> memref<250x16xf32, #tpu.memory_space<vmem_shared>>
      tpu.wait_dma2 semaphore(%run_scoped3A : memref<!tpu.dma_semaphore, #tpu.memory_space<semaphore_mem>>) src(%arg7 : memref<250x16xf32, #tpu.memory_space<vmem>>) dst(%dma_wait3A_281 : memref<250x16xf32, #tpu.memory_space<vmem_shared>>)
      tpu.yield
    }) : () -> ()
    %mul3A_239 = arith.constant 2500 : i32
    %mul3A_240 = arith.muli %arg1, %mul3A_239 : i32
    %add3A_241 = arith.constant 1000 : i32
    %add3A_242 = arith.addi %mul3A_240, %add3A_241 : i32
    "tpu.region"() ({
      %run_scoped3A = tpu.sem_alloc : memref<!tpu.dma_semaphore, #tpu.memory_space<semaphore_mem>>
      %dma_start3A = arith.constant 0 : i32
      %dma_start3A_276 = tpu.memref_slice %arg8[%add3A_242, %dma_start3A] : memref<40008x16xf32, #tpu.memory_space<vmem_shared>> -> memref<250x16xf32, #tpu.memory_space<vmem_shared>>
      %dma_start3A_277 = arith.constant 0 : i32
      %dma_start3A_278 = tpu.memref_slice %arg8[%add3A_242, %dma_start3A_277] : memref<40008x16xf32, #tpu.memory_space<vmem_shared>> -> memref<250x16xf32, #tpu.memory_space<vmem_shared>>
      tpu.enqueue_dma source(%arg7 : memref<250x16xf32, #tpu.memory_space<vmem>>) target(%dma_start3A_278 : memref<250x16xf32, #tpu.memory_space<vmem_shared>>) target_semaphore(%run_scoped3A : memref<!tpu.dma_semaphore, #tpu.memory_space<semaphore_mem>>)
      %dma_wait3A = arith.constant 0 : i32
      %dma_wait3A_279 = tpu.memref_slice %arg8[%add3A_242, %dma_wait3A] : memref<40008x16xf32, #tpu.memory_space<vmem_shared>> -> memref<250x16xf32, #tpu.memory_space<vmem_shared>>
      %dma_wait3A_280 = arith.constant 0 : i32
      %dma_wait3A_281 = tpu.memref_slice %arg8[%add3A_242, %dma_wait3A_280] : memref<40008x16xf32, #tpu.memory_space<vmem_shared>> -> memref<250x16xf32, #tpu.memory_space<vmem_shared>>
      tpu.wait_dma2 semaphore(%run_scoped3A : memref<!tpu.dma_semaphore, #tpu.memory_space<semaphore_mem>>) src(%arg7 : memref<250x16xf32, #tpu.memory_space<vmem>>) dst(%dma_wait3A_281 : memref<250x16xf32, #tpu.memory_space<vmem_shared>>)
      tpu.yield
    }) : () -> ()
    %mul3A_243 = arith.constant 2500 : i32
    %mul3A_244 = arith.muli %arg1, %mul3A_243 : i32
    %add3A_245 = arith.constant 1250 : i32
    %add3A_246 = arith.addi %mul3A_244, %add3A_245 : i32
    "tpu.region"() ({
      %run_scoped3A = tpu.sem_alloc : memref<!tpu.dma_semaphore, #tpu.memory_space<semaphore_mem>>
      %dma_start3A = arith.constant 0 : i32
      %dma_start3A_276 = tpu.memref_slice %arg8[%add3A_246, %dma_start3A] : memref<40008x16xf32, #tpu.memory_space<vmem_shared>> -> memref<250x16xf32, #tpu.memory_space<vmem_shared>>
      %dma_start3A_277 = arith.constant 0 : i32
      %dma_start3A_278 = tpu.memref_slice %arg8[%add3A_246, %dma_start3A_277] : memref<40008x16xf32, #tpu.memory_space<vmem_shared>> -> memref<250x16xf32, #tpu.memory_space<vmem_shared>>
      tpu.enqueue_dma source(%arg7 : memref<250x16xf32, #tpu.memory_space<vmem>>) target(%dma_start3A_278 : memref<250x16xf32, #tpu.memory_space<vmem_shared>>) target_semaphore(%run_scoped3A : memref<!tpu.dma_semaphore, #tpu.memory_space<semaphore_mem>>)
      %dma_wait3A = arith.constant 0 : i32
      %dma_wait3A_279 = tpu.memref_slice %arg8[%add3A_246, %dma_wait3A] : memref<40008x16xf32, #tpu.memory_space<vmem_shared>> -> memref<250x16xf32, #tpu.memory_space<vmem_shared>>
      %dma_wait3A_280 = arith.constant 0 : i32
      %dma_wait3A_281 = tpu.memref_slice %arg8[%add3A_246, %dma_wait3A_280] : memref<40008x16xf32, #tpu.memory_space<vmem_shared>> -> memref<250x16xf32, #tpu.memory_space<vmem_shared>>
      tpu.wait_dma2 semaphore(%run_scoped3A : memref<!tpu.dma_semaphore, #tpu.memory_space<semaphore_mem>>) src(%arg7 : memref<250x16xf32, #tpu.memory_space<vmem>>) dst(%dma_wait3A_281 : memref<250x16xf32, #tpu.memory_space<vmem_shared>>)
      tpu.yield
    }) : () -> ()
    %mul3A_247 = arith.constant 2500 : i32
    %mul3A_248 = arith.muli %arg1, %mul3A_247 : i32
    %add3A_249 = arith.constant 1500 : i32
    %add3A_250 = arith.addi %mul3A_248, %add3A_249 : i32
    "tpu.region"() ({
      %run_scoped3A = tpu.sem_alloc : memref<!tpu.dma_semaphore, #tpu.memory_space<semaphore_mem>>
      %dma_start3A = arith.constant 0 : i32
      %dma_start3A_276 = tpu.memref_slice %arg8[%add3A_250, %dma_start3A] : memref<40008x16xf32, #tpu.memory_space<vmem_shared>> -> memref<250x16xf32, #tpu.memory_space<vmem_shared>>
      %dma_start3A_277 = arith.constant 0 : i32
      %dma_start3A_278 = tpu.memref_slice %arg8[%add3A_250, %dma_start3A_277] : memref<40008x16xf32, #tpu.memory_space<vmem_shared>> -> memref<250x16xf32, #tpu.memory_space<vmem_shared>>
      tpu.enqueue_dma source(%arg7 : memref<250x16xf32, #tpu.memory_space<vmem>>) target(%dma_start3A_278 : memref<250x16xf32, #tpu.memory_space<vmem_shared>>) target_semaphore(%run_scoped3A : memref<!tpu.dma_semaphore, #tpu.memory_space<semaphore_mem>>)
      %dma_wait3A = arith.constant 0 : i32
      %dma_wait3A_279 = tpu.memref_slice %arg8[%add3A_250, %dma_wait3A] : memref<40008x16xf32, #tpu.memory_space<vmem_shared>> -> memref<250x16xf32, #tpu.memory_space<vmem_shared>>
      %dma_wait3A_280 = arith.constant 0 : i32
      %dma_wait3A_281 = tpu.memref_slice %arg8[%add3A_250, %dma_wait3A_280] : memref<40008x16xf32, #tpu.memory_space<vmem_shared>> -> memref<250x16xf32, #tpu.memory_space<vmem_shared>>
      tpu.wait_dma2 semaphore(%run_scoped3A : memref<!tpu.dma_semaphore, #tpu.memory_space<semaphore_mem>>) src(%arg7 : memref<250x16xf32, #tpu.memory_space<vmem>>) dst(%dma_wait3A_281 : memref<250x16xf32, #tpu.memory_space<vmem_shared>>)
      tpu.yield
    }) : () -> ()
    %mul3A_251 = arith.constant 2500 : i32
    %mul3A_252 = arith.muli %arg1, %mul3A_251 : i32
    %add3A_253 = arith.constant 1750 : i32
    %add3A_254 = arith.addi %mul3A_252, %add3A_253 : i32
    "tpu.region"() ({
      %run_scoped3A = tpu.sem_alloc : memref<!tpu.dma_semaphore, #tpu.memory_space<semaphore_mem>>
      %dma_start3A = arith.constant 0 : i32
      %dma_start3A_276 = tpu.memref_slice %arg8[%add3A_254, %dma_start3A] : memref<40008x16xf32, #tpu.memory_space<vmem_shared>> -> memref<250x16xf32, #tpu.memory_space<vmem_shared>>
      %dma_start3A_277 = arith.constant 0 : i32
      %dma_start3A_278 = tpu.memref_slice %arg8[%add3A_254, %dma_start3A_277] : memref<40008x16xf32, #tpu.memory_space<vmem_shared>> -> memref<250x16xf32, #tpu.memory_space<vmem_shared>>
      tpu.enqueue_dma source(%arg7 : memref<250x16xf32, #tpu.memory_space<vmem>>) target(%dma_start3A_278 : memref<250x16xf32, #tpu.memory_space<vmem_shared>>) target_semaphore(%run_scoped3A : memref<!tpu.dma_semaphore, #tpu.memory_space<semaphore_mem>>)
      %dma_wait3A = arith.constant 0 : i32
      %dma_wait3A_279 = tpu.memref_slice %arg8[%add3A_254, %dma_wait3A] : memref<40008x16xf32, #tpu.memory_space<vmem_shared>> -> memref<250x16xf32, #tpu.memory_space<vmem_shared>>
      %dma_wait3A_280 = arith.constant 0 : i32
      %dma_wait3A_281 = tpu.memref_slice %arg8[%add3A_254, %dma_wait3A_280] : memref<40008x16xf32, #tpu.memory_space<vmem_shared>> -> memref<250x16xf32, #tpu.memory_space<vmem_shared>>
      tpu.wait_dma2 semaphore(%run_scoped3A : memref<!tpu.dma_semaphore, #tpu.memory_space<semaphore_mem>>) src(%arg7 : memref<250x16xf32, #tpu.memory_space<vmem>>) dst(%dma_wait3A_281 : memref<250x16xf32, #tpu.memory_space<vmem_shared>>)
      tpu.yield
    }) : () -> ()
    %mul3A_255 = arith.constant 2500 : i32
    %mul3A_256 = arith.muli %arg1, %mul3A_255 : i32
    %add3A_257 = arith.constant 2000 : i32
    %add3A_258 = arith.addi %mul3A_256, %add3A_257 : i32
    "tpu.region"() ({
      %run_scoped3A = tpu.sem_alloc : memref<!tpu.dma_semaphore, #tpu.memory_space<semaphore_mem>>
      %dma_start3A = arith.constant 0 : i32
      %dma_start3A_276 = tpu.memref_slice %arg8[%add3A_258, %dma_start3A] : memref<40008x16xf32, #tpu.memory_space<vmem_shared>> -> memref<250x16xf32, #tpu.memory_space<vmem_shared>>
      %dma_start3A_277 = arith.constant 0 : i32
      %dma_start3A_278 = tpu.memref_slice %arg8[%add3A_258, %dma_start3A_277] : memref<40008x16xf32, #tpu.memory_space<vmem_shared>> -> memref<250x16xf32, #tpu.memory_space<vmem_shared>>
      tpu.enqueue_dma source(%arg7 : memref<250x16xf32, #tpu.memory_space<vmem>>) target(%dma_start3A_278 : memref<250x16xf32, #tpu.memory_space<vmem_shared>>) target_semaphore(%run_scoped3A : memref<!tpu.dma_semaphore, #tpu.memory_space<semaphore_mem>>)
      %dma_wait3A = arith.constant 0 : i32
      %dma_wait3A_279 = tpu.memref_slice %arg8[%add3A_258, %dma_wait3A] : memref<40008x16xf32, #tpu.memory_space<vmem_shared>> -> memref<250x16xf32, #tpu.memory_space<vmem_shared>>
      %dma_wait3A_280 = arith.constant 0 : i32
      %dma_wait3A_281 = tpu.memref_slice %arg8[%add3A_258, %dma_wait3A_280] : memref<40008x16xf32, #tpu.memory_space<vmem_shared>> -> memref<250x16xf32, #tpu.memory_space<vmem_shared>>
      tpu.wait_dma2 semaphore(%run_scoped3A : memref<!tpu.dma_semaphore, #tpu.memory_space<semaphore_mem>>) src(%arg7 : memref<250x16xf32, #tpu.memory_space<vmem>>) dst(%dma_wait3A_281 : memref<250x16xf32, #tpu.memory_space<vmem_shared>>)
      tpu.yield
    }) : () -> ()
    %mul3A_259 = arith.constant 2500 : i32
    %mul3A_260 = arith.muli %arg1, %mul3A_259 : i32
    %add3A_261 = arith.constant 2250 : i32
    %add3A_262 = arith.addi %mul3A_260, %add3A_261 : i32
    "tpu.region"() ({
      %run_scoped3A = tpu.sem_alloc : memref<!tpu.dma_semaphore, #tpu.memory_space<semaphore_mem>>
      %dma_start3A = arith.constant 0 : i32
      %dma_start3A_276 = tpu.memref_slice %arg8[%add3A_262, %dma_start3A] : memref<40008x16xf32, #tpu.memory_space<vmem_shared>> -> memref<250x16xf32, #tpu.memory_space<vmem_shared>>
      %dma_start3A_277 = arith.constant 0 : i32
      %dma_start3A_278 = tpu.memref_slice %arg8[%add3A_262, %dma_start3A_277] : memref<40008x16xf32, #tpu.memory_space<vmem_shared>> -> memref<250x16xf32, #tpu.memory_space<vmem_shared>>
      tpu.enqueue_dma source(%arg7 : memref<250x16xf32, #tpu.memory_space<vmem>>) target(%dma_start3A_278 : memref<250x16xf32, #tpu.memory_space<vmem_shared>>) target_semaphore(%run_scoped3A : memref<!tpu.dma_semaphore, #tpu.memory_space<semaphore_mem>>)
      %dma_wait3A = arith.constant 0 : i32
      %dma_wait3A_279 = tpu.memref_slice %arg8[%add3A_262, %dma_wait3A] : memref<40008x16xf32, #tpu.memory_space<vmem_shared>> -> memref<250x16xf32, #tpu.memory_space<vmem_shared>>
      %dma_wait3A_280 = arith.constant 0 : i32
      %dma_wait3A_281 = tpu.memref_slice %arg8[%add3A_262, %dma_wait3A_280] : memref<40008x16xf32, #tpu.memory_space<vmem_shared>> -> memref<250x16xf32, #tpu.memory_space<vmem_shared>>
      tpu.wait_dma2 semaphore(%run_scoped3A : memref<!tpu.dma_semaphore, #tpu.memory_space<semaphore_mem>>) src(%arg7 : memref<250x16xf32, #tpu.memory_space<vmem>>) dst(%dma_wait3A_281 : memref<250x16xf32, #tpu.memory_space<vmem_shared>>)
      tpu.yield
    }) : () -> ()
    %barrier3A_263 = arith.constant 0 : index
    tpu.barrier barrier_id(%barrier3A_263)
    %scan3A_264 = arith.constant 0 : i32
    %scan3A_265 = arith.constant 0 : i32
    %scan3A_266 = arith.constant 11 : i32
    %scan3A_267 = arith.addi %scan3A_265, %scan3A_266 : i32
    %scan3A_268 = arith.constant 1 : i32
    scf.for %scan3A_276 = %scan3A_265 to %scan3A_267 step %scan3A_268  : i32 {
      %mul3A_277 = arith.constant 3 : i32
      %mul3A_278 = arith.muli %scan3A_276, %mul3A_277 : i32
      %add3A_279 = arith.constant 0 : i32
      %add3A_280 = arith.addi %mul3A_278, %add3A_279 : i32
      %mul3A_281 = arith.constant 480 : i32
      %mul3A_282 = arith.muli %add3A_280, %mul3A_281 : i32
      %add3A_283 = arith.addi %add3A_5, %mul3A_282 : i32
      %dma_start3A = arith.constant 0 : i32
      %dma_start3A_284 = arith.constant 0 : i32
      %dma_start3A_285 = arith.constant 0 : i32
      %dma_start3A_286 = tpu.memref_slice %arg6[%dma_start3A, %dma_start3A_284, %dma_start3A_285] : memref<3x480x16xf32, #tpu.memory_space<vmem>> -> memref<1x480x16xf32, #tpu.memory_space<vmem>>
      %dma_start3A_287 = tpu.memref_squeeze %dma_start3A_286 : memref<1x480x16xf32, #tpu.memory_space<vmem>> -> memref<480x16xf32, #tpu.memory_space<vmem>>
      %dma_start3A_288 = arith.constant 64 : i32
      %dma_start3A_289 = tpu.memref_slice %arg3[%add3A_283, %dma_start3A_288] : memref<506880x80xf32, #tpu.memory_space<hbm>> -> memref<480x16xf32, #tpu.memory_space<hbm>>
      %dma_start3A_290 = arith.constant 0 : i32
      %dma_start3A_291 = arith.constant 0 : i32
      %dma_start3A_292 = tpu.memref_slice %arg6[%dma_start3A, %dma_start3A_290, %dma_start3A_291] : memref<3x480x16xf32, #tpu.memory_space<vmem>> -> memref<1x480x16xf32, #tpu.memory_space<vmem>>
      %dma_start3A_293 = tpu.memref_squeeze %dma_start3A_292 : memref<1x480x16xf32, #tpu.memory_space<vmem>> -> memref<480x16xf32, #tpu.memory_space<vmem>>
      %dma_start3A_294 = arith.constant 64 : i32
      %dma_start3A_295 = tpu.memref_slice %arg3[%add3A_283, %dma_start3A_294] : memref<506880x80xf32, #tpu.memory_space<hbm>> -> memref<480x16xf32, #tpu.memory_space<hbm>>
      tpu.enqueue_dma source(%dma_start3A_295 : memref<480x16xf32, #tpu.memory_space<hbm>>) target(%dma_start3A_293 : memref<480x16xf32, #tpu.memory_space<vmem>>) target_semaphore(%arg9 : memref<!tpu.dma_semaphore, #tpu.memory_space<semaphore_mem>>)
      %add3A_296 = arith.constant 1 : i32
      %add3A_297 = arith.addi %mul3A_278, %add3A_296 : i32
      %mul3A_298 = arith.constant 480 : i32
      %mul3A_299 = arith.muli %add3A_297, %mul3A_298 : i32
      %add3A_300 = arith.addi %add3A_5, %mul3A_299 : i32
      %dma_start3A_301 = arith.constant 1 : i32
      %dma_start3A_302 = arith.constant 0 : i32
      %dma_start3A_303 = arith.constant 0 : i32
      %dma_start3A_304 = tpu.memref_slice %arg6[%dma_start3A_301, %dma_start3A_302, %dma_start3A_303] : memref<3x480x16xf32, #tpu.memory_space<vmem>> -> memref<1x480x16xf32, #tpu.memory_space<vmem>>
      %dma_start3A_305 = tpu.memref_squeeze %dma_start3A_304 : memref<1x480x16xf32, #tpu.memory_space<vmem>> -> memref<480x16xf32, #tpu.memory_space<vmem>>
      %dma_start3A_306 = arith.constant 64 : i32
      %dma_start3A_307 = tpu.memref_slice %arg3[%add3A_300, %dma_start3A_306] : memref<506880x80xf32, #tpu.memory_space<hbm>> -> memref<480x16xf32, #tpu.memory_space<hbm>>
      %dma_start3A_308 = arith.constant 0 : i32
      %dma_start3A_309 = arith.constant 0 : i32
      %dma_start3A_310 = tpu.memref_slice %arg6[%dma_start3A_301, %dma_start3A_308, %dma_start3A_309] : memref<3x480x16xf32, #tpu.memory_space<vmem>> -> memref<1x480x16xf32, #tpu.memory_space<vmem>>
      %dma_start3A_311 = tpu.memref_squeeze %dma_start3A_310 : memref<1x480x16xf32, #tpu.memory_space<vmem>> -> memref<480x16xf32, #tpu.memory_space<vmem>>
      %dma_start3A_312 = arith.constant 64 : i32
      %dma_start3A_313 = tpu.memref_slice %arg3[%add3A_300, %dma_start3A_312] : memref<506880x80xf32, #tpu.memory_space<hbm>> -> memref<480x16xf32, #tpu.memory_space<hbm>>
      tpu.enqueue_dma source(%dma_start3A_313 : memref<480x16xf32, #tpu.memory_space<hbm>>) target(%dma_start3A_311 : memref<480x16xf32, #tpu.memory_space<vmem>>) target_semaphore(%arg10 : memref<!tpu.dma_semaphore, #tpu.memory_space<semaphore_mem>>)
      %add3A_314 = arith.constant 2 : i32
      %add3A_315 = arith.addi %mul3A_278, %add3A_314 : i32
      %mul3A_316 = arith.constant 480 : i32
      %mul3A_317 = arith.muli %add3A_315, %mul3A_316 : i32
      %add3A_318 = arith.addi %add3A_5, %mul3A_317 : i32
      %dma_start3A_319 = arith.constant 2 : i32
      %dma_start3A_320 = arith.constant 0 : i32
      %dma_start3A_321 = arith.constant 0 : i32
      %dma_start3A_322 = tpu.memref_slice %arg6[%dma_start3A_319, %dma_start3A_320, %dma_start3A_321] : memref<3x480x16xf32, #tpu.memory_space<vmem>> -> memref<1x480x16xf32, #tpu.memory_space<vmem>>
      %dma_start3A_323 = tpu.memref_squeeze %dma_start3A_322 : memref<1x480x16xf32, #tpu.memory_space<vmem>> -> memref<480x16xf32, #tpu.memory_space<vmem>>
      %dma_start3A_324 = arith.constant 64 : i32
      %dma_start3A_325 = tpu.memref_slice %arg3[%add3A_318, %dma_start3A_324] : memref<506880x80xf32, #tpu.memory_space<hbm>> -> memref<480x16xf32, #tpu.memory_space<hbm>>
      %dma_start3A_326 = arith.constant 0 : i32
      %dma_start3A_327 = arith.constant 0 : i32
      %dma_start3A_328 = tpu.memref_slice %arg6[%dma_start3A_319, %dma_start3A_326, %dma_start3A_327] : memref<3x480x16xf32, #tpu.memory_space<vmem>> -> memref<1x480x16xf32, #tpu.memory_space<vmem>>
      %dma_start3A_329 = tpu.memref_squeeze %dma_start3A_328 : memref<1x480x16xf32, #tpu.memory_space<vmem>> -> memref<480x16xf32, #tpu.memory_space<vmem>>
      %dma_start3A_330 = arith.constant 64 : i32
      %dma_start3A_331 = tpu.memref_slice %arg3[%add3A_318, %dma_start3A_330] : memref<506880x80xf32, #tpu.memory_space<hbm>> -> memref<480x16xf32, #tpu.memory_space<hbm>>
      tpu.enqueue_dma source(%dma_start3A_331 : memref<480x16xf32, #tpu.memory_space<hbm>>) target(%dma_start3A_329 : memref<480x16xf32, #tpu.memory_space<vmem>>) target_semaphore(%arg11 : memref<!tpu.dma_semaphore, #tpu.memory_space<semaphore_mem>>)
      %dma_wait3A = arith.constant 0 : i32
      %dma_wait3A_332 = arith.constant 0 : i32
      %dma_wait3A_333 = arith.constant 0 : i32
      %dma_wait3A_334 = tpu.memref_slice %arg6[%dma_wait3A, %dma_wait3A_332, %dma_wait3A_333] : memref<3x480x16xf32, #tpu.memory_space<vmem>> -> memref<1x480x16xf32, #tpu.memory_space<vmem>>
      %dma_wait3A_335 = tpu.memref_squeeze %dma_wait3A_334 : memref<1x480x16xf32, #tpu.memory_space<vmem>> -> memref<480x16xf32, #tpu.memory_space<vmem>>
      %dma_wait3A_336 = arith.constant 64 : i32
      %dma_wait3A_337 = tpu.memref_slice %arg3[%add3A_283, %dma_wait3A_336] : memref<506880x80xf32, #tpu.memory_space<hbm>> -> memref<480x16xf32, #tpu.memory_space<hbm>>
      %dma_wait3A_338 = arith.constant 0 : i32
      %dma_wait3A_339 = arith.constant 0 : i32
      %dma_wait3A_340 = tpu.memref_slice %arg6[%dma_wait3A, %dma_wait3A_338, %dma_wait3A_339] : memref<3x480x16xf32, #tpu.memory_space<vmem>> -> memref<1x480x16xf32, #tpu.memory_space<vmem>>
      %dma_wait3A_341 = tpu.memref_squeeze %dma_wait3A_340 : memref<1x480x16xf32, #tpu.memory_space<vmem>> -> memref<480x16xf32, #tpu.memory_space<vmem>>
      %dma_wait3A_342 = arith.constant 64 : i32
      %dma_wait3A_343 = tpu.memref_slice %arg3[%add3A_283, %dma_wait3A_342] : memref<506880x80xf32, #tpu.memory_space<hbm>> -> memref<480x16xf32, #tpu.memory_space<hbm>>
      tpu.wait_dma2 semaphore(%arg9 : memref<!tpu.dma_semaphore, #tpu.memory_space<semaphore_mem>>) src(%dma_wait3A_343 : memref<480x16xf32, #tpu.memory_space<hbm>>) dst(%dma_wait3A_341 : memref<480x16xf32, #tpu.memory_space<vmem>>)
      %add3A_344 = arith.constant 0 : i32
      %add3A_345 = arith.addi %mul3A_278, %add3A_344 : i32
      %mul3A_346 = arith.constant 5 : i32
      %mul3A_347 = arith.muli %add3A_345, %mul3A_346 : i32
      %add3A_348 = arith.constant 0 : i32
      %add3A_349 = arith.addi %mul3A_347, %add3A_348 : i32
      %dma_start3A_350 = arith.constant 0 : i32
      %dma_start3A_351 = arith.constant 0 : i32
      %dma_start3A_352 = arith.constant 0 : i32
      %dma_start3A_353 = tpu.memref_slice %arg6[%dma_start3A_350, %dma_start3A_351, %dma_start3A_352] : memref<3x480x16xf32, #tpu.memory_space<vmem>> -> memref<1x96x16xf32, #tpu.memory_space<vmem>>
      %dma_start3A_354 = tpu.memref_squeeze %dma_start3A_353 : memref<1x96x16xf32, #tpu.memory_space<vmem>> -> memref<96x16xf32, #tpu.memory_space<vmem>>
      %dma_start3A_355 = arith.constant 0 : i32
      %dma_start3A_356 = tpu.memref_slice %arg5[%add3A_349, %dma_start3A_355] : memref<165x96xi32, #tpu.memory_space<vmem>> -> memref<1x96xi32, #tpu.memory_space<vmem>>
      %dma_start3A_357 = tpu.memref_squeeze %dma_start3A_356 : memref<1x96xi32, #tpu.memory_space<vmem>> -> memref<96xi32, #tpu.memory_space<vmem>>
      %dma_start3A_358 = arith.constant 0 : i32
      %dma_start3A_359 = arith.constant 0 : i32
      %dma_start3A_360 = tpu.memref_slice %arg8[%dma_start3A_358, %dma_start3A_359] : memref<40008x16xf32, #tpu.memory_space<vmem_shared>> -> memref<40008x16xf32, #tpu.memory_space<vmem_shared>>
      tpu.enqueue_indirect_dma source(%dma_start3A_354 : memref<96x16xf32, #tpu.memory_space<vmem>>) target(%dma_start3A_360 : memref<40008x16xf32, #tpu.memory_space<vmem_shared>>) offsets(%dma_start3A_357 : memref<96xi32, #tpu.memory_space<vmem>>) semaphore(%arg12 : memref<!tpu.dma_semaphore, #tpu.memory_space<semaphore_mem>>) {add = true}
      %add3A_361 = arith.constant 0 : i32
      %add3A_362 = arith.addi %mul3A_278, %add3A_361 : i32
      %mul3A_363 = arith.constant 5 : i32
      %mul3A_364 = arith.muli %add3A_362, %mul3A_363 : i32
      %add3A_365 = arith.constant 1 : i32
      %add3A_366 = arith.addi %mul3A_364, %add3A_365 : i32
      %dma_start3A_367 = arith.constant 0 : i32
      %dma_start3A_368 = arith.constant 96 : i32
      %dma_start3A_369 = arith.constant 0 : i32
      %dma_start3A_370 = tpu.memref_slice %arg6[%dma_start3A_367, %dma_start3A_368, %dma_start3A_369] : memref<3x480x16xf32, #tpu.memory_space<vmem>> -> memref<1x96x16xf32, #tpu.memory_space<vmem>>
      %dma_start3A_371 = tpu.memref_squeeze %dma_start3A_370 : memref<1x96x16xf32, #tpu.memory_space<vmem>> -> memref<96x16xf32, #tpu.memory_space<vmem>>
      %dma_start3A_372 = arith.constant 0 : i32
      %dma_start3A_373 = tpu.memref_slice %arg5[%add3A_366, %dma_start3A_372] : memref<165x96xi32, #tpu.memory_space<vmem>> -> memref<1x96xi32, #tpu.memory_space<vmem>>
      %dma_start3A_374 = tpu.memref_squeeze %dma_start3A_373 : memref<1x96xi32, #tpu.memory_space<vmem>> -> memref<96xi32, #tpu.memory_space<vmem>>
      %dma_start3A_375 = arith.constant 0 : i32
      %dma_start3A_376 = arith.constant 0 : i32
      %dma_start3A_377 = tpu.memref_slice %arg8[%dma_start3A_375, %dma_start3A_376] : memref<40008x16xf32, #tpu.memory_space<vmem_shared>> -> memref<40008x16xf32, #tpu.memory_space<vmem_shared>>
      tpu.enqueue_indirect_dma source(%dma_start3A_371 : memref<96x16xf32, #tpu.memory_space<vmem>>) target(%dma_start3A_377 : memref<40008x16xf32, #tpu.memory_space<vmem_shared>>) offsets(%dma_start3A_374 : memref<96xi32, #tpu.memory_space<vmem>>) semaphore(%arg12 : memref<!tpu.dma_semaphore, #tpu.memory_space<semaphore_mem>>) {add = true}
      %add3A_378 = arith.constant 0 : i32
      %add3A_379 = arith.addi %mul3A_278, %add3A_378 : i32
      %mul3A_380 = arith.constant 5 : i32
      %mul3A_381 = arith.muli %add3A_379, %mul3A_380 : i32
      %add3A_382 = arith.constant 2 : i32
      %add3A_383 = arith.addi %mul3A_381, %add3A_382 : i32
      %dma_start3A_384 = arith.constant 0 : i32
      %dma_start3A_385 = arith.constant 192 : i32
      %dma_start3A_386 = arith.constant 0 : i32
      %dma_start3A_387 = tpu.memref_slice %arg6[%dma_start3A_384, %dma_start3A_385, %dma_start3A_386] : memref<3x480x16xf32, #tpu.memory_space<vmem>> -> memref<1x96x16xf32, #tpu.memory_space<vmem>>
      %dma_start3A_388 = tpu.memref_squeeze %dma_start3A_387 : memref<1x96x16xf32, #tpu.memory_space<vmem>> -> memref<96x16xf32, #tpu.memory_space<vmem>>
      %dma_start3A_389 = arith.constant 0 : i32
      %dma_start3A_390 = tpu.memref_slice %arg5[%add3A_383, %dma_start3A_389] : memref<165x96xi32, #tpu.memory_space<vmem>> -> memref<1x96xi32, #tpu.memory_space<vmem>>
      %dma_start3A_391 = tpu.memref_squeeze %dma_start3A_390 : memref<1x96xi32, #tpu.memory_space<vmem>> -> memref<96xi32, #tpu.memory_space<vmem>>
      %dma_start3A_392 = arith.constant 0 : i32
      %dma_start3A_393 = arith.constant 0 : i32
      %dma_start3A_394 = tpu.memref_slice %arg8[%dma_start3A_392, %dma_start3A_393] : memref<40008x16xf32, #tpu.memory_space<vmem_shared>> -> memref<40008x16xf32, #tpu.memory_space<vmem_shared>>
      tpu.enqueue_indirect_dma source(%dma_start3A_388 : memref<96x16xf32, #tpu.memory_space<vmem>>) target(%dma_start3A_394 : memref<40008x16xf32, #tpu.memory_space<vmem_shared>>) offsets(%dma_start3A_391 : memref<96xi32, #tpu.memory_space<vmem>>) semaphore(%arg12 : memref<!tpu.dma_semaphore, #tpu.memory_space<semaphore_mem>>) {add = true}
      %add3A_395 = arith.constant 0 : i32
      %add3A_396 = arith.addi %mul3A_278, %add3A_395 : i32
      %mul3A_397 = arith.constant 5 : i32
      %mul3A_398 = arith.muli %add3A_396, %mul3A_397 : i32
      %add3A_399 = arith.constant 3 : i32
      %add3A_400 = arith.addi %mul3A_398, %add3A_399 : i32
      %dma_start3A_401 = arith.constant 0 : i32
      %dma_start3A_402 = arith.constant 288 : i32
      %dma_start3A_403 = arith.constant 0 : i32
      %dma_start3A_404 = tpu.memref_slice %arg6[%dma_start3A_401, %dma_start3A_402, %dma_start3A_403] : memref<3x480x16xf32, #tpu.memory_space<vmem>> -> memref<1x96x16xf32, #tpu.memory_space<vmem>>
      %dma_start3A_405 = tpu.memref_squeeze %dma_start3A_404 : memref<1x96x16xf32, #tpu.memory_space<vmem>> -> memref<96x16xf32, #tpu.memory_space<vmem>>
      %dma_start3A_406 = arith.constant 0 : i32
      %dma_start3A_407 = tpu.memref_slice %arg5[%add3A_400, %dma_start3A_406] : memref<165x96xi32, #tpu.memory_space<vmem>> -> memref<1x96xi32, #tpu.memory_space<vmem>>
      %dma_start3A_408 = tpu.memref_squeeze %dma_start3A_407 : memref<1x96xi32, #tpu.memory_space<vmem>> -> memref<96xi32, #tpu.memory_space<vmem>>
      %dma_start3A_409 = arith.constant 0 : i32
      %dma_start3A_410 = arith.constant 0 : i32
      %dma_start3A_411 = tpu.memref_slice %arg8[%dma_start3A_409, %dma_start3A_410] : memref<40008x16xf32, #tpu.memory_space<vmem_shared>> -> memref<40008x16xf32, #tpu.memory_space<vmem_shared>>
      tpu.enqueue_indirect_dma source(%dma_start3A_405 : memref<96x16xf32, #tpu.memory_space<vmem>>) target(%dma_start3A_411 : memref<40008x16xf32, #tpu.memory_space<vmem_shared>>) offsets(%dma_start3A_408 : memref<96xi32, #tpu.memory_space<vmem>>) semaphore(%arg12 : memref<!tpu.dma_semaphore, #tpu.memory_space<semaphore_mem>>) {add = true}
      %add3A_412 = arith.constant 0 : i32
      %add3A_413 = arith.addi %mul3A_278, %add3A_412 : i32
      %mul3A_414 = arith.constant 5 : i32
      %mul3A_415 = arith.muli %add3A_413, %mul3A_414 : i32
      %add3A_416 = arith.constant 4 : i32
      %add3A_417 = arith.addi %mul3A_415, %add3A_416 : i32
      %dma_start3A_418 = arith.constant 0 : i32
      %dma_start3A_419 = arith.constant 384 : i32
      %dma_start3A_420 = arith.constant 0 : i32
      %dma_start3A_421 = tpu.memref_slice %arg6[%dma_start3A_418, %dma_start3A_419, %dma_start3A_420] : memref<3x480x16xf32, #tpu.memory_space<vmem>> -> memref<1x96x16xf32, #tpu.memory_space<vmem>>
      %dma_start3A_422 = tpu.memref_squeeze %dma_start3A_421 : memref<1x96x16xf32, #tpu.memory_space<vmem>> -> memref<96x16xf32, #tpu.memory_space<vmem>>
      %dma_start3A_423 = arith.constant 0 : i32
      %dma_start3A_424 = tpu.memref_slice %arg5[%add3A_417, %dma_start3A_423] : memref<165x96xi32, #tpu.memory_space<vmem>> -> memref<1x96xi32, #tpu.memory_space<vmem>>
      %dma_start3A_425 = tpu.memref_squeeze %dma_start3A_424 : memref<1x96xi32, #tpu.memory_space<vmem>> -> memref<96xi32, #tpu.memory_space<vmem>>
      %dma_start3A_426 = arith.constant 0 : i32
      %dma_start3A_427 = arith.constant 0 : i32
      %dma_start3A_428 = tpu.memref_slice %arg8[%dma_start3A_426, %dma_start3A_427] : memref<40008x16xf32, #tpu.memory_space<vmem_shared>> -> memref<40008x16xf32, #tpu.memory_space<vmem_shared>>
      tpu.enqueue_indirect_dma source(%dma_start3A_422 : memref<96x16xf32, #tpu.memory_space<vmem>>) target(%dma_start3A_428 : memref<40008x16xf32, #tpu.memory_space<vmem_shared>>) offsets(%dma_start3A_425 : memref<96xi32, #tpu.memory_space<vmem>>) semaphore(%arg12 : memref<!tpu.dma_semaphore, #tpu.memory_space<semaphore_mem>>) {add = true}
      %dma_wait3A_429 = arith.constant 1 : i32
      %dma_wait3A_430 = arith.constant 0 : i32
      %dma_wait3A_431 = arith.constant 0 : i32
      %dma_wait3A_432 = tpu.memref_slice %arg6[%dma_wait3A_429, %dma_wait3A_430, %dma_wait3A_431] : memref<3x480x16xf32, #tpu.memory_space<vmem>> -> memref<1x480x16xf32, #tpu.memory_space<vmem>>
      %dma_wait3A_433 = tpu.memref_squeeze %dma_wait3A_432 : memref<1x480x16xf32, #tpu.memory_space<vmem>> -> memref<480x16xf32, #tpu.memory_space<vmem>>
      %dma_wait3A_434 = arith.constant 64 : i32
      %dma_wait3A_435 = tpu.memref_slice %arg3[%add3A_300, %dma_wait3A_434] : memref<506880x80xf32, #tpu.memory_space<hbm>> -> memref<480x16xf32, #tpu.memory_space<hbm>>
      %dma_wait3A_436 = arith.constant 0 : i32
      %dma_wait3A_437 = arith.constant 0 : i32
      %dma_wait3A_438 = tpu.memref_slice %arg6[%dma_wait3A_429, %dma_wait3A_436, %dma_wait3A_437] : memref<3x480x16xf32, #tpu.memory_space<vmem>> -> memref<1x480x16xf32, #tpu.memory_space<vmem>>
      %dma_wait3A_439 = tpu.memref_squeeze %dma_wait3A_438 : memref<1x480x16xf32, #tpu.memory_space<vmem>> -> memref<480x16xf32, #tpu.memory_space<vmem>>
      %dma_wait3A_440 = arith.constant 64 : i32
      %dma_wait3A_441 = tpu.memref_slice %arg3[%add3A_300, %dma_wait3A_440] : memref<506880x80xf32, #tpu.memory_space<hbm>> -> memref<480x16xf32, #tpu.memory_space<hbm>>
      tpu.wait_dma2 semaphore(%arg10 : memref<!tpu.dma_semaphore, #tpu.memory_space<semaphore_mem>>) src(%dma_wait3A_441 : memref<480x16xf32, #tpu.memory_space<hbm>>) dst(%dma_wait3A_439 : memref<480x16xf32, #tpu.memory_space<vmem>>)
      %add3A_442 = arith.constant 1 : i32
      %add3A_443 = arith.addi %mul3A_278, %add3A_442 : i32
      %mul3A_444 = arith.constant 5 : i32
      %mul3A_445 = arith.muli %add3A_443, %mul3A_444 : i32
      %add3A_446 = arith.constant 0 : i32
      %add3A_447 = arith.addi %mul3A_445, %add3A_446 : i32
      %dma_start3A_448 = arith.constant 1 : i32
      %dma_start3A_449 = arith.constant 0 : i32
      %dma_start3A_450 = arith.constant 0 : i32
      %dma_start3A_451 = tpu.memref_slice %arg6[%dma_start3A_448, %dma_start3A_449, %dma_start3A_450] : memref<3x480x16xf32, #tpu.memory_space<vmem>> -> memref<1x96x16xf32, #tpu.memory_space<vmem>>
      %dma_start3A_452 = tpu.memref_squeeze %dma_start3A_451 : memref<1x96x16xf32, #tpu.memory_space<vmem>> -> memref<96x16xf32, #tpu.memory_space<vmem>>
      %dma_start3A_453 = arith.constant 0 : i32
      %dma_start3A_454 = tpu.memref_slice %arg5[%add3A_447, %dma_start3A_453] : memref<165x96xi32, #tpu.memory_space<vmem>> -> memref<1x96xi32, #tpu.memory_space<vmem>>
      %dma_start3A_455 = tpu.memref_squeeze %dma_start3A_454 : memref<1x96xi32, #tpu.memory_space<vmem>> -> memref<96xi32, #tpu.memory_space<vmem>>
      %dma_start3A_456 = arith.constant 0 : i32
      %dma_start3A_457 = arith.constant 0 : i32
      %dma_start3A_458 = tpu.memref_slice %arg8[%dma_start3A_456, %dma_start3A_457] : memref<40008x16xf32, #tpu.memory_space<vmem_shared>> -> memref<40008x16xf32, #tpu.memory_space<vmem_shared>>
      tpu.enqueue_indirect_dma source(%dma_start3A_452 : memref<96x16xf32, #tpu.memory_space<vmem>>) target(%dma_start3A_458 : memref<40008x16xf32, #tpu.memory_space<vmem_shared>>) offsets(%dma_start3A_455 : memref<96xi32, #tpu.memory_space<vmem>>) semaphore(%arg12 : memref<!tpu.dma_semaphore, #tpu.memory_space<semaphore_mem>>) {add = true}
      %add3A_459 = arith.constant 1 : i32
      %add3A_460 = arith.addi %mul3A_278, %add3A_459 : i32
      %mul3A_461 = arith.constant 5 : i32
      %mul3A_462 = arith.muli %add3A_460, %mul3A_461 : i32
      %add3A_463 = arith.constant 1 : i32
      %add3A_464 = arith.addi %mul3A_462, %add3A_463 : i32
      %dma_start3A_465 = arith.constant 1 : i32
      %dma_start3A_466 = arith.constant 96 : i32
      %dma_start3A_467 = arith.constant 0 : i32
      %dma_start3A_468 = tpu.memref_slice %arg6[%dma_start3A_465, %dma_start3A_466, %dma_start3A_467] : memref<3x480x16xf32, #tpu.memory_space<vmem>> -> memref<1x96x16xf32, #tpu.memory_space<vmem>>
      %dma_start3A_469 = tpu.memref_squeeze %dma_start3A_468 : memref<1x96x16xf32, #tpu.memory_space<vmem>> -> memref<96x16xf32, #tpu.memory_space<vmem>>
      %dma_start3A_470 = arith.constant 0 : i32
      %dma_start3A_471 = tpu.memref_slice %arg5[%add3A_464, %dma_start3A_470] : memref<165x96xi32, #tpu.memory_space<vmem>> -> memref<1x96xi32, #tpu.memory_space<vmem>>
      %dma_start3A_472 = tpu.memref_squeeze %dma_start3A_471 : memref<1x96xi32, #tpu.memory_space<vmem>> -> memref<96xi32, #tpu.memory_space<vmem>>
      %dma_start3A_473 = arith.constant 0 : i32
      %dma_start3A_474 = arith.constant 0 : i32
      %dma_start3A_475 = tpu.memref_slice %arg8[%dma_start3A_473, %dma_start3A_474] : memref<40008x16xf32, #tpu.memory_space<vmem_shared>> -> memref<40008x16xf32, #tpu.memory_space<vmem_shared>>
      tpu.enqueue_indirect_dma source(%dma_start3A_469 : memref<96x16xf32, #tpu.memory_space<vmem>>) target(%dma_start3A_475 : memref<40008x16xf32, #tpu.memory_space<vmem_shared>>) offsets(%dma_start3A_472 : memref<96xi32, #tpu.memory_space<vmem>>) semaphore(%arg12 : memref<!tpu.dma_semaphore, #tpu.memory_space<semaphore_mem>>) {add = true}
      %add3A_476 = arith.constant 1 : i32
      %add3A_477 = arith.addi %mul3A_278, %add3A_476 : i32
      %mul3A_478 = arith.constant 5 : i32
      %mul3A_479 = arith.muli %add3A_477, %mul3A_478 : i32
      %add3A_480 = arith.constant 2 : i32
      %add3A_481 = arith.addi %mul3A_479, %add3A_480 : i32
      %dma_start3A_482 = arith.constant 1 : i32
      %dma_start3A_483 = arith.constant 192 : i32
      %dma_start3A_484 = arith.constant 0 : i32
      %dma_start3A_485 = tpu.memref_slice %arg6[%dma_start3A_482, %dma_start3A_483, %dma_start3A_484] : memref<3x480x16xf32, #tpu.memory_space<vmem>> -> memref<1x96x16xf32, #tpu.memory_space<vmem>>
      %dma_start3A_486 = tpu.memref_squeeze %dma_start3A_485 : memref<1x96x16xf32, #tpu.memory_space<vmem>> -> memref<96x16xf32, #tpu.memory_space<vmem>>
      %dma_start3A_487 = arith.constant 0 : i32
      %dma_start3A_488 = tpu.memref_slice %arg5[%add3A_481, %dma_start3A_487] : memref<165x96xi32, #tpu.memory_space<vmem>> -> memref<1x96xi32, #tpu.memory_space<vmem>>
      %dma_start3A_489 = tpu.memref_squeeze %dma_start3A_488 : memref<1x96xi32, #tpu.memory_space<vmem>> -> memref<96xi32, #tpu.memory_space<vmem>>
      %dma_start3A_490 = arith.constant 0 : i32
      %dma_start3A_491 = arith.constant 0 : i32
      %dma_start3A_492 = tpu.memref_slice %arg8[%dma_start3A_490, %dma_start3A_491] : memref<40008x16xf32, #tpu.memory_space<vmem_shared>> -> memref<40008x16xf32, #tpu.memory_space<vmem_shared>>
      tpu.enqueue_indirect_dma source(%dma_start3A_486 : memref<96x16xf32, #tpu.memory_space<vmem>>) target(%dma_start3A_492 : memref<40008x16xf32, #tpu.memory_space<vmem_shared>>) offsets(%dma_start3A_489 : memref<96xi32, #tpu.memory_space<vmem>>) semaphore(%arg12 : memref<!tpu.dma_semaphore, #tpu.memory_space<semaphore_mem>>) {add = true}
      %add3A_493 = arith.constant 1 : i32
      %add3A_494 = arith.addi %mul3A_278, %add3A_493 : i32
      %mul3A_495 = arith.constant 5 : i32
      %mul3A_496 = arith.muli %add3A_494, %mul3A_495 : i32
      %add3A_497 = arith.constant 3 : i32
      %add3A_498 = arith.addi %mul3A_496, %add3A_497 : i32
      %dma_start3A_499 = arith.constant 1 : i32
      %dma_start3A_500 = arith.constant 288 : i32
      %dma_start3A_501 = arith.constant 0 : i32
      %dma_start3A_502 = tpu.memref_slice %arg6[%dma_start3A_499, %dma_start3A_500, %dma_start3A_501] : memref<3x480x16xf32, #tpu.memory_space<vmem>> -> memref<1x96x16xf32, #tpu.memory_space<vmem>>
      %dma_start3A_503 = tpu.memref_squeeze %dma_start3A_502 : memref<1x96x16xf32, #tpu.memory_space<vmem>> -> memref<96x16xf32, #tpu.memory_space<vmem>>
      %dma_start3A_504 = arith.constant 0 : i32
      %dma_start3A_505 = tpu.memref_slice %arg5[%add3A_498, %dma_start3A_504] : memref<165x96xi32, #tpu.memory_space<vmem>> -> memref<1x96xi32, #tpu.memory_space<vmem>>
      %dma_start3A_506 = tpu.memref_squeeze %dma_start3A_505 : memref<1x96xi32, #tpu.memory_space<vmem>> -> memref<96xi32, #tpu.memory_space<vmem>>
      %dma_start3A_507 = arith.constant 0 : i32
      %dma_start3A_508 = arith.constant 0 : i32
      %dma_start3A_509 = tpu.memref_slice %arg8[%dma_start3A_507, %dma_start3A_508] : memref<40008x16xf32, #tpu.memory_space<vmem_shared>> -> memref<40008x16xf32, #tpu.memory_space<vmem_shared>>
      tpu.enqueue_indirect_dma source(%dma_start3A_503 : memref<96x16xf32, #tpu.memory_space<vmem>>) target(%dma_start3A_509 : memref<40008x16xf32, #tpu.memory_space<vmem_shared>>) offsets(%dma_start3A_506 : memref<96xi32, #tpu.memory_space<vmem>>) semaphore(%arg12 : memref<!tpu.dma_semaphore, #tpu.memory_space<semaphore_mem>>) {add = true}
      %add3A_510 = arith.constant 1 : i32
      %add3A_511 = arith.addi %mul3A_278, %add3A_510 : i32
      %mul3A_512 = arith.constant 5 : i32
      %mul3A_513 = arith.muli %add3A_511, %mul3A_512 : i32
      %add3A_514 = arith.constant 4 : i32
      %add3A_515 = arith.addi %mul3A_513, %add3A_514 : i32
      %dma_start3A_516 = arith.constant 1 : i32
      %dma_start3A_517 = arith.constant 384 : i32
      %dma_start3A_518 = arith.constant 0 : i32
      %dma_start3A_519 = tpu.memref_slice %arg6[%dma_start3A_516, %dma_start3A_517, %dma_start3A_518] : memref<3x480x16xf32, #tpu.memory_space<vmem>> -> memref<1x96x16xf32, #tpu.memory_space<vmem>>
      %dma_start3A_520 = tpu.memref_squeeze %dma_start3A_519 : memref<1x96x16xf32, #tpu.memory_space<vmem>> -> memref<96x16xf32, #tpu.memory_space<vmem>>
      %dma_start3A_521 = arith.constant 0 : i32
      %dma_start3A_522 = tpu.memref_slice %arg5[%add3A_515, %dma_start3A_521] : memref<165x96xi32, #tpu.memory_space<vmem>> -> memref<1x96xi32, #tpu.memory_space<vmem>>
      %dma_start3A_523 = tpu.memref_squeeze %dma_start3A_522 : memref<1x96xi32, #tpu.memory_space<vmem>> -> memref<96xi32, #tpu.memory_space<vmem>>
      %dma_start3A_524 = arith.constant 0 : i32
      %dma_start3A_525 = arith.constant 0 : i32
      %dma_start3A_526 = tpu.memref_slice %arg8[%dma_start3A_524, %dma_start3A_525] : memref<40008x16xf32, #tpu.memory_space<vmem_shared>> -> memref<40008x16xf32, #tpu.memory_space<vmem_shared>>
      tpu.enqueue_indirect_dma source(%dma_start3A_520 : memref<96x16xf32, #tpu.memory_space<vmem>>) target(%dma_start3A_526 : memref<40008x16xf32, #tpu.memory_space<vmem_shared>>) offsets(%dma_start3A_523 : memref<96xi32, #tpu.memory_space<vmem>>) semaphore(%arg12 : memref<!tpu.dma_semaphore, #tpu.memory_space<semaphore_mem>>) {add = true}
      %dma_wait3A_527 = arith.constant 2 : i32
      %dma_wait3A_528 = arith.constant 0 : i32
      %dma_wait3A_529 = arith.constant 0 : i32
      %dma_wait3A_530 = tpu.memref_slice %arg6[%dma_wait3A_527, %dma_wait3A_528, %dma_wait3A_529] : memref<3x480x16xf32, #tpu.memory_space<vmem>> -> memref<1x480x16xf32, #tpu.memory_space<vmem>>
      %dma_wait3A_531 = tpu.memref_squeeze %dma_wait3A_530 : memref<1x480x16xf32, #tpu.memory_space<vmem>> -> memref<480x16xf32, #tpu.memory_space<vmem>>
      %dma_wait3A_532 = arith.constant 64 : i32
      %dma_wait3A_533 = tpu.memref_slice %arg3[%add3A_318, %dma_wait3A_532] : memref<506880x80xf32, #tpu.memory_space<hbm>> -> memref<480x16xf32, #tpu.memory_space<hbm>>
      %dma_wait3A_534 = arith.constant 0 : i32
      %dma_wait3A_535 = arith.constant 0 : i32
      %dma_wait3A_536 = tpu.memref_slice %arg6[%dma_wait3A_527, %dma_wait3A_534, %dma_wait3A_535] : memref<3x480x16xf32, #tpu.memory_space<vmem>> -> memref<1x480x16xf32, #tpu.memory_space<vmem>>
      %dma_wait3A_537 = tpu.memref_squeeze %dma_wait3A_536 : memref<1x480x16xf32, #tpu.memory_space<vmem>> -> memref<480x16xf32, #tpu.memory_space<vmem>>
      %dma_wait3A_538 = arith.constant 64 : i32
      %dma_wait3A_539 = tpu.memref_slice %arg3[%add3A_318, %dma_wait3A_538] : memref<506880x80xf32, #tpu.memory_space<hbm>> -> memref<480x16xf32, #tpu.memory_space<hbm>>
      tpu.wait_dma2 semaphore(%arg11 : memref<!tpu.dma_semaphore, #tpu.memory_space<semaphore_mem>>) src(%dma_wait3A_539 : memref<480x16xf32, #tpu.memory_space<hbm>>) dst(%dma_wait3A_537 : memref<480x16xf32, #tpu.memory_space<vmem>>)
      %add3A_540 = arith.constant 2 : i32
      %add3A_541 = arith.addi %mul3A_278, %add3A_540 : i32
      %mul3A_542 = arith.constant 5 : i32
      %mul3A_543 = arith.muli %add3A_541, %mul3A_542 : i32
      %add3A_544 = arith.constant 0 : i32
      %add3A_545 = arith.addi %mul3A_543, %add3A_544 : i32
      %dma_start3A_546 = arith.constant 2 : i32
      %dma_start3A_547 = arith.constant 0 : i32
      %dma_start3A_548 = arith.constant 0 : i32
      %dma_start3A_549 = tpu.memref_slice %arg6[%dma_start3A_546, %dma_start3A_547, %dma_start3A_548] : memref<3x480x16xf32, #tpu.memory_space<vmem>> -> memref<1x96x16xf32, #tpu.memory_space<vmem>>
      %dma_start3A_550 = tpu.memref_squeeze %dma_start3A_549 : memref<1x96x16xf32, #tpu.memory_space<vmem>> -> memref<96x16xf32, #tpu.memory_space<vmem>>
      %dma_start3A_551 = arith.constant 0 : i32
      %dma_start3A_552 = tpu.memref_slice %arg5[%add3A_545, %dma_start3A_551] : memref<165x96xi32, #tpu.memory_space<vmem>> -> memref<1x96xi32, #tpu.memory_space<vmem>>
      %dma_start3A_553 = tpu.memref_squeeze %dma_start3A_552 : memref<1x96xi32, #tpu.memory_space<vmem>> -> memref<96xi32, #tpu.memory_space<vmem>>
      %dma_start3A_554 = arith.constant 0 : i32
      %dma_start3A_555 = arith.constant 0 : i32
      %dma_start3A_556 = tpu.memref_slice %arg8[%dma_start3A_554, %dma_start3A_555] : memref<40008x16xf32, #tpu.memory_space<vmem_shared>> -> memref<40008x16xf32, #tpu.memory_space<vmem_shared>>
      tpu.enqueue_indirect_dma source(%dma_start3A_550 : memref<96x16xf32, #tpu.memory_space<vmem>>) target(%dma_start3A_556 : memref<40008x16xf32, #tpu.memory_space<vmem_shared>>) offsets(%dma_start3A_553 : memref<96xi32, #tpu.memory_space<vmem>>) semaphore(%arg12 : memref<!tpu.dma_semaphore, #tpu.memory_space<semaphore_mem>>) {add = true}
      %add3A_557 = arith.constant 2 : i32
      %add3A_558 = arith.addi %mul3A_278, %add3A_557 : i32
      %mul3A_559 = arith.constant 5 : i32
      %mul3A_560 = arith.muli %add3A_558, %mul3A_559 : i32
      %add3A_561 = arith.constant 1 : i32
      %add3A_562 = arith.addi %mul3A_560, %add3A_561 : i32
      %dma_start3A_563 = arith.constant 2 : i32
      %dma_start3A_564 = arith.constant 96 : i32
      %dma_start3A_565 = arith.constant 0 : i32
      %dma_start3A_566 = tpu.memref_slice %arg6[%dma_start3A_563, %dma_start3A_564, %dma_start3A_565] : memref<3x480x16xf32, #tpu.memory_space<vmem>> -> memref<1x96x16xf32, #tpu.memory_space<vmem>>
      %dma_start3A_567 = tpu.memref_squeeze %dma_start3A_566 : memref<1x96x16xf32, #tpu.memory_space<vmem>> -> memref<96x16xf32, #tpu.memory_space<vmem>>
      %dma_start3A_568 = arith.constant 0 : i32
      %dma_start3A_569 = tpu.memref_slice %arg5[%add3A_562, %dma_start3A_568] : memref<165x96xi32, #tpu.memory_space<vmem>> -> memref<1x96xi32, #tpu.memory_space<vmem>>
      %dma_start3A_570 = tpu.memref_squeeze %dma_start3A_569 : memref<1x96xi32, #tpu.memory_space<vmem>> -> memref<96xi32, #tpu.memory_space<vmem>>
      %dma_start3A_571 = arith.constant 0 : i32
      %dma_start3A_572 = arith.constant 0 : i32
      %dma_start3A_573 = tpu.memref_slice %arg8[%dma_start3A_571, %dma_start3A_572] : memref<40008x16xf32, #tpu.memory_space<vmem_shared>> -> memref<40008x16xf32, #tpu.memory_space<vmem_shared>>
      tpu.enqueue_indirect_dma source(%dma_start3A_567 : memref<96x16xf32, #tpu.memory_space<vmem>>) target(%dma_start3A_573 : memref<40008x16xf32, #tpu.memory_space<vmem_shared>>) offsets(%dma_start3A_570 : memref<96xi32, #tpu.memory_space<vmem>>) semaphore(%arg12 : memref<!tpu.dma_semaphore, #tpu.memory_space<semaphore_mem>>) {add = true}
      %add3A_574 = arith.constant 2 : i32
      %add3A_575 = arith.addi %mul3A_278, %add3A_574 : i32
      %mul3A_576 = arith.constant 5 : i32
      %mul3A_577 = arith.muli %add3A_575, %mul3A_576 : i32
      %add3A_578 = arith.constant 2 : i32
      %add3A_579 = arith.addi %mul3A_577, %add3A_578 : i32
      %dma_start3A_580 = arith.constant 2 : i32
      %dma_start3A_581 = arith.constant 192 : i32
      %dma_start3A_582 = arith.constant 0 : i32
      %dma_start3A_583 = tpu.memref_slice %arg6[%dma_start3A_580, %dma_start3A_581, %dma_start3A_582] : memref<3x480x16xf32, #tpu.memory_space<vmem>> -> memref<1x96x16xf32, #tpu.memory_space<vmem>>
      %dma_start3A_584 = tpu.memref_squeeze %dma_start3A_583 : memref<1x96x16xf32, #tpu.memory_space<vmem>> -> memref<96x16xf32, #tpu.memory_space<vmem>>
      %dma_start3A_585 = arith.constant 0 : i32
      %dma_start3A_586 = tpu.memref_slice %arg5[%add3A_579, %dma_start3A_585] : memref<165x96xi32, #tpu.memory_space<vmem>> -> memref<1x96xi32, #tpu.memory_space<vmem>>
      %dma_start3A_587 = tpu.memref_squeeze %dma_start3A_586 : memref<1x96xi32, #tpu.memory_space<vmem>> -> memref<96xi32, #tpu.memory_space<vmem>>
      %dma_start3A_588 = arith.constant 0 : i32
      %dma_start3A_589 = arith.constant 0 : i32
      %dma_start3A_590 = tpu.memref_slice %arg8[%dma_start3A_588, %dma_start3A_589] : memref<40008x16xf32, #tpu.memory_space<vmem_shared>> -> memref<40008x16xf32, #tpu.memory_space<vmem_shared>>
      tpu.enqueue_indirect_dma source(%dma_start3A_584 : memref<96x16xf32, #tpu.memory_space<vmem>>) target(%dma_start3A_590 : memref<40008x16xf32, #tpu.memory_space<vmem_shared>>) offsets(%dma_start3A_587 : memref<96xi32, #tpu.memory_space<vmem>>) semaphore(%arg12 : memref<!tpu.dma_semaphore, #tpu.memory_space<semaphore_mem>>) {add = true}
      %add3A_591 = arith.constant 2 : i32
      %add3A_592 = arith.addi %mul3A_278, %add3A_591 : i32
      %mul3A_593 = arith.constant 5 : i32
      %mul3A_594 = arith.muli %add3A_592, %mul3A_593 : i32
      %add3A_595 = arith.constant 3 : i32
      %add3A_596 = arith.addi %mul3A_594, %add3A_595 : i32
      %dma_start3A_597 = arith.constant 2 : i32
      %dma_start3A_598 = arith.constant 288 : i32
      %dma_start3A_599 = arith.constant 0 : i32
      %dma_start3A_600 = tpu.memref_slice %arg6[%dma_start3A_597, %dma_start3A_598, %dma_start3A_599] : memref<3x480x16xf32, #tpu.memory_space<vmem>> -> memref<1x96x16xf32, #tpu.memory_space<vmem>>
      %dma_start3A_601 = tpu.memref_squeeze %dma_start3A_600 : memref<1x96x16xf32, #tpu.memory_space<vmem>> -> memref<96x16xf32, #tpu.memory_space<vmem>>
      %dma_start3A_602 = arith.constant 0 : i32
      %dma_start3A_603 = tpu.memref_slice %arg5[%add3A_596, %dma_start3A_602] : memref<165x96xi32, #tpu.memory_space<vmem>> -> memref<1x96xi32, #tpu.memory_space<vmem>>
      %dma_start3A_604 = tpu.memref_squeeze %dma_start3A_603 : memref<1x96xi32, #tpu.memory_space<vmem>> -> memref<96xi32, #tpu.memory_space<vmem>>
      %dma_start3A_605 = arith.constant 0 : i32
      %dma_start3A_606 = arith.constant 0 : i32
      %dma_start3A_607 = tpu.memref_slice %arg8[%dma_start3A_605, %dma_start3A_606] : memref<40008x16xf32, #tpu.memory_space<vmem_shared>> -> memref<40008x16xf32, #tpu.memory_space<vmem_shared>>
      tpu.enqueue_indirect_dma source(%dma_start3A_601 : memref<96x16xf32, #tpu.memory_space<vmem>>) target(%dma_start3A_607 : memref<40008x16xf32, #tpu.memory_space<vmem_shared>>) offsets(%dma_start3A_604 : memref<96xi32, #tpu.memory_space<vmem>>) semaphore(%arg12 : memref<!tpu.dma_semaphore, #tpu.memory_space<semaphore_mem>>) {add = true}
      %add3A_608 = arith.constant 2 : i32
      %add3A_609 = arith.addi %mul3A_278, %add3A_608 : i32
      %mul3A_610 = arith.constant 5 : i32
      %mul3A_611 = arith.muli %add3A_609, %mul3A_610 : i32
      %add3A_612 = arith.constant 4 : i32
      %add3A_613 = arith.addi %mul3A_611, %add3A_612 : i32
      %dma_start3A_614 = arith.constant 2 : i32
      %dma_start3A_615 = arith.constant 384 : i32
      %dma_start3A_616 = arith.constant 0 : i32
      %dma_start3A_617 = tpu.memref_slice %arg6[%dma_start3A_614, %dma_start3A_615, %dma_start3A_616] : memref<3x480x16xf32, #tpu.memory_space<vmem>> -> memref<1x96x16xf32, #tpu.memory_space<vmem>>
      %dma_start3A_618 = tpu.memref_squeeze %dma_start3A_617 : memref<1x96x16xf32, #tpu.memory_space<vmem>> -> memref<96x16xf32, #tpu.memory_space<vmem>>
      %dma_start3A_619 = arith.constant 0 : i32
      %dma_start3A_620 = tpu.memref_slice %arg5[%add3A_613, %dma_start3A_619] : memref<165x96xi32, #tpu.memory_space<vmem>> -> memref<1x96xi32, #tpu.memory_space<vmem>>
      %dma_start3A_621 = tpu.memref_squeeze %dma_start3A_620 : memref<1x96xi32, #tpu.memory_space<vmem>> -> memref<96xi32, #tpu.memory_space<vmem>>
      %dma_start3A_622 = arith.constant 0 : i32
      %dma_start3A_623 = arith.constant 0 : i32
      %dma_start3A_624 = tpu.memref_slice %arg8[%dma_start3A_622, %dma_start3A_623] : memref<40008x16xf32, #tpu.memory_space<vmem_shared>> -> memref<40008x16xf32, #tpu.memory_space<vmem_shared>>
      tpu.enqueue_indirect_dma source(%dma_start3A_618 : memref<96x16xf32, #tpu.memory_space<vmem>>) target(%dma_start3A_624 : memref<40008x16xf32, #tpu.memory_space<vmem_shared>>) offsets(%dma_start3A_621 : memref<96xi32, #tpu.memory_space<vmem>>) semaphore(%arg12 : memref<!tpu.dma_semaphore, #tpu.memory_space<semaphore_mem>>) {add = true}
      %dma_wait3A_625 = arith.constant 0 : i32
      %dma_wait3A_626 = arith.constant 0 : i32
      %dma_wait3A_627 = arith.constant 0 : i32
      %dma_wait3A_628 = tpu.memref_slice %arg6[%dma_wait3A_625, %dma_wait3A_626, %dma_wait3A_627] : memref<3x480x16xf32, #tpu.memory_space<vmem>> -> memref<1x96x16xf32, #tpu.memory_space<vmem>>
      %dma_wait3A_629 = tpu.memref_squeeze %dma_wait3A_628 : memref<1x96x16xf32, #tpu.memory_space<vmem>> -> memref<96x16xf32, #tpu.memory_space<vmem>>
      %dma_wait3A_630 = arith.constant 0 : i32
      %dma_wait3A_631 = tpu.memref_slice %arg5[%add3A_349, %dma_wait3A_630] : memref<165x96xi32, #tpu.memory_space<vmem>> -> memref<1x96xi32, #tpu.memory_space<vmem>>
      %dma_wait3A_632 = tpu.memref_squeeze %dma_wait3A_631 : memref<1x96xi32, #tpu.memory_space<vmem>> -> memref<96xi32, #tpu.memory_space<vmem>>
      %dma_wait3A_633 = arith.constant 0 : i32
      %dma_wait3A_634 = arith.constant 0 : i32
      %dma_wait3A_635 = tpu.memref_slice %arg8[%dma_wait3A_633, %dma_wait3A_634] : memref<40008x16xf32, #tpu.memory_space<vmem_shared>> -> memref<40008x16xf32, #tpu.memory_space<vmem_shared>>
      tpu.wait_indirect_dma semaphore(%arg12 : memref<!tpu.dma_semaphore, #tpu.memory_space<semaphore_mem>>) src(%dma_wait3A_629 : memref<96x16xf32, #tpu.memory_space<vmem>>) dst(%dma_wait3A_635 : memref<40008x16xf32, #tpu.memory_space<vmem_shared>>)
      %dma_wait3A_636 = arith.constant 0 : i32
      %dma_wait3A_637 = arith.constant 96 : i32
      %dma_wait3A_638 = arith.constant 0 : i32
      %dma_wait3A_639 = tpu.memref_slice %arg6[%dma_wait3A_636, %dma_wait3A_637, %dma_wait3A_638] : memref<3x480x16xf32, #tpu.memory_space<vmem>> -> memref<1x96x16xf32, #tpu.memory_space<vmem>>
      %dma_wait3A_640 = tpu.memref_squeeze %dma_wait3A_639 : memref<1x96x16xf32, #tpu.memory_space<vmem>> -> memref<96x16xf32, #tpu.memory_space<vmem>>
      %dma_wait3A_641 = arith.constant 0 : i32
      %dma_wait3A_642 = tpu.memref_slice %arg5[%add3A_366, %dma_wait3A_641] : memref<165x96xi32, #tpu.memory_space<vmem>> -> memref<1x96xi32, #tpu.memory_space<vmem>>
      %dma_wait3A_643 = tpu.memref_squeeze %dma_wait3A_642 : memref<1x96xi32, #tpu.memory_space<vmem>> -> memref<96xi32, #tpu.memory_space<vmem>>
      %dma_wait3A_644 = arith.constant 0 : i32
      %dma_wait3A_645 = arith.constant 0 : i32
      %dma_wait3A_646 = tpu.memref_slice %arg8[%dma_wait3A_644, %dma_wait3A_645] : memref<40008x16xf32, #tpu.memory_space<vmem_shared>> -> memref<40008x16xf32, #tpu.memory_space<vmem_shared>>
      tpu.wait_indirect_dma semaphore(%arg12 : memref<!tpu.dma_semaphore, #tpu.memory_space<semaphore_mem>>) src(%dma_wait3A_640 : memref<96x16xf32, #tpu.memory_space<vmem>>) dst(%dma_wait3A_646 : memref<40008x16xf32, #tpu.memory_space<vmem_shared>>)
      %dma_wait3A_647 = arith.constant 0 : i32
      %dma_wait3A_648 = arith.constant 192 : i32
      %dma_wait3A_649 = arith.constant 0 : i32
      %dma_wait3A_650 = tpu.memref_slice %arg6[%dma_wait3A_647, %dma_wait3A_648, %dma_wait3A_649] : memref<3x480x16xf32, #tpu.memory_space<vmem>> -> memref<1x96x16xf32, #tpu.memory_space<vmem>>
      %dma_wait3A_651 = tpu.memref_squeeze %dma_wait3A_650 : memref<1x96x16xf32, #tpu.memory_space<vmem>> -> memref<96x16xf32, #tpu.memory_space<vmem>>
      %dma_wait3A_652 = arith.constant 0 : i32
      %dma_wait3A_653 = tpu.memref_slice %arg5[%add3A_383, %dma_wait3A_652] : memref<165x96xi32, #tpu.memory_space<vmem>> -> memref<1x96xi32, #tpu.memory_space<vmem>>
      %dma_wait3A_654 = tpu.memref_squeeze %dma_wait3A_653 : memref<1x96xi32, #tpu.memory_space<vmem>> -> memref<96xi32, #tpu.memory_space<vmem>>
      %dma_wait3A_655 = arith.constant 0 : i32
      %dma_wait3A_656 = arith.constant 0 : i32
      %dma_wait3A_657 = tpu.memref_slice %arg8[%dma_wait3A_655, %dma_wait3A_656] : memref<40008x16xf32, #tpu.memory_space<vmem_shared>> -> memref<40008x16xf32, #tpu.memory_space<vmem_shared>>
      tpu.wait_indirect_dma semaphore(%arg12 : memref<!tpu.dma_semaphore, #tpu.memory_space<semaphore_mem>>) src(%dma_wait3A_651 : memref<96x16xf32, #tpu.memory_space<vmem>>) dst(%dma_wait3A_657 : memref<40008x16xf32, #tpu.memory_space<vmem_shared>>)
      %dma_wait3A_658 = arith.constant 0 : i32
      %dma_wait3A_659 = arith.constant 288 : i32
      %dma_wait3A_660 = arith.constant 0 : i32
      %dma_wait3A_661 = tpu.memref_slice %arg6[%dma_wait3A_658, %dma_wait3A_659, %dma_wait3A_660] : memref<3x480x16xf32, #tpu.memory_space<vmem>> -> memref<1x96x16xf32, #tpu.memory_space<vmem>>
      %dma_wait3A_662 = tpu.memref_squeeze %dma_wait3A_661 : memref<1x96x16xf32, #tpu.memory_space<vmem>> -> memref<96x16xf32, #tpu.memory_space<vmem>>
      %dma_wait3A_663 = arith.constant 0 : i32
      %dma_wait3A_664 = tpu.memref_slice %arg5[%add3A_400, %dma_wait3A_663] : memref<165x96xi32, #tpu.memory_space<vmem>> -> memref<1x96xi32, #tpu.memory_space<vmem>>
      %dma_wait3A_665 = tpu.memref_squeeze %dma_wait3A_664 : memref<1x96xi32, #tpu.memory_space<vmem>> -> memref<96xi32, #tpu.memory_space<vmem>>
      %dma_wait3A_666 = arith.constant 0 : i32
      %dma_wait3A_667 = arith.constant 0 : i32
      %dma_wait3A_668 = tpu.memref_slice %arg8[%dma_wait3A_666, %dma_wait3A_667] : memref<40008x16xf32, #tpu.memory_space<vmem_shared>> -> memref<40008x16xf32, #tpu.memory_space<vmem_shared>>
      tpu.wait_indirect_dma semaphore(%arg12 : memref<!tpu.dma_semaphore, #tpu.memory_space<semaphore_mem>>) src(%dma_wait3A_662 : memref<96x16xf32, #tpu.memory_space<vmem>>) dst(%dma_wait3A_668 : memref<40008x16xf32, #tpu.memory_space<vmem_shared>>)
      %dma_wait3A_669 = arith.constant 0 : i32
      %dma_wait3A_670 = arith.constant 384 : i32
      %dma_wait3A_671 = arith.constant 0 : i32
      %dma_wait3A_672 = tpu.memref_slice %arg6[%dma_wait3A_669, %dma_wait3A_670, %dma_wait3A_671] : memref<3x480x16xf32, #tpu.memory_space<vmem>> -> memref<1x96x16xf32, #tpu.memory_space<vmem>>
      %dma_wait3A_673 = tpu.memref_squeeze %dma_wait3A_672 : memref<1x96x16xf32, #tpu.memory_space<vmem>> -> memref<96x16xf32, #tpu.memory_space<vmem>>
      %dma_wait3A_674 = arith.constant 0 : i32
      %dma_wait3A_675 = tpu.memref_slice %arg5[%add3A_417, %dma_wait3A_674] : memref<165x96xi32, #tpu.memory_space<vmem>> -> memref<1x96xi32, #tpu.memory_space<vmem>>
      %dma_wait3A_676 = tpu.memref_squeeze %dma_wait3A_675 : memref<1x96xi32, #tpu.memory_space<vmem>> -> memref<96xi32, #tpu.memory_space<vmem>>
      %dma_wait3A_677 = arith.constant 0 : i32
      %dma_wait3A_678 = arith.constant 0 : i32
      %dma_wait3A_679 = tpu.memref_slice %arg8[%dma_wait3A_677, %dma_wait3A_678] : memref<40008x16xf32, #tpu.memory_space<vmem_shared>> -> memref<40008x16xf32, #tpu.memory_space<vmem_shared>>
      tpu.wait_indirect_dma semaphore(%arg12 : memref<!tpu.dma_semaphore, #tpu.memory_space<semaphore_mem>>) src(%dma_wait3A_673 : memref<96x16xf32, #tpu.memory_space<vmem>>) dst(%dma_wait3A_679 : memref<40008x16xf32, #tpu.memory_space<vmem_shared>>)
      %dma_wait3A_680 = arith.constant 1 : i32
      %dma_wait3A_681 = arith.constant 0 : i32
      %dma_wait3A_682 = arith.constant 0 : i32
      %dma_wait3A_683 = tpu.memref_slice %arg6[%dma_wait3A_680, %dma_wait3A_681, %dma_wait3A_682] : memref<3x480x16xf32, #tpu.memory_space<vmem>> -> memref<1x96x16xf32, #tpu.memory_space<vmem>>
      %dma_wait3A_684 = tpu.memref_squeeze %dma_wait3A_683 : memref<1x96x16xf32, #tpu.memory_space<vmem>> -> memref<96x16xf32, #tpu.memory_space<vmem>>
      %dma_wait3A_685 = arith.constant 0 : i32
      %dma_wait3A_686 = tpu.memref_slice %arg5[%add3A_447, %dma_wait3A_685] : memref<165x96xi32, #tpu.memory_space<vmem>> -> memref<1x96xi32, #tpu.memory_space<vmem>>
      %dma_wait3A_687 = tpu.memref_squeeze %dma_wait3A_686 : memref<1x96xi32, #tpu.memory_space<vmem>> -> memref<96xi32, #tpu.memory_space<vmem>>
      %dma_wait3A_688 = arith.constant 0 : i32
      %dma_wait3A_689 = arith.constant 0 : i32
      %dma_wait3A_690 = tpu.memref_slice %arg8[%dma_wait3A_688, %dma_wait3A_689] : memref<40008x16xf32, #tpu.memory_space<vmem_shared>> -> memref<40008x16xf32, #tpu.memory_space<vmem_shared>>
      tpu.wait_indirect_dma semaphore(%arg12 : memref<!tpu.dma_semaphore, #tpu.memory_space<semaphore_mem>>) src(%dma_wait3A_684 : memref<96x16xf32, #tpu.memory_space<vmem>>) dst(%dma_wait3A_690 : memref<40008x16xf32, #tpu.memory_space<vmem_shared>>)
      %dma_wait3A_691 = arith.constant 1 : i32
      %dma_wait3A_692 = arith.constant 96 : i32
      %dma_wait3A_693 = arith.constant 0 : i32
      %dma_wait3A_694 = tpu.memref_slice %arg6[%dma_wait3A_691, %dma_wait3A_692, %dma_wait3A_693] : memref<3x480x16xf32, #tpu.memory_space<vmem>> -> memref<1x96x16xf32, #tpu.memory_space<vmem>>
      %dma_wait3A_695 = tpu.memref_squeeze %dma_wait3A_694 : memref<1x96x16xf32, #tpu.memory_space<vmem>> -> memref<96x16xf32, #tpu.memory_space<vmem>>
      %dma_wait3A_696 = arith.constant 0 : i32
      %dma_wait3A_697 = tpu.memref_slice %arg5[%add3A_464, %dma_wait3A_696] : memref<165x96xi32, #tpu.memory_space<vmem>> -> memref<1x96xi32, #tpu.memory_space<vmem>>
      %dma_wait3A_698 = tpu.memref_squeeze %dma_wait3A_697 : memref<1x96xi32, #tpu.memory_space<vmem>> -> memref<96xi32, #tpu.memory_space<vmem>>
      %dma_wait3A_699 = arith.constant 0 : i32
      %dma_wait3A_700 = arith.constant 0 : i32
      %dma_wait3A_701 = tpu.memref_slice %arg8[%dma_wait3A_699, %dma_wait3A_700] : memref<40008x16xf32, #tpu.memory_space<vmem_shared>> -> memref<40008x16xf32, #tpu.memory_space<vmem_shared>>
      tpu.wait_indirect_dma semaphore(%arg12 : memref<!tpu.dma_semaphore, #tpu.memory_space<semaphore_mem>>) src(%dma_wait3A_695 : memref<96x16xf32, #tpu.memory_space<vmem>>) dst(%dma_wait3A_701 : memref<40008x16xf32, #tpu.memory_space<vmem_shared>>)
      %dma_wait3A_702 = arith.constant 1 : i32
      %dma_wait3A_703 = arith.constant 192 : i32
      %dma_wait3A_704 = arith.constant 0 : i32
      %dma_wait3A_705 = tpu.memref_slice %arg6[%dma_wait3A_702, %dma_wait3A_703, %dma_wait3A_704] : memref<3x480x16xf32, #tpu.memory_space<vmem>> -> memref<1x96x16xf32, #tpu.memory_space<vmem>>
      %dma_wait3A_706 = tpu.memref_squeeze %dma_wait3A_705 : memref<1x96x16xf32, #tpu.memory_space<vmem>> -> memref<96x16xf32, #tpu.memory_space<vmem>>
      %dma_wait3A_707 = arith.constant 0 : i32
      %dma_wait3A_708 = tpu.memref_slice %arg5[%add3A_481, %dma_wait3A_707] : memref<165x96xi32, #tpu.memory_space<vmem>> -> memref<1x96xi32, #tpu.memory_space<vmem>>
      %dma_wait3A_709 = tpu.memref_squeeze %dma_wait3A_708 : memref<1x96xi32, #tpu.memory_space<vmem>> -> memref<96xi32, #tpu.memory_space<vmem>>
      %dma_wait3A_710 = arith.constant 0 : i32
      %dma_wait3A_711 = arith.constant 0 : i32
      %dma_wait3A_712 = tpu.memref_slice %arg8[%dma_wait3A_710, %dma_wait3A_711] : memref<40008x16xf32, #tpu.memory_space<vmem_shared>> -> memref<40008x16xf32, #tpu.memory_space<vmem_shared>>
      tpu.wait_indirect_dma semaphore(%arg12 : memref<!tpu.dma_semaphore, #tpu.memory_space<semaphore_mem>>) src(%dma_wait3A_706 : memref<96x16xf32, #tpu.memory_space<vmem>>) dst(%dma_wait3A_712 : memref<40008x16xf32, #tpu.memory_space<vmem_shared>>)
      %dma_wait3A_713 = arith.constant 1 : i32
      %dma_wait3A_714 = arith.constant 288 : i32
      %dma_wait3A_715 = arith.constant 0 : i32
      %dma_wait3A_716 = tpu.memref_slice %arg6[%dma_wait3A_713, %dma_wait3A_714, %dma_wait3A_715] : memref<3x480x16xf32, #tpu.memory_space<vmem>> -> memref<1x96x16xf32, #tpu.memory_space<vmem>>
      %dma_wait3A_717 = tpu.memref_squeeze %dma_wait3A_716 : memref<1x96x16xf32, #tpu.memory_space<vmem>> -> memref<96x16xf32, #tpu.memory_space<vmem>>
      %dma_wait3A_718 = arith.constant 0 : i32
      %dma_wait3A_719 = tpu.memref_slice %arg5[%add3A_498, %dma_wait3A_718] : memref<165x96xi32, #tpu.memory_space<vmem>> -> memref<1x96xi32, #tpu.memory_space<vmem>>
      %dma_wait3A_720 = tpu.memref_squeeze %dma_wait3A_719 : memref<1x96xi32, #tpu.memory_space<vmem>> -> memref<96xi32, #tpu.memory_space<vmem>>
      %dma_wait3A_721 = arith.constant 0 : i32
      %dma_wait3A_722 = arith.constant 0 : i32
      %dma_wait3A_723 = tpu.memref_slice %arg8[%dma_wait3A_721, %dma_wait3A_722] : memref<40008x16xf32, #tpu.memory_space<vmem_shared>> -> memref<40008x16xf32, #tpu.memory_space<vmem_shared>>
      tpu.wait_indirect_dma semaphore(%arg12 : memref<!tpu.dma_semaphore, #tpu.memory_space<semaphore_mem>>) src(%dma_wait3A_717 : memref<96x16xf32, #tpu.memory_space<vmem>>) dst(%dma_wait3A_723 : memref<40008x16xf32, #tpu.memory_space<vmem_shared>>)
      %dma_wait3A_724 = arith.constant 1 : i32
      %dma_wait3A_725 = arith.constant 384 : i32
      %dma_wait3A_726 = arith.constant 0 : i32
      %dma_wait3A_727 = tpu.memref_slice %arg6[%dma_wait3A_724, %dma_wait3A_725, %dma_wait3A_726] : memref<3x480x16xf32, #tpu.memory_space<vmem>> -> memref<1x96x16xf32, #tpu.memory_space<vmem>>
      %dma_wait3A_728 = tpu.memref_squeeze %dma_wait3A_727 : memref<1x96x16xf32, #tpu.memory_space<vmem>> -> memref<96x16xf32, #tpu.memory_space<vmem>>
      %dma_wait3A_729 = arith.constant 0 : i32
      %dma_wait3A_730 = tpu.memref_slice %arg5[%add3A_515, %dma_wait3A_729] : memref<165x96xi32, #tpu.memory_space<vmem>> -> memref<1x96xi32, #tpu.memory_space<vmem>>
      %dma_wait3A_731 = tpu.memref_squeeze %dma_wait3A_730 : memref<1x96xi32, #tpu.memory_space<vmem>> -> memref<96xi32, #tpu.memory_space<vmem>>
      %dma_wait3A_732 = arith.constant 0 : i32
      %dma_wait3A_733 = arith.constant 0 : i32
      %dma_wait3A_734 = tpu.memref_slice %arg8[%dma_wait3A_732, %dma_wait3A_733] : memref<40008x16xf32, #tpu.memory_space<vmem_shared>> -> memref<40008x16xf32, #tpu.memory_space<vmem_shared>>
      tpu.wait_indirect_dma semaphore(%arg12 : memref<!tpu.dma_semaphore, #tpu.memory_space<semaphore_mem>>) src(%dma_wait3A_728 : memref<96x16xf32, #tpu.memory_space<vmem>>) dst(%dma_wait3A_734 : memref<40008x16xf32, #tpu.memory_space<vmem_shared>>)
      %dma_wait3A_735 = arith.constant 2 : i32
      %dma_wait3A_736 = arith.constant 0 : i32
      %dma_wait3A_737 = arith.constant 0 : i32
      %dma_wait3A_738 = tpu.memref_slice %arg6[%dma_wait3A_735, %dma_wait3A_736, %dma_wait3A_737] : memref<3x480x16xf32, #tpu.memory_space<vmem>> -> memref<1x96x16xf32, #tpu.memory_space<vmem>>
      %dma_wait3A_739 = tpu.memref_squeeze %dma_wait3A_738 : memref<1x96x16xf32, #tpu.memory_space<vmem>> -> memref<96x16xf32, #tpu.memory_space<vmem>>
      %dma_wait3A_740 = arith.constant 0 : i32
      %dma_wait3A_741 = tpu.memref_slice %arg5[%add3A_545, %dma_wait3A_740] : memref<165x96xi32, #tpu.memory_space<vmem>> -> memref<1x96xi32, #tpu.memory_space<vmem>>
      %dma_wait3A_742 = tpu.memref_squeeze %dma_wait3A_741 : memref<1x96xi32, #tpu.memory_space<vmem>> -> memref<96xi32, #tpu.memory_space<vmem>>
      %dma_wait3A_743 = arith.constant 0 : i32
      %dma_wait3A_744 = arith.constant 0 : i32
      %dma_wait3A_745 = tpu.memref_slice %arg8[%dma_wait3A_743, %dma_wait3A_744] : memref<40008x16xf32, #tpu.memory_space<vmem_shared>> -> memref<40008x16xf32, #tpu.memory_space<vmem_shared>>
      tpu.wait_indirect_dma semaphore(%arg12 : memref<!tpu.dma_semaphore, #tpu.memory_space<semaphore_mem>>) src(%dma_wait3A_739 : memref<96x16xf32, #tpu.memory_space<vmem>>) dst(%dma_wait3A_745 : memref<40008x16xf32, #tpu.memory_space<vmem_shared>>)
      %dma_wait3A_746 = arith.constant 2 : i32
      %dma_wait3A_747 = arith.constant 96 : i32
      %dma_wait3A_748 = arith.constant 0 : i32
      %dma_wait3A_749 = tpu.memref_slice %arg6[%dma_wait3A_746, %dma_wait3A_747, %dma_wait3A_748] : memref<3x480x16xf32, #tpu.memory_space<vmem>> -> memref<1x96x16xf32, #tpu.memory_space<vmem>>
      %dma_wait3A_750 = tpu.memref_squeeze %dma_wait3A_749 : memref<1x96x16xf32, #tpu.memory_space<vmem>> -> memref<96x16xf32, #tpu.memory_space<vmem>>
      %dma_wait3A_751 = arith.constant 0 : i32
      %dma_wait3A_752 = tpu.memref_slice %arg5[%add3A_562, %dma_wait3A_751] : memref<165x96xi32, #tpu.memory_space<vmem>> -> memref<1x96xi32, #tpu.memory_space<vmem>>
      %dma_wait3A_753 = tpu.memref_squeeze %dma_wait3A_752 : memref<1x96xi32, #tpu.memory_space<vmem>> -> memref<96xi32, #tpu.memory_space<vmem>>
      %dma_wait3A_754 = arith.constant 0 : i32
      %dma_wait3A_755 = arith.constant 0 : i32
      %dma_wait3A_756 = tpu.memref_slice %arg8[%dma_wait3A_754, %dma_wait3A_755] : memref<40008x16xf32, #tpu.memory_space<vmem_shared>> -> memref<40008x16xf32, #tpu.memory_space<vmem_shared>>
      tpu.wait_indirect_dma semaphore(%arg12 : memref<!tpu.dma_semaphore, #tpu.memory_space<semaphore_mem>>) src(%dma_wait3A_750 : memref<96x16xf32, #tpu.memory_space<vmem>>) dst(%dma_wait3A_756 : memref<40008x16xf32, #tpu.memory_space<vmem_shared>>)
      %dma_wait3A_757 = arith.constant 2 : i32
      %dma_wait3A_758 = arith.constant 192 : i32
      %dma_wait3A_759 = arith.constant 0 : i32
      %dma_wait3A_760 = tpu.memref_slice %arg6[%dma_wait3A_757, %dma_wait3A_758, %dma_wait3A_759] : memref<3x480x16xf32, #tpu.memory_space<vmem>> -> memref<1x96x16xf32, #tpu.memory_space<vmem>>
      %dma_wait3A_761 = tpu.memref_squeeze %dma_wait3A_760 : memref<1x96x16xf32, #tpu.memory_space<vmem>> -> memref<96x16xf32, #tpu.memory_space<vmem>>
      %dma_wait3A_762 = arith.constant 0 : i32
      %dma_wait3A_763 = tpu.memref_slice %arg5[%add3A_579, %dma_wait3A_762] : memref<165x96xi32, #tpu.memory_space<vmem>> -> memref<1x96xi32, #tpu.memory_space<vmem>>
      %dma_wait3A_764 = tpu.memref_squeeze %dma_wait3A_763 : memref<1x96xi32, #tpu.memory_space<vmem>> -> memref<96xi32, #tpu.memory_space<vmem>>
      %dma_wait3A_765 = arith.constant 0 : i32
      %dma_wait3A_766 = arith.constant 0 : i32
      %dma_wait3A_767 = tpu.memref_slice %arg8[%dma_wait3A_765, %dma_wait3A_766] : memref<40008x16xf32, #tpu.memory_space<vmem_shared>> -> memref<40008x16xf32, #tpu.memory_space<vmem_shared>>
      tpu.wait_indirect_dma semaphore(%arg12 : memref<!tpu.dma_semaphore, #tpu.memory_space<semaphore_mem>>) src(%dma_wait3A_761 : memref<96x16xf32, #tpu.memory_space<vmem>>) dst(%dma_wait3A_767 : memref<40008x16xf32, #tpu.memory_space<vmem_shared>>)
      %dma_wait3A_768 = arith.constant 2 : i32
      %dma_wait3A_769 = arith.constant 288 : i32
      %dma_wait3A_770 = arith.constant 0 : i32
      %dma_wait3A_771 = tpu.memref_slice %arg6[%dma_wait3A_768, %dma_wait3A_769, %dma_wait3A_770] : memref<3x480x16xf32, #tpu.memory_space<vmem>> -> memref<1x96x16xf32, #tpu.memory_space<vmem>>
      %dma_wait3A_772 = tpu.memref_squeeze %dma_wait3A_771 : memref<1x96x16xf32, #tpu.memory_space<vmem>> -> memref<96x16xf32, #tpu.memory_space<vmem>>
      %dma_wait3A_773 = arith.constant 0 : i32
      %dma_wait3A_774 = tpu.memref_slice %arg5[%add3A_596, %dma_wait3A_773] : memref<165x96xi32, #tpu.memory_space<vmem>> -> memref<1x96xi32, #tpu.memory_space<vmem>>
      %dma_wait3A_775 = tpu.memref_squeeze %dma_wait3A_774 : memref<1x96xi32, #tpu.memory_space<vmem>> -> memref<96xi32, #tpu.memory_space<vmem>>
      %dma_wait3A_776 = arith.constant 0 : i32
      %dma_wait3A_777 = arith.constant 0 : i32
      %dma_wait3A_778 = tpu.memref_slice %arg8[%dma_wait3A_776, %dma_wait3A_777] : memref<40008x16xf32, #tpu.memory_space<vmem_shared>> -> memref<40008x16xf32, #tpu.memory_space<vmem_shared>>
      tpu.wait_indirect_dma semaphore(%arg12 : memref<!tpu.dma_semaphore, #tpu.memory_space<semaphore_mem>>) src(%dma_wait3A_772 : memref<96x16xf32, #tpu.memory_space<vmem>>) dst(%dma_wait3A_778 : memref<40008x16xf32, #tpu.memory_space<vmem_shared>>)
      %dma_wait3A_779 = arith.constant 2 : i32
      %dma_wait3A_780 = arith.constant 384 : i32
      %dma_wait3A_781 = arith.constant 0 : i32
      %dma_wait3A_782 = tpu.memref_slice %arg6[%dma_wait3A_779, %dma_wait3A_780, %dma_wait3A_781] : memref<3x480x16xf32, #tpu.memory_space<vmem>> -> memref<1x96x16xf32, #tpu.memory_space<vmem>>
      %dma_wait3A_783 = tpu.memref_squeeze %dma_wait3A_782 : memref<1x96x16xf32, #tpu.memory_space<vmem>> -> memref<96x16xf32, #tpu.memory_space<vmem>>
      %dma_wait3A_784 = arith.constant 0 : i32
      %dma_wait3A_785 = tpu.memref_slice %arg5[%add3A_613, %dma_wait3A_784] : memref<165x96xi32, #tpu.memory_space<vmem>> -> memref<1x96xi32, #tpu.memory_space<vmem>>
      %dma_wait3A_786 = tpu.memref_squeeze %dma_wait3A_785 : memref<1x96xi32, #tpu.memory_space<vmem>> -> memref<96xi32, #tpu.memory_space<vmem>>
      %dma_wait3A_787 = arith.constant 0 : i32
      %dma_wait3A_788 = arith.constant 0 : i32
      %dma_wait3A_789 = tpu.memref_slice %arg8[%dma_wait3A_787, %dma_wait3A_788] : memref<40008x16xf32, #tpu.memory_space<vmem_shared>> -> memref<40008x16xf32, #tpu.memory_space<vmem_shared>>
      tpu.wait_indirect_dma semaphore(%arg12 : memref<!tpu.dma_semaphore, #tpu.memory_space<semaphore_mem>>) src(%dma_wait3A_783 : memref<96x16xf32, #tpu.memory_space<vmem>>) dst(%dma_wait3A_789 : memref<40008x16xf32, #tpu.memory_space<vmem_shared>>)
    }
    %scan3A_269 = arith.constant 11 : i32
    %barrier3A_270 = arith.constant 0 : index
    tpu.barrier barrier_id(%barrier3A_270)
    %mul3A_271 = arith.constant 2500 : i32
    %mul3A_272 = arith.muli %arg1, %mul3A_271 : i32
    %mul3A_273 = arith.constant 2500 : i32
    %mul3A_274 = arith.muli %arg1, %mul3A_273 : i32
    "tpu.region"() ({
      %run_scoped3A = tpu.sem_alloc : memref<!tpu.dma_semaphore, #tpu.memory_space<semaphore_mem>>
      %dma_start3A = arith.constant 64 : i32
      %dma_start3A_276 = tpu.memref_slice %arg4[%arg0, %mul3A_274, %dma_start3A] : memref<2x40000x80xf32, #tpu.memory_space<hbm>> -> memref<1x2500x16xf32, #tpu.memory_space<hbm>>
      %dma_start3A_277 = tpu.memref_squeeze %dma_start3A_276 : memref<1x2500x16xf32, #tpu.memory_space<hbm>> -> memref<2500x16xf32, #tpu.memory_space<hbm>>
      %dma_start3A_278 = arith.constant 0 : i32
      %dma_start3A_279 = tpu.memref_slice %arg8[%mul3A_272, %dma_start3A_278] : memref<40008x16xf32, #tpu.memory_space<vmem_shared>> -> memref<2500x16xf32, #tpu.memory_space<vmem_shared>>
      tpu.enqueue_dma source(%dma_start3A_279 : memref<2500x16xf32, #tpu.memory_space<vmem_shared>>) target(%dma_start3A_277 : memref<2500x16xf32, #tpu.memory_space<hbm>>) target_semaphore(%run_scoped3A : memref<!tpu.dma_semaphore, #tpu.memory_space<semaphore_mem>>)
      %dma_wait3A = arith.constant 64 : i32
      %dma_wait3A_280 = tpu.memref_slice %arg4[%arg0, %mul3A_274, %dma_wait3A] : memref<2x40000x80xf32, #tpu.memory_space<hbm>> -> memref<1x2500x16xf32, #tpu.memory_space<hbm>>
      %dma_wait3A_281 = tpu.memref_squeeze %dma_wait3A_280 : memref<1x2500x16xf32, #tpu.memory_space<hbm>> -> memref<2500x16xf32, #tpu.memory_space<hbm>>
      %dma_wait3A_282 = arith.constant 0 : i32
      %dma_wait3A_283 = tpu.memref_slice %arg8[%mul3A_272, %dma_wait3A_282] : memref<40008x16xf32, #tpu.memory_space<vmem_shared>> -> memref<2500x16xf32, #tpu.memory_space<vmem_shared>>
      tpu.wait_dma2 semaphore(%run_scoped3A : memref<!tpu.dma_semaphore, #tpu.memory_space<semaphore_mem>>) src(%dma_wait3A_283 : memref<2500x16xf32, #tpu.memory_space<vmem_shared>>) dst(%dma_wait3A_281 : memref<2500x16xf32, #tpu.memory_space<hbm>>)
      tpu.yield
    }) : () -> ()
    %barrier3A_275 = arith.constant 0 : index
    tpu.barrier barrier_id(%barrier3A_275)
    return
  }
}

</mosaic_0001>

<sc_bundles>
// kernel: kernel.3.cloned.1.call-start
scs
__scs_entry_jumppad:
0x0: {  	(pc) =	sbr.rel $0x88, $3  }
0x1: {  	(tag) =	ssettag $0x0;
	lr =	simm.s32 $0x1  }
0x2: {  	[smem:$0x3F9F] =	sst lr;
	_ =	strace $0xD0000000  }
0x3: {  	_ = 	snop  }
0x4: {  	_ = 	snop  }
0x5: {  	_ = 	snop  }
0x6: {  	_ = 	snop  }
0x7: {  	_ = 	snop  }
__scs_overlays_trampoline_lowered:
0x8: {  	[smem:$0x3FAE] =	sst s0  }
0x9: {  	[smem:$0x3FAF] =	sst s1  }
0xa: {  	[smem:$0x3FB0] =	sst s2  }
0xb: {  	[smem:$0x3FB1] =	sst s3  }
0xc: {  	[smem:$0x3FB2] =	sst s4  }
0xd: {  	[smem:$0x3FB3] =	sst s5  }
0xe: {  	[smem:$0x3FB4] =	sst s6  }
0xf: {  	[smem:$0x3FB5] =	sst s7  }
0x10: {  	[smem:$0x3FB6] =	sst s8  }
0x11: {  	[smem:$0x3FB7] =	sst s9;
	s0 =	simm.s32 @!p0 $0x0  }
0x12: {  	s1 =	sld [smem:$0x3F9D];
	s0 =	simm.s32 @p0 $0x1  }
0x13: {  	[smem:$0x3FB8] =	sst s0;
	s0 =	simm.s32 @!p1 $0x0  }
0x14: {  	s2 =	sld [smem:$0x3F9C];
	s0 =	simm.s32 @p1 $0x1  }
0x15: {  	[smem:$0x3FB9] =	sst s0;
	s0 =	simm.s32 @!p2 $0x0  }
0x16: {  	s3 =	sld [smem:$0x3FDB];
	s0 =	simm.s32 @p2 $0x1  }
0x17: {  	s4 =	simm.s32 $0x1BF5;
	[smem:$0x3FBB] =	sst s0  }
0x18: {  	s0 =	sld [smem:$0x3F9E];
	_ =	swait.ge [sflag:s4], $0x0  }
0x19: {  	s7 =	sld [smem:$0x3F9F]  }
0x1a: {  	s8 =	sadd.s32 $0xFFFFE003, lr  }
0x1b: {  	s9 =	sadd.s32 $0xFFFFFEF7, lr;
	s5 =	simm.s32 $0xFFFFFFFF;
	p2 =	slt.u32 s8, $0xFFFFF086  }
0x1c: {  	p1 =	slt.u32 s9, $0xF7A;
	s5 =	simm.s32 @!p2 $0x0  }
0x1d: {  	s5 =	simm.s32 @p1 $0x1;
	p0 =	seq.s32 s7, s2  }
0x1e: {  	s7 =	smul.u32 @!p0 $0xF7A, s2;
	p2 =	seq.s32 @!p0 s5, $0x0  }
0x1f: {  	s9 =	smul.u32 $0xF7A, s1;
	s8 =	simm.s32 @!p0 $0x1BF5;
	p2 =	por !p2, p0  }
0x20: {  	[sflag:s8] =	ssyncset.s32 @!p0 $0xFFFFF086;
	s6 =	sadd.s32 @!p0 s3, s7;
	s7 =	simm.s32 @!p0 $0x108  }
0x21: {  	s3 =	sadd.s32 s3, s9;
	s6 =	sadd.s32 @!p0 $0x88, s6;
	s7 =	simm.s32 @p2 $0x1082  }
0x22: {  	[simem:s7], [sflag:s8] =	dma.local @!p0 [hbm:s6], $0xF7A  }
0x23: {  	s9 =	sor.u32 $0xD0000000, s2;
	s6 =	simm.s32 $0x108;
	_ =	swait.ge @!p0 [sflag:s8], $0x0  }
0x24: {  	s3 =	sadd.s32 $0x88, s3;
	s6 =	simm.s32 @!p1 $0x1082;
	[sflag:s4] =	ssyncset.s32 $0xFFFFF086  }
0x25: {  	[simem:s6], [sflag:s4] =	dma.local [hbm:s3], $0xF7A  }
0x26: {  	[smem:$0x3F9F] =	sst s1;
	(tag) =	ssettag s2;
	_ =	strace s9  }
0x27: {  	s1 =	sld [smem:$0x3FAF]  }
0x28: {  	s2 =	sld [smem:$0x3FB0]  }
0x29: {  	s4 =	sld [smem:$0x3FB2]  }
0x2a: {  	p0 =	seq.s32 s5, $0x0;
	s5 =	sld [smem:$0x3FB3]  }
0x2b: {  	s6 =	sld [smem:$0x3FB4]  }
0x2c: {  	s7 =	sld [smem:$0x3FB5]  }
0x2d: {  	s3 =	simm.s32 $0x108;
	s8 =	sld [smem:$0x3FB6]  }
0x2e: {  	s3 =	simm.s32 @!p0 $0x1082;
	s9 =	sld [smem:$0x3FB7]  }
0x2f: {  	lr =	sadd.s32 s0, s3;
	s0 =	sld [smem:$0x3FAE]  }
0x30: {  	s3 =	sld [smem:$0x3FB1]  }
0x31: {  	[smem:$0x3FBA] =	sst s10  }
0x32: {  	s10 =	sld [smem:$0x3FB8];
	_ =	sdelay $0x3  }
0x33: {  	p0 =	seq.s32 s10, $0x1;
	s10 =	sld [smem:$0x3FBA];
	_ =	sdelay $0x3  }
0x34: {  	[smem:$0x3FBA] =	sst s10  }
0x35: {  	s10 =	sld [smem:$0x3FB9];
	_ =	sdelay $0x3  }
0x36: {  	p1 =	seq.s32 s10, $0x1;
	s10 =	sld [smem:$0x3FBA];
	_ =	sdelay $0x3  }
0x37: {  	[smem:$0x3FBA] =	sst s10  }
0x38: {  	s10 =	sld [smem:$0x3FBB]  }
0x39: {  	_ = 	snop;
	(pc) =	sbr.ind lr, $3  }
0x3a: {  	_ = 	snop  }
0x3b: {  	_ = 	snop  }
0x3c: {  	p2 =	seq.s32 s10, $0x1;
	s10 =	sld [smem:$0x3FBA]  }
0x3d: {  	_ =	shalt  }
0x3e: {  	_ =	shalt  }
0x3f: {  	_ =	shalt  }
0x40: {  	_ =	shalt  }
0x41: {  	_ =	shalt  }
0x42: {  	_ =	shalt  }
0x43: {  	_ =	shalt  }
0x44: {  	_ =	shalt  }
0x45: {  	_ =	shalt  }
0x46: {  	_ =	shalt  }
0x47: {  	_ =	shalt  }
0x48: {  	_ =	shalt  }
0x49: {  	_ =	shalt  }
0x4a: {  	_ =	shalt  }
0x4b: {  	_ =	shalt  }
0x4c: {  	_ =	shalt  }
0x4d: {  	_ =	shalt  }
0x4e: {  	_ =	shalt  }
0x4f: {  	_ =	shalt  }
0x50: {  	_ =	shalt  }
0x51: {  	_ =	shalt  }
0x52: {  	_ =	shalt  }
0x53: {  	_ =	shalt  }
0x54: {  	_ =	shalt  }
0x55: {  	_ =	shalt  }
0x56: {  	_ =	shalt  }
0x57: {  	_ =	shalt  }
0x58: {  	_ =	shalt  }
0x59: {  	_ =	shalt  }
0x5a: {  	_ =	shalt  }
0x5b: {  	_ =	shalt  }
0x5c: {  	_ =	shalt  }
0x5d: {  	_ =	shalt  }
0x5e: {  	_ =	shalt  }
0x5f: {  	_ =	shalt  }
0x60: {  	_ =	shalt  }
0x61: {  	_ =	shalt  }
0x62: {  	_ =	shalt  }
0x63: {  	_ =	shalt  }
0x64: {  	_ =	shalt  }
0x65: {  	_ =	shalt  }
0x66: {  	_ =	shalt  }
0x67: {  	_ =	shalt  }
0x68: {  	_ =	shalt  }
0x69: {  	_ =	shalt  }
0x6a: {  	_ =	shalt  }
0x6b: {  	_ =	shalt  }
0x6c: {  	_ =	shalt  }
0x6d: {  	_ =	shalt  }
0x6e: {  	_ =	shalt  }
0x6f: {  	_ =	shalt  }
0x70: {  	_ =	shalt  }
0x71: {  	_ =	shalt  }
0x72: {  	_ =	shalt  }
0x73: {  	_ =	shalt  }
0x74: {  	_ =	shalt  }
0x75: {  	_ =	shalt  }
0x76: {  	_ =	shalt  }
0x77: {  	_ =	shalt  }
0x78: {  	_ =	shalt  }
0x79: {  	_ =	shalt  }
0x7a: {  	_ =	shalt  }
0x7b: {  	_ =	shalt  }
0x7c: {  	_ =	shalt  }
0x7d: {  	_ =	shalt  }
0x7e: {  	_ =	shalt  }
0x7f: {  	_ =	shalt  }
0x80: {  	_ =	shalt  }
0x81: {  	_ =	shalt  }
0x82: {  	_ =	shalt  }
0x83: {  	_ =	shalt  }
0x84: {  	_ =	shalt  }
0x85: {  	_ =	shalt  }
0x86: {  	_ =	shalt  }
0x87: {  	_ =	shalt  }
.Lfunc_end0:
.L_simem_size_0:
called_computation_lowered:
.L_overlay_start_0:
0x88: {  	s2 =	sld [smem:$0x3FD9]  }
0x89: {  	s3 =	sld [smem:$0x3FFE];
	_ =	sdelay $0x1  }
0x8a: {  	s1 =	srdreg.scid  }
0x8b: {  	s0 =	sand.u32 $0x1, s1  }
0x8c: {  	s17 =	sshll.u32 s0, $0xA;
	s2 =	sadd.s32 s3, s2  }
0x8d: {  	s2 =	sadd.s32 s2, s17  }
0x8e: {  	[smem:$0x3FC6] =	sst s2  }
0x8f: {  	_ = 	snop  }
0x90: {  	s2 =	sld [smem:$0x3FD0];
	(tm) =	ssettm $0x1  }
0x91: {  	s18 =	sld [smem:$0x3FFB];
	_ =	sdelay $0x3  }
0x92: {  	_ =	strace s18  }
0x93: {  	s3 =	sld [smem:$0x3FFC];
	_ =	sdelay $0x3  }
0x94: {  	_ =	strace s3  }
0x95: {  	s3 =	sld [smem:$0x3FFD];
	_ =	sdelay $0x3  }
0x96: {  	_ =	strace s3  }
0x97: {  	_ =	strace $0x8FFFFFFF  }
0x98: {  	s19 =	sld [smem:$0x3FDB];
	_ =	sdelay $0x1  }
0x99: {  	s4 =	simm.s32 $_scs_section_size  }
0x9a: {  	s5 =	simm.s32 $_size__tile_overlayer_lowered;
	s6 =	simm.s32 $_tile_overlayer_lowered  }
0x9b: {  	s22 =	simm.s32 $0x1BFF;
	s21 =	sshll.u32 s6, $0x1;
	s3 =	sadd.s32 s4, s19  }
0x9c: {  	s7 =	simm.s32 $0x0;
	s20 =	sshll.u32 s5, $0x1;
	s5 =	sadd.s32 s21, s3  }
0x9d: {  	[timem:s7], [sflag:s22] =	dma.local [hbm:s5], s20  }
0x9e: {  	_ =	swait.ge [sflag:s22], s20  }
0x9f: {  	s4 =	ssub.s32 $0x0, s20;
	[sflag:s22] =	ssyncset.done $0x0  }
0xa0: {  	[sflag:s22] =	ssyncadd.s32 s4;
	_ =	sdelay $0x1  }
0xa1: {  	s23 =	simm.s32 $0x1B8B  }
0xa2: {  	_ =	swait.ge [sflag:s23], $0x1  }
0xa3: {  	[sflag:s23] =	ssyncset.done $0x0  }
0xa4: {  	s25 =	simm.s32 $0x1B8E;
	s24 =	sld [smem:$0x3FFE];
	[sflag:s23] =	ssyncadd.s32 $0xFFFFFFFF  }
0xa5: {  	s26 =	simm.s32 $execute0_lowered;
	[smem:$0x3FD2] =	sst s25  }
0xa6: {  	s5 =	sshll.u32 s26, $0x1;
	_ =	strace $0x80000046;
	[dreg:$0x1] =	wrdreg $0xFFFFFFFF  }
0xa7: {  	s28 =	simm.s32 $_size_execute0_lowered;
	s3 =	sadd.s32 s3, s5;
	[dreg:$0x0] =	wrdreg $0x0  }
0xa8: {  	s5 =	sshll.u32 s28, $0x1;
	[dreg:$0x2] =	wrdreg s3  }
0xa9: {  	[dreg:$0x3] =	wrdreg s5  }
0xaa: {  	[dreg:$0x4] =	wrdreg $0xC0  }
0xab: {  	_ =	task [dreg:s7], $0x5FFFF  }
0xac: {  	[dreg:$0x1] =	wrdreg $0xFFFFFFFF  }
0xad: {  	[dreg:$0x0] =	wrdreg $0x60  }
0xae: {  	[dreg:$0x2] =	wrdreg s24  }
0xaf: {  	[dreg:$0x3] =	wrdreg s2  }
0xb0: {  	[dreg:$0x4] =	wrdreg $0xA7800  }
0xb1: {  	[dreg:$0x5] =	wrdreg $0x9  }
0xb2: {  	_ =	task.clear_ibuf [dreg:s7], $0x6FFFF;
	_ =	strace $0x90000046  }
0xb3: {  	s29 =	simm.s32 $0x9;
	_ =	strace $0x80000048  }
0xb4: {  	_ =	swait.ge [sflag:s29], $0x1  }
0xb5: {  	[sflag:s29] =	ssyncadd.s32 $0xFFFFFFFF  }
0xb6: {  	_ =	strace $0x90000048  }
0xb7: {  	_ =	sfence  }
0xb8: {  	s30 =	sld [smem:$0x0];
	_ =	sdelay $0x2  }
0xb9: {  	s31 =	sshll.u32 s1, $0xD;
	s1 =	sshrl.u32 s1, $0x2  }
0xba: {  	s3 =	sand.u32 $0x4000, s31;
	s1 =	sadd.s32 s1, s30  }
0xbb: {  	s0 =	sor.u32 s3, s0;
	s1 =	sshll.u32 s1, $0x11  }
0xbc: {  	s0 =	sor.u32 s1, s0  }
0xbd: {  	s0 =	sadd.s32 $0x8F2B, s0  }
0xbe: {  	[sflag:s0] =	ssyncadd.remote.s32 $0x1  }
0xbf: {  	_ =	sfence.sel $0xFFFF  }
0xc0: {  	[dreg:$0x0] =	wrdreg $0xFFFFFFFF;
	(pc) =	sbr.abs _section_cstart, $3  }
0xc1: {  	[dreg:$0x1] =	wrdreg $0xFFFFFFFF  }
0xc2: {  	_ =	task.clear_ibuf [dreg:s7], $0x2FFFF;
	_ =	strace $0x9FFFFFFF  }
0xc3: {  	(tm) =	ssettm $0x7FFFFFFF  }
tec
execute0_lowered:
.L_overlay_start_1:
0x0: {  	(tag) =	ssettag $0x1  }
0x1: {  	s0 =	srdreg.scid;
	s1 =	rddreg [dreg:$0x0]  }
0x2: {  	s8 =	stileid.u32;
	s3 =	rddreg [dreg:$0x1]  }
0x3: {  	s11 =	simm.s32 $0x0;
	s28 =	simm.s32 $0x97E0;
	s6 =	smul.u32 $0x27100, s8  }
0x4: {  	s29 =	simm.s32 $0x10;
	s30 =	simm.s32 $0x50;
	s26 =	smul.u32 $0x30D40, s8  }
0x5: {  	s31 =	simm.s32 $0x3DE0;
	s0 =	sand.u32 $0x1, s0;
	s16 =	smul.u32 $0x26AC0, s8  }
0x6: {  	[smem:$0x7FF] =	sst s11;
	s2 =	sshll.u32 s0, $0x4;
	s5 =	smul.u32 $0x26AC00, s0  }
0x7: {  	s4 =	sor.u32 s8, s2;
	s2 =	rddreg [dreg:$0x2];
	s6 =	sshrl.u32 s6, $0x2  }
0x8: {  	s7 =	ssub.s32 $0x2, s0;
	s0 =	smul.u32 $0x30D400, s0;
	s6 =	sadd.s32 s6, s2  }
0x9: {  	_ =	strace $0x80000047;
	s25 =	sadd.s32 $0xFA0, s6;
	[dreg:$0x5] =	wrdreg s6  }
0xa: {  	s24 =	sshrl.u32 s7, $0x1;
	s9 =	sadd.s32 $0x1F40, s6;
	[dreg:$0x7] =	wrdreg s25  }
0xb: {  	s8 =	simm.s32 $0x8BE0;
	s10 =	sadd.s32 $0x2EE0, s6;
	[dreg:$0x8] =	wrdreg s9  }
0xc: {  	s4 =	smul.u32 $0x7BC, s4;
	s12 =	sadd.s32 $0x3E80, s6;
	[dreg:$0x9] =	wrdreg s10  }
0xd: {  	s0 =	sadd.s32 s26, s0;
	s13 =	sadd.s32 $0x4E20, s6;
	[dreg:$0xa] =	wrdreg s12  }
0xe: {  	s14 =	sadd.s32 $0x5DC0, s6;
	s15 =	sadd.s32 $0x6D60, s6;
	[dreg:$0xb] =	wrdreg s13  }
0xf: {  	s0 =	sshrl.u32 s0, $0x3;
	s17 =	sadd.s32 $0x7D00, s6;
	[dreg:$0xc] =	wrdreg s14  }
0x10: {  	s6 =	sadd.s32 $0x8CA0, s6;
	s4 =	sadd.s32 s4, s1;
	[dreg:$0xd] =	wrdreg s15  }
0x11: {  	s1 =	sadd.s32 s5, s1;
	s5 =	ssub.s32 s7, s24;
	[dreg:$0xe] =	wrdreg s17  }
0x12: {  	[dreg:$0xf] =	wrdreg s6;
	s3 =	sadd.s32 s3, s0;
	s17 =	simm.s32 $0x43E0  }
0x13: {  	s15 =	simm.s32 $0x2;
	s6 =	simm.s32 $0x7FE0;
	s7 =	simm.s32 $0x85E0  }
0x14: {  	s9 =	simm.s32 $0x91E0;
	s4 =	sadd.s32 $0x800, s4;
	[dreg:$0x10] =	wrdreg s3  }
0x15: {  	s10 =	simm.s32 $0x4;
	s0 =	sadd.s32 $0x2, s3;
	[dreg:$0x6] =	wrdreg s4  }
0x16: {  	s18 =	sadd.s32 $0x4, s3;
	s19 =	sadd.s32 s16, s1;
	[dreg:$0x11] =	wrdreg s0  }
0x17: {  	s20 =	sadd.s32 $0x6, s3;
	s21 =	sadd.s32 $0x8, s3;
	[dreg:$0x12] =	wrdreg s18  }
0x18: {  	s23 =	smax.u32 s5, $0x1;
	s1 =	simm.s32 $0x5BE0;
	[dreg:$0x13] =	wrdreg s20  }
0x19: {  	s5 =	simm.s32 $0x1;
	s16 =	simm.s32 $0x60;
	[dreg:$0x14] =	wrdreg s21  }
0x1a: {  	s22 =	sadd.s32 $0x870800, s19;
	[dreg:$0x16] =	wrdreg s23;
	s24 =	sadd.s32 $0x871AC2, s19  }
0x1b: {  	s25 =	sadd.s32 $0x871AC4, s19;
	s26 =	sadd.s32 $0x871AC6, s19;
	[dreg:$0x15] =	wrdreg s22  }
0x1c: {  	s0 =	sadd.s32 $0x871AC8, s19;
	s18 =	simm.s32 $0x49E0;
	[dreg:$0x17] =	wrdreg s24  }
0x1d: {  	s19 =	simm.s32 $0x4FE0;
	s21 =	simm.s32 $0x55E0;
	[dreg:$0x18] =	wrdreg s25  }
0x1e: {  	s23 =	simm.s32 $0x67E0;
	s20 =	simm.s32 $0x3;
	[dreg:$0x19] =	wrdreg s26  }
0x1f: {  	[dreg:$0x1a] =	wrdreg s0;
	s26 =	simm.s32 $0x5;
	s0 =	simm.s32 $0x79E0  }
0x20: {  	v0 =	vimm.f32 $0.0e+00;
	s22 =	simm.s32 $0x61E0;
	s24 =	simm.s32 $0x6DE0;
	s25 =	simm.s32 $0x73E0  }
.LBB2_1:
0x21: {  	[dreg:$0x4] =	wrdreg s11;
	s3 =	simm.s32 $0x40;
	s4 =	simm.s32 $0x0  }
.LBB2_2:
0x22: {  	p0 =	sne.s32 s3, $0x3E40;
	[tilespmem:s4+$0x97E0] =	vst v0;
	s4 =	smov.u32 s3;
	s3 =	sadd.s32 $0x40, s3  }
.Ltmp0:
0x23: {  	(pc) =	sbr.rel @p0 .LBB2_2-.Ltmp0, $2  }
0x24: {  	_ =	sdelay $0x2  }
0x25: {  	s4 =	sshra.s32 s4, $0x2  }
0x26: {  	[tilespmem:s4+$0x97E0] =	vst v0;
	s3 =	simm.s32 $0x0;
	s13 =	rddreg [dreg:$0x6]  }
0x27: {  	[tilespmem:s3], [sflag:$0x5] =	stream.linear.gather [hbm4b:s13+s3], $0x3DE0, $0x38;
	[tilespmem:$0x143C8] =	vst v63  }
0x28: {  	_ =	swait.ge [sflag:s26], $0x3DE0  }
0x29: {  	[sflag:s26] =	ssyncset.done $0x0  }
0x2a: {  	s14 =	rddreg [dreg:$0x5];
	[sflag:s26] =	ssyncadd.s32 $0xFFFFC220  }
0x2b: {  	[spmem:s14] =	stream.linear.scatter [tilespmem:s28], [sflag:$0x5], $0xFA0, $0x38;
	[tilespmem:$0x143C8] =	vst v63  }
0x2c: {  	_ =	swait.ge [sflag:s26], $0xFA0  }
0x2d: {  	[sflag:s26] =	ssyncset.done $0x0  }
0x2e: {  	s4 =	rddreg [dreg:$0x7];
	[sflag:s26] =	ssyncadd.s32 $0xFFFFF060  }
0x2f: {  	[spmem:s4] =	stream.linear.scatter [tilespmem:s28], [sflag:$0x5], $0xFA0, $0x38;
	[tilespmem:$0x143C8] =	vst v63  }
0x30: {  	_ =	swait.ge [sflag:s26], $0xFA0  }
0x31: {  	[sflag:s26] =	ssyncset.done $0x0  }
0x32: {  	s11 =	rddreg [dreg:$0x8];
	[sflag:s26] =	ssyncadd.s32 $0xFFFFF060  }
0x33: {  	[spmem:s11] =	stream.linear.scatter [tilespmem:s28], [sflag:$0x5], $0xFA0, $0x38;
	[tilespmem:$0x143C8] =	vst v63  }
0x34: {  	_ =	swait.ge [sflag:s26], $0xFA0  }
0x35: {  	[sflag:s26] =	ssyncset.done $0x0  }
0x36: {  	s12 =	rddreg [dreg:$0x9];
	[sflag:s26] =	ssyncadd.s32 $0xFFFFF060  }
0x37: {  	[spmem:s12] =	stream.linear.scatter [tilespmem:s28], [sflag:$0x5], $0xFA0, $0x38;
	[tilespmem:$0x143C8] =	vst v63  }
0x38: {  	_ =	swait.ge [sflag:s26], $0xFA0  }
0x39: {  	[sflag:s26] =	ssyncset.done $0x0  }
0x3a: {  	s13 =	rddreg [dreg:$0xa];
	[sflag:s26] =	ssyncadd.s32 $0xFFFFF060  }
0x3b: {  	[spmem:s13] =	stream.linear.scatter [tilespmem:s28], [sflag:$0x5], $0xFA0, $0x38;
	[tilespmem:$0x143C8] =	vst v63  }
0x3c: {  	_ =	swait.ge [sflag:s26], $0xFA0  }
0x3d: {  	[sflag:s26] =	ssyncset.done $0x0  }
0x3e: {  	s14 =	rddreg [dreg:$0xb];
	[sflag:s26] =	ssyncadd.s32 $0xFFFFF060  }
0x3f: {  	[spmem:s14] =	stream.linear.scatter [tilespmem:s28], [sflag:$0x5], $0xFA0, $0x38;
	[tilespmem:$0x143C8] =	vst v63  }
0x40: {  	_ =	swait.ge [sflag:s26], $0xFA0  }
0x41: {  	[sflag:s26] =	ssyncset.done $0x0  }
0x42: {  	s4 =	rddreg [dreg:$0xc];
	[sflag:s26] =	ssyncadd.s32 $0xFFFFF060  }
0x43: {  	[spmem:s4] =	stream.linear.scatter [tilespmem:s28], [sflag:$0x5], $0xFA0, $0x38;
	[tilespmem:$0x143C8] =	vst v63  }
0x44: {  	_ =	swait.ge [sflag:s26], $0xFA0  }
0x45: {  	[sflag:s26] =	ssyncset.done $0x0  }
0x46: {  	s11 =	rddreg [dreg:$0xd];
	[sflag:s26] =	ssyncadd.s32 $0xFFFFF060  }
0x47: {  	[spmem:s11] =	stream.linear.scatter [tilespmem:s28], [sflag:$0x5], $0xFA0, $0x38;
	[tilespmem:$0x143C8] =	vst v63  }
0x48: {  	_ =	swait.ge [sflag:s26], $0xFA0  }
0x49: {  	[sflag:s26] =	ssyncset.done $0x0  }
0x4a: {  	s12 =	rddreg [dreg:$0xe];
	[sflag:s26] =	ssyncadd.s32 $0xFFFFF060  }
0x4b: {  	[spmem:s12] =	stream.linear.scatter [tilespmem:s28], [sflag:$0x5], $0xFA0, $0x38;
	[tilespmem:$0x143C8] =	vst v63  }
0x4c: {  	_ =	swait.ge [sflag:s26], $0xFA0  }
0x4d: {  	[sflag:s26] =	ssyncset.done $0x0  }
0x4e: {  	s13 =	rddreg [dreg:$0xf];
	[sflag:s26] =	ssyncadd.s32 $0xFFFFF060  }
0x4f: {  	[spmem:s13] =	stream.linear.scatter [tilespmem:s28], [sflag:$0x5], $0xFA0, $0x38;
	[tilespmem:$0x143C8] =	vst v63  }
0x50: {  	_ =	swait.ge [sflag:s26], $0xFA0  }
0x51: {  	[sflag:s26] =	ssyncset.done $0x0  }
0x52: {  	[sflag:s26] =	ssyncadd.s32 $0xFFFFF060  }
0x53: {  	[bflag:$0x0] =	sbarrier.arrive $0xFFFF  }
0x54: {  	s11 =	rddreg [dreg:$0x15]  }
0x55: {  	[tilespmem:s31], [sflag:$0x1] =	stream.strided.gather [hbm4b:s11+s29], $0x1E00, s30, s29, $0x38;
	[tilespmem:$0x143C8] =	vst v63  }
0x56: {  	s14 =	sadd.s32 $0x12C0, s11  }
0x57: {  	[tilespmem:s1], [sflag:$0x2] =	stream.strided.gather [hbm4b:s14+s29], $0x1E00, s30, s29, $0x38;
	[tilespmem:$0x143C8] =	vst v63  }
0x58: {  	s4 =	sadd.s32 $0x2580, s11  }
0x59: {  	[tilespmem:s0], [sflag:$0x3] =	stream.strided.gather [hbm4b:s4+s29], $0x1E00, s30, s29, $0x38;
	[tilespmem:$0x143C8] =	vst v63  }
0x5a: {  	_ =	swait.ge [sflag:s5], $0x1E00  }
0x5b: {  	[sflag:s5] =	ssyncset.done $0x0  }
0x5c: {  	s12 =	simm.s32 $0x0;
	[sflag:s5] =	ssyncadd.s32 $0xFFFFE200  }
0x5d: {  	[spmem:s2] =	stream.indirect.scatter.add.f32 [tilespmem:s31], [sflag:$0x4], $0x10, s12, s16, $0xb8;
	[tilespmem:$0x143C8] =	vst v63  }
0x5e: {  	s13 =	simm.s32 $0x60  }
0x5f: {  	[spmem:s2] =	stream.indirect.scatter.add.f32 [tilespmem:s17], [sflag:$0x4], $0x10, s13, s16, $0xb8;
	[tilespmem:$0x143C8] =	vst v63  }
0x60: {  	s14 =	simm.s32 $0xC0  }
0x61: {  	[spmem:s2] =	stream.indirect.scatter.add.f32 [tilespmem:s18], [sflag:$0x4], $0x10, s14, s16, $0xb8;
	[tilespmem:$0x143C8] =	vst v63  }
0x62: {  	s4 =	simm.s32 $0x120  }
0x63: {  	[spmem:s2] =	stream.indirect.scatter.add.f32 [tilespmem:s19], [sflag:$0x4], $0x10, s4, s16, $0xb8;
	[tilespmem:$0x143C8] =	vst v63  }
0x64: {  	s12 =	simm.s32 $0x180  }
0x65: {  	[spmem:s2] =	stream.indirect.scatter.add.f32 [tilespmem:s21], [sflag:$0x4], $0x10, s12, s16, $0xb8;
	[tilespmem:$0x143C8] =	vst v63  }
0x66: {  	_ =	swait.ge [sflag:s15], $0x1E00  }
0x67: {  	[sflag:s15] =	ssyncset.done $0x0  }
0x68: {  	s13 =	simm.s32 $0x1E0;
	[sflag:s15] =	ssyncadd.s32 $0xFFFFE200  }
0x69: {  	[spmem:s2] =	stream.indirect.scatter.add.f32 [tilespmem:s1], [sflag:$0x4], $0x10, s13, s16, $0xb8;
	[tilespmem:$0x143C8] =	vst v63  }
0x6a: {  	s14 =	simm.s32 $0x240  }
0x6b: {  	[spmem:s2] =	stream.indirect.scatter.add.f32 [tilespmem:s22], [sflag:$0x4], $0x10, s14, s16, $0xb8;
	[tilespmem:$0x143C8] =	vst v63  }
0x6c: {  	s4 =	simm.s32 $0x2A0  }
0x6d: {  	[spmem:s2] =	stream.indirect.scatter.add.f32 [tilespmem:s23], [sflag:$0x4], $0x10, s4, s16, $0xb8;
	[tilespmem:$0x143C8] =	vst v63  }
0x6e: {  	s12 =	simm.s32 $0x300  }
0x6f: {  	[spmem:s2] =	stream.indirect.scatter.add.f32 [tilespmem:s24], [sflag:$0x4], $0x10, s12, s16, $0xb8;
	[tilespmem:$0x143C8] =	vst v63  }
0x70: {  	s13 =	simm.s32 $0x360  }
0x71: {  	[spmem:s2] =	stream.indirect.scatter.add.f32 [tilespmem:s25], [sflag:$0x4], $0x10, s13, s16, $0xb8;
	[tilespmem:$0x143C8] =	vst v63  }
0x72: {  	_ =	swait.ge [sflag:s20], $0x1E00  }
0x73: {  	[sflag:s20] =	ssyncset.done $0x0  }
0x74: {  	s14 =	simm.s32 $0x3C0;
	[sflag:s20] =	ssyncadd.s32 $0xFFFFE200  }
0x75: {  	[spmem:s2] =	stream.indirect.scatter.add.f32 [tilespmem:s0], [sflag:$0x4], $0x10, s14, s16, $0xb8;
	[tilespmem:$0x143C8] =	vst v63  }
0x76: {  	s4 =	simm.s32 $0x420  }
0x77: {  	[spmem:s2] =	stream.indirect.scatter.add.f32 [tilespmem:s6], [sflag:$0x4], $0x10, s4, s16, $0xb8;
	[tilespmem:$0x143C8] =	vst v63  }
0x78: {  	s12 =	simm.s32 $0x480  }
0x79: {  	[spmem:s2] =	stream.indirect.scatter.add.f32 [tilespmem:s7], [sflag:$0x4], $0x10, s12, s16, $0xb8;
	[tilespmem:$0x143C8] =	vst v63  }
0x7a: {  	s13 =	simm.s32 $0x4E0  }
0x7b: {  	[spmem:s2] =	stream.indirect.scatter.add.f32 [tilespmem:s8], [sflag:$0x4], $0x10, s13, s16, $0xb8;
	[tilespmem:$0x143C8] =	vst v63  }
0x7c: {  	s14 =	simm.s32 $0x540  }
0x7d: {  	[spmem:s2] =	stream.indirect.scatter.add.f32 [tilespmem:s9], [sflag:$0x4], $0x10, s14, s16, $0xb8;
	[tilespmem:$0x143C8] =	vst v63  }
0x7e: {  	_ =	swait.ge [sflag:s10], $0x600  }
0x7f: {  	[sflag:s10] =	ssyncset.done $0x0  }
0x80: {  	[sflag:s10] =	ssyncadd.s32 $0xFFFFFA00  }
0x81: {  	_ =	swait.ge [sflag:s10], $0x600  }
0x82: {  	[sflag:s10] =	ssyncset.done $0x0  }
0x83: {  	[sflag:s10] =	ssyncadd.s32 $0xFFFFFA00  }
0x84: {  	_ =	swait.ge [sflag:s10], $0x600  }
0x85: {  	[sflag:s10] =	ssyncset.done $0x0  }
0x86: {  	[sflag:s10] =	ssyncadd.s32 $0xFFFFFA00  }
0x87: {  	_ =	swait.ge [sflag:s10], $0x600  }
0x88: {  	[sflag:s10] =	ssyncset.done $0x0  }
0x89: {  	[sflag:s10] =	ssyncadd.s32 $0xFFFFFA00  }
0x8a: {  	_ =	swait.ge [sflag:s10], $0x600  }
0x8b: {  	[sflag:s10] =	ssyncset.done $0x0  }
0x8c: {  	[sflag:s10] =	ssyncadd.s32 $0xFFFFFA00  }
0x8d: {  	_ =	swait.ge [sflag:s10], $0x600  }
0x8e: {  	[sflag:s10] =	ssyncset.done $0x0  }
0x8f: {  	[sflag:s10] =	ssyncadd.s32 $0xFFFFFA00  }
0x90: {  	_ =	swait.ge [sflag:s10], $0x600  }
0x91: {  	[sflag:s10] =	ssyncset.done $0x0  }
0x92: {  	[sflag:s10] =	ssyncadd.s32 $0xFFFFFA00  }
0x93: {  	_ =	swait.ge [sflag:s10], $0x600  }
0x94: {  	[sflag:s10] =	ssyncset.done $0x0  }
0x95: {  	[sflag:s10] =	ssyncadd.s32 $0xFFFFFA00  }
0x96: {  	_ =	swait.ge [sflag:s10], $0x600  }
0x97: {  	[sflag:s10] =	ssyncset.done $0x0  }
0x98: {  	[sflag:s10] =	ssyncadd.s32 $0xFFFFFA00  }
0x99: {  	_ =	swait.ge [sflag:s10], $0x600  }
0x9a: {  	[sflag:s10] =	ssyncset.done $0x0  }
0x9b: {  	[sflag:s10] =	ssyncadd.s32 $0xFFFFFA00  }
0x9c: {  	_ =	swait.ge [sflag:s10], $0x600  }
0x9d: {  	[sflag:s10] =	ssyncset.done $0x0  }
0x9e: {  	[sflag:s10] =	ssyncadd.s32 $0xFFFFFA00  }
0x9f: {  	_ =	swait.ge [sflag:s10], $0x600  }
0xa0: {  	[sflag:s10] =	ssyncset.done $0x0  }
0xa1: {  	[sflag:s10] =	ssyncadd.s32 $0xFFFFFA00  }
0xa2: {  	_ =	swait.ge [sflag:s10], $0x600  }
0xa3: {  	[sflag:s10] =	ssyncset.done $0x0  }
0xa4: {  	[sflag:s10] =	ssyncadd.s32 $0xFFFFFA00  }
0xa5: {  	_ =	swait.ge [sflag:s10], $0x600  }
0xa6: {  	[sflag:s10] =	ssyncset.done $0x0  }
0xa7: {  	[sflag:s10] =	ssyncadd.s32 $0xFFFFFA00  }
0xa8: {  	_ =	swait.ge [sflag:s10], $0x600  }
0xa9: {  	s4 =	simm.s32 $0x1680;
	[sflag:s10] =	ssyncset.done $0x0  }
.LBB2_4:
0xaa: {  	p0 =	sne.s32 s4, $0xE100;
	[sflag:s10] =	ssyncadd.s32 $0xFFFFFA00;
	s11 =	sadd.s32 $0x3840, s11  }
0xab: {  	[tilespmem:s31], [sflag:$0x1] =	stream.strided.gather [hbm4b:s11+s29], $0x1E00, s30, s29, $0x38;
	[tilespmem:$0x143C8] =	vst v63  }
0xac: {  	s12 =	smov.u32 s4;
	s4 =	sadd.s32 $0x1680, s4;
	s3 =	sadd.s32 $0x12C0, s11  }
0xad: {  	[tilespmem:s1], [sflag:$0x2] =	stream.strided.gather [hbm4b:s3+s29], $0x1E00, s30, s29, $0x38;
	[tilespmem:$0x143C8] =	vst v63  }
0xae: {  	s3 =	sadd.s32 $0x2580, s11  }
0xaf: {  	[tilespmem:s0], [sflag:$0x3] =	stream.strided.gather [hbm4b:s3+s29], $0x1E00, s30, s29, $0x38;
	[tilespmem:$0x143C8] =	vst v63  }
0xb0: {  	_ =	swait.ge [sflag:s5], $0x1E00  }
0xb1: {  	[sflag:s5] =	ssyncset.done $0x0  }
0xb2: {  	s3 =	sshra.s32 s12, $0x2;
	[sflag:s5] =	ssyncadd.s32 $0xFFFFE200  }
0xb3: {  	[spmem:s2] =	stream.indirect.scatter.add.f32 [tilespmem:s31], [sflag:$0x4], $0x10, s3, s16, $0xb8;
	[tilespmem:$0x143C8] =	vst v63  }
0xb4: {  	s12 =	sadd.s32 $0x60, s3  }
0xb5: {  	[spmem:s2] =	stream.indirect.scatter.add.f32 [tilespmem:s17], [sflag:$0x4], $0x10, s12, s16, $0xb8;
	[tilespmem:$0x143C8] =	vst v63  }
0xb6: {  	s12 =	sadd.s32 $0xC0, s3  }
0xb7: {  	[spmem:s2] =	stream.indirect.scatter.add.f32 [tilespmem:s18], [sflag:$0x4], $0x10, s12, s16, $0xb8;
	[tilespmem:$0x143C8] =	vst v63  }
0xb8: {  	s12 =	sadd.s32 $0x120, s3  }
0xb9: {  	[spmem:s2] =	stream.indirect.scatter.add.f32 [tilespmem:s19], [sflag:$0x4], $0x10, s12, s16, $0xb8;
	[tilespmem:$0x143C8] =	vst v63  }
0xba: {  	s12 =	sadd.s32 $0x180, s3  }
0xbb: {  	[spmem:s2] =	stream.indirect.scatter.add.f32 [tilespmem:s21], [sflag:$0x4], $0x10, s12, s16, $0xb8;
	[tilespmem:$0x143C8] =	vst v63  }
0xbc: {  	_ =	swait.ge [sflag:s15], $0x1E00  }
0xbd: {  	[sflag:s15] =	ssyncset.done $0x0  }
0xbe: {  	s12 =	sadd.s32 $0x1E0, s3;
	[sflag:s15] =	ssyncadd.s32 $0xFFFFE200  }
0xbf: {  	[spmem:s2] =	stream.indirect.scatter.add.f32 [tilespmem:s1], [sflag:$0x4], $0x10, s12, s16, $0xb8;
	[tilespmem:$0x143C8] =	vst v63  }
0xc0: {  	s12 =	sadd.s32 $0x240, s3  }
0xc1: {  	[spmem:s2] =	stream.indirect.scatter.add.f32 [tilespmem:s22], [sflag:$0x4], $0x10, s12, s16, $0xb8;
	[tilespmem:$0x143C8] =	vst v63  }
0xc2: {  	s12 =	sadd.s32 $0x2A0, s3  }
0xc3: {  	[spmem:s2] =	stream.indirect.scatter.add.f32 [tilespmem:s23], [sflag:$0x4], $0x10, s12, s16, $0xb8;
	[tilespmem:$0x143C8] =	vst v63  }
0xc4: {  	s12 =	sadd.s32 $0x300, s3  }
0xc5: {  	[spmem:s2] =	stream.indirect.scatter.add.f32 [tilespmem:s24], [sflag:$0x4], $0x10, s12, s16, $0xb8;
	[tilespmem:$0x143C8] =	vst v63  }
0xc6: {  	s12 =	sadd.s32 $0x360, s3  }
0xc7: {  	[spmem:s2] =	stream.indirect.scatter.add.f32 [tilespmem:s25], [sflag:$0x4], $0x10, s12, s16, $0xb8;
	[tilespmem:$0x143C8] =	vst v63  }
0xc8: {  	_ =	swait.ge [sflag:s20], $0x1E00  }
0xc9: {  	[sflag:s20] =	ssyncset.done $0x0  }
0xca: {  	s12 =	sadd.s32 $0x3C0, s3;
	[sflag:s20] =	ssyncadd.s32 $0xFFFFE200  }
0xcb: {  	[spmem:s2] =	stream.indirect.scatter.add.f32 [tilespmem:s0], [sflag:$0x4], $0x10, s12, s16, $0xb8;
	[tilespmem:$0x143C8] =	vst v63  }
0xcc: {  	s12 =	sadd.s32 $0x420, s3  }
0xcd: {  	[spmem:s2] =	stream.indirect.scatter.add.f32 [tilespmem:s6], [sflag:$0x4], $0x10, s12, s16, $0xb8;
	[tilespmem:$0x143C8] =	vst v63  }
0xce: {  	s12 =	sadd.s32 $0x480, s3  }
0xcf: {  	[spmem:s2] =	stream.indirect.scatter.add.f32 [tilespmem:s7], [sflag:$0x4], $0x10, s12, s16, $0xb8;
	[tilespmem:$0x143C8] =	vst v63  }
0xd0: {  	s12 =	sadd.s32 $0x4E0, s3  }
0xd1: {  	[spmem:s2] =	stream.indirect.scatter.add.f32 [tilespmem:s8], [sflag:$0x4], $0x10, s12, s16, $0xb8;
	[tilespmem:$0x143C8] =	vst v63  }
0xd2: {  	s3 =	sadd.s32 $0x540, s3  }
0xd3: {  	[spmem:s2] =	stream.indirect.scatter.add.f32 [tilespmem:s9], [sflag:$0x4], $0x10, s3, s16, $0xb8;
	[tilespmem:$0x143C8] =	vst v63  }
0xd4: {  	_ =	swait.ge [sflag:s10], $0x600  }
0xd5: {  	[sflag:s10] =	ssyncset.done $0x0  }
0xd6: {  	[sflag:s10] =	ssyncadd.s32 $0xFFFFFA00  }
0xd7: {  	_ =	swait.ge [sflag:s10], $0x600  }
0xd8: {  	[sflag:s10] =	ssyncset.done $0x0  }
0xd9: {  	[sflag:s10] =	ssyncadd.s32 $0xFFFFFA00  }
0xda: {  	_ =	swait.ge [sflag:s10], $0x600  }
0xdb: {  	[sflag:s10] =	ssyncset.done $0x0  }
0xdc: {  	[sflag:s10] =	ssyncadd.s32 $0xFFFFFA00  }
0xdd: {  	_ =	swait.ge [sflag:s10], $0x600  }
0xde: {  	[sflag:s10] =	ssyncset.done $0x0  }
0xdf: {  	[sflag:s10] =	ssyncadd.s32 $0xFFFFFA00  }
0xe0: {  	_ =	swait.ge [sflag:s10], $0x600  }
0xe1: {  	[sflag:s10] =	ssyncset.done $0x0  }
0xe2: {  	[sflag:s10] =	ssyncadd.s32 $0xFFFFFA00  }
0xe3: {  	_ =	swait.ge [sflag:s10], $0x600  }
0xe4: {  	[sflag:s10] =	ssyncset.done $0x0  }
0xe5: {  	[sflag:s10] =	ssyncadd.s32 $0xFFFFFA00  }
0xe6: {  	_ =	swait.ge [sflag:s10], $0x600  }
0xe7: {  	[sflag:s10] =	ssyncset.done $0x0  }
0xe8: {  	[sflag:s10] =	ssyncadd.s32 $0xFFFFFA00  }
0xe9: {  	_ =	swait.ge [sflag:s10], $0x600  }
0xea: {  	[sflag:s10] =	ssyncset.done $0x0  }
0xeb: {  	[sflag:s10] =	ssyncadd.s32 $0xFFFFFA00  }
0xec: {  	_ =	swait.ge [sflag:s10], $0x600  }
0xed: {  	[sflag:s10] =	ssyncset.done $0x0  }
0xee: {  	[sflag:s10] =	ssyncadd.s32 $0xFFFFFA00  }
0xef: {  	_ =	swait.ge [sflag:s10], $0x600  }
0xf0: {  	[sflag:s10] =	ssyncset.done $0x0  }
0xf1: {  	[sflag:s10] =	ssyncadd.s32 $0xFFFFFA00  }
0xf2: {  	_ =	swait.ge [sflag:s10], $0x600  }
0xf3: {  	[sflag:s10] =	ssyncset.done $0x0  }
0xf4: {  	[sflag:s10] =	ssyncadd.s32 $0xFFFFFA00  }
0xf5: {  	_ =	swait.ge [sflag:s10], $0x600  }
0xf6: {  	[sflag:s10] =	ssyncset.done $0x0  }
0xf7: {  	[sflag:s10] =	ssyncadd.s32 $0xFFFFFA00  }
0xf8: {  	_ =	swait.ge [sflag:s10], $0x600  }
0xf9: {  	[sflag:s10] =	ssyncset.done $0x0  }
0xfa: {  	[sflag:s10] =	ssyncadd.s32 $0xFFFFFA00  }
.Ltmp1:
0xfb: {  	_ =	swait.ge [sflag:s10], $0x600;
	(pc) =	sbr.rel @p0 .LBB2_4-.Ltmp1, $4  }
0xfc: {  	[sflag:s10] =	ssyncset.done $0x0  }
0xfd: {  	[sflag:s10] =	ssyncadd.s32 $0xFFFFFA00  }
0xfe: {  	_ =	swait.ge [sflag:s10], $0x600  }
0xff: {  	[sflag:s10] =	ssyncset.done $0x0  }
0x100: {  	[sflag:s10] =	ssyncadd.s32 $0xFFFFFA00  }
0x101: {  	s3 =	stileid.u32;
	[bflag:$0x0] =	sbarrier.arrive $0xFFFF  }
0x102: {  	s3 =	sshll.u32 s3, $0x6;
	s14 =	rddreg [dreg:$0x5]  }
0x103: {  	s13 =	sor.u32 $0x1C05, s3;
	s4 =	rddreg [dreg:$0x10]  }
0x104: {  	s11 =	simm.s32 $0xA;
	s12 =	sshrl.u32 s14, $0x3;
	[dreg:$0x1b] =	wrdreg s13  }
0x105: {  	[hbm:s4@s11], [sflag:s13] =	dma.strided [spmem:s12@s15], $0x1388, s5, $0x2   }
0x106: {  	_ =	swait.ge [sflag:s26], $0x1388  }
0x107: {  	[sflag:s26] =	ssyncset.done $0x0  }
0x108: {  	[sflag:s26] =	ssyncadd.s32 $0xFFFFEC78  }
0x109: {  	[bflag:$0x0] =	sbarrier.arrive $0xFFFF  }
0x10a: {  	[spmem:s14] =	stream.linear.scatter [tilespmem:s28], [sflag:$0x5], $0xFA0, $0x38;
	[tilespmem:$0x143C8] =	vst v63  }
0x10b: {  	_ =	swait.ge [sflag:s26], $0xFA0  }
0x10c: {  	[sflag:s26] =	ssyncset.done $0x0  }
0x10d: {  	s11 =	rddreg [dreg:$0x7];
	[sflag:s26] =	ssyncadd.s32 $0xFFFFF060  }
0x10e: {  	[spmem:s11] =	stream.linear.scatter [tilespmem:s28], [sflag:$0x5], $0xFA0, $0x38;
	[tilespmem:$0x143C8] =	vst v63  }
0x10f: {  	_ =	swait.ge [sflag:s26], $0xFA0  }
0x110: {  	[sflag:s26] =	ssyncset.done $0x0  }
0x111: {  	s13 =	rddreg [dreg:$0x8];
	[sflag:s26] =	ssyncadd.s32 $0xFFFFF060  }
0x112: {  	[spmem:s13] =	stream.linear.scatter [tilespmem:s28], [sflag:$0x5], $0xFA0, $0x38;
	[tilespmem:$0x143C8] =	vst v63  }
0x113: {  	_ =	swait.ge [sflag:s26], $0xFA0  }
0x114: {  	[sflag:s26] =	ssyncset.done $0x0  }
0x115: {  	s14 =	rddreg [dreg:$0x9];
	[sflag:s26] =	ssyncadd.s32 $0xFFFFF060  }
0x116: {  	[spmem:s14] =	stream.linear.scatter [tilespmem:s28], [sflag:$0x5], $0xFA0, $0x38;
	[tilespmem:$0x143C8] =	vst v63  }
0x117: {  	_ =	swait.ge [sflag:s26], $0xFA0  }
0x118: {  	[sflag:s26] =	ssyncset.done $0x0  }
0x119: {  	s4 =	rddreg [dreg:$0xa];
	[sflag:s26] =	ssyncadd.s32 $0xFFFFF060  }
0x11a: {  	[spmem:s4] =	stream.linear.scatter [tilespmem:s28], [sflag:$0x5], $0xFA0, $0x38;
	[tilespmem:$0x143C8] =	vst v63  }
0x11b: {  	_ =	swait.ge [sflag:s26], $0xFA0  }
0x11c: {  	[sflag:s26] =	ssyncset.done $0x0  }
0x11d: {  	s11 =	rddreg [dreg:$0xb];
	[sflag:s26] =	ssyncadd.s32 $0xFFFFF060  }
0x11e: {  	[spmem:s11] =	stream.linear.scatter [tilespmem:s28], [sflag:$0x5], $0xFA0, $0x38;
	[tilespmem:$0x143C8] =	vst v63  }
0x11f: {  	_ =	swait.ge [sflag:s26], $0xFA0  }
0x120: {  	[sflag:s26] =	ssyncset.done $0x0  }
0x121: {  	s13 =	rddreg [dreg:$0xc];
	[sflag:s26] =	ssyncadd.s32 $0xFFFFF060  }
0x122: {  	[spmem:s13] =	stream.linear.scatter [tilespmem:s28], [sflag:$0x5], $0xFA0, $0x38;
	[tilespmem:$0x143C8] =	vst v63  }
0x123: {  	_ =	swait.ge [sflag:s26], $0xFA0  }
0x124: {  	[sflag:s26] =	ssyncset.done $0x0  }
0x125: {  	s14 =	rddreg [dreg:$0xd];
	[sflag:s26] =	ssyncadd.s32 $0xFFFFF060  }
0x126: {  	[spmem:s14] =	stream.linear.scatter [tilespmem:s28], [sflag:$0x5], $0xFA0, $0x38;
	[tilespmem:$0x143C8] =	vst v63  }
0x127: {  	_ =	swait.ge [sflag:s26], $0xFA0  }
0x128: {  	[sflag:s26] =	ssyncset.done $0x0  }
0x129: {  	s4 =	rddreg [dreg:$0xe];
	[sflag:s26] =	ssyncadd.s32 $0xFFFFF060  }
0x12a: {  	[spmem:s4] =	stream.linear.scatter [tilespmem:s28], [sflag:$0x5], $0xFA0, $0x38;
	[tilespmem:$0x143C8] =	vst v63  }
0x12b: {  	_ =	swait.ge [sflag:s26], $0xFA0  }
0x12c: {  	[sflag:s26] =	ssyncset.done $0x0  }
0x12d: {  	s11 =	rddreg [dreg:$0xf];
	[sflag:s26] =	ssyncadd.s32 $0xFFFFF060  }
0x12e: {  	[spmem:s11] =	stream.linear.scatter [tilespmem:s28], [sflag:$0x5], $0xFA0, $0x38;
	[tilespmem:$0x143C8] =	vst v63  }
0x12f: {  	_ =	swait.ge [sflag:s26], $0xFA0  }
0x130: {  	[sflag:s26] =	ssyncset.done $0x0  }
0x131: {  	[sflag:s26] =	ssyncadd.s32 $0xFFFFF060  }
0x132: {  	[bflag:$0x0] =	sbarrier.arrive $0xFFFF  }
0x133: {  	s11 =	rddreg [dreg:$0x17]  }
0x134: {  	s13 =	sadd.s32 $0xFFFFED40, s11  }
0x135: {  	[tilespmem:s31], [sflag:$0x1] =	stream.strided.gather [hbm4b:s13+s29], $0x1E00, s30, s29, $0x38;
	[tilespmem:$0x143C8] =	vst v63  }
0x136: {  	_ = 	snop  }
0x137: {  	[tilespmem:s1], [sflag:$0x2] =	stream.strided.gather [hbm4b:s11+s29], $0x1E00, s30, s29, $0x38;
	[tilespmem:$0x143C8] =	vst v63  }
0x138: {  	s14 =	sadd.s32 $0x12C0, s11  }
0x139: {  	[tilespmem:s0], [sflag:$0x3] =	stream.strided.gather [hbm4b:s14+s29], $0x1E00, s30, s29, $0x38;
	[tilespmem:$0x143C8] =	vst v63  }
0x13a: {  	_ =	swait.ge [sflag:s5], $0x1E00  }
0x13b: {  	[sflag:s5] =	ssyncset.done $0x0  }
0x13c: {  	s4 =	simm.s32 $0x0;
	[sflag:s5] =	ssyncadd.s32 $0xFFFFE200  }
0x13d: {  	[spmem:s2] =	stream.indirect.scatter.add.f32 [tilespmem:s31], [sflag:$0x4], $0x10, s4, s16, $0xb8;
	[tilespmem:$0x143C8] =	vst v63  }
0x13e: {  	s13 =	simm.s32 $0x60  }
0x13f: {  	[spmem:s2] =	stream.indirect.scatter.add.f32 [tilespmem:s17], [sflag:$0x4], $0x10, s13, s16, $0xb8;
	[tilespmem:$0x143C8] =	vst v63  }
0x140: {  	s14 =	simm.s32 $0xC0  }
0x141: {  	[spmem:s2] =	stream.indirect.scatter.add.f32 [tilespmem:s18], [sflag:$0x4], $0x10, s14, s16, $0xb8;
	[tilespmem:$0x143C8] =	vst v63  }
0x142: {  	s4 =	simm.s32 $0x120  }
0x143: {  	[spmem:s2] =	stream.indirect.scatter.add.f32 [tilespmem:s19], [sflag:$0x4], $0x10, s4, s16, $0xb8;
	[tilespmem:$0x143C8] =	vst v63  }
0x144: {  	s13 =	simm.s32 $0x180  }
0x145: {  	[spmem:s2] =	stream.indirect.scatter.add.f32 [tilespmem:s21], [sflag:$0x4], $0x10, s13, s16, $0xb8;
	[tilespmem:$0x143C8] =	vst v63  }
0x146: {  	_ =	swait.ge [sflag:s15], $0x1E00  }
0x147: {  	[sflag:s15] =	ssyncset.done $0x0  }
0x148: {  	s14 =	simm.s32 $0x1E0;
	[sflag:s15] =	ssyncadd.s32 $0xFFFFE200  }
0x149: {  	[spmem:s2] =	stream.indirect.scatter.add.f32 [tilespmem:s1], [sflag:$0x4], $0x10, s14, s16, $0xb8;
	[tilespmem:$0x143C8] =	vst v63  }
0x14a: {  	s4 =	simm.s32 $0x240  }
0x14b: {  	[spmem:s2] =	stream.indirect.scatter.add.f32 [tilespmem:s22], [sflag:$0x4], $0x10, s4, s16, $0xb8;
	[tilespmem:$0x143C8] =	vst v63  }
0x14c: {  	s13 =	simm.s32 $0x2A0  }
0x14d: {  	[spmem:s2] =	stream.indirect.scatter.add.f32 [tilespmem:s23], [sflag:$0x4], $0x10, s13, s16, $0xb8;
	[tilespmem:$0x143C8] =	vst v63  }
0x14e: {  	s14 =	simm.s32 $0x300  }
0x14f: {  	[spmem:s2] =	stream.indirect.scatter.add.f32 [tilespmem:s24], [sflag:$0x4], $0x10, s14, s16, $0xb8;
	[tilespmem:$0x143C8] =	vst v63  }
0x150: {  	s4 =	simm.s32 $0x360  }
0x151: {  	[spmem:s2] =	stream.indirect.scatter.add.f32 [tilespmem:s25], [sflag:$0x4], $0x10, s4, s16, $0xb8;
	[tilespmem:$0x143C8] =	vst v63  }
0x152: {  	_ =	swait.ge [sflag:s20], $0x1E00  }
0x153: {  	[sflag:s20] =	ssyncset.done $0x0  }
0x154: {  	s13 =	simm.s32 $0x3C0;
	[sflag:s20] =	ssyncadd.s32 $0xFFFFE200  }
0x155: {  	[spmem:s2] =	stream.indirect.scatter.add.f32 [tilespmem:s0], [sflag:$0x4], $0x10, s13, s16, $0xb8;
	[tilespmem:$0x143C8] =	vst v63  }
0x156: {  	s14 =	simm.s32 $0x420  }
0x157: {  	[spmem:s2] =	stream.indirect.scatter.add.f32 [tilespmem:s6], [sflag:$0x4], $0x10, s14, s16, $0xb8;
	[tilespmem:$0x143C8] =	vst v63  }
0x158: {  	s4 =	simm.s32 $0x480  }
0x159: {  	[spmem:s2] =	stream.indirect.scatter.add.f32 [tilespmem:s7], [sflag:$0x4], $0x10, s4, s16, $0xb8;
	[tilespmem:$0x143C8] =	vst v63  }
0x15a: {  	s13 =	simm.s32 $0x4E0  }
0x15b: {  	[spmem:s2] =	stream.indirect.scatter.add.f32 [tilespmem:s8], [sflag:$0x4], $0x10, s13, s16, $0xb8;
	[tilespmem:$0x143C8] =	vst v63  }
0x15c: {  	s14 =	simm.s32 $0x540  }
0x15d: {  	[spmem:s2] =	stream.indirect.scatter.add.f32 [tilespmem:s9], [sflag:$0x4], $0x10, s14, s16, $0xb8;
	[tilespmem:$0x143C8] =	vst v63  }
0x15e: {  	_ =	swait.ge [sflag:s10], $0x600  }
0x15f: {  	[sflag:s10] =	ssyncset.done $0x0  }
0x160: {  	[sflag:s10] =	ssyncadd.s32 $0xFFFFFA00  }
0x161: {  	_ =	swait.ge [sflag:s10], $0x600  }
0x162: {  	[sflag:s10] =	ssyncset.done $0x0  }
0x163: {  	[sflag:s10] =	ssyncadd.s32 $0xFFFFFA00  }
0x164: {  	_ =	swait.ge [sflag:s10], $0x600  }
0x165: {  	[sflag:s10] =	ssyncset.done $0x0  }
0x166: {  	[sflag:s10] =	ssyncadd.s32 $0xFFFFFA00  }
0x167: {  	_ =	swait.ge [sflag:s10], $0x600  }
0x168: {  	[sflag:s10] =	ssyncset.done $0x0  }
0x169: {  	[sflag:s10] =	ssyncadd.s32 $0xFFFFFA00  }
0x16a: {  	_ =	swait.ge [sflag:s10], $0x600  }
0x16b: {  	[sflag:s10] =	ssyncset.done $0x0  }
0x16c: {  	[sflag:s10] =	ssyncadd.s32 $0xFFFFFA00  }
0x16d: {  	_ =	swait.ge [sflag:s10], $0x600  }
0x16e: {  	[sflag:s10] =	ssyncset.done $0x0  }
0x16f: {  	[sflag:s10] =	ssyncadd.s32 $0xFFFFFA00  }
0x170: {  	_ =	swait.ge [sflag:s10], $0x600  }
0x171: {  	[sflag:s10] =	ssyncset.done $0x0  }
0x172: {  	[sflag:s10] =	ssyncadd.s32 $0xFFFFFA00  }
0x173: {  	_ =	swait.ge [sflag:s10], $0x600  }
0x174: {  	[sflag:s10] =	ssyncset.done $0x0  }
0x175: {  	[sflag:s10] =	ssyncadd.s32 $0xFFFFFA00  }
0x176: {  	_ =	swait.ge [sflag:s10], $0x600  }
0x177: {  	[sflag:s10] =	ssyncset.done $0x0  }
0x178: {  	[sflag:s10] =	ssyncadd.s32 $0xFFFFFA00  }
0x179: {  	_ =	swait.ge [sflag:s10], $0x600  }
0x17a: {  	[sflag:s10] =	ssyncset.done $0x0  }
0x17b: {  	[sflag:s10] =	ssyncadd.s32 $0xFFFFFA00  }
0x17c: {  	_ =	swait.ge [sflag:s10], $0x600  }
0x17d: {  	[sflag:s10] =	ssyncset.done $0x0  }
0x17e: {  	[sflag:s10] =	ssyncadd.s32 $0xFFFFFA00  }
0x17f: {  	_ =	swait.ge [sflag:s10], $0x600  }
0x180: {  	[sflag:s10] =	ssyncset.done $0x0  }
0x181: {  	[sflag:s10] =	ssyncadd.s32 $0xFFFFFA00  }
0x182: {  	_ =	swait.ge [sflag:s10], $0x600  }
0x183: {  	[sflag:s10] =	ssyncset.done $0x0  }
0x184: {  	[sflag:s10] =	ssyncadd.s32 $0xFFFFFA00  }
0x185: {  	_ =	swait.ge [sflag:s10], $0x600  }
0x186: {  	[sflag:s10] =	ssyncset.done $0x0  }
0x187: {  	[sflag:s10] =	ssyncadd.s32 $0xFFFFFA00  }
0x188: {  	s4 =	simm.s32 $0x2D00;
	_ =	swait.ge [sflag:s10], $0x600  }
0x189: {  	s13 =	simm.s32 $0x1680;
	s14 =	sadd.s32 $0x3840, s11;
	[sflag:s10] =	ssyncset.done $0x0  }
.LBB2_6:
0x18a: {  	p0 =	sne.s32 s4, $0xE100;
	s3 =	sadd.s32 $0xFFFFED40, s14;
	[sflag:s10] =	ssyncadd.s32 $0xFFFFFA00  }
0x18b: {  	[tilespmem:s31], [sflag:$0x1] =	stream.strided.gather [hbm4b:s3+s29], $0x1E00, s30, s29, $0x38;
	[tilespmem:$0x143C8] =	vst v63  }
0x18c: {  	s11 =	smov.u32 s4;
	s4 =	sadd.s32 $0x1680, s4  }
0x18d: {  	[tilespmem:s1], [sflag:$0x2] =	stream.strided.gather [hbm4b:s14+s29], $0x1E00, s30, s29, $0x38;
	[tilespmem:$0x143C8] =	vst v63  }
0x18e: {  	s3 =	sadd.s32 $0x12C0, s14  }
0x18f: {  	[tilespmem:s0], [sflag:$0x3] =	stream.strided.gather [hbm4b:s3+s29], $0x1E00, s30, s29, $0x38;
	[tilespmem:$0x143C8] =	vst v63  }
0x190: {  	_ =	swait.ge [sflag:s5], $0x1E00  }
0x191: {  	[sflag:s5] =	ssyncset.done $0x0  }
0x192: {  	s3 =	sshra.s32 s13, $0x2;
	s13 =	smov.u32 s11;
	[sflag:s5] =	ssyncadd.s32 $0xFFFFE200  }
0x193: {  	[spmem:s2] =	stream.indirect.scatter.add.f32 [tilespmem:s31], [sflag:$0x4], $0x10, s3, s16, $0xb8;
	[tilespmem:$0x143C8] =	vst v63  }
0x194: {  	s11 =	sadd.s32 $0x60, s3  }
0x195: {  	[spmem:s2] =	stream.indirect.scatter.add.f32 [tilespmem:s17], [sflag:$0x4], $0x10, s11, s16, $0xb8;
	[tilespmem:$0x143C8] =	vst v63  }
0x196: {  	s11 =	sadd.s32 $0xC0, s3  }
0x197: {  	[spmem:s2] =	stream.indirect.scatter.add.f32 [tilespmem:s18], [sflag:$0x4], $0x10, s11, s16, $0xb8;
	[tilespmem:$0x143C8] =	vst v63  }
0x198: {  	s11 =	sadd.s32 $0x120, s3  }
0x199: {  	[spmem:s2] =	stream.indirect.scatter.add.f32 [tilespmem:s19], [sflag:$0x4], $0x10, s11, s16, $0xb8;
	[tilespmem:$0x143C8] =	vst v63  }
0x19a: {  	s11 =	sadd.s32 $0x180, s3  }
0x19b: {  	[spmem:s2] =	stream.indirect.scatter.add.f32 [tilespmem:s21], [sflag:$0x4], $0x10, s11, s16, $0xb8;
	[tilespmem:$0x143C8] =	vst v63  }
0x19c: {  	_ =	swait.ge [sflag:s15], $0x1E00  }
0x19d: {  	[sflag:s15] =	ssyncset.done $0x0  }
0x19e: {  	s11 =	sadd.s32 $0x1E0, s3;
	[sflag:s15] =	ssyncadd.s32 $0xFFFFE200  }
0x19f: {  	[spmem:s2] =	stream.indirect.scatter.add.f32 [tilespmem:s1], [sflag:$0x4], $0x10, s11, s16, $0xb8;
	[tilespmem:$0x143C8] =	vst v63  }
0x1a0: {  	s11 =	sadd.s32 $0x240, s3  }
0x1a1: {  	[spmem:s2] =	stream.indirect.scatter.add.f32 [tilespmem:s22], [sflag:$0x4], $0x10, s11, s16, $0xb8;
	[tilespmem:$0x143C8] =	vst v63  }
0x1a2: {  	s11 =	sadd.s32 $0x2A0, s3  }
0x1a3: {  	[spmem:s2] =	stream.indirect.scatter.add.f32 [tilespmem:s23], [sflag:$0x4], $0x10, s11, s16, $0xb8;
	[tilespmem:$0x143C8] =	vst v63  }
0x1a4: {  	s11 =	sadd.s32 $0x300, s3  }
0x1a5: {  	[spmem:s2] =	stream.indirect.scatter.add.f32 [tilespmem:s24], [sflag:$0x4], $0x10, s11, s16, $0xb8;
	[tilespmem:$0x143C8] =	vst v63  }
0x1a6: {  	s11 =	sadd.s32 $0x360, s3  }
0x1a7: {  	[spmem:s2] =	stream.indirect.scatter.add.f32 [tilespmem:s25], [sflag:$0x4], $0x10, s11, s16, $0xb8;
	[tilespmem:$0x143C8] =	vst v63  }
0x1a8: {  	_ =	swait.ge [sflag:s20], $0x1E00  }
0x1a9: {  	[sflag:s20] =	ssyncset.done $0x0  }
0x1aa: {  	s11 =	sadd.s32 $0x3C0, s3;
	[sflag:s20] =	ssyncadd.s32 $0xFFFFE200  }
0x1ab: {  	[spmem:s2] =	stream.indirect.scatter.add.f32 [tilespmem:s0], [sflag:$0x4], $0x10, s11, s16, $0xb8;
	[tilespmem:$0x143C8] =	vst v63  }
0x1ac: {  	s11 =	sadd.s32 $0x420, s3  }
0x1ad: {  	[spmem:s2] =	stream.indirect.scatter.add.f32 [tilespmem:s6], [sflag:$0x4], $0x10, s11, s16, $0xb8;
	[tilespmem:$0x143C8] =	vst v63  }
0x1ae: {  	s11 =	sadd.s32 $0x480, s3  }
0x1af: {  	[spmem:s2] =	stream.indirect.scatter.add.f32 [tilespmem:s7], [sflag:$0x4], $0x10, s11, s16, $0xb8;
	[tilespmem:$0x143C8] =	vst v63  }
0x1b0: {  	s11 =	sadd.s32 $0x4E0, s3  }
0x1b1: {  	[spmem:s2] =	stream.indirect.scatter.add.f32 [tilespmem:s8], [sflag:$0x4], $0x10, s11, s16, $0xb8;
	[tilespmem:$0x143C8] =	vst v63  }
0x1b2: {  	s3 =	sadd.s32 $0x540, s3  }
0x1b3: {  	[spmem:s2] =	stream.indirect.scatter.add.f32 [tilespmem:s9], [sflag:$0x4], $0x10, s3, s16, $0xb8;
	[tilespmem:$0x143C8] =	vst v63  }
0x1b4: {  	_ =	swait.ge [sflag:s10], $0x600  }
0x1b5: {  	[sflag:s10] =	ssyncset.done $0x0  }
0x1b6: {  	[sflag:s10] =	ssyncadd.s32 $0xFFFFFA00  }
0x1b7: {  	_ =	swait.ge [sflag:s10], $0x600  }
0x1b8: {  	[sflag:s10] =	ssyncset.done $0x0  }
0x1b9: {  	[sflag:s10] =	ssyncadd.s32 $0xFFFFFA00  }
0x1ba: {  	_ =	swait.ge [sflag:s10], $0x600  }
0x1bb: {  	[sflag:s10] =	ssyncset.done $0x0  }
0x1bc: {  	[sflag:s10] =	ssyncadd.s32 $0xFFFFFA00  }
0x1bd: {  	_ =	swait.ge [sflag:s10], $0x600  }
0x1be: {  	[sflag:s10] =	ssyncset.done $0x0  }
0x1bf: {  	[sflag:s10] =	ssyncadd.s32 $0xFFFFFA00  }
0x1c0: {  	_ =	swait.ge [sflag:s10], $0x600  }
0x1c1: {  	[sflag:s10] =	ssyncset.done $0x0  }
0x1c2: {  	[sflag:s10] =	ssyncadd.s32 $0xFFFFFA00  }
0x1c3: {  	_ =	swait.ge [sflag:s10], $0x600  }
0x1c4: {  	[sflag:s10] =	ssyncset.done $0x0  }
0x1c5: {  	[sflag:s10] =	ssyncadd.s32 $0xFFFFFA00  }
0x1c6: {  	_ =	swait.ge [sflag:s10], $0x600  }
0x1c7: {  	[sflag:s10] =	ssyncset.done $0x0  }
0x1c8: {  	[sflag:s10] =	ssyncadd.s32 $0xFFFFFA00  }
0x1c9: {  	_ =	swait.ge [sflag:s10], $0x600  }
0x1ca: {  	[sflag:s10] =	ssyncset.done $0x0  }
0x1cb: {  	[sflag:s10] =	ssyncadd.s32 $0xFFFFFA00  }
0x1cc: {  	_ =	swait.ge [sflag:s10], $0x600  }
0x1cd: {  	[sflag:s10] =	ssyncset.done $0x0  }
0x1ce: {  	[sflag:s10] =	ssyncadd.s32 $0xFFFFFA00  }
0x1cf: {  	_ =	swait.ge [sflag:s10], $0x600  }
0x1d0: {  	[sflag:s10] =	ssyncset.done $0x0  }
0x1d1: {  	[sflag:s10] =	ssyncadd.s32 $0xFFFFFA00  }
0x1d2: {  	_ =	swait.ge [sflag:s10], $0x600  }
0x1d3: {  	[sflag:s10] =	ssyncset.done $0x0  }
0x1d4: {  	[sflag:s10] =	ssyncadd.s32 $0xFFFFFA00  }
0x1d5: {  	_ =	swait.ge [sflag:s10], $0x600  }
0x1d6: {  	[sflag:s10] =	ssyncset.done $0x0  }
0x1d7: {  	[sflag:s10] =	ssyncadd.s32 $0xFFFFFA00  }
0x1d8: {  	_ =	swait.ge [sflag:s10], $0x600  }
0x1d9: {  	[sflag:s10] =	ssyncset.done $0x0  }
0x1da: {  	[sflag:s10] =	ssyncadd.s32 $0xFFFFFA00  }
.Ltmp2:
0x1db: {  	_ =	swait.ge [sflag:s10], $0x600;
	(pc) =	sbr.rel @p0 .LBB2_6-.Ltmp2, $4  }
0x1dc: {  	[sflag:s10] =	ssyncset.done $0x0  }
0x1dd: {  	[sflag:s10] =	ssyncadd.s32 $0xFFFFFA00  }
0x1de: {  	_ =	swait.ge [sflag:s10], $0x600  }
0x1df: {  	s14 =	sadd.s32 $0x3840, s14;
	[sflag:s10] =	ssyncset.done $0x0  }
0x1e0: {  	s3 =	sadd.s32 $0xFFFFED40, s14;
	[sflag:s10] =	ssyncadd.s32 $0xFFFFFA00  }
0x1e1: {  	[tilespmem:s31], [sflag:$0x1] =	stream.strided.gather [hbm4b:s3+s29], $0x1E00, s30, s29, $0x38;
	[tilespmem:$0x143C8] =	vst v63  }
0x1e2: {  	_ = 	snop  }
0x1e3: {  	[tilespmem:s1], [sflag:$0x2] =	stream.strided.gather [hbm4b:s14+s29], $0x1E00, s30, s29, $0x38;
	[tilespmem:$0x143C8] =	vst v63  }
0x1e4: {  	s11 =	sadd.s32 $0x12C0, s14  }
0x1e5: {  	[tilespmem:s0], [sflag:$0x3] =	stream.strided.gather [hbm4b:s11+s29], $0x1E00, s30, s29, $0x38;
	[tilespmem:$0x143C8] =	vst v63  }
0x1e6: {  	_ =	swait.ge [sflag:s5], $0x1E00  }
0x1e7: {  	[sflag:s5] =	ssyncset.done $0x0  }
0x1e8: {  	s3 =	sshra.s32 s13, $0x2;
	[sflag:s5] =	ssyncadd.s32 $0xFFFFE200  }
0x1e9: {  	[spmem:s2] =	stream.indirect.scatter.add.f32 [tilespmem:s31], [sflag:$0x4], $0x10, s3, s16, $0xb8;
	[tilespmem:$0x143C8] =	vst v63  }
0x1ea: {  	s4 =	sadd.s32 $0x60, s3  }
0x1eb: {  	[spmem:s2] =	stream.indirect.scatter.add.f32 [tilespmem:s17], [sflag:$0x4], $0x10, s4, s16, $0xb8;
	[tilespmem:$0x143C8] =	vst v63  }
0x1ec: {  	s13 =	sadd.s32 $0xC0, s3  }
0x1ed: {  	[spmem:s2] =	stream.indirect.scatter.add.f32 [tilespmem:s18], [sflag:$0x4], $0x10, s13, s16, $0xb8;
	[tilespmem:$0x143C8] =	vst v63  }
0x1ee: {  	s14 =	sadd.s32 $0x120, s3  }
0x1ef: {  	[spmem:s2] =	stream.indirect.scatter.add.f32 [tilespmem:s19], [sflag:$0x4], $0x10, s14, s16, $0xb8;
	[tilespmem:$0x143C8] =	vst v63  }
0x1f0: {  	s11 =	sadd.s32 $0x180, s3  }
0x1f1: {  	[spmem:s2] =	stream.indirect.scatter.add.f32 [tilespmem:s21], [sflag:$0x4], $0x10, s11, s16, $0xb8;
	[tilespmem:$0x143C8] =	vst v63  }
0x1f2: {  	_ =	swait.ge [sflag:s15], $0x1E00  }
0x1f3: {  	[sflag:s15] =	ssyncset.done $0x0  }
0x1f4: {  	s13 =	sadd.s32 $0x1E0, s3;
	[sflag:s15] =	ssyncadd.s32 $0xFFFFE200  }
0x1f5: {  	[spmem:s2] =	stream.indirect.scatter.add.f32 [tilespmem:s1], [sflag:$0x4], $0x10, s13, s16, $0xb8;
	[tilespmem:$0x143C8] =	vst v63  }
0x1f6: {  	s14 =	sadd.s32 $0x240, s3  }
0x1f7: {  	[spmem:s2] =	stream.indirect.scatter.add.f32 [tilespmem:s22], [sflag:$0x4], $0x10, s14, s16, $0xb8;
	[tilespmem:$0x143C8] =	vst v63  }
0x1f8: {  	s11 =	sadd.s32 $0x2A0, s3  }
0x1f9: {  	[spmem:s2] =	stream.indirect.scatter.add.f32 [tilespmem:s23], [sflag:$0x4], $0x10, s11, s16, $0xb8;
	[tilespmem:$0x143C8] =	vst v63  }
0x1fa: {  	s13 =	sadd.s32 $0x300, s3  }
0x1fb: {  	[spmem:s2] =	stream.indirect.scatter.add.f32 [tilespmem:s24], [sflag:$0x4], $0x10, s13, s16, $0xb8;
	[tilespmem:$0x143C8] =	vst v63  }
0x1fc: {  	s14 =	sadd.s32 $0x360, s3  }
0x1fd: {  	[spmem:s2] =	stream.indirect.scatter.add.f32 [tilespmem:s25], [sflag:$0x4], $0x10, s14, s16, $0xb8;
	[tilespmem:$0x143C8] =	vst v63  }
0x1fe: {  	_ =	swait.ge [sflag:s20], $0x1E00  }
0x1ff: {  	[sflag:s20] =	ssyncset.done $0x0  }
0x200: {  	s11 =	sadd.s32 $0x3C0, s3;
	[sflag:s20] =	ssyncadd.s32 $0xFFFFE200  }
0x201: {  	[spmem:s2] =	stream.indirect.scatter.add.f32 [tilespmem:s0], [sflag:$0x4], $0x10, s11, s16, $0xb8;
	[tilespmem:$0x143C8] =	vst v63  }
0x202: {  	s13 =	sadd.s32 $0x420, s3  }
0x203: {  	[spmem:s2] =	stream.indirect.scatter.add.f32 [tilespmem:s6], [sflag:$0x4], $0x10, s13, s16, $0xb8;
	[tilespmem:$0x143C8] =	vst v63  }
0x204: {  	s14 =	sadd.s32 $0x480, s3  }
0x205: {  	[spmem:s2] =	stream.indirect.scatter.add.f32 [tilespmem:s7], [sflag:$0x4], $0x10, s14, s16, $0xb8;
	[tilespmem:$0x143C8] =	vst v63  }
0x206: {  	s11 =	sadd.s32 $0x4E0, s3  }
0x207: {  	[spmem:s2] =	stream.indirect.scatter.add.f32 [tilespmem:s8], [sflag:$0x4], $0x10, s11, s16, $0xb8;
	[tilespmem:$0x143C8] =	vst v63  }
0x208: {  	s3 =	sadd.s32 $0x540, s3  }
0x209: {  	[spmem:s2] =	stream.indirect.scatter.add.f32 [tilespmem:s9], [sflag:$0x4], $0x10, s3, s16, $0xb8;
	[tilespmem:$0x143C8] =	vst v63  }
0x20a: {  	_ =	swait.ge [sflag:s10], $0x600  }
0x20b: {  	[sflag:s10] =	ssyncset.done $0x0  }
0x20c: {  	[sflag:s10] =	ssyncadd.s32 $0xFFFFFA00  }
0x20d: {  	_ =	swait.ge [sflag:s10], $0x600  }
0x20e: {  	[sflag:s10] =	ssyncset.done $0x0  }
0x20f: {  	[sflag:s10] =	ssyncadd.s32 $0xFFFFFA00  }
0x210: {  	_ =	swait.ge [sflag:s10], $0x600  }
0x211: {  	[sflag:s10] =	ssyncset.done $0x0  }
0x212: {  	[sflag:s10] =	ssyncadd.s32 $0xFFFFFA00  }
0x213: {  	_ =	swait.ge [sflag:s10], $0x600  }
0x214: {  	[sflag:s10] =	ssyncset.done $0x0  }
0x215: {  	[sflag:s10] =	ssyncadd.s32 $0xFFFFFA00  }
0x216: {  	_ =	swait.ge [sflag:s10], $0x600  }
0x217: {  	[sflag:s10] =	ssyncset.done $0x0  }
0x218: {  	[sflag:s10] =	ssyncadd.s32 $0xFFFFFA00  }
0x219: {  	_ =	swait.ge [sflag:s10], $0x600  }
0x21a: {  	[sflag:s10] =	ssyncset.done $0x0  }
0x21b: {  	[sflag:s10] =	ssyncadd.s32 $0xFFFFFA00  }
0x21c: {  	_ =	swait.ge [sflag:s10], $0x600  }
0x21d: {  	[sflag:s10] =	ssyncset.done $0x0  }
0x21e: {  	[sflag:s10] =	ssyncadd.s32 $0xFFFFFA00  }
0x21f: {  	_ =	swait.ge [sflag:s10], $0x600  }
0x220: {  	[sflag:s10] =	ssyncset.done $0x0  }
0x221: {  	[sflag:s10] =	ssyncadd.s32 $0xFFFFFA00  }
0x222: {  	_ =	swait.ge [sflag:s10], $0x600  }
0x223: {  	[sflag:s10] =	ssyncset.done $0x0  }
0x224: {  	[sflag:s10] =	ssyncadd.s32 $0xFFFFFA00  }
0x225: {  	_ =	swait.ge [sflag:s10], $0x600  }
0x226: {  	[sflag:s10] =	ssyncset.done $0x0  }
0x227: {  	[sflag:s10] =	ssyncadd.s32 $0xFFFFFA00  }
0x228: {  	_ =	swait.ge [sflag:s10], $0x600  }
0x229: {  	[sflag:s10] =	ssyncset.done $0x0  }
0x22a: {  	[sflag:s10] =	ssyncadd.s32 $0xFFFFFA00  }
0x22b: {  	_ =	swait.ge [sflag:s10], $0x600  }
0x22c: {  	[sflag:s10] =	ssyncset.done $0x0  }
0x22d: {  	[sflag:s10] =	ssyncadd.s32 $0xFFFFFA00  }
0x22e: {  	_ =	swait.ge [sflag:s10], $0x600  }
0x22f: {  	[sflag:s10] =	ssyncset.done $0x0  }
0x230: {  	[sflag:s10] =	ssyncadd.s32 $0xFFFFFA00  }
0x231: {  	_ =	swait.ge [sflag:s10], $0x600  }
0x232: {  	[sflag:s10] =	ssyncset.done $0x0  }
0x233: {  	[sflag:s10] =	ssyncadd.s32 $0xFFFFFA00  }
0x234: {  	_ =	swait.ge [sflag:s10], $0x600  }
0x235: {  	[sflag:s10] =	ssyncset.done $0x0  }
0x236: {  	[sflag:s10] =	ssyncadd.s32 $0xFFFFFA00  }
0x237: {  	[bflag:$0x0] =	sbarrier.arrive $0xFFFF  }
0x238: {  	s13 =	rddreg [dreg:$0x11]  }
0x239: {  	s14 =	simm.s32 $0xA;
	s11 =	rddreg [dreg:$0x1b]  }
0x23a: {  	[hbm:s13@s14], [sflag:s11] =	dma.strided [spmem:s12@s15], $0x1388, s5, $0x2   }
0x23b: {  	_ =	swait.ge [sflag:s26], $0x1388  }
0x23c: {  	[sflag:s26] =	ssyncset.done $0x0  }
0x23d: {  	[sflag:s26] =	ssyncadd.s32 $0xFFFFEC78  }
0x23e: {  	[bflag:$0x0] =	sbarrier.arrive $0xFFFF  }
0x23f: {  	s4 =	rddreg [dreg:$0x5]  }
0x240: {  	[spmem:s4] =	stream.linear.scatter [tilespmem:s28], [sflag:$0x5], $0xFA0, $0x38;
	[tilespmem:$0x143C8] =	vst v63  }
0x241: {  	_ =	swait.ge [sflag:s26], $0xFA0  }
0x242: {  	[sflag:s26] =	ssyncset.done $0x0  }
0x243: {  	s11 =	rddreg [dreg:$0x7];
	[sflag:s26] =	ssyncadd.s32 $0xFFFFF060  }
0x244: {  	[spmem:s11] =	stream.linear.scatter [tilespmem:s28], [sflag:$0x5], $0xFA0, $0x38;
	[tilespmem:$0x143C8] =	vst v63  }
0x245: {  	_ =	swait.ge [sflag:s26], $0xFA0  }
0x246: {  	[sflag:s26] =	ssyncset.done $0x0  }
0x247: {  	s13 =	rddreg [dreg:$0x8];
	[sflag:s26] =	ssyncadd.s32 $0xFFFFF060  }
0x248: {  	[spmem:s13] =	stream.linear.scatter [tilespmem:s28], [sflag:$0x5], $0xFA0, $0x38;
	[tilespmem:$0x143C8] =	vst v63  }
0x249: {  	_ =	swait.ge [sflag:s26], $0xFA0  }
0x24a: {  	[sflag:s26] =	ssyncset.done $0x0  }
0x24b: {  	s14 =	rddreg [dreg:$0x9];
	[sflag:s26] =	ssyncadd.s32 $0xFFFFF060  }
0x24c: {  	[spmem:s14] =	stream.linear.scatter [tilespmem:s28], [sflag:$0x5], $0xFA0, $0x38;
	[tilespmem:$0x143C8] =	vst v63  }
0x24d: {  	_ =	swait.ge [sflag:s26], $0xFA0  }
0x24e: {  	[sflag:s26] =	ssyncset.done $0x0  }
0x24f: {  	s4 =	rddreg [dreg:$0xa];
	[sflag:s26] =	ssyncadd.s32 $0xFFFFF060  }
0x250: {  	[spmem:s4] =	stream.linear.scatter [tilespmem:s28], [sflag:$0x5], $0xFA0, $0x38;
	[tilespmem:$0x143C8] =	vst v63  }
0x251: {  	_ =	swait.ge [sflag:s26], $0xFA0  }
0x252: {  	[sflag:s26] =	ssyncset.done $0x0  }
0x253: {  	s11 =	rddreg [dreg:$0xb];
	[sflag:s26] =	ssyncadd.s32 $0xFFFFF060  }
0x254: {  	[spmem:s11] =	stream.linear.scatter [tilespmem:s28], [sflag:$0x5], $0xFA0, $0x38;
	[tilespmem:$0x143C8] =	vst v63  }
0x255: {  	_ =	swait.ge [sflag:s26], $0xFA0  }
0x256: {  	[sflag:s26] =	ssyncset.done $0x0  }
0x257: {  	s13 =	rddreg [dreg:$0xc];
	[sflag:s26] =	ssyncadd.s32 $0xFFFFF060  }
0x258: {  	[spmem:s13] =	stream.linear.scatter [tilespmem:s28], [sflag:$0x5], $0xFA0, $0x38;
	[tilespmem:$0x143C8] =	vst v63  }
0x259: {  	_ =	swait.ge [sflag:s26], $0xFA0  }
0x25a: {  	[sflag:s26] =	ssyncset.done $0x0  }
0x25b: {  	s14 =	rddreg [dreg:$0xd];
	[sflag:s26] =	ssyncadd.s32 $0xFFFFF060  }
0x25c: {  	[spmem:s14] =	stream.linear.scatter [tilespmem:s28], [sflag:$0x5], $0xFA0, $0x38;
	[tilespmem:$0x143C8] =	vst v63  }
0x25d: {  	_ =	swait.ge [sflag:s26], $0xFA0  }
0x25e: {  	[sflag:s26] =	ssyncset.done $0x0  }
0x25f: {  	s4 =	rddreg [dreg:$0xe];
	[sflag:s26] =	ssyncadd.s32 $0xFFFFF060  }
0x260: {  	[spmem:s4] =	stream.linear.scatter [tilespmem:s28], [sflag:$0x5], $0xFA0, $0x38;
	[tilespmem:$0x143C8] =	vst v63  }
0x261: {  	_ =	swait.ge [sflag:s26], $0xFA0  }
0x262: {  	[sflag:s26] =	ssyncset.done $0x0  }
0x263: {  	s11 =	rddreg [dreg:$0xf];
	[sflag:s26] =	ssyncadd.s32 $0xFFFFF060  }
0x264: {  	[spmem:s11] =	stream.linear.scatter [tilespmem:s28], [sflag:$0x5], $0xFA0, $0x38;
	[tilespmem:$0x143C8] =	vst v63  }
0x265: {  	_ =	swait.ge [sflag:s26], $0xFA0  }
0x266: {  	[sflag:s26] =	ssyncset.done $0x0  }
0x267: {  	[sflag:s26] =	ssyncadd.s32 $0xFFFFF060  }
0x268: {  	[bflag:$0x0] =	sbarrier.arrive $0xFFFF  }
0x269: {  	s11 =	rddreg [dreg:$0x18]  }
0x26a: {  	s13 =	sadd.s32 $0xFFFFED40, s11  }
0x26b: {  	[tilespmem:s31], [sflag:$0x1] =	stream.strided.gather [hbm4b:s13+s29], $0x1E00, s30, s29, $0x38;
	[tilespmem:$0x143C8] =	vst v63  }
0x26c: {  	_ = 	snop  }
0x26d: {  	[tilespmem:s1], [sflag:$0x2] =	stream.strided.gather [hbm4b:s11+s29], $0x1E00, s30, s29, $0x38;
	[tilespmem:$0x143C8] =	vst v63  }
0x26e: {  	s14 =	sadd.s32 $0x12C0, s11  }
0x26f: {  	[tilespmem:s0], [sflag:$0x3] =	stream.strided.gather [hbm4b:s14+s29], $0x1E00, s30, s29, $0x38;
	[tilespmem:$0x143C8] =	vst v63  }
0x270: {  	_ =	swait.ge [sflag:s5], $0x1E00  }
0x271: {  	[sflag:s5] =	ssyncset.done $0x0  }
0x272: {  	s4 =	simm.s32 $0x0;
	[sflag:s5] =	ssyncadd.s32 $0xFFFFE200  }
0x273: {  	[spmem:s2] =	stream.indirect.scatter.add.f32 [tilespmem:s31], [sflag:$0x4], $0x10, s4, s16, $0xb8;
	[tilespmem:$0x143C8] =	vst v63  }
0x274: {  	s13 =	simm.s32 $0x60  }
0x275: {  	[spmem:s2] =	stream.indirect.scatter.add.f32 [tilespmem:s17], [sflag:$0x4], $0x10, s13, s16, $0xb8;
	[tilespmem:$0x143C8] =	vst v63  }
0x276: {  	s14 =	simm.s32 $0xC0  }
0x277: {  	[spmem:s2] =	stream.indirect.scatter.add.f32 [tilespmem:s18], [sflag:$0x4], $0x10, s14, s16, $0xb8;
	[tilespmem:$0x143C8] =	vst v63  }
0x278: {  	s4 =	simm.s32 $0x120  }
0x279: {  	[spmem:s2] =	stream.indirect.scatter.add.f32 [tilespmem:s19], [sflag:$0x4], $0x10, s4, s16, $0xb8;
	[tilespmem:$0x143C8] =	vst v63  }
0x27a: {  	s13 =	simm.s32 $0x180  }
0x27b: {  	[spmem:s2] =	stream.indirect.scatter.add.f32 [tilespmem:s21], [sflag:$0x4], $0x10, s13, s16, $0xb8;
	[tilespmem:$0x143C8] =	vst v63  }
0x27c: {  	_ =	swait.ge [sflag:s15], $0x1E00  }
0x27d: {  	[sflag:s15] =	ssyncset.done $0x0  }
0x27e: {  	s14 =	simm.s32 $0x1E0;
	[sflag:s15] =	ssyncadd.s32 $0xFFFFE200  }
0x27f: {  	[spmem:s2] =	stream.indirect.scatter.add.f32 [tilespmem:s1], [sflag:$0x4], $0x10, s14, s16, $0xb8;
	[tilespmem:$0x143C8] =	vst v63  }
0x280: {  	s4 =	simm.s32 $0x240  }
0x281: {  	[spmem:s2] =	stream.indirect.scatter.add.f32 [tilespmem:s22], [sflag:$0x4], $0x10, s4, s16, $0xb8;
	[tilespmem:$0x143C8] =	vst v63  }
0x282: {  	s13 =	simm.s32 $0x2A0  }
0x283: {  	[spmem:s2] =	stream.indirect.scatter.add.f32 [tilespmem:s23], [sflag:$0x4], $0x10, s13, s16, $0xb8;
	[tilespmem:$0x143C8] =	vst v63  }
0x284: {  	s14 =	simm.s32 $0x300  }
0x285: {  	[spmem:s2] =	stream.indirect.scatter.add.f32 [tilespmem:s24], [sflag:$0x4], $0x10, s14, s16, $0xb8;
	[tilespmem:$0x143C8] =	vst v63  }
0x286: {  	s4 =	simm.s32 $0x360  }
0x287: {  	[spmem:s2] =	stream.indirect.scatter.add.f32 [tilespmem:s25], [sflag:$0x4], $0x10, s4, s16, $0xb8;
	[tilespmem:$0x143C8] =	vst v63  }
0x288: {  	_ =	swait.ge [sflag:s20], $0x1E00  }
0x289: {  	[sflag:s20] =	ssyncset.done $0x0  }
0x28a: {  	s13 =	simm.s32 $0x3C0;
	[sflag:s20] =	ssyncadd.s32 $0xFFFFE200  }
0x28b: {  	[spmem:s2] =	stream.indirect.scatter.add.f32 [tilespmem:s0], [sflag:$0x4], $0x10, s13, s16, $0xb8;
	[tilespmem:$0x143C8] =	vst v63  }
0x28c: {  	s14 =	simm.s32 $0x420  }
0x28d: {  	[spmem:s2] =	stream.indirect.scatter.add.f32 [tilespmem:s6], [sflag:$0x4], $0x10, s14, s16, $0xb8;
	[tilespmem:$0x143C8] =	vst v63  }
0x28e: {  	s4 =	simm.s32 $0x480  }
0x28f: {  	[spmem:s2] =	stream.indirect.scatter.add.f32 [tilespmem:s7], [sflag:$0x4], $0x10, s4, s16, $0xb8;
	[tilespmem:$0x143C8] =	vst v63  }
0x290: {  	s13 =	simm.s32 $0x4E0  }
0x291: {  	[spmem:s2] =	stream.indirect.scatter.add.f32 [tilespmem:s8], [sflag:$0x4], $0x10, s13, s16, $0xb8;
	[tilespmem:$0x143C8] =	vst v63  }
0x292: {  	s14 =	simm.s32 $0x540  }
0x293: {  	[spmem:s2] =	stream.indirect.scatter.add.f32 [tilespmem:s9], [sflag:$0x4], $0x10, s14, s16, $0xb8;
	[tilespmem:$0x143C8] =	vst v63  }
0x294: {  	_ =	swait.ge [sflag:s10], $0x600  }
0x295: {  	[sflag:s10] =	ssyncset.done $0x0  }
0x296: {  	[sflag:s10] =	ssyncadd.s32 $0xFFFFFA00  }
0x297: {  	_ =	swait.ge [sflag:s10], $0x600  }
0x298: {  	[sflag:s10] =	ssyncset.done $0x0  }
0x299: {  	[sflag:s10] =	ssyncadd.s32 $0xFFFFFA00  }
0x29a: {  	_ =	swait.ge [sflag:s10], $0x600  }
0x29b: {  	[sflag:s10] =	ssyncset.done $0x0  }
0x29c: {  	[sflag:s10] =	ssyncadd.s32 $0xFFFFFA00  }
0x29d: {  	_ =	swait.ge [sflag:s10], $0x600  }
0x29e: {  	[sflag:s10] =	ssyncset.done $0x0  }
0x29f: {  	[sflag:s10] =	ssyncadd.s32 $0xFFFFFA00  }
0x2a0: {  	_ =	swait.ge [sflag:s10], $0x600  }
0x2a1: {  	[sflag:s10] =	ssyncset.done $0x0  }
0x2a2: {  	[sflag:s10] =	ssyncadd.s32 $0xFFFFFA00  }
0x2a3: {  	_ =	swait.ge [sflag:s10], $0x600  }
0x2a4: {  	[sflag:s10] =	ssyncset.done $0x0  }
0x2a5: {  	[sflag:s10] =	ssyncadd.s32 $0xFFFFFA00  }
0x2a6: {  	_ =	swait.ge [sflag:s10], $0x600  }
0x2a7: {  	[sflag:s10] =	ssyncset.done $0x0  }
0x2a8: {  	[sflag:s10] =	ssyncadd.s32 $0xFFFFFA00  }
0x2a9: {  	_ =	swait.ge [sflag:s10], $0x600  }
0x2aa: {  	[sflag:s10] =	ssyncset.done $0x0  }
0x2ab: {  	[sflag:s10] =	ssyncadd.s32 $0xFFFFFA00  }
0x2ac: {  	_ =	swait.ge [sflag:s10], $0x600  }
0x2ad: {  	[sflag:s10] =	ssyncset.done $0x0  }
0x2ae: {  	[sflag:s10] =	ssyncadd.s32 $0xFFFFFA00  }
0x2af: {  	_ =	swait.ge [sflag:s10], $0x600  }
0x2b0: {  	[sflag:s10] =	ssyncset.done $0x0  }
0x2b1: {  	[sflag:s10] =	ssyncadd.s32 $0xFFFFFA00  }
0x2b2: {  	_ =	swait.ge [sflag:s10], $0x600  }
0x2b3: {  	[sflag:s10] =	ssyncset.done $0x0  }
0x2b4: {  	[sflag:s10] =	ssyncadd.s32 $0xFFFFFA00  }
0x2b5: {  	_ =	swait.ge [sflag:s10], $0x600  }
0x2b6: {  	[sflag:s10] =	ssyncset.done $0x0  }
0x2b7: {  	[sflag:s10] =	ssyncadd.s32 $0xFFFFFA00  }
0x2b8: {  	_ =	swait.ge [sflag:s10], $0x600  }
0x2b9: {  	[sflag:s10] =	ssyncset.done $0x0  }
0x2ba: {  	[sflag:s10] =	ssyncadd.s32 $0xFFFFFA00  }
0x2bb: {  	_ =	swait.ge [sflag:s10], $0x600  }
0x2bc: {  	[sflag:s10] =	ssyncset.done $0x0  }
0x2bd: {  	[sflag:s10] =	ssyncadd.s32 $0xFFFFFA00  }
0x2be: {  	s4 =	simm.s32 $0x2D00;
	_ =	swait.ge [sflag:s10], $0x600  }
0x2bf: {  	s13 =	simm.s32 $0x1680;
	s14 =	sadd.s32 $0x3840, s11;
	[sflag:s10] =	ssyncset.done $0x0  }
.LBB2_8:
0x2c0: {  	p0 =	sne.s32 s4, $0xE100;
	s3 =	sadd.s32 $0xFFFFED40, s14;
	[sflag:s10] =	ssyncadd.s32 $0xFFFFFA00  }
0x2c1: {  	[tilespmem:s31], [sflag:$0x1] =	stream.strided.gather [hbm4b:s3+s29], $0x1E00, s30, s29, $0x38;
	[tilespmem:$0x143C8] =	vst v63  }
0x2c2: {  	s11 =	smov.u32 s4;
	s4 =	sadd.s32 $0x1680, s4  }
0x2c3: {  	[tilespmem:s1], [sflag:$0x2] =	stream.strided.gather [hbm4b:s14+s29], $0x1E00, s30, s29, $0x38;
	[tilespmem:$0x143C8] =	vst v63  }
0x2c4: {  	s3 =	sadd.s32 $0x12C0, s14  }
0x2c5: {  	[tilespmem:s0], [sflag:$0x3] =	stream.strided.gather [hbm4b:s3+s29], $0x1E00, s30, s29, $0x38;
	[tilespmem:$0x143C8] =	vst v63  }
0x2c6: {  	_ =	swait.ge [sflag:s5], $0x1E00  }
0x2c7: {  	[sflag:s5] =	ssyncset.done $0x0  }
0x2c8: {  	s3 =	sshra.s32 s13, $0x2;
	s13 =	smov.u32 s11;
	[sflag:s5] =	ssyncadd.s32 $0xFFFFE200  }
0x2c9: {  	[spmem:s2] =	stream.indirect.scatter.add.f32 [tilespmem:s31], [sflag:$0x4], $0x10, s3, s16, $0xb8;
	[tilespmem:$0x143C8] =	vst v63  }
0x2ca: {  	s11 =	sadd.s32 $0x60, s3  }
0x2cb: {  	[spmem:s2] =	stream.indirect.scatter.add.f32 [tilespmem:s17], [sflag:$0x4], $0x10, s11, s16, $0xb8;
	[tilespmem:$0x143C8] =	vst v63  }
0x2cc: {  	s11 =	sadd.s32 $0xC0, s3  }
0x2cd: {  	[spmem:s2] =	stream.indirect.scatter.add.f32 [tilespmem:s18], [sflag:$0x4], $0x10, s11, s16, $0xb8;
	[tilespmem:$0x143C8] =	vst v63  }
0x2ce: {  	s11 =	sadd.s32 $0x120, s3  }
0x2cf: {  	[spmem:s2] =	stream.indirect.scatter.add.f32 [tilespmem:s19], [sflag:$0x4], $0x10, s11, s16, $0xb8;
	[tilespmem:$0x143C8] =	vst v63  }
0x2d0: {  	s11 =	sadd.s32 $0x180, s3  }
0x2d1: {  	[spmem:s2] =	stream.indirect.scatter.add.f32 [tilespmem:s21], [sflag:$0x4], $0x10, s11, s16, $0xb8;
	[tilespmem:$0x143C8] =	vst v63  }
0x2d2: {  	_ =	swait.ge [sflag:s15], $0x1E00  }
0x2d3: {  	[sflag:s15] =	ssyncset.done $0x0  }
0x2d4: {  	s11 =	sadd.s32 $0x1E0, s3;
	[sflag:s15] =	ssyncadd.s32 $0xFFFFE200  }
0x2d5: {  	[spmem:s2] =	stream.indirect.scatter.add.f32 [tilespmem:s1], [sflag:$0x4], $0x10, s11, s16, $0xb8;
	[tilespmem:$0x143C8] =	vst v63  }
0x2d6: {  	s11 =	sadd.s32 $0x240, s3  }
0x2d7: {  	[spmem:s2] =	stream.indirect.scatter.add.f32 [tilespmem:s22], [sflag:$0x4], $0x10, s11, s16, $0xb8;
	[tilespmem:$0x143C8] =	vst v63  }
0x2d8: {  	s11 =	sadd.s32 $0x2A0, s3  }
0x2d9: {  	[spmem:s2] =	stream.indirect.scatter.add.f32 [tilespmem:s23], [sflag:$0x4], $0x10, s11, s16, $0xb8;
	[tilespmem:$0x143C8] =	vst v63  }
0x2da: {  	s11 =	sadd.s32 $0x300, s3  }
0x2db: {  	[spmem:s2] =	stream.indirect.scatter.add.f32 [tilespmem:s24], [sflag:$0x4], $0x10, s11, s16, $0xb8;
	[tilespmem:$0x143C8] =	vst v63  }
0x2dc: {  	s11 =	sadd.s32 $0x360, s3  }
0x2dd: {  	[spmem:s2] =	stream.indirect.scatter.add.f32 [tilespmem:s25], [sflag:$0x4], $0x10, s11, s16, $0xb8;
	[tilespmem:$0x143C8] =	vst v63  }
0x2de: {  	_ =	swait.ge [sflag:s20], $0x1E00  }
0x2df: {  	[sflag:s20] =	ssyncset.done $0x0  }
0x2e0: {  	s11 =	sadd.s32 $0x3C0, s3;
	[sflag:s20] =	ssyncadd.s32 $0xFFFFE200  }
0x2e1: {  	[spmem:s2] =	stream.indirect.scatter.add.f32 [tilespmem:s0], [sflag:$0x4], $0x10, s11, s16, $0xb8;
	[tilespmem:$0x143C8] =	vst v63  }
0x2e2: {  	s11 =	sadd.s32 $0x420, s3  }
0x2e3: {  	[spmem:s2] =	stream.indirect.scatter.add.f32 [tilespmem:s6], [sflag:$0x4], $0x10, s11, s16, $0xb8;
	[tilespmem:$0x143C8] =	vst v63  }
0x2e4: {  	s11 =	sadd.s32 $0x480, s3  }
0x2e5: {  	[spmem:s2] =	stream.indirect.scatter.add.f32 [tilespmem:s7], [sflag:$0x4], $0x10, s11, s16, $0xb8;
	[tilespmem:$0x143C8] =	vst v63  }
0x2e6: {  	s11 =	sadd.s32 $0x4E0, s3  }
0x2e7: {  	[spmem:s2] =	stream.indirect.scatter.add.f32 [tilespmem:s8], [sflag:$0x4], $0x10, s11, s16, $0xb8;
	[tilespmem:$0x143C8] =	vst v63  }
0x2e8: {  	s3 =	sadd.s32 $0x540, s3  }
0x2e9: {  	[spmem:s2] =	stream.indirect.scatter.add.f32 [tilespmem:s9], [sflag:$0x4], $0x10, s3, s16, $0xb8;
	[tilespmem:$0x143C8] =	vst v63  }
0x2ea: {  	_ =	swait.ge [sflag:s10], $0x600  }
0x2eb: {  	[sflag:s10] =	ssyncset.done $0x0  }
0x2ec: {  	[sflag:s10] =	ssyncadd.s32 $0xFFFFFA00  }
0x2ed: {  	_ =	swait.ge [sflag:s10], $0x600  }
0x2ee: {  	[sflag:s10] =	ssyncset.done $0x0  }
0x2ef: {  	[sflag:s10] =	ssyncadd.s32 $0xFFFFFA00  }
0x2f0: {  	_ =	swait.ge [sflag:s10], $0x600  }
0x2f1: {  	[sflag:s10] =	ssyncset.done $0x0  }
0x2f2: {  	[sflag:s10] =	ssyncadd.s32 $0xFFFFFA00  }
0x2f3: {  	_ =	swait.ge [sflag:s10], $0x600  }
0x2f4: {  	[sflag:s10] =	ssyncset.done $0x0  }
0x2f5: {  	[sflag:s10] =	ssyncadd.s32 $0xFFFFFA00  }
0x2f6: {  	_ =	swait.ge [sflag:s10], $0x600  }
0x2f7: {  	[sflag:s10] =	ssyncset.done $0x0  }
0x2f8: {  	[sflag:s10] =	ssyncadd.s32 $0xFFFFFA00  }
0x2f9: {  	_ =	swait.ge [sflag:s10], $0x600  }
0x2fa: {  	[sflag:s10] =	ssyncset.done $0x0  }
0x2fb: {  	[sflag:s10] =	ssyncadd.s32 $0xFFFFFA00  }
0x2fc: {  	_ =	swait.ge [sflag:s10], $0x600  }
0x2fd: {  	[sflag:s10] =	ssyncset.done $0x0  }
0x2fe: {  	[sflag:s10] =	ssyncadd.s32 $0xFFFFFA00  }
0x2ff: {  	_ =	swait.ge [sflag:s10], $0x600  }
0x300: {  	[sflag:s10] =	ssyncset.done $0x0  }
0x301: {  	[sflag:s10] =	ssyncadd.s32 $0xFFFFFA00  }
0x302: {  	_ =	swait.ge [sflag:s10], $0x600  }
0x303: {  	[sflag:s10] =	ssyncset.done $0x0  }
0x304: {  	[sflag:s10] =	ssyncadd.s32 $0xFFFFFA00  }
0x305: {  	_ =	swait.ge [sflag:s10], $0x600  }
0x306: {  	[sflag:s10] =	ssyncset.done $0x0  }
0x307: {  	[sflag:s10] =	ssyncadd.s32 $0xFFFFFA00  }
0x308: {  	_ =	swait.ge [sflag:s10], $0x600  }
0x309: {  	[sflag:s10] =	ssyncset.done $0x0  }
0x30a: {  	[sflag:s10] =	ssyncadd.s32 $0xFFFFFA00  }
0x30b: {  	_ =	swait.ge [sflag:s10], $0x600  }
0x30c: {  	[sflag:s10] =	ssyncset.done $0x0  }
0x30d: {  	[sflag:s10] =	ssyncadd.s32 $0xFFFFFA00  }
0x30e: {  	_ =	swait.ge [sflag:s10], $0x600  }
0x30f: {  	[sflag:s10] =	ssyncset.done $0x0  }
0x310: {  	[sflag:s10] =	ssyncadd.s32 $0xFFFFFA00  }
.Ltmp3:
0x311: {  	_ =	swait.ge [sflag:s10], $0x600;
	(pc) =	sbr.rel @p0 .LBB2_8-.Ltmp3, $4  }
0x312: {  	[sflag:s10] =	ssyncset.done $0x0  }
0x313: {  	[sflag:s10] =	ssyncadd.s32 $0xFFFFFA00  }
0x314: {  	_ =	swait.ge [sflag:s10], $0x600  }
0x315: {  	s14 =	sadd.s32 $0x3840, s14;
	[sflag:s10] =	ssyncset.done $0x0  }
0x316: {  	s3 =	sadd.s32 $0xFFFFED40, s14;
	[sflag:s10] =	ssyncadd.s32 $0xFFFFFA00  }
0x317: {  	[tilespmem:s31], [sflag:$0x1] =	stream.strided.gather [hbm4b:s3+s29], $0x1E00, s30, s29, $0x38;
	[tilespmem:$0x143C8] =	vst v63  }
0x318: {  	_ = 	snop  }
0x319: {  	[tilespmem:s1], [sflag:$0x2] =	stream.strided.gather [hbm4b:s14+s29], $0x1E00, s30, s29, $0x38;
	[tilespmem:$0x143C8] =	vst v63  }
0x31a: {  	s11 =	sadd.s32 $0x12C0, s14  }
0x31b: {  	[tilespmem:s0], [sflag:$0x3] =	stream.strided.gather [hbm4b:s11+s29], $0x1E00, s30, s29, $0x38;
	[tilespmem:$0x143C8] =	vst v63  }
0x31c: {  	_ =	swait.ge [sflag:s5], $0x1E00  }
0x31d: {  	[sflag:s5] =	ssyncset.done $0x0  }
0x31e: {  	s3 =	sshra.s32 s13, $0x2;
	[sflag:s5] =	ssyncadd.s32 $0xFFFFE200  }
0x31f: {  	[spmem:s2] =	stream.indirect.scatter.add.f32 [tilespmem:s31], [sflag:$0x4], $0x10, s3, s16, $0xb8;
	[tilespmem:$0x143C8] =	vst v63  }
0x320: {  	s4 =	sadd.s32 $0x60, s3  }
0x321: {  	[spmem:s2] =	stream.indirect.scatter.add.f32 [tilespmem:s17], [sflag:$0x4], $0x10, s4, s16, $0xb8;
	[tilespmem:$0x143C8] =	vst v63  }
0x322: {  	s13 =	sadd.s32 $0xC0, s3  }
0x323: {  	[spmem:s2] =	stream.indirect.scatter.add.f32 [tilespmem:s18], [sflag:$0x4], $0x10, s13, s16, $0xb8;
	[tilespmem:$0x143C8] =	vst v63  }
0x324: {  	s14 =	sadd.s32 $0x120, s3  }
0x325: {  	[spmem:s2] =	stream.indirect.scatter.add.f32 [tilespmem:s19], [sflag:$0x4], $0x10, s14, s16, $0xb8;
	[tilespmem:$0x143C8] =	vst v63  }
0x326: {  	s11 =	sadd.s32 $0x180, s3  }
0x327: {  	[spmem:s2] =	stream.indirect.scatter.add.f32 [tilespmem:s21], [sflag:$0x4], $0x10, s11, s16, $0xb8;
	[tilespmem:$0x143C8] =	vst v63  }
0x328: {  	_ =	swait.ge [sflag:s15], $0x1E00  }
0x329: {  	[sflag:s15] =	ssyncset.done $0x0  }
0x32a: {  	s13 =	sadd.s32 $0x1E0, s3;
	[sflag:s15] =	ssyncadd.s32 $0xFFFFE200  }
0x32b: {  	[spmem:s2] =	stream.indirect.scatter.add.f32 [tilespmem:s1], [sflag:$0x4], $0x10, s13, s16, $0xb8;
	[tilespmem:$0x143C8] =	vst v63  }
0x32c: {  	s14 =	sadd.s32 $0x240, s3  }
0x32d: {  	[spmem:s2] =	stream.indirect.scatter.add.f32 [tilespmem:s22], [sflag:$0x4], $0x10, s14, s16, $0xb8;
	[tilespmem:$0x143C8] =	vst v63  }
0x32e: {  	s11 =	sadd.s32 $0x2A0, s3  }
0x32f: {  	[spmem:s2] =	stream.indirect.scatter.add.f32 [tilespmem:s23], [sflag:$0x4], $0x10, s11, s16, $0xb8;
	[tilespmem:$0x143C8] =	vst v63  }
0x330: {  	s13 =	sadd.s32 $0x300, s3  }
0x331: {  	[spmem:s2] =	stream.indirect.scatter.add.f32 [tilespmem:s24], [sflag:$0x4], $0x10, s13, s16, $0xb8;
	[tilespmem:$0x143C8] =	vst v63  }
0x332: {  	s14 =	sadd.s32 $0x360, s3  }
0x333: {  	[spmem:s2] =	stream.indirect.scatter.add.f32 [tilespmem:s25], [sflag:$0x4], $0x10, s14, s16, $0xb8;
	[tilespmem:$0x143C8] =	vst v63  }
0x334: {  	_ =	swait.ge [sflag:s20], $0x1E00  }
0x335: {  	[sflag:s20] =	ssyncset.done $0x0  }
0x336: {  	s11 =	sadd.s32 $0x3C0, s3;
	[sflag:s20] =	ssyncadd.s32 $0xFFFFE200  }
0x337: {  	[spmem:s2] =	stream.indirect.scatter.add.f32 [tilespmem:s0], [sflag:$0x4], $0x10, s11, s16, $0xb8;
	[tilespmem:$0x143C8] =	vst v63  }
0x338: {  	s13 =	sadd.s32 $0x420, s3  }
0x339: {  	[spmem:s2] =	stream.indirect.scatter.add.f32 [tilespmem:s6], [sflag:$0x4], $0x10, s13, s16, $0xb8;
	[tilespmem:$0x143C8] =	vst v63  }
0x33a: {  	s14 =	sadd.s32 $0x480, s3  }
0x33b: {  	[spmem:s2] =	stream.indirect.scatter.add.f32 [tilespmem:s7], [sflag:$0x4], $0x10, s14, s16, $0xb8;
	[tilespmem:$0x143C8] =	vst v63  }
0x33c: {  	s11 =	sadd.s32 $0x4E0, s3  }
0x33d: {  	[spmem:s2] =	stream.indirect.scatter.add.f32 [tilespmem:s8], [sflag:$0x4], $0x10, s11, s16, $0xb8;
	[tilespmem:$0x143C8] =	vst v63  }
0x33e: {  	s3 =	sadd.s32 $0x540, s3  }
0x33f: {  	[spmem:s2] =	stream.indirect.scatter.add.f32 [tilespmem:s9], [sflag:$0x4], $0x10, s3, s16, $0xb8;
	[tilespmem:$0x143C8] =	vst v63  }
0x340: {  	_ =	swait.ge [sflag:s10], $0x600  }
0x341: {  	[sflag:s10] =	ssyncset.done $0x0  }
0x342: {  	[sflag:s10] =	ssyncadd.s32 $0xFFFFFA00  }
0x343: {  	_ =	swait.ge [sflag:s10], $0x600  }
0x344: {  	[sflag:s10] =	ssyncset.done $0x0  }
0x345: {  	[sflag:s10] =	ssyncadd.s32 $0xFFFFFA00  }
0x346: {  	_ =	swait.ge [sflag:s10], $0x600  }
0x347: {  	[sflag:s10] =	ssyncset.done $0x0  }
0x348: {  	[sflag:s10] =	ssyncadd.s32 $0xFFFFFA00  }
0x349: {  	_ =	swait.ge [sflag:s10], $0x600  }
0x34a: {  	[sflag:s10] =	ssyncset.done $0x0  }
0x34b: {  	[sflag:s10] =	ssyncadd.s32 $0xFFFFFA00  }
0x34c: {  	_ =	swait.ge [sflag:s10], $0x600  }
0x34d: {  	[sflag:s10] =	ssyncset.done $0x0  }
0x34e: {  	[sflag:s10] =	ssyncadd.s32 $0xFFFFFA00  }
0x34f: {  	_ =	swait.ge [sflag:s10], $0x600  }
0x350: {  	[sflag:s10] =	ssyncset.done $0x0  }
0x351: {  	[sflag:s10] =	ssyncadd.s32 $0xFFFFFA00  }
0x352: {  	_ =	swait.ge [sflag:s10], $0x600  }
0x353: {  	[sflag:s10] =	ssyncset.done $0x0  }
0x354: {  	[sflag:s10] =	ssyncadd.s32 $0xFFFFFA00  }
0x355: {  	_ =	swait.ge [sflag:s10], $0x600  }
0x356: {  	[sflag:s10] =	ssyncset.done $0x0  }
0x357: {  	[sflag:s10] =	ssyncadd.s32 $0xFFFFFA00  }
0x358: {  	_ =	swait.ge [sflag:s10], $0x600  }
0x359: {  	[sflag:s10] =	ssyncset.done $0x0  }
0x35a: {  	[sflag:s10] =	ssyncadd.s32 $0xFFFFFA00  }
0x35b: {  	_ =	swait.ge [sflag:s10], $0x600  }
0x35c: {  	[sflag:s10] =	ssyncset.done $0x0  }
0x35d: {  	[sflag:s10] =	ssyncadd.s32 $0xFFFFFA00  }
0x35e: {  	_ =	swait.ge [sflag:s10], $0x600  }
0x35f: {  	[sflag:s10] =	ssyncset.done $0x0  }
0x360: {  	[sflag:s10] =	ssyncadd.s32 $0xFFFFFA00  }
0x361: {  	_ =	swait.ge [sflag:s10], $0x600  }
0x362: {  	[sflag:s10] =	ssyncset.done $0x0  }
0x363: {  	[sflag:s10] =	ssyncadd.s32 $0xFFFFFA00  }
0x364: {  	_ =	swait.ge [sflag:s10], $0x600  }
0x365: {  	[sflag:s10] =	ssyncset.done $0x0  }
0x366: {  	[sflag:s10] =	ssyncadd.s32 $0xFFFFFA00  }
0x367: {  	_ =	swait.ge [sflag:s10], $0x600  }
0x368: {  	[sflag:s10] =	ssyncset.done $0x0  }
0x369: {  	[sflag:s10] =	ssyncadd.s32 $0xFFFFFA00  }
0x36a: {  	_ =	swait.ge [sflag:s10], $0x600  }
0x36b: {  	[sflag:s10] =	ssyncset.done $0x0  }
0x36c: {  	[sflag:s10] =	ssyncadd.s32 $0xFFFFFA00  }
0x36d: {  	[bflag:$0x0] =	sbarrier.arrive $0xFFFF  }
0x36e: {  	s13 =	rddreg [dreg:$0x12]  }
0x36f: {  	s14 =	simm.s32 $0xA;
	s11 =	rddreg [dreg:$0x1b]  }
0x370: {  	[hbm:s13@s14], [sflag:s11] =	dma.strided [spmem:s12@s15], $0x1388, s5, $0x2   }
0x371: {  	_ =	swait.ge [sflag:s26], $0x1388  }
0x372: {  	[sflag:s26] =	ssyncset.done $0x0  }
0x373: {  	[sflag:s26] =	ssyncadd.s32 $0xFFFFEC78  }
0x374: {  	[bflag:$0x0] =	sbarrier.arrive $0xFFFF  }
0x375: {  	s4 =	rddreg [dreg:$0x5]  }
0x376: {  	[spmem:s4] =	stream.linear.scatter [tilespmem:s28], [sflag:$0x5], $0xFA0, $0x38;
	[tilespmem:$0x143C8] =	vst v63  }
0x377: {  	_ =	swait.ge [sflag:s26], $0xFA0  }
0x378: {  	[sflag:s26] =	ssyncset.done $0x0  }
0x379: {  	s11 =	rddreg [dreg:$0x7];
	[sflag:s26] =	ssyncadd.s32 $0xFFFFF060  }
0x37a: {  	[spmem:s11] =	stream.linear.scatter [tilespmem:s28], [sflag:$0x5], $0xFA0, $0x38;
	[tilespmem:$0x143C8] =	vst v63  }
0x37b: {  	_ =	swait.ge [sflag:s26], $0xFA0  }
0x37c: {  	[sflag:s26] =	ssyncset.done $0x0  }
0x37d: {  	s13 =	rddreg [dreg:$0x8];
	[sflag:s26] =	ssyncadd.s32 $0xFFFFF060  }
0x37e: {  	[spmem:s13] =	stream.linear.scatter [tilespmem:s28], [sflag:$0x5], $0xFA0, $0x38;
	[tilespmem:$0x143C8] =	vst v63  }
0x37f: {  	_ =	swait.ge [sflag:s26], $0xFA0  }
0x380: {  	[sflag:s26] =	ssyncset.done $0x0  }
0x381: {  	s14 =	rddreg [dreg:$0x9];
	[sflag:s26] =	ssyncadd.s32 $0xFFFFF060  }
0x382: {  	[spmem:s14] =	stream.linear.scatter [tilespmem:s28], [sflag:$0x5], $0xFA0, $0x38;
	[tilespmem:$0x143C8] =	vst v63  }
0x383: {  	_ =	swait.ge [sflag:s26], $0xFA0  }
0x384: {  	[sflag:s26] =	ssyncset.done $0x0  }
0x385: {  	s4 =	rddreg [dreg:$0xa];
	[sflag:s26] =	ssyncadd.s32 $0xFFFFF060  }
0x386: {  	[spmem:s4] =	stream.linear.scatter [tilespmem:s28], [sflag:$0x5], $0xFA0, $0x38;
	[tilespmem:$0x143C8] =	vst v63  }
0x387: {  	_ =	swait.ge [sflag:s26], $0xFA0  }
0x388: {  	[sflag:s26] =	ssyncset.done $0x0  }
0x389: {  	s11 =	rddreg [dreg:$0xb];
	[sflag:s26] =	ssyncadd.s32 $0xFFFFF060  }
0x38a: {  	[spmem:s11] =	stream.linear.scatter [tilespmem:s28], [sflag:$0x5], $0xFA0, $0x38;
	[tilespmem:$0x143C8] =	vst v63  }
0x38b: {  	_ =	swait.ge [sflag:s26], $0xFA0  }
0x38c: {  	[sflag:s26] =	ssyncset.done $0x0  }
0x38d: {  	s13 =	rddreg [dreg:$0xc];
	[sflag:s26] =	ssyncadd.s32 $0xFFFFF060  }
0x38e: {  	[spmem:s13] =	stream.linear.scatter [tilespmem:s28], [sflag:$0x5], $0xFA0, $0x38;
	[tilespmem:$0x143C8] =	vst v63  }
0x38f: {  	_ =	swait.ge [sflag:s26], $0xFA0  }
0x390: {  	[sflag:s26] =	ssyncset.done $0x0  }
0x391: {  	s14 =	rddreg [dreg:$0xd];
	[sflag:s26] =	ssyncadd.s32 $0xFFFFF060  }
0x392: {  	[spmem:s14] =	stream.linear.scatter [tilespmem:s28], [sflag:$0x5], $0xFA0, $0x38;
	[tilespmem:$0x143C8] =	vst v63  }
0x393: {  	_ =	swait.ge [sflag:s26], $0xFA0  }
0x394: {  	[sflag:s26] =	ssyncset.done $0x0  }
0x395: {  	s4 =	rddreg [dreg:$0xe];
	[sflag:s26] =	ssyncadd.s32 $0xFFFFF060  }
0x396: {  	[spmem:s4] =	stream.linear.scatter [tilespmem:s28], [sflag:$0x5], $0xFA0, $0x38;
	[tilespmem:$0x143C8] =	vst v63  }
0x397: {  	_ =	swait.ge [sflag:s26], $0xFA0  }
0x398: {  	[sflag:s26] =	ssyncset.done $0x0  }
0x399: {  	s11 =	rddreg [dreg:$0xf];
	[sflag:s26] =	ssyncadd.s32 $0xFFFFF060  }
0x39a: {  	[spmem:s11] =	stream.linear.scatter [tilespmem:s28], [sflag:$0x5], $0xFA0, $0x38;
	[tilespmem:$0x143C8] =	vst v63  }
0x39b: {  	_ =	swait.ge [sflag:s26], $0xFA0  }
0x39c: {  	[sflag:s26] =	ssyncset.done $0x0  }
0x39d: {  	[sflag:s26] =	ssyncadd.s32 $0xFFFFF060  }
0x39e: {  	[bflag:$0x0] =	sbarrier.arrive $0xFFFF  }
0x39f: {  	s11 =	rddreg [dreg:$0x19]  }
0x3a0: {  	s13 =	sadd.s32 $0xFFFFED40, s11  }
0x3a1: {  	[tilespmem:s31], [sflag:$0x1] =	stream.strided.gather [hbm4b:s13+s29], $0x1E00, s30, s29, $0x38;
	[tilespmem:$0x143C8] =	vst v63  }
0x3a2: {  	_ = 	snop  }
0x3a3: {  	[tilespmem:s1], [sflag:$0x2] =	stream.strided.gather [hbm4b:s11+s29], $0x1E00, s30, s29, $0x38;
	[tilespmem:$0x143C8] =	vst v63  }
0x3a4: {  	s14 =	sadd.s32 $0x12C0, s11  }
0x3a5: {  	[tilespmem:s0], [sflag:$0x3] =	stream.strided.gather [hbm4b:s14+s29], $0x1E00, s30, s29, $0x38;
	[tilespmem:$0x143C8] =	vst v63  }
0x3a6: {  	_ =	swait.ge [sflag:s5], $0x1E00  }
0x3a7: {  	[sflag:s5] =	ssyncset.done $0x0  }
0x3a8: {  	s4 =	simm.s32 $0x0;
	[sflag:s5] =	ssyncadd.s32 $0xFFFFE200  }
0x3a9: {  	[spmem:s2] =	stream.indirect.scatter.add.f32 [tilespmem:s31], [sflag:$0x4], $0x10, s4, s16, $0xb8;
	[tilespmem:$0x143C8] =	vst v63  }
0x3aa: {  	s13 =	simm.s32 $0x60  }
0x3ab: {  	[spmem:s2] =	stream.indirect.scatter.add.f32 [tilespmem:s17], [sflag:$0x4], $0x10, s13, s16, $0xb8;
	[tilespmem:$0x143C8] =	vst v63  }
0x3ac: {  	s14 =	simm.s32 $0xC0  }
0x3ad: {  	[spmem:s2] =	stream.indirect.scatter.add.f32 [tilespmem:s18], [sflag:$0x4], $0x10, s14, s16, $0xb8;
	[tilespmem:$0x143C8] =	vst v63  }
0x3ae: {  	s4 =	simm.s32 $0x120  }
0x3af: {  	[spmem:s2] =	stream.indirect.scatter.add.f32 [tilespmem:s19], [sflag:$0x4], $0x10, s4, s16, $0xb8;
	[tilespmem:$0x143C8] =	vst v63  }
0x3b0: {  	s13 =	simm.s32 $0x180  }
0x3b1: {  	[spmem:s2] =	stream.indirect.scatter.add.f32 [tilespmem:s21], [sflag:$0x4], $0x10, s13, s16, $0xb8;
	[tilespmem:$0x143C8] =	vst v63  }
0x3b2: {  	_ =	swait.ge [sflag:s15], $0x1E00  }
0x3b3: {  	[sflag:s15] =	ssyncset.done $0x0  }
0x3b4: {  	s14 =	simm.s32 $0x1E0;
	[sflag:s15] =	ssyncadd.s32 $0xFFFFE200  }
0x3b5: {  	[spmem:s2] =	stream.indirect.scatter.add.f32 [tilespmem:s1], [sflag:$0x4], $0x10, s14, s16, $0xb8;
	[tilespmem:$0x143C8] =	vst v63  }
0x3b6: {  	s4 =	simm.s32 $0x240  }
0x3b7: {  	[spmem:s2] =	stream.indirect.scatter.add.f32 [tilespmem:s22], [sflag:$0x4], $0x10, s4, s16, $0xb8;
	[tilespmem:$0x143C8] =	vst v63  }
0x3b8: {  	s13 =	simm.s32 $0x2A0  }
0x3b9: {  	[spmem:s2] =	stream.indirect.scatter.add.f32 [tilespmem:s23], [sflag:$0x4], $0x10, s13, s16, $0xb8;
	[tilespmem:$0x143C8] =	vst v63  }
0x3ba: {  	s14 =	simm.s32 $0x300  }
0x3bb: {  	[spmem:s2] =	stream.indirect.scatter.add.f32 [tilespmem:s24], [sflag:$0x4], $0x10, s14, s16, $0xb8;
	[tilespmem:$0x143C8] =	vst v63  }
0x3bc: {  	s4 =	simm.s32 $0x360  }
0x3bd: {  	[spmem:s2] =	stream.indirect.scatter.add.f32 [tilespmem:s25], [sflag:$0x4], $0x10, s4, s16, $0xb8;
	[tilespmem:$0x143C8] =	vst v63  }
0x3be: {  	_ =	swait.ge [sflag:s20], $0x1E00  }
0x3bf: {  	[sflag:s20] =	ssyncset.done $0x0  }
0x3c0: {  	s13 =	simm.s32 $0x3C0;
	[sflag:s20] =	ssyncadd.s32 $0xFFFFE200  }
0x3c1: {  	[spmem:s2] =	stream.indirect.scatter.add.f32 [tilespmem:s0], [sflag:$0x4], $0x10, s13, s16, $0xb8;
	[tilespmem:$0x143C8] =	vst v63  }
0x3c2: {  	s14 =	simm.s32 $0x420  }
0x3c3: {  	[spmem:s2] =	stream.indirect.scatter.add.f32 [tilespmem:s6], [sflag:$0x4], $0x10, s14, s16, $0xb8;
	[tilespmem:$0x143C8] =	vst v63  }
0x3c4: {  	s4 =	simm.s32 $0x480  }
0x3c5: {  	[spmem:s2] =	stream.indirect.scatter.add.f32 [tilespmem:s7], [sflag:$0x4], $0x10, s4, s16, $0xb8;
	[tilespmem:$0x143C8] =	vst v63  }
0x3c6: {  	s13 =	simm.s32 $0x4E0  }
0x3c7: {  	[spmem:s2] =	stream.indirect.scatter.add.f32 [tilespmem:s8], [sflag:$0x4], $0x10, s13, s16, $0xb8;
	[tilespmem:$0x143C8] =	vst v63  }
0x3c8: {  	s14 =	simm.s32 $0x540  }
0x3c9: {  	[spmem:s2] =	stream.indirect.scatter.add.f32 [tilespmem:s9], [sflag:$0x4], $0x10, s14, s16, $0xb8;
	[tilespmem:$0x143C8] =	vst v63  }
0x3ca: {  	_ =	swait.ge [sflag:s10], $0x600  }
0x3cb: {  	[sflag:s10] =	ssyncset.done $0x0  }
0x3cc: {  	[sflag:s10] =	ssyncadd.s32 $0xFFFFFA00  }
0x3cd: {  	_ =	swait.ge [sflag:s10], $0x600  }
0x3ce: {  	[sflag:s10] =	ssyncset.done $0x0  }
0x3cf: {  	[sflag:s10] =	ssyncadd.s32 $0xFFFFFA00  }
0x3d0: {  	_ =	swait.ge [sflag:s10], $0x600  }
0x3d1: {  	[sflag:s10] =	ssyncset.done $0x0  }
0x3d2: {  	[sflag:s10] =	ssyncadd.s32 $0xFFFFFA00  }
0x3d3: {  	_ =	swait.ge [sflag:s10], $0x600  }
0x3d4: {  	[sflag:s10] =	ssyncset.done $0x0  }
0x3d5: {  	[sflag:s10] =	ssyncadd.s32 $0xFFFFFA00  }
0x3d6: {  	_ =	swait.ge [sflag:s10], $0x600  }
0x3d7: {  	[sflag:s10] =	ssyncset.done $0x0  }
0x3d8: {  	[sflag:s10] =	ssyncadd.s32 $0xFFFFFA00  }
0x3d9: {  	_ =	swait.ge [sflag:s10], $0x600  }
0x3da: {  	[sflag:s10] =	ssyncset.done $0x0  }
0x3db: {  	[sflag:s10] =	ssyncadd.s32 $0xFFFFFA00  }
0x3dc: {  	_ =	swait.ge [sflag:s10], $0x600  }
0x3dd: {  	[sflag:s10] =	ssyncset.done $0x0  }
0x3de: {  	[sflag:s10] =	ssyncadd.s32 $0xFFFFFA00  }
0x3df: {  	_ =	swait.ge [sflag:s10], $0x600  }
0x3e0: {  	[sflag:s10] =	ssyncset.done $0x0  }
0x3e1: {  	[sflag:s10] =	ssyncadd.s32 $0xFFFFFA00  }
0x3e2: {  	_ =	swait.ge [sflag:s10], $0x600  }
0x3e3: {  	[sflag:s10] =	ssyncset.done $0x0  }
0x3e4: {  	[sflag:s10] =	ssyncadd.s32 $0xFFFFFA00  }
0x3e5: {  	_ =	swait.ge [sflag:s10], $0x600  }
0x3e6: {  	[sflag:s10] =	ssyncset.done $0x0  }
0x3e7: {  	[sflag:s10] =	ssyncadd.s32 $0xFFFFFA00  }
0x3e8: {  	_ =	swait.ge [sflag:s10], $0x600  }
0x3e9: {  	[sflag:s10] =	ssyncset.done $0x0  }
0x3ea: {  	[sflag:s10] =	ssyncadd.s32 $0xFFFFFA00  }
0x3eb: {  	_ =	swait.ge [sflag:s10], $0x600  }
0x3ec: {  	[sflag:s10] =	ssyncset.done $0x0  }
0x3ed: {  	[sflag:s10] =	ssyncadd.s32 $0xFFFFFA00  }
0x3ee: {  	_ =	swait.ge [sflag:s10], $0x600  }
0x3ef: {  	[sflag:s10] =	ssyncset.done $0x0  }
0x3f0: {  	[sflag:s10] =	ssyncadd.s32 $0xFFFFFA00  }
0x3f1: {  	_ =	swait.ge [sflag:s10], $0x600  }
0x3f2: {  	[sflag:s10] =	ssyncset.done $0x0  }
0x3f3: {  	[sflag:s10] =	ssyncadd.s32 $0xFFFFFA00  }
0x3f4: {  	s4 =	simm.s32 $0x2D00;
	_ =	swait.ge [sflag:s10], $0x600  }
0x3f5: {  	s13 =	simm.s32 $0x1680;
	s14 =	sadd.s32 $0x3840, s11;
	[sflag:s10] =	ssyncset.done $0x0  }
.LBB2_10:
0x3f6: {  	p0 =	sne.s32 s4, $0xE100;
	s3 =	sadd.s32 $0xFFFFED40, s14;
	[sflag:s10] =	ssyncadd.s32 $0xFFFFFA00  }
0x3f7: {  	[tilespmem:s31], [sflag:$0x1] =	stream.strided.gather [hbm4b:s3+s29], $0x1E00, s30, s29, $0x38;
	[tilespmem:$0x143C8] =	vst v63  }
0x3f8: {  	s11 =	smov.u32 s4;
	s4 =	sadd.s32 $0x1680, s4  }
0x3f9: {  	[tilespmem:s1], [sflag:$0x2] =	stream.strided.gather [hbm4b:s14+s29], $0x1E00, s30, s29, $0x38;
	[tilespmem:$0x143C8] =	vst v63  }
0x3fa: {  	s3 =	sadd.s32 $0x12C0, s14  }
0x3fb: {  	[tilespmem:s0], [sflag:$0x3] =	stream.strided.gather [hbm4b:s3+s29], $0x1E00, s30, s29, $0x38;
	[tilespmem:$0x143C8] =	vst v63  }
0x3fc: {  	_ =	swait.ge [sflag:s5], $0x1E00  }
0x3fd: {  	[sflag:s5] =	ssyncset.done $0x0  }
0x3fe: {  	s3 =	sshra.s32 s13, $0x2;
	s13 =	smov.u32 s11;
	[sflag:s5] =	ssyncadd.s32 $0xFFFFE200  }
0x3ff: {  	[spmem:s2] =	stream.indirect.scatter.add.f32 [tilespmem:s31], [sflag:$0x4], $0x10, s3, s16, $0xb8;
	[tilespmem:$0x143C8] =	vst v63  }
0x400: {  	s11 =	sadd.s32 $0x60, s3  }
0x401: {  	[spmem:s2] =	stream.indirect.scatter.add.f32 [tilespmem:s17], [sflag:$0x4], $0x10, s11, s16, $0xb8;
	[tilespmem:$0x143C8] =	vst v63  }
0x402: {  	s11 =	sadd.s32 $0xC0, s3  }
0x403: {  	[spmem:s2] =	stream.indirect.scatter.add.f32 [tilespmem:s18], [sflag:$0x4], $0x10, s11, s16, $0xb8;
	[tilespmem:$0x143C8] =	vst v63  }
0x404: {  	s11 =	sadd.s32 $0x120, s3  }
0x405: {  	[spmem:s2] =	stream.indirect.scatter.add.f32 [tilespmem:s19], [sflag:$0x4], $0x10, s11, s16, $0xb8;
	[tilespmem:$0x143C8] =	vst v63  }
0x406: {  	s11 =	sadd.s32 $0x180, s3  }
0x407: {  	[spmem:s2] =	stream.indirect.scatter.add.f32 [tilespmem:s21], [sflag:$0x4], $0x10, s11, s16, $0xb8;
	[tilespmem:$0x143C8] =	vst v63  }
0x408: {  	_ =	swait.ge [sflag:s15], $0x1E00  }
0x409: {  	[sflag:s15] =	ssyncset.done $0x0  }
0x40a: {  	s11 =	sadd.s32 $0x1E0, s3;
	[sflag:s15] =	ssyncadd.s32 $0xFFFFE200  }
0x40b: {  	[spmem:s2] =	stream.indirect.scatter.add.f32 [tilespmem:s1], [sflag:$0x4], $0x10, s11, s16, $0xb8;
	[tilespmem:$0x143C8] =	vst v63  }
0x40c: {  	s11 =	sadd.s32 $0x240, s3  }
0x40d: {  	[spmem:s2] =	stream.indirect.scatter.add.f32 [tilespmem:s22], [sflag:$0x4], $0x10, s11, s16, $0xb8;
	[tilespmem:$0x143C8] =	vst v63  }
0x40e: {  	s11 =	sadd.s32 $0x2A0, s3  }
0x40f: {  	[spmem:s2] =	stream.indirect.scatter.add.f32 [tilespmem:s23], [sflag:$0x4], $0x10, s11, s16, $0xb8;
	[tilespmem:$0x143C8] =	vst v63  }
0x410: {  	s11 =	sadd.s32 $0x300, s3  }
0x411: {  	[spmem:s2] =	stream.indirect.scatter.add.f32 [tilespmem:s24], [sflag:$0x4], $0x10, s11, s16, $0xb8;
	[tilespmem:$0x143C8] =	vst v63  }
0x412: {  	s11 =	sadd.s32 $0x360, s3  }
0x413: {  	[spmem:s2] =	stream.indirect.scatter.add.f32 [tilespmem:s25], [sflag:$0x4], $0x10, s11, s16, $0xb8;
	[tilespmem:$0x143C8] =	vst v63  }
0x414: {  	_ =	swait.ge [sflag:s20], $0x1E00  }
0x415: {  	[sflag:s20] =	ssyncset.done $0x0  }
0x416: {  	s11 =	sadd.s32 $0x3C0, s3;
	[sflag:s20] =	ssyncadd.s32 $0xFFFFE200  }
0x417: {  	[spmem:s2] =	stream.indirect.scatter.add.f32 [tilespmem:s0], [sflag:$0x4], $0x10, s11, s16, $0xb8;
	[tilespmem:$0x143C8] =	vst v63  }
0x418: {  	s11 =	sadd.s32 $0x420, s3  }
0x419: {  	[spmem:s2] =	stream.indirect.scatter.add.f32 [tilespmem:s6], [sflag:$0x4], $0x10, s11, s16, $0xb8;
	[tilespmem:$0x143C8] =	vst v63  }
0x41a: {  	s11 =	sadd.s32 $0x480, s3  }
0x41b: {  	[spmem:s2] =	stream.indirect.scatter.add.f32 [tilespmem:s7], [sflag:$0x4], $0x10, s11, s16, $0xb8;
	[tilespmem:$0x143C8] =	vst v63  }
0x41c: {  	s11 =	sadd.s32 $0x4E0, s3  }
0x41d: {  	[spmem:s2] =	stream.indirect.scatter.add.f32 [tilespmem:s8], [sflag:$0x4], $0x10, s11, s16, $0xb8;
	[tilespmem:$0x143C8] =	vst v63  }
0x41e: {  	s3 =	sadd.s32 $0x540, s3  }
0x41f: {  	[spmem:s2] =	stream.indirect.scatter.add.f32 [tilespmem:s9], [sflag:$0x4], $0x10, s3, s16, $0xb8;
	[tilespmem:$0x143C8] =	vst v63  }
0x420: {  	_ =	swait.ge [sflag:s10], $0x600  }
0x421: {  	[sflag:s10] =	ssyncset.done $0x0  }
0x422: {  	[sflag:s10] =	ssyncadd.s32 $0xFFFFFA00  }
0x423: {  	_ =	swait.ge [sflag:s10], $0x600  }
0x424: {  	[sflag:s10] =	ssyncset.done $0x0  }
0x425: {  	[sflag:s10] =	ssyncadd.s32 $0xFFFFFA00  }
0x426: {  	_ =	swait.ge [sflag:s10], $0x600  }
0x427: {  	[sflag:s10] =	ssyncset.done $0x0  }
0x428: {  	[sflag:s10] =	ssyncadd.s32 $0xFFFFFA00  }
0x429: {  	_ =	swait.ge [sflag:s10], $0x600  }
0x42a: {  	[sflag:s10] =	ssyncset.done $0x0  }
0x42b: {  	[sflag:s10] =	ssyncadd.s32 $0xFFFFFA00  }
0x42c: {  	_ =	swait.ge [sflag:s10], $0x600  }
0x42d: {  	[sflag:s10] =	ssyncset.done $0x0  }
0x42e: {  	[sflag:s10] =	ssyncadd.s32 $0xFFFFFA00  }
0x42f: {  	_ =	swait.ge [sflag:s10], $0x600  }
0x430: {  	[sflag:s10] =	ssyncset.done $0x0  }
0x431: {  	[sflag:s10] =	ssyncadd.s32 $0xFFFFFA00  }
0x432: {  	_ =	swait.ge [sflag:s10], $0x600  }
0x433: {  	[sflag:s10] =	ssyncset.done $0x0  }
0x434: {  	[sflag:s10] =	ssyncadd.s32 $0xFFFFFA00  }
0x435: {  	_ =	swait.ge [sflag:s10], $0x600  }
0x436: {  	[sflag:s10] =	ssyncset.done $0x0  }
0x437: {  	[sflag:s10] =	ssyncadd.s32 $0xFFFFFA00  }
0x438: {  	_ =	swait.ge [sflag:s10], $0x600  }
0x439: {  	[sflag:s10] =	ssyncset.done $0x0  }
0x43a: {  	[sflag:s10] =	ssyncadd.s32 $0xFFFFFA00  }
0x43b: {  	_ =	swait.ge [sflag:s10], $0x600  }
0x43c: {  	[sflag:s10] =	ssyncset.done $0x0  }
0x43d: {  	[sflag:s10] =	ssyncadd.s32 $0xFFFFFA00  }
0x43e: {  	_ =	swait.ge [sflag:s10], $0x600  }
0x43f: {  	[sflag:s10] =	ssyncset.done $0x0  }
0x440: {  	[sflag:s10] =	ssyncadd.s32 $0xFFFFFA00  }
0x441: {  	_ =	swait.ge [sflag:s10], $0x600  }
0x442: {  	[sflag:s10] =	ssyncset.done $0x0  }
0x443: {  	[sflag:s10] =	ssyncadd.s32 $0xFFFFFA00  }
0x444: {  	_ =	swait.ge [sflag:s10], $0x600  }
0x445: {  	[sflag:s10] =	ssyncset.done $0x0  }
0x446: {  	[sflag:s10] =	ssyncadd.s32 $0xFFFFFA00  }
.Ltmp4:
0x447: {  	_ =	swait.ge [sflag:s10], $0x600;
	(pc) =	sbr.rel @p0 .LBB2_10-.Ltmp4, $4  }
0x448: {  	[sflag:s10] =	ssyncset.done $0x0  }
0x449: {  	[sflag:s10] =	ssyncadd.s32 $0xFFFFFA00  }
0x44a: {  	_ =	swait.ge [sflag:s10], $0x600  }
0x44b: {  	s14 =	sadd.s32 $0x3840, s14;
	[sflag:s10] =	ssyncset.done $0x0  }
0x44c: {  	s3 =	sadd.s32 $0xFFFFED40, s14;
	[sflag:s10] =	ssyncadd.s32 $0xFFFFFA00  }
0x44d: {  	[tilespmem:s31], [sflag:$0x1] =	stream.strided.gather [hbm4b:s3+s29], $0x1E00, s30, s29, $0x38;
	[tilespmem:$0x143C8] =	vst v63  }
0x44e: {  	_ = 	snop  }
0x44f: {  	[tilespmem:s1], [sflag:$0x2] =	stream.strided.gather [hbm4b:s14+s29], $0x1E00, s30, s29, $0x38;
	[tilespmem:$0x143C8] =	vst v63  }
0x450: {  	s11 =	sadd.s32 $0x12C0, s14  }
0x451: {  	[tilespmem:s0], [sflag:$0x3] =	stream.strided.gather [hbm4b:s11+s29], $0x1E00, s30, s29, $0x38;
	[tilespmem:$0x143C8] =	vst v63  }
0x452: {  	_ =	swait.ge [sflag:s5], $0x1E00  }
0x453: {  	[sflag:s5] =	ssyncset.done $0x0  }
0x454: {  	s3 =	sshra.s32 s13, $0x2;
	[sflag:s5] =	ssyncadd.s32 $0xFFFFE200  }
0x455: {  	[spmem:s2] =	stream.indirect.scatter.add.f32 [tilespmem:s31], [sflag:$0x4], $0x10, s3, s16, $0xb8;
	[tilespmem:$0x143C8] =	vst v63  }
0x456: {  	s4 =	sadd.s32 $0x60, s3  }
0x457: {  	[spmem:s2] =	stream.indirect.scatter.add.f32 [tilespmem:s17], [sflag:$0x4], $0x10, s4, s16, $0xb8;
	[tilespmem:$0x143C8] =	vst v63  }
0x458: {  	s13 =	sadd.s32 $0xC0, s3  }
0x459: {  	[spmem:s2] =	stream.indirect.scatter.add.f32 [tilespmem:s18], [sflag:$0x4], $0x10, s13, s16, $0xb8;
	[tilespmem:$0x143C8] =	vst v63  }
0x45a: {  	s14 =	sadd.s32 $0x120, s3  }
0x45b: {  	[spmem:s2] =	stream.indirect.scatter.add.f32 [tilespmem:s19], [sflag:$0x4], $0x10, s14, s16, $0xb8;
	[tilespmem:$0x143C8] =	vst v63  }
0x45c: {  	s11 =	sadd.s32 $0x180, s3  }
0x45d: {  	[spmem:s2] =	stream.indirect.scatter.add.f32 [tilespmem:s21], [sflag:$0x4], $0x10, s11, s16, $0xb8;
	[tilespmem:$0x143C8] =	vst v63  }
0x45e: {  	_ =	swait.ge [sflag:s15], $0x1E00  }
0x45f: {  	[sflag:s15] =	ssyncset.done $0x0  }
0x460: {  	s13 =	sadd.s32 $0x1E0, s3;
	[sflag:s15] =	ssyncadd.s32 $0xFFFFE200  }
0x461: {  	[spmem:s2] =	stream.indirect.scatter.add.f32 [tilespmem:s1], [sflag:$0x4], $0x10, s13, s16, $0xb8;
	[tilespmem:$0x143C8] =	vst v63  }
0x462: {  	s14 =	sadd.s32 $0x240, s3  }
0x463: {  	[spmem:s2] =	stream.indirect.scatter.add.f32 [tilespmem:s22], [sflag:$0x4], $0x10, s14, s16, $0xb8;
	[tilespmem:$0x143C8] =	vst v63  }
0x464: {  	s11 =	sadd.s32 $0x2A0, s3  }
0x465: {  	[spmem:s2] =	stream.indirect.scatter.add.f32 [tilespmem:s23], [sflag:$0x4], $0x10, s11, s16, $0xb8;
	[tilespmem:$0x143C8] =	vst v63  }
0x466: {  	s13 =	sadd.s32 $0x300, s3  }
0x467: {  	[spmem:s2] =	stream.indirect.scatter.add.f32 [tilespmem:s24], [sflag:$0x4], $0x10, s13, s16, $0xb8;
	[tilespmem:$0x143C8] =	vst v63  }
0x468: {  	s14 =	sadd.s32 $0x360, s3  }
0x469: {  	[spmem:s2] =	stream.indirect.scatter.add.f32 [tilespmem:s25], [sflag:$0x4], $0x10, s14, s16, $0xb8;
	[tilespmem:$0x143C8] =	vst v63  }
0x46a: {  	_ =	swait.ge [sflag:s20], $0x1E00  }
0x46b: {  	[sflag:s20] =	ssyncset.done $0x0  }
0x46c: {  	s11 =	sadd.s32 $0x3C0, s3;
	[sflag:s20] =	ssyncadd.s32 $0xFFFFE200  }
0x46d: {  	[spmem:s2] =	stream.indirect.scatter.add.f32 [tilespmem:s0], [sflag:$0x4], $0x10, s11, s16, $0xb8;
	[tilespmem:$0x143C8] =	vst v63  }
0x46e: {  	s13 =	sadd.s32 $0x420, s3  }
0x46f: {  	[spmem:s2] =	stream.indirect.scatter.add.f32 [tilespmem:s6], [sflag:$0x4], $0x10, s13, s16, $0xb8;
	[tilespmem:$0x143C8] =	vst v63  }
0x470: {  	s14 =	sadd.s32 $0x480, s3  }
0x471: {  	[spmem:s2] =	stream.indirect.scatter.add.f32 [tilespmem:s7], [sflag:$0x4], $0x10, s14, s16, $0xb8;
	[tilespmem:$0x143C8] =	vst v63  }
0x472: {  	s11 =	sadd.s32 $0x4E0, s3  }
0x473: {  	[spmem:s2] =	stream.indirect.scatter.add.f32 [tilespmem:s8], [sflag:$0x4], $0x10, s11, s16, $0xb8;
	[tilespmem:$0x143C8] =	vst v63  }
0x474: {  	s3 =	sadd.s32 $0x540, s3  }
0x475: {  	[spmem:s2] =	stream.indirect.scatter.add.f32 [tilespmem:s9], [sflag:$0x4], $0x10, s3, s16, $0xb8;
	[tilespmem:$0x143C8] =	vst v63  }
0x476: {  	_ =	swait.ge [sflag:s10], $0x600  }
0x477: {  	[sflag:s10] =	ssyncset.done $0x0  }
0x478: {  	[sflag:s10] =	ssyncadd.s32 $0xFFFFFA00  }
0x479: {  	_ =	swait.ge [sflag:s10], $0x600  }
0x47a: {  	[sflag:s10] =	ssyncset.done $0x0  }
0x47b: {  	[sflag:s10] =	ssyncadd.s32 $0xFFFFFA00  }
0x47c: {  	_ =	swait.ge [sflag:s10], $0x600  }
0x47d: {  	[sflag:s10] =	ssyncset.done $0x0  }
0x47e: {  	[sflag:s10] =	ssyncadd.s32 $0xFFFFFA00  }
0x47f: {  	_ =	swait.ge [sflag:s10], $0x600  }
0x480: {  	[sflag:s10] =	ssyncset.done $0x0  }
0x481: {  	[sflag:s10] =	ssyncadd.s32 $0xFFFFFA00  }
0x482: {  	_ =	swait.ge [sflag:s10], $0x600  }
0x483: {  	[sflag:s10] =	ssyncset.done $0x0  }
0x484: {  	[sflag:s10] =	ssyncadd.s32 $0xFFFFFA00  }
0x485: {  	_ =	swait.ge [sflag:s10], $0x600  }
0x486: {  	[sflag:s10] =	ssyncset.done $0x0  }
0x487: {  	[sflag:s10] =	ssyncadd.s32 $0xFFFFFA00  }
0x488: {  	_ =	swait.ge [sflag:s10], $0x600  }
0x489: {  	[sflag:s10] =	ssyncset.done $0x0  }
0x48a: {  	[sflag:s10] =	ssyncadd.s32 $0xFFFFFA00  }
0x48b: {  	_ =	swait.ge [sflag:s10], $0x600  }
0x48c: {  	[sflag:s10] =	ssyncset.done $0x0  }
0x48d: {  	[sflag:s10] =	ssyncadd.s32 $0xFFFFFA00  }
0x48e: {  	_ =	swait.ge [sflag:s10], $0x600  }
0x48f: {  	[sflag:s10] =	ssyncset.done $0x0  }
0x490: {  	[sflag:s10] =	ssyncadd.s32 $0xFFFFFA00  }
0x491: {  	_ =	swait.ge [sflag:s10], $0x600  }
0x492: {  	[sflag:s10] =	ssyncset.done $0x0  }
0x493: {  	[sflag:s10] =	ssyncadd.s32 $0xFFFFFA00  }
0x494: {  	_ =	swait.ge [sflag:s10], $0x600  }
0x495: {  	[sflag:s10] =	ssyncset.done $0x0  }
0x496: {  	[sflag:s10] =	ssyncadd.s32 $0xFFFFFA00  }
0x497: {  	_ =	swait.ge [sflag:s10], $0x600  }
0x498: {  	[sflag:s10] =	ssyncset.done $0x0  }
0x499: {  	[sflag:s10] =	ssyncadd.s32 $0xFFFFFA00  }
0x49a: {  	_ =	swait.ge [sflag:s10], $0x600  }
0x49b: {  	[sflag:s10] =	ssyncset.done $0x0  }
0x49c: {  	[sflag:s10] =	ssyncadd.s32 $0xFFFFFA00  }
0x49d: {  	_ =	swait.ge [sflag:s10], $0x600  }
0x49e: {  	[sflag:s10] =	ssyncset.done $0x0  }
0x49f: {  	[sflag:s10] =	ssyncadd.s32 $0xFFFFFA00  }
0x4a0: {  	_ =	swait.ge [sflag:s10], $0x600  }
0x4a1: {  	[sflag:s10] =	ssyncset.done $0x0  }
0x4a2: {  	[sflag:s10] =	ssyncadd.s32 $0xFFFFFA00  }
0x4a3: {  	[bflag:$0x0] =	sbarrier.arrive $0xFFFF  }
0x4a4: {  	s13 =	rddreg [dreg:$0x13]  }
0x4a5: {  	s14 =	simm.s32 $0xA;
	s11 =	rddreg [dreg:$0x1b]  }
0x4a6: {  	[hbm:s13@s14], [sflag:s11] =	dma.strided [spmem:s12@s15], $0x1388, s5, $0x2   }
0x4a7: {  	_ =	swait.ge [sflag:s26], $0x1388  }
0x4a8: {  	[sflag:s26] =	ssyncset.done $0x0  }
0x4a9: {  	[sflag:s26] =	ssyncadd.s32 $0xFFFFEC78  }
0x4aa: {  	[bflag:$0x0] =	sbarrier.arrive $0xFFFF  }
0x4ab: {  	s4 =	rddreg [dreg:$0x5]  }
0x4ac: {  	[spmem:s4] =	stream.linear.scatter [tilespmem:s28], [sflag:$0x5], $0xFA0, $0x38;
	[tilespmem:$0x143C8] =	vst v63  }
0x4ad: {  	_ =	swait.ge [sflag:s26], $0xFA0  }
0x4ae: {  	[sflag:s26] =	ssyncset.done $0x0  }
0x4af: {  	s11 =	rddreg [dreg:$0x7];
	[sflag:s26] =	ssyncadd.s32 $0xFFFFF060  }
0x4b0: {  	[spmem:s11] =	stream.linear.scatter [tilespmem:s28], [sflag:$0x5], $0xFA0, $0x38;
	[tilespmem:$0x143C8] =	vst v63  }
0x4b1: {  	_ =	swait.ge [sflag:s26], $0xFA0  }
0x4b2: {  	[sflag:s26] =	ssyncset.done $0x0  }
0x4b3: {  	s13 =	rddreg [dreg:$0x8];
	[sflag:s26] =	ssyncadd.s32 $0xFFFFF060  }
0x4b4: {  	[spmem:s13] =	stream.linear.scatter [tilespmem:s28], [sflag:$0x5], $0xFA0, $0x38;
	[tilespmem:$0x143C8] =	vst v63  }
0x4b5: {  	_ =	swait.ge [sflag:s26], $0xFA0  }
0x4b6: {  	[sflag:s26] =	ssyncset.done $0x0  }
0x4b7: {  	s14 =	rddreg [dreg:$0x9];
	[sflag:s26] =	ssyncadd.s32 $0xFFFFF060  }
0x4b8: {  	[spmem:s14] =	stream.linear.scatter [tilespmem:s28], [sflag:$0x5], $0xFA0, $0x38;
	[tilespmem:$0x143C8] =	vst v63  }
0x4b9: {  	_ =	swait.ge [sflag:s26], $0xFA0  }
0x4ba: {  	[sflag:s26] =	ssyncset.done $0x0  }
0x4bb: {  	s4 =	rddreg [dreg:$0xa];
	[sflag:s26] =	ssyncadd.s32 $0xFFFFF060  }
0x4bc: {  	[spmem:s4] =	stream.linear.scatter [tilespmem:s28], [sflag:$0x5], $0xFA0, $0x38;
	[tilespmem:$0x143C8] =	vst v63  }
0x4bd: {  	_ =	swait.ge [sflag:s26], $0xFA0  }
0x4be: {  	[sflag:s26] =	ssyncset.done $0x0  }
0x4bf: {  	s11 =	rddreg [dreg:$0xb];
	[sflag:s26] =	ssyncadd.s32 $0xFFFFF060  }
0x4c0: {  	[spmem:s11] =	stream.linear.scatter [tilespmem:s28], [sflag:$0x5], $0xFA0, $0x38;
	[tilespmem:$0x143C8] =	vst v63  }
0x4c1: {  	_ =	swait.ge [sflag:s26], $0xFA0  }
0x4c2: {  	[sflag:s26] =	ssyncset.done $0x0  }
0x4c3: {  	s13 =	rddreg [dreg:$0xc];
	[sflag:s26] =	ssyncadd.s32 $0xFFFFF060  }
0x4c4: {  	[spmem:s13] =	stream.linear.scatter [tilespmem:s28], [sflag:$0x5], $0xFA0, $0x38;
	[tilespmem:$0x143C8] =	vst v63  }
0x4c5: {  	_ =	swait.ge [sflag:s26], $0xFA0  }
0x4c6: {  	[sflag:s26] =	ssyncset.done $0x0  }
0x4c7: {  	s14 =	rddreg [dreg:$0xd];
	[sflag:s26] =	ssyncadd.s32 $0xFFFFF060  }
0x4c8: {  	[spmem:s14] =	stream.linear.scatter [tilespmem:s28], [sflag:$0x5], $0xFA0, $0x38;
	[tilespmem:$0x143C8] =	vst v63  }
0x4c9: {  	_ =	swait.ge [sflag:s26], $0xFA0  }
0x4ca: {  	[sflag:s26] =	ssyncset.done $0x0  }
0x4cb: {  	s4 =	rddreg [dreg:$0xe];
	[sflag:s26] =	ssyncadd.s32 $0xFFFFF060  }
0x4cc: {  	[spmem:s4] =	stream.linear.scatter [tilespmem:s28], [sflag:$0x5], $0xFA0, $0x38;
	[tilespmem:$0x143C8] =	vst v63  }
0x4cd: {  	_ =	swait.ge [sflag:s26], $0xFA0  }
0x4ce: {  	[sflag:s26] =	ssyncset.done $0x0  }
0x4cf: {  	s11 =	rddreg [dreg:$0xf];
	[sflag:s26] =	ssyncadd.s32 $0xFFFFF060  }
0x4d0: {  	[spmem:s11] =	stream.linear.scatter [tilespmem:s28], [sflag:$0x5], $0xFA0, $0x38;
	[tilespmem:$0x143C8] =	vst v63  }
0x4d1: {  	_ =	swait.ge [sflag:s26], $0xFA0  }
0x4d2: {  	[sflag:s26] =	ssyncset.done $0x0  }
0x4d3: {  	[sflag:s26] =	ssyncadd.s32 $0xFFFFF060  }
0x4d4: {  	[bflag:$0x0] =	sbarrier.arrive $0xFFFF  }
0x4d5: {  	s11 =	rddreg [dreg:$0x1a]  }
0x4d6: {  	s13 =	sadd.s32 $0xFFFFED40, s11  }
0x4d7: {  	[tilespmem:s31], [sflag:$0x1] =	stream.strided.gather [hbm4b:s13+s29], $0x1E00, s30, s29, $0x38;
	[tilespmem:$0x143C8] =	vst v63  }
0x4d8: {  	_ = 	snop  }
0x4d9: {  	[tilespmem:s1], [sflag:$0x2] =	stream.strided.gather [hbm4b:s11+s29], $0x1E00, s30, s29, $0x38;
	[tilespmem:$0x143C8] =	vst v63  }
0x4da: {  	s14 =	sadd.s32 $0x12C0, s11  }
0x4db: {  	[tilespmem:s0], [sflag:$0x3] =	stream.strided.gather [hbm4b:s14+s29], $0x1E00, s30, s29, $0x38;
	[tilespmem:$0x143C8] =	vst v63  }
0x4dc: {  	_ =	swait.ge [sflag:s5], $0x1E00  }
0x4dd: {  	[sflag:s5] =	ssyncset.done $0x0  }
0x4de: {  	s4 =	simm.s32 $0x0;
	[sflag:s5] =	ssyncadd.s32 $0xFFFFE200  }
0x4df: {  	[spmem:s2] =	stream.indirect.scatter.add.f32 [tilespmem:s31], [sflag:$0x4], $0x10, s4, s16, $0xb8;
	[tilespmem:$0x143C8] =	vst v63  }
0x4e0: {  	s13 =	simm.s32 $0x60  }
0x4e1: {  	[spmem:s2] =	stream.indirect.scatter.add.f32 [tilespmem:s17], [sflag:$0x4], $0x10, s13, s16, $0xb8;
	[tilespmem:$0x143C8] =	vst v63  }
0x4e2: {  	s14 =	simm.s32 $0xC0  }
0x4e3: {  	[spmem:s2] =	stream.indirect.scatter.add.f32 [tilespmem:s18], [sflag:$0x4], $0x10, s14, s16, $0xb8;
	[tilespmem:$0x143C8] =	vst v63  }
0x4e4: {  	s4 =	simm.s32 $0x120  }
0x4e5: {  	[spmem:s2] =	stream.indirect.scatter.add.f32 [tilespmem:s19], [sflag:$0x4], $0x10, s4, s16, $0xb8;
	[tilespmem:$0x143C8] =	vst v63  }
0x4e6: {  	s13 =	simm.s32 $0x180  }
0x4e7: {  	[spmem:s2] =	stream.indirect.scatter.add.f32 [tilespmem:s21], [sflag:$0x4], $0x10, s13, s16, $0xb8;
	[tilespmem:$0x143C8] =	vst v63  }
0x4e8: {  	_ =	swait.ge [sflag:s15], $0x1E00  }
0x4e9: {  	[sflag:s15] =	ssyncset.done $0x0  }
0x4ea: {  	s14 =	simm.s32 $0x1E0;
	[sflag:s15] =	ssyncadd.s32 $0xFFFFE200  }
0x4eb: {  	[spmem:s2] =	stream.indirect.scatter.add.f32 [tilespmem:s1], [sflag:$0x4], $0x10, s14, s16, $0xb8;
	[tilespmem:$0x143C8] =	vst v63  }
0x4ec: {  	s4 =	simm.s32 $0x240  }
0x4ed: {  	[spmem:s2] =	stream.indirect.scatter.add.f32 [tilespmem:s22], [sflag:$0x4], $0x10, s4, s16, $0xb8;
	[tilespmem:$0x143C8] =	vst v63  }
0x4ee: {  	s13 =	simm.s32 $0x2A0  }
0x4ef: {  	[spmem:s2] =	stream.indirect.scatter.add.f32 [tilespmem:s23], [sflag:$0x4], $0x10, s13, s16, $0xb8;
	[tilespmem:$0x143C8] =	vst v63  }
0x4f0: {  	s14 =	simm.s32 $0x300  }
0x4f1: {  	[spmem:s2] =	stream.indirect.scatter.add.f32 [tilespmem:s24], [sflag:$0x4], $0x10, s14, s16, $0xb8;
	[tilespmem:$0x143C8] =	vst v63  }
0x4f2: {  	s4 =	simm.s32 $0x360  }
0x4f3: {  	[spmem:s2] =	stream.indirect.scatter.add.f32 [tilespmem:s25], [sflag:$0x4], $0x10, s4, s16, $0xb8;
	[tilespmem:$0x143C8] =	vst v63  }
0x4f4: {  	_ =	swait.ge [sflag:s20], $0x1E00  }
0x4f5: {  	[sflag:s20] =	ssyncset.done $0x0  }
0x4f6: {  	s13 =	simm.s32 $0x3C0;
	[sflag:s20] =	ssyncadd.s32 $0xFFFFE200  }
0x4f7: {  	[spmem:s2] =	stream.indirect.scatter.add.f32 [tilespmem:s0], [sflag:$0x4], $0x10, s13, s16, $0xb8;
	[tilespmem:$0x143C8] =	vst v63  }
0x4f8: {  	s14 =	simm.s32 $0x420  }
0x4f9: {  	[spmem:s2] =	stream.indirect.scatter.add.f32 [tilespmem:s6], [sflag:$0x4], $0x10, s14, s16, $0xb8;
	[tilespmem:$0x143C8] =	vst v63  }
0x4fa: {  	s4 =	simm.s32 $0x480  }
0x4fb: {  	[spmem:s2] =	stream.indirect.scatter.add.f32 [tilespmem:s7], [sflag:$0x4], $0x10, s4, s16, $0xb8;
	[tilespmem:$0x143C8] =	vst v63  }
0x4fc: {  	s13 =	simm.s32 $0x4E0  }
0x4fd: {  	[spmem:s2] =	stream.indirect.scatter.add.f32 [tilespmem:s8], [sflag:$0x4], $0x10, s13, s16, $0xb8;
	[tilespmem:$0x143C8] =	vst v63  }
0x4fe: {  	s14 =	simm.s32 $0x540  }
0x4ff: {  	[spmem:s2] =	stream.indirect.scatter.add.f32 [tilespmem:s9], [sflag:$0x4], $0x10, s14, s16, $0xb8;
	[tilespmem:$0x143C8] =	vst v63  }
0x500: {  	_ =	swait.ge [sflag:s10], $0x600  }
0x501: {  	[sflag:s10] =	ssyncset.done $0x0  }
0x502: {  	[sflag:s10] =	ssyncadd.s32 $0xFFFFFA00  }
0x503: {  	_ =	swait.ge [sflag:s10], $0x600  }
0x504: {  	[sflag:s10] =	ssyncset.done $0x0  }
0x505: {  	[sflag:s10] =	ssyncadd.s32 $0xFFFFFA00  }
0x506: {  	_ =	swait.ge [sflag:s10], $0x600  }
0x507: {  	[sflag:s10] =	ssyncset.done $0x0  }
0x508: {  	[sflag:s10] =	ssyncadd.s32 $0xFFFFFA00  }
0x509: {  	_ =	swait.ge [sflag:s10], $0x600  }
0x50a: {  	[sflag:s10] =	ssyncset.done $0x0  }
0x50b: {  	[sflag:s10] =	ssyncadd.s32 $0xFFFFFA00  }
0x50c: {  	_ =	swait.ge [sflag:s10], $0x600  }
0x50d: {  	[sflag:s10] =	ssyncset.done $0x0  }
0x50e: {  	[sflag:s10] =	ssyncadd.s32 $0xFFFFFA00  }
0x50f: {  	_ =	swait.ge [sflag:s10], $0x600  }
0x510: {  	[sflag:s10] =	ssyncset.done $0x0  }
0x511: {  	[sflag:s10] =	ssyncadd.s32 $0xFFFFFA00  }
0x512: {  	_ =	swait.ge [sflag:s10], $0x600  }
0x513: {  	[sflag:s10] =	ssyncset.done $0x0  }
0x514: {  	[sflag:s10] =	ssyncadd.s32 $0xFFFFFA00  }
0x515: {  	_ =	swait.ge [sflag:s10], $0x600  }
0x516: {  	[sflag:s10] =	ssyncset.done $0x0  }
0x517: {  	[sflag:s10] =	ssyncadd.s32 $0xFFFFFA00  }
0x518: {  	_ =	swait.ge [sflag:s10], $0x600  }
0x519: {  	[sflag:s10] =	ssyncset.done $0x0  }
0x51a: {  	[sflag:s10] =	ssyncadd.s32 $0xFFFFFA00  }
0x51b: {  	_ =	swait.ge [sflag:s10], $0x600  }
0x51c: {  	[sflag:s10] =	ssyncset.done $0x0  }
0x51d: {  	[sflag:s10] =	ssyncadd.s32 $0xFFFFFA00  }
0x51e: {  	_ =	swait.ge [sflag:s10], $0x600  }
0x51f: {  	[sflag:s10] =	ssyncset.done $0x0  }
0x520: {  	[sflag:s10] =	ssyncadd.s32 $0xFFFFFA00  }
0x521: {  	_ =	swait.ge [sflag:s10], $0x600  }
0x522: {  	[sflag:s10] =	ssyncset.done $0x0  }
0x523: {  	[sflag:s10] =	ssyncadd.s32 $0xFFFFFA00  }
0x524: {  	_ =	swait.ge [sflag:s10], $0x600  }
0x525: {  	[sflag:s10] =	ssyncset.done $0x0  }
0x526: {  	[sflag:s10] =	ssyncadd.s32 $0xFFFFFA00  }
0x527: {  	_ =	swait.ge [sflag:s10], $0x600  }
0x528: {  	[sflag:s10] =	ssyncset.done $0x0  }
0x529: {  	[sflag:s10] =	ssyncadd.s32 $0xFFFFFA00  }
0x52a: {  	s4 =	simm.s32 $0x2D00;
	_ =	swait.ge [sflag:s10], $0x600  }
0x52b: {  	s13 =	simm.s32 $0x1680;
	s14 =	sadd.s32 $0x3840, s11;
	[sflag:s10] =	ssyncset.done $0x0  }
.LBB2_12:
0x52c: {  	p0 =	sne.s32 s4, $0xE100;
	s3 =	sadd.s32 $0xFFFFED40, s14;
	[sflag:s10] =	ssyncadd.s32 $0xFFFFFA00  }
0x52d: {  	[tilespmem:s31], [sflag:$0x1] =	stream.strided.gather [hbm4b:s3+s29], $0x1E00, s30, s29, $0x38;
	[tilespmem:$0x143C8] =	vst v63  }
0x52e: {  	s11 =	smov.u32 s4;
	s4 =	sadd.s32 $0x1680, s4  }
0x52f: {  	[tilespmem:s1], [sflag:$0x2] =	stream.strided.gather [hbm4b:s14+s29], $0x1E00, s30, s29, $0x38;
	[tilespmem:$0x143C8] =	vst v63  }
0x530: {  	s3 =	sadd.s32 $0x12C0, s14  }
0x531: {  	[tilespmem:s0], [sflag:$0x3] =	stream.strided.gather [hbm4b:s3+s29], $0x1E00, s30, s29, $0x38;
	[tilespmem:$0x143C8] =	vst v63  }
0x532: {  	_ =	swait.ge [sflag:s5], $0x1E00  }
0x533: {  	[sflag:s5] =	ssyncset.done $0x0  }
0x534: {  	s3 =	sshra.s32 s13, $0x2;
	s13 =	smov.u32 s11;
	[sflag:s5] =	ssyncadd.s32 $0xFFFFE200  }
0x535: {  	[spmem:s2] =	stream.indirect.scatter.add.f32 [tilespmem:s31], [sflag:$0x4], $0x10, s3, s16, $0xb8;
	[tilespmem:$0x143C8] =	vst v63  }
0x536: {  	s11 =	sadd.s32 $0x60, s3  }
0x537: {  	[spmem:s2] =	stream.indirect.scatter.add.f32 [tilespmem:s17], [sflag:$0x4], $0x10, s11, s16, $0xb8;
	[tilespmem:$0x143C8] =	vst v63  }
0x538: {  	s11 =	sadd.s32 $0xC0, s3  }
0x539: {  	[spmem:s2] =	stream.indirect.scatter.add.f32 [tilespmem:s18], [sflag:$0x4], $0x10, s11, s16, $0xb8;
	[tilespmem:$0x143C8] =	vst v63  }
0x53a: {  	s11 =	sadd.s32 $0x120, s3  }
0x53b: {  	[spmem:s2] =	stream.indirect.scatter.add.f32 [tilespmem:s19], [sflag:$0x4], $0x10, s11, s16, $0xb8;
	[tilespmem:$0x143C8] =	vst v63  }
0x53c: {  	s11 =	sadd.s32 $0x180, s3  }
0x53d: {  	[spmem:s2] =	stream.indirect.scatter.add.f32 [tilespmem:s21], [sflag:$0x4], $0x10, s11, s16, $0xb8;
	[tilespmem:$0x143C8] =	vst v63  }
0x53e: {  	_ =	swait.ge [sflag:s15], $0x1E00  }
0x53f: {  	[sflag:s15] =	ssyncset.done $0x0  }
0x540: {  	s11 =	sadd.s32 $0x1E0, s3;
	[sflag:s15] =	ssyncadd.s32 $0xFFFFE200  }
0x541: {  	[spmem:s2] =	stream.indirect.scatter.add.f32 [tilespmem:s1], [sflag:$0x4], $0x10, s11, s16, $0xb8;
	[tilespmem:$0x143C8] =	vst v63  }
0x542: {  	s11 =	sadd.s32 $0x240, s3  }
0x543: {  	[spmem:s2] =	stream.indirect.scatter.add.f32 [tilespmem:s22], [sflag:$0x4], $0x10, s11, s16, $0xb8;
	[tilespmem:$0x143C8] =	vst v63  }
0x544: {  	s11 =	sadd.s32 $0x2A0, s3  }
0x545: {  	[spmem:s2] =	stream.indirect.scatter.add.f32 [tilespmem:s23], [sflag:$0x4], $0x10, s11, s16, $0xb8;
	[tilespmem:$0x143C8] =	vst v63  }
0x546: {  	s11 =	sadd.s32 $0x300, s3  }
0x547: {  	[spmem:s2] =	stream.indirect.scatter.add.f32 [tilespmem:s24], [sflag:$0x4], $0x10, s11, s16, $0xb8;
	[tilespmem:$0x143C8] =	vst v63  }
0x548: {  	s11 =	sadd.s32 $0x360, s3  }
0x549: {  	[spmem:s2] =	stream.indirect.scatter.add.f32 [tilespmem:s25], [sflag:$0x4], $0x10, s11, s16, $0xb8;
	[tilespmem:$0x143C8] =	vst v63  }
0x54a: {  	_ =	swait.ge [sflag:s20], $0x1E00  }
0x54b: {  	[sflag:s20] =	ssyncset.done $0x0  }
0x54c: {  	s11 =	sadd.s32 $0x3C0, s3;
	[sflag:s20] =	ssyncadd.s32 $0xFFFFE200  }
0x54d: {  	[spmem:s2] =	stream.indirect.scatter.add.f32 [tilespmem:s0], [sflag:$0x4], $0x10, s11, s16, $0xb8;
	[tilespmem:$0x143C8] =	vst v63  }
0x54e: {  	s11 =	sadd.s32 $0x420, s3  }
0x54f: {  	[spmem:s2] =	stream.indirect.scatter.add.f32 [tilespmem:s6], [sflag:$0x4], $0x10, s11, s16, $0xb8;
	[tilespmem:$0x143C8] =	vst v63  }
0x550: {  	s11 =	sadd.s32 $0x480, s3  }
0x551: {  	[spmem:s2] =	stream.indirect.scatter.add.f32 [tilespmem:s7], [sflag:$0x4], $0x10, s11, s16, $0xb8;
	[tilespmem:$0x143C8] =	vst v63  }
0x552: {  	s11 =	sadd.s32 $0x4E0, s3  }
0x553: {  	[spmem:s2] =	stream.indirect.scatter.add.f32 [tilespmem:s8], [sflag:$0x4], $0x10, s11, s16, $0xb8;
	[tilespmem:$0x143C8] =	vst v63  }
0x554: {  	s3 =	sadd.s32 $0x540, s3  }
0x555: {  	[spmem:s2] =	stream.indirect.scatter.add.f32 [tilespmem:s9], [sflag:$0x4], $0x10, s3, s16, $0xb8;
	[tilespmem:$0x143C8] =	vst v63  }
0x556: {  	_ =	swait.ge [sflag:s10], $0x600  }
0x557: {  	[sflag:s10] =	ssyncset.done $0x0  }
0x558: {  	[sflag:s10] =	ssyncadd.s32 $0xFFFFFA00  }
0x559: {  	_ =	swait.ge [sflag:s10], $0x600  }
0x55a: {  	[sflag:s10] =	ssyncset.done $0x0  }
0x55b: {  	[sflag:s10] =	ssyncadd.s32 $0xFFFFFA00  }
0x55c: {  	_ =	swait.ge [sflag:s10], $0x600  }
0x55d: {  	[sflag:s10] =	ssyncset.done $0x0  }
0x55e: {  	[sflag:s10] =	ssyncadd.s32 $0xFFFFFA00  }
0x55f: {  	_ =	swait.ge [sflag:s10], $0x600  }
0x560: {  	[sflag:s10] =	ssyncset.done $0x0  }
0x561: {  	[sflag:s10] =	ssyncadd.s32 $0xFFFFFA00  }
0x562: {  	_ =	swait.ge [sflag:s10], $0x600  }
0x563: {  	[sflag:s10] =	ssyncset.done $0x0  }
0x564: {  	[sflag:s10] =	ssyncadd.s32 $0xFFFFFA00  }
0x565: {  	_ =	swait.ge [sflag:s10], $0x600  }
0x566: {  	[sflag:s10] =	ssyncset.done $0x0  }
0x567: {  	[sflag:s10] =	ssyncadd.s32 $0xFFFFFA00  }
0x568: {  	_ =	swait.ge [sflag:s10], $0x600  }
0x569: {  	[sflag:s10] =	ssyncset.done $0x0  }
0x56a: {  	[sflag:s10] =	ssyncadd.s32 $0xFFFFFA00  }
0x56b: {  	_ =	swait.ge [sflag:s10], $0x600  }
0x56c: {  	[sflag:s10] =	ssyncset.done $0x0  }
0x56d: {  	[sflag:s10] =	ssyncadd.s32 $0xFFFFFA00  }
0x56e: {  	_ =	swait.ge [sflag:s10], $0x600  }
0x56f: {  	[sflag:s10] =	ssyncset.done $0x0  }
0x570: {  	[sflag:s10] =	ssyncadd.s32 $0xFFFFFA00  }
0x571: {  	_ =	swait.ge [sflag:s10], $0x600  }
0x572: {  	[sflag:s10] =	ssyncset.done $0x0  }
0x573: {  	[sflag:s10] =	ssyncadd.s32 $0xFFFFFA00  }
0x574: {  	_ =	swait.ge [sflag:s10], $0x600  }
0x575: {  	[sflag:s10] =	ssyncset.done $0x0  }
0x576: {  	[sflag:s10] =	ssyncadd.s32 $0xFFFFFA00  }
0x577: {  	_ =	swait.ge [sflag:s10], $0x600  }
0x578: {  	[sflag:s10] =	ssyncset.done $0x0  }
0x579: {  	[sflag:s10] =	ssyncadd.s32 $0xFFFFFA00  }
0x57a: {  	_ =	swait.ge [sflag:s10], $0x600  }
0x57b: {  	[sflag:s10] =	ssyncset.done $0x0  }
0x57c: {  	[sflag:s10] =	ssyncadd.s32 $0xFFFFFA00  }
.Ltmp5:
0x57d: {  	_ =	swait.ge [sflag:s10], $0x600;
	(pc) =	sbr.rel @p0 .LBB2_12-.Ltmp5, $4  }
0x57e: {  	[sflag:s10] =	ssyncset.done $0x0  }
0x57f: {  	[sflag:s10] =	ssyncadd.s32 $0xFFFFFA00  }
0x580: {  	_ =	swait.ge [sflag:s10], $0x600  }
0x581: {  	s14 =	sadd.s32 $0x3840, s14;
	[sflag:s10] =	ssyncset.done $0x0  }
0x582: {  	s3 =	sadd.s32 $0xFFFFED40, s14;
	[sflag:s10] =	ssyncadd.s32 $0xFFFFFA00  }
0x583: {  	[tilespmem:s31], [sflag:$0x1] =	stream.strided.gather [hbm4b:s3+s29], $0x1E00, s30, s29, $0x38;
	[tilespmem:$0x143C8] =	vst v63  }
0x584: {  	_ = 	snop  }
0x585: {  	[tilespmem:s1], [sflag:$0x2] =	stream.strided.gather [hbm4b:s14+s29], $0x1E00, s30, s29, $0x38;
	[tilespmem:$0x143C8] =	vst v63  }
0x586: {  	s11 =	sadd.s32 $0x12C0, s14  }
0x587: {  	[tilespmem:s0], [sflag:$0x3] =	stream.strided.gather [hbm4b:s11+s29], $0x1E00, s30, s29, $0x38;
	[tilespmem:$0x143C8] =	vst v63  }
0x588: {  	_ =	swait.ge [sflag:s5], $0x1E00  }
0x589: {  	[sflag:s5] =	ssyncset.done $0x0  }
0x58a: {  	s3 =	sshra.s32 s13, $0x2;
	[sflag:s5] =	ssyncadd.s32 $0xFFFFE200  }
0x58b: {  	[spmem:s2] =	stream.indirect.scatter.add.f32 [tilespmem:s31], [sflag:$0x4], $0x10, s3, s16, $0xb8;
	[tilespmem:$0x143C8] =	vst v63  }
0x58c: {  	s4 =	sadd.s32 $0x60, s3  }
0x58d: {  	[spmem:s2] =	stream.indirect.scatter.add.f32 [tilespmem:s17], [sflag:$0x4], $0x10, s4, s16, $0xb8;
	[tilespmem:$0x143C8] =	vst v63  }
0x58e: {  	s13 =	sadd.s32 $0xC0, s3  }
0x58f: {  	[spmem:s2] =	stream.indirect.scatter.add.f32 [tilespmem:s18], [sflag:$0x4], $0x10, s13, s16, $0xb8;
	[tilespmem:$0x143C8] =	vst v63  }
0x590: {  	s14 =	sadd.s32 $0x120, s3  }
0x591: {  	[spmem:s2] =	stream.indirect.scatter.add.f32 [tilespmem:s19], [sflag:$0x4], $0x10, s14, s16, $0xb8;
	[tilespmem:$0x143C8] =	vst v63  }
0x592: {  	s11 =	sadd.s32 $0x180, s3  }
0x593: {  	[spmem:s2] =	stream.indirect.scatter.add.f32 [tilespmem:s21], [sflag:$0x4], $0x10, s11, s16, $0xb8;
	[tilespmem:$0x143C8] =	vst v63  }
0x594: {  	_ =	swait.ge [sflag:s15], $0x1E00  }
0x595: {  	[sflag:s15] =	ssyncset.done $0x0  }
0x596: {  	s13 =	sadd.s32 $0x1E0, s3;
	[sflag:s15] =	ssyncadd.s32 $0xFFFFE200  }
0x597: {  	[spmem:s2] =	stream.indirect.scatter.add.f32 [tilespmem:s1], [sflag:$0x4], $0x10, s13, s16, $0xb8;
	[tilespmem:$0x143C8] =	vst v63  }
0x598: {  	s14 =	sadd.s32 $0x240, s3  }
0x599: {  	[spmem:s2] =	stream.indirect.scatter.add.f32 [tilespmem:s22], [sflag:$0x4], $0x10, s14, s16, $0xb8;
	[tilespmem:$0x143C8] =	vst v63  }
0x59a: {  	s11 =	sadd.s32 $0x2A0, s3  }
0x59b: {  	[spmem:s2] =	stream.indirect.scatter.add.f32 [tilespmem:s23], [sflag:$0x4], $0x10, s11, s16, $0xb8;
	[tilespmem:$0x143C8] =	vst v63  }
0x59c: {  	s13 =	sadd.s32 $0x300, s3  }
0x59d: {  	[spmem:s2] =	stream.indirect.scatter.add.f32 [tilespmem:s24], [sflag:$0x4], $0x10, s13, s16, $0xb8;
	[tilespmem:$0x143C8] =	vst v63  }
0x59e: {  	s14 =	sadd.s32 $0x360, s3  }
0x59f: {  	[spmem:s2] =	stream.indirect.scatter.add.f32 [tilespmem:s25], [sflag:$0x4], $0x10, s14, s16, $0xb8;
	[tilespmem:$0x143C8] =	vst v63  }
0x5a0: {  	_ =	swait.ge [sflag:s20], $0x1E00  }
0x5a1: {  	[sflag:s20] =	ssyncset.done $0x0  }
0x5a2: {  	s11 =	sadd.s32 $0x3C0, s3;
	[sflag:s20] =	ssyncadd.s32 $0xFFFFE200  }
0x5a3: {  	[spmem:s2] =	stream.indirect.scatter.add.f32 [tilespmem:s0], [sflag:$0x4], $0x10, s11, s16, $0xb8;
	[tilespmem:$0x143C8] =	vst v63  }
0x5a4: {  	s13 =	sadd.s32 $0x420, s3  }
0x5a5: {  	[spmem:s2] =	stream.indirect.scatter.add.f32 [tilespmem:s6], [sflag:$0x4], $0x10, s13, s16, $0xb8;
	[tilespmem:$0x143C8] =	vst v63  }
0x5a6: {  	s14 =	sadd.s32 $0x480, s3  }
0x5a7: {  	[spmem:s2] =	stream.indirect.scatter.add.f32 [tilespmem:s7], [sflag:$0x4], $0x10, s14, s16, $0xb8;
	[tilespmem:$0x143C8] =	vst v63  }
0x5a8: {  	s11 =	sadd.s32 $0x4E0, s3  }
0x5a9: {  	[spmem:s2] =	stream.indirect.scatter.add.f32 [tilespmem:s8], [sflag:$0x4], $0x10, s11, s16, $0xb8;
	[tilespmem:$0x143C8] =	vst v63  }
0x5aa: {  	s3 =	sadd.s32 $0x540, s3  }
0x5ab: {  	[spmem:s2] =	stream.indirect.scatter.add.f32 [tilespmem:s9], [sflag:$0x4], $0x10, s3, s16, $0xb8;
	[tilespmem:$0x143C8] =	vst v63  }
0x5ac: {  	_ =	swait.ge [sflag:s10], $0x600  }
0x5ad: {  	[sflag:s10] =	ssyncset.done $0x0  }
0x5ae: {  	[sflag:s10] =	ssyncadd.s32 $0xFFFFFA00  }
0x5af: {  	_ =	swait.ge [sflag:s10], $0x600  }
0x5b0: {  	[sflag:s10] =	ssyncset.done $0x0  }
0x5b1: {  	[sflag:s10] =	ssyncadd.s32 $0xFFFFFA00  }
0x5b2: {  	_ =	swait.ge [sflag:s10], $0x600  }
0x5b3: {  	[sflag:s10] =	ssyncset.done $0x0  }
0x5b4: {  	[sflag:s10] =	ssyncadd.s32 $0xFFFFFA00  }
0x5b5: {  	_ =	swait.ge [sflag:s10], $0x600  }
0x5b6: {  	[sflag:s10] =	ssyncset.done $0x0  }
0x5b7: {  	[sflag:s10] =	ssyncadd.s32 $0xFFFFFA00  }
0x5b8: {  	_ =	swait.ge [sflag:s10], $0x600  }
0x5b9: {  	[sflag:s10] =	ssyncset.done $0x0  }
0x5ba: {  	[sflag:s10] =	ssyncadd.s32 $0xFFFFFA00  }
0x5bb: {  	_ =	swait.ge [sflag:s10], $0x600  }
0x5bc: {  	[sflag:s10] =	ssyncset.done $0x0  }
0x5bd: {  	[sflag:s10] =	ssyncadd.s32 $0xFFFFFA00  }
0x5be: {  	_ =	swait.ge [sflag:s10], $0x600  }
0x5bf: {  	[sflag:s10] =	ssyncset.done $0x0  }
0x5c0: {  	[sflag:s10] =	ssyncadd.s32 $0xFFFFFA00  }
0x5c1: {  	_ =	swait.ge [sflag:s10], $0x600  }
0x5c2: {  	[sflag:s10] =	ssyncset.done $0x0  }
0x5c3: {  	[sflag:s10] =	ssyncadd.s32 $0xFFFFFA00  }
0x5c4: {  	_ =	swait.ge [sflag:s10], $0x600  }
0x5c5: {  	[sflag:s10] =	ssyncset.done $0x0  }
0x5c6: {  	[sflag:s10] =	ssyncadd.s32 $0xFFFFFA00  }
0x5c7: {  	_ =	swait.ge [sflag:s10], $0x600  }
0x5c8: {  	[sflag:s10] =	ssyncset.done $0x0  }
0x5c9: {  	[sflag:s10] =	ssyncadd.s32 $0xFFFFFA00  }
0x5ca: {  	_ =	swait.ge [sflag:s10], $0x600  }
0x5cb: {  	[sflag:s10] =	ssyncset.done $0x0  }
0x5cc: {  	[sflag:s10] =	ssyncadd.s32 $0xFFFFFA00  }
0x5cd: {  	_ =	swait.ge [sflag:s10], $0x600  }
0x5ce: {  	[sflag:s10] =	ssyncset.done $0x0  }
0x5cf: {  	[sflag:s10] =	ssyncadd.s32 $0xFFFFFA00  }
0x5d0: {  	_ =	swait.ge [sflag:s10], $0x600  }
0x5d1: {  	[sflag:s10] =	ssyncset.done $0x0  }
0x5d2: {  	[sflag:s10] =	ssyncadd.s32 $0xFFFFFA00  }
0x5d3: {  	_ =	swait.ge [sflag:s10], $0x600  }
0x5d4: {  	[sflag:s10] =	ssyncset.done $0x0  }
0x5d5: {  	[sflag:s10] =	ssyncadd.s32 $0xFFFFFA00  }
0x5d6: {  	_ =	swait.ge [sflag:s10], $0x600  }
0x5d7: {  	[sflag:s10] =	ssyncset.done $0x0  }
0x5d8: {  	[sflag:s10] =	ssyncadd.s32 $0xFFFFFA00  }
0x5d9: {  	[bflag:$0x0] =	sbarrier.arrive $0xFFFF  }
0x5da: {  	s13 =	rddreg [dreg:$0x14]  }
0x5db: {  	s14 =	simm.s32 $0xA;
	s11 =	rddreg [dreg:$0x1b]  }
0x5dc: {  	[hbm:s13@s14], [sflag:s11] =	dma.strided [spmem:s12@s15], $0x1388, s5, $0x2   }
0x5dd: {  	_ =	swait.ge [sflag:s26], $0x1388  }
0x5de: {  	s13 =	rddreg [dreg:$0x4]  }
0x5df: {  	s14 =	rddreg [dreg:$0x16];
	s11 =	sadd.s32 $0x1, s13  }
0x5e0: {  	p0 =	sne.s32 s11, s14  }
.Ltmp6:
0x5e1: {  	_ = 	snop;
	(pc) =	sbr.rel @p0 .LBB2_1-.Ltmp6, $3  }
0x5e2: {  	[sflag:s26] =	ssyncset.done $0x0  }
0x5e3: {  	[sflag:s26] =	ssyncadd.s32 $0xFFFFEC78  }
0x5e4: {  	[bflag:$0x0] =	sbarrier.arrive $0xFFFF;
	_ =	sdelay $0x1  }
0x5e5: {  	_ =	sfence.sel $0x180000  }
0x5e6: {  	[bflag:$0x0] =	sbarrier.arrive $0xFFFF  }
0x5e7: {  	_ =	strace $0x90000047  }
0x5e8: {  	s0 =	stileid.u32;
	[bflag:$0x2] =	sbarrier.arrive $0xFFFF  }
0x5e9: {  	p0 =	sne.s32 s0, $0x0;
	s0 =	rddreg [dreg:$0x3]  }
0x5ea: {  	s0 =	sadd.s32 @!p0 $0x100000, s0  }
0x5eb: {  	[sflag:s0] =	ssyncadd.tile.s32 @!p0 $0x1;
	_ =	shalt  }
.Lfunc_end2:
_tile_overlayer_lowered:
.L_overlay_start_2:
0x5ec: {  	(tag) =	ssettag $0x2  }
0x5ed: {  	s0 =	rddreg [dreg:$0x0];
	s2 =	stileid.u32  }
0x5ee: {  	s1 =	rddreg [dreg:$0x1];
	p0 =	sne.s32 s2, $0x0  }
0x5ef: {  	s3 =	rddreg [dreg:$0x2];
	[bflag:$0x3] =	sbarrier.arrive $0xFFFF;
	s2 =	simm.s32 @!p0 $0x1C05  }
0x5f0: {  	[timem:s3], [sflag:s2] =	dma.local @!p0 [hbm:s0], s1  }
0x5f1: {  	s0 =	simm.s32 @!p0 $0x5  }
0x5f2: {  	_ =	swait.ge @!p0 [sflag:s0], s1  }
0x5f3: {  	s1 =	ssub.s32 @!p0 $0x0, s1;
	[sflag:s0] =	ssyncset.done @!p0 $0x0  }
0x5f4: {  	[sflag:s0] =	ssyncadd.s32 @!p0 s1  }
0x5f5: {  	[bflag:$0x3] =	sbarrier.arrive $0xFFFF  }
0x5f6: {  	_ =	shalt  }

</sc_bundles>
